<compile_context>
chip_gen: v7x
topology: tpu7x:2x2x1
jax: 0.10.2.dev20260603
libtpu: 0.0.44.dev20260713+nightly
codegen_flags: <defaults>
</compile_context>

<pallas_src>
import functools

import jax
import jax.numpy as jnp
from jax import lax
from jax.experimental import pallas as pl
from jax.experimental.pallas import tpu as pltpu
from jax.experimental.pallas import tpu_sc as plsc

_NW = 32
_BBLK = 128
_NBUF = 6
_NSLOT = 2 * _NBUF


@functools.partial(jax.jit, static_argnums=(2, 3, 4))
def _emb_lookup_t(idx_t, table, nb, hist, d):
    mesh = plsc.VectorSubcoreMesh(core_axis_name="c", subcore_axis_name="s")

    @functools.partial(
        pl.kernel,
        out_type=jax.ShapeDtypeStruct((hist, nb, d), jnp.float32),
        mesh=mesh,
        scratch_types=[
            pltpu.VMEM((hist, _BBLK), jnp.int32),
            pltpu.VMEM((_NSLOT, _BBLK, d), jnp.float32),
            [pltpu.SemaphoreType.DMA] * _NSLOT,
            [pltpu.SemaphoreType.DMA] * _NSLOT,
        ],
        compiler_params=pltpu.CompilerParams(use_tc_tiling_on_sc=False),
    )
    def emb(table_hbm, idx_hbm, out_hbm, idx_v, rows_v, gsems, wsems):
        wid = lax.axis_index("s") * 2 + lax.axis_index("c")
        b0 = wid * _BBLK
        pltpu.sync_copy(idx_hbm.at[:, pl.ds(b0, _BBLK)], idx_v)

        def start_gather(h, b):
            pltpu.async_copy(table_hbm.at[idx_v.at[h]], rows_v.at[b], gsems[b])

        def wait_gather(h, b):
            pltpu.make_async_copy(
                table_hbm.at[idx_v.at[h]], rows_v.at[b], gsems[b]
            ).wait()

        def write(h, b):
            return pltpu.make_async_copy(
                rows_v.at[b],
                out_hbm.at[h, pl.ds(b0, _BBLK), :],
                wsems[b],
            )

        for h in range(min(_NBUF, hist)):
            start_gather(h, h % _NSLOT)

        for h in range(hist):
            bb = h % _NSLOT
            wait_gather(h, bb)
            write(h, bb).start()
            hn = h + _NBUF
            if hn < hist:
                bb2 = hn % _NSLOT
                if h >= _NBUF:
                    write(h - _NBUF, bb2).wait()
                start_gather(hn, bb2)

        for h in range(max(0, hist - _NSLOT), hist):
            write(h, h % _NSLOT).wait()

    return emb(table, idx_t)


def kernel(indices, table):
    nb, hist = indices.shape
    _, d = table.shape
    assert nb % (_NW * _BBLK) == 0 or nb == _NW * _BBLK
    out_t = _emb_lookup_t(indices.T, table, nb, hist, d)
    return jnp.transpose(out_t, (1, 0, 2))

# --- scband reference (transcript-rebuilt; emitter-appended) ---
"""Pipeline reference for scband-embedding-8263517077837 (READ-ONLY COPY).

The authoritative reference and input builder live on the scoring server;
editing this copy changes nothing except your own understanding.
"""

import jax, jax.numpy as jnp
import numpy as np

VOCAB = 100000
EMBED_DIM = 64
BATCH = 4096
HIST = 50

def setup_inputs(seed: int = 0) -> dict:
    key = jax.random.key(seed)
    k1, k2 = jax.random.split(key)
    indices = jax.random.randint(k1, (BATCH, HIST), 0, VOCAB, dtype=jnp.int32)
    table = jax.random.normal(k2, (VOCAB, EMBED_DIM), dtype=jnp.float32) * 0.02
    return {"indices": indices, "table": table}

def reference(indices, table):
    # Embedding lookup: gather rows of the weight table by integer ids.
    # Output shape: (BATCH, HIST, EMBED_DIM)
    return jnp.take(table, indices, axis=0)

if __name__ == "__main__":
    import jax
    _d = setup_inputs()
    print(jax.jit(kernel)(*tuple(_d.values())))

</pallas_src>

<mosaic_0001>
#map = affine_map<(d0, d1) -> (0, 0)>
#map1 = affine_map<(d0, d1) -> (0, 0, 0)>
module attributes {stable_mosaic.version = 14 : i64} {
  func.func @emb(%arg0: i32, %arg1: i32, %arg2: memref<100000x64xf32, #tpu.memory_space<hbm>>, %arg3: memref<50x4096xi32, #tpu.memory_space<hbm>>, %arg4: memref<50x4096x64xf32, #tpu.memory_space<hbm>>, %arg5: memref<50x128xi32, #tpu.memory_space<vmem>>, %arg6: memref<12x128x64xf32, #tpu.memory_space<vmem>>, %arg7: memref<!tpu.dma_semaphore, #tpu.memory_space<semaphore_mem>>, %arg8: memref<!tpu.dma_semaphore, #tpu.memory_space<semaphore_mem>>, %arg9: memref<!tpu.dma_semaphore, #tpu.memory_space<semaphore_mem>>, %arg10: memref<!tpu.dma_semaphore, #tpu.memory_space<semaphore_mem>>, %arg11: memref<!tpu.dma_semaphore, #tpu.memory_space<semaphore_mem>>, %arg12: memref<!tpu.dma_semaphore, #tpu.memory_space<semaphore_mem>>, %arg13: memref<!tpu.dma_semaphore, #tpu.memory_space<semaphore_mem>>, %arg14: memref<!tpu.dma_semaphore, #tpu.memory_space<semaphore_mem>>, %arg15: memref<!tpu.dma_semaphore, #tpu.memory_space<semaphore_mem>>, %arg16: memref<!tpu.dma_semaphore, #tpu.memory_space<semaphore_mem>>, %arg17: memref<!tpu.dma_semaphore, #tpu.memory_space<semaphore_mem>>, %arg18: memref<!tpu.dma_semaphore, #tpu.memory_space<semaphore_mem>>, %arg19: memref<!tpu.dma_semaphore, #tpu.memory_space<semaphore_mem>>, %arg20: memref<!tpu.dma_semaphore, #tpu.memory_space<semaphore_mem>>, %arg21: memref<!tpu.dma_semaphore, #tpu.memory_space<semaphore_mem>>, %arg22: memref<!tpu.dma_semaphore, #tpu.memory_space<semaphore_mem>>, %arg23: memref<!tpu.dma_semaphore, #tpu.memory_space<semaphore_mem>>, %arg24: memref<!tpu.dma_semaphore, #tpu.memory_space<semaphore_mem>>, %arg25: memref<!tpu.dma_semaphore, #tpu.memory_space<semaphore_mem>>, %arg26: memref<!tpu.dma_semaphore, #tpu.memory_space<semaphore_mem>>, %arg27: memref<!tpu.dma_semaphore, #tpu.memory_space<semaphore_mem>>, %arg28: memref<!tpu.dma_semaphore, #tpu.memory_space<semaphore_mem>>, %arg29: memref<!tpu.dma_semaphore, #tpu.memory_space<semaphore_mem>>, %arg30: memref<!tpu.dma_semaphore, #tpu.memory_space<semaphore_mem>>) attributes {dimension_semantics = [#tpu.dimension_semantics<core_parallel>, #tpu.dimension_semantics<subcore_parallel>], iteration_bounds = array<i64: 2, 16>, scalar_prefetch = 0 : i64, scratch_operands = 26 : i64, tpu.core_type = #tpu.core_type<sc_vector_subcore>, window_params = [{transform_indices = #map}, {transform_indices = #map}, {transform_indices = #map1}]} {
    %mul3A = arith.constant 2 : i32
    %mul3A_0 = arith.muli %arg1, %mul3A : i32
    %add3A = arith.addi %mul3A_0, %arg0 : i32
    %mul3A_1 = arith.constant 128 : i32
    %mul3A_2 = arith.muli %add3A, %mul3A_1 : i32
    "tpu.region"() ({
      %run_scoped3A = tpu.sem_alloc : memref<!tpu.dma_semaphore, #tpu.memory_space<semaphore_mem>>
      %dma_start3A_2801 = arith.constant 0 : i32
      %dma_start3A_2802 = tpu.memref_slice %arg3[%dma_start3A_2801, %mul3A_2] : memref<50x4096xi32, #tpu.memory_space<hbm>> -> memref<50x128xi32, #tpu.memory_space<hbm>>
      %dma_start3A_2803 = arith.constant 0 : i32
      %dma_start3A_2804 = tpu.memref_slice %arg3[%dma_start3A_2803, %mul3A_2] : memref<50x4096xi32, #tpu.memory_space<hbm>> -> memref<50x128xi32, #tpu.memory_space<hbm>>
      tpu.enqueue_dma source(%dma_start3A_2804 : memref<50x128xi32, #tpu.memory_space<hbm>>) target(%arg5 : memref<50x128xi32, #tpu.memory_space<vmem>>) target_semaphore(%run_scoped3A : memref<!tpu.dma_semaphore, #tpu.memory_space<semaphore_mem>>)
      %dma_wait3A_2805 = arith.constant 0 : i32
      %dma_wait3A_2806 = tpu.memref_slice %arg3[%dma_wait3A_2805, %mul3A_2] : memref<50x4096xi32, #tpu.memory_space<hbm>> -> memref<50x128xi32, #tpu.memory_space<hbm>>
      %dma_wait3A_2807 = arith.constant 0 : i32
      %dma_wait3A_2808 = tpu.memref_slice %arg3[%dma_wait3A_2807, %mul3A_2] : memref<50x4096xi32, #tpu.memory_space<hbm>> -> memref<50x128xi32, #tpu.memory_space<hbm>>
      tpu.wait_dma2 semaphore(%run_scoped3A : memref<!tpu.dma_semaphore, #tpu.memory_space<semaphore_mem>>) src(%dma_wait3A_2808 : memref<50x128xi32, #tpu.memory_space<hbm>>) dst(%arg5 : memref<50x128xi32, #tpu.memory_space<vmem>>)
      tpu.yield
    }) : () -> ()
    %dma_start3A = arith.constant 0 : i32
    %dma_start3A_3 = arith.constant 0 : i32
    %dma_start3A_4 = arith.constant 0 : i32
    %dma_start3A_5 = arith.constant 0 : i32
    %dma_start3A_6 = tpu.memref_slice %arg6[%dma_start3A_3, %dma_start3A_4, %dma_start3A_5] : memref<12x128x64xf32, #tpu.memory_space<vmem>> -> memref<1x128x64xf32, #tpu.memory_space<vmem>>
    %dma_start3A_7 = tpu.memref_squeeze %dma_start3A_6 : memref<1x128x64xf32, #tpu.memory_space<vmem>> -> memref<128x64xf32, #tpu.memory_space<vmem>>
    %dma_start3A_8 = arith.constant 0 : i32
    %dma_start3A_9 = tpu.memref_slice %arg5[%dma_start3A, %dma_start3A_8] : memref<50x128xi32, #tpu.memory_space<vmem>> -> memref<1x128xi32, #tpu.memory_space<vmem>>
    %dma_start3A_10 = tpu.memref_squeeze %dma_start3A_9 : memref<1x128xi32, #tpu.memory_space<vmem>> -> memref<128xi32, #tpu.memory_space<vmem>>
    %dma_start3A_11 = arith.constant 0 : i32
    %dma_start3A_12 = arith.constant 0 : i32
    %dma_start3A_13 = tpu.memref_slice %arg2[%dma_start3A_11, %dma_start3A_12] : memref<100000x64xf32, #tpu.memory_space<hbm>> -> memref<100000x64xf32, #tpu.memory_space<hbm>>
    tpu.enqueue_indirect_dma source(%dma_start3A_13 : memref<100000x64xf32, #tpu.memory_space<hbm>>) target(%dma_start3A_7 : memref<128x64xf32, #tpu.memory_space<vmem>>) offsets(%dma_start3A_10 : memref<128xi32, #tpu.memory_space<vmem>>) semaphore(%arg7 : memref<!tpu.dma_semaphore, #tpu.memory_space<semaphore_mem>>)
    %dma_start3A_14 = arith.constant 1 : i32
    %dma_start3A_15 = arith.constant 1 : i32
    %dma_start3A_16 = arith.constant 0 : i32
    %dma_start3A_17 = arith.constant 0 : i32
    %dma_start3A_18 = tpu.memref_slice %arg6[%dma_start3A_15, %dma_start3A_16, %dma_start3A_17] : memref<12x128x64xf32, #tpu.memory_space<vmem>> -> memref<1x128x64xf32, #tpu.memory_space<vmem>>
    %dma_start3A_19 = tpu.memref_squeeze %dma_start3A_18 : memref<1x128x64xf32, #tpu.memory_space<vmem>> -> memref<128x64xf32, #tpu.memory_space<vmem>>
    %dma_start3A_20 = arith.constant 0 : i32
    %dma_start3A_21 = tpu.memref_slice %arg5[%dma_start3A_14, %dma_start3A_20] : memref<50x128xi32, #tpu.memory_space<vmem>> -> memref<1x128xi32, #tpu.memory_space<vmem>>
    %dma_start3A_22 = tpu.memref_squeeze %dma_start3A_21 : memref<1x128xi32, #tpu.memory_space<vmem>> -> memref<128xi32, #tpu.memory_space<vmem>>
    %dma_start3A_23 = arith.constant 0 : i32
    %dma_start3A_24 = arith.constant 0 : i32
    %dma_start3A_25 = tpu.memref_slice %arg2[%dma_start3A_23, %dma_start3A_24] : memref<100000x64xf32, #tpu.memory_space<hbm>> -> memref<100000x64xf32, #tpu.memory_space<hbm>>
    tpu.enqueue_indirect_dma source(%dma_start3A_25 : memref<100000x64xf32, #tpu.memory_space<hbm>>) target(%dma_start3A_19 : memref<128x64xf32, #tpu.memory_space<vmem>>) offsets(%dma_start3A_22 : memref<128xi32, #tpu.memory_space<vmem>>) semaphore(%arg8 : memref<!tpu.dma_semaphore, #tpu.memory_space<semaphore_mem>>)
    %dma_start3A_26 = arith.constant 2 : i32
    %dma_start3A_27 = arith.constant 2 : i32
    %dma_start3A_28 = arith.constant 0 : i32
    %dma_start3A_29 = arith.constant 0 : i32
    %dma_start3A_30 = tpu.memref_slice %arg6[%dma_start3A_27, %dma_start3A_28, %dma_start3A_29] : memref<12x128x64xf32, #tpu.memory_space<vmem>> -> memref<1x128x64xf32, #tpu.memory_space<vmem>>
    %dma_start3A_31 = tpu.memref_squeeze %dma_start3A_30 : memref<1x128x64xf32, #tpu.memory_space<vmem>> -> memref<128x64xf32, #tpu.memory_space<vmem>>
    %dma_start3A_32 = arith.constant 0 : i32
    %dma_start3A_33 = tpu.memref_slice %arg5[%dma_start3A_26, %dma_start3A_32] : memref<50x128xi32, #tpu.memory_space<vmem>> -> memref<1x128xi32, #tpu.memory_space<vmem>>
    %dma_start3A_34 = tpu.memref_squeeze %dma_start3A_33 : memref<1x128xi32, #tpu.memory_space<vmem>> -> memref<128xi32, #tpu.memory_space<vmem>>
    %dma_start3A_35 = arith.constant 0 : i32
    %dma_start3A_36 = arith.constant 0 : i32
    %dma_start3A_37 = tpu.memref_slice %arg2[%dma_start3A_35, %dma_start3A_36] : memref<100000x64xf32, #tpu.memory_space<hbm>> -> memref<100000x64xf32, #tpu.memory_space<hbm>>
    tpu.enqueue_indirect_dma source(%dma_start3A_37 : memref<100000x64xf32, #tpu.memory_space<hbm>>) target(%dma_start3A_31 : memref<128x64xf32, #tpu.memory_space<vmem>>) offsets(%dma_start3A_34 : memref<128xi32, #tpu.memory_space<vmem>>) semaphore(%arg9 : memref<!tpu.dma_semaphore, #tpu.memory_space<semaphore_mem>>)
    %dma_start3A_38 = arith.constant 3 : i32
    %dma_start3A_39 = arith.constant 3 : i32
    %dma_start3A_40 = arith.constant 0 : i32
    %dma_start3A_41 = arith.constant 0 : i32
    %dma_start3A_42 = tpu.memref_slice %arg6[%dma_start3A_39, %dma_start3A_40, %dma_start3A_41] : memref<12x128x64xf32, #tpu.memory_space<vmem>> -> memref<1x128x64xf32, #tpu.memory_space<vmem>>
    %dma_start3A_43 = tpu.memref_squeeze %dma_start3A_42 : memref<1x128x64xf32, #tpu.memory_space<vmem>> -> memref<128x64xf32, #tpu.memory_space<vmem>>
    %dma_start3A_44 = arith.constant 0 : i32
    %dma_start3A_45 = tpu.memref_slice %arg5[%dma_start3A_38, %dma_start3A_44] : memref<50x128xi32, #tpu.memory_space<vmem>> -> memref<1x128xi32, #tpu.memory_space<vmem>>
    %dma_start3A_46 = tpu.memref_squeeze %dma_start3A_45 : memref<1x128xi32, #tpu.memory_space<vmem>> -> memref<128xi32, #tpu.memory_space<vmem>>
    %dma_start3A_47 = arith.constant 0 : i32
    %dma_start3A_48 = arith.constant 0 : i32
    %dma_start3A_49 = tpu.memref_slice %arg2[%dma_start3A_47, %dma_start3A_48] : memref<100000x64xf32, #tpu.memory_space<hbm>> -> memref<100000x64xf32, #tpu.memory_space<hbm>>
    tpu.enqueue_indirect_dma source(%dma_start3A_49 : memref<100000x64xf32, #tpu.memory_space<hbm>>) target(%dma_start3A_43 : memref<128x64xf32, #tpu.memory_space<vmem>>) offsets(%dma_start3A_46 : memref<128xi32, #tpu.memory_space<vmem>>) semaphore(%arg10 : memref<!tpu.dma_semaphore, #tpu.memory_space<semaphore_mem>>)
    %dma_start3A_50 = arith.constant 4 : i32
    %dma_start3A_51 = arith.constant 4 : i32
    %dma_start3A_52 = arith.constant 0 : i32
    %dma_start3A_53 = arith.constant 0 : i32
    %dma_start3A_54 = tpu.memref_slice %arg6[%dma_start3A_51, %dma_start3A_52, %dma_start3A_53] : memref<12x128x64xf32, #tpu.memory_space<vmem>> -> memref<1x128x64xf32, #tpu.memory_space<vmem>>
    %dma_start3A_55 = tpu.memref_squeeze %dma_start3A_54 : memref<1x128x64xf32, #tpu.memory_space<vmem>> -> memref<128x64xf32, #tpu.memory_space<vmem>>
    %dma_start3A_56 = arith.constant 0 : i32
    %dma_start3A_57 = tpu.memref_slice %arg5[%dma_start3A_50, %dma_start3A_56] : memref<50x128xi32, #tpu.memory_space<vmem>> -> memref<1x128xi32, #tpu.memory_space<vmem>>
    %dma_start3A_58 = tpu.memref_squeeze %dma_start3A_57 : memref<1x128xi32, #tpu.memory_space<vmem>> -> memref<128xi32, #tpu.memory_space<vmem>>
    %dma_start3A_59 = arith.constant 0 : i32
    %dma_start3A_60 = arith.constant 0 : i32
    %dma_start3A_61 = tpu.memref_slice %arg2[%dma_start3A_59, %dma_start3A_60] : memref<100000x64xf32, #tpu.memory_space<hbm>> -> memref<100000x64xf32, #tpu.memory_space<hbm>>
    tpu.enqueue_indirect_dma source(%dma_start3A_61 : memref<100000x64xf32, #tpu.memory_space<hbm>>) target(%dma_start3A_55 : memref<128x64xf32, #tpu.memory_space<vmem>>) offsets(%dma_start3A_58 : memref<128xi32, #tpu.memory_space<vmem>>) semaphore(%arg11 : memref<!tpu.dma_semaphore, #tpu.memory_space<semaphore_mem>>)
    %dma_start3A_62 = arith.constant 5 : i32
    %dma_start3A_63 = arith.constant 5 : i32
    %dma_start3A_64 = arith.constant 0 : i32
    %dma_start3A_65 = arith.constant 0 : i32
    %dma_start3A_66 = tpu.memref_slice %arg6[%dma_start3A_63, %dma_start3A_64, %dma_start3A_65] : memref<12x128x64xf32, #tpu.memory_space<vmem>> -> memref<1x128x64xf32, #tpu.memory_space<vmem>>
    %dma_start3A_67 = tpu.memref_squeeze %dma_start3A_66 : memref<1x128x64xf32, #tpu.memory_space<vmem>> -> memref<128x64xf32, #tpu.memory_space<vmem>>
    %dma_start3A_68 = arith.constant 0 : i32
    %dma_start3A_69 = tpu.memref_slice %arg5[%dma_start3A_62, %dma_start3A_68] : memref<50x128xi32, #tpu.memory_space<vmem>> -> memref<1x128xi32, #tpu.memory_space<vmem>>
    %dma_start3A_70 = tpu.memref_squeeze %dma_start3A_69 : memref<1x128xi32, #tpu.memory_space<vmem>> -> memref<128xi32, #tpu.memory_space<vmem>>
    %dma_start3A_71 = arith.constant 0 : i32
    %dma_start3A_72 = arith.constant 0 : i32
    %dma_start3A_73 = tpu.memref_slice %arg2[%dma_start3A_71, %dma_start3A_72] : memref<100000x64xf32, #tpu.memory_space<hbm>> -> memref<100000x64xf32, #tpu.memory_space<hbm>>
    tpu.enqueue_indirect_dma source(%dma_start3A_73 : memref<100000x64xf32, #tpu.memory_space<hbm>>) target(%dma_start3A_67 : memref<128x64xf32, #tpu.memory_space<vmem>>) offsets(%dma_start3A_70 : memref<128xi32, #tpu.memory_space<vmem>>) semaphore(%arg12 : memref<!tpu.dma_semaphore, #tpu.memory_space<semaphore_mem>>)
    %dma_wait3A = arith.constant 0 : i32
    %dma_wait3A_74 = arith.constant 0 : i32
    %dma_wait3A_75 = arith.constant 0 : i32
    %dma_wait3A_76 = arith.constant 0 : i32
    %dma_wait3A_77 = tpu.memref_slice %arg6[%dma_wait3A_74, %dma_wait3A_75, %dma_wait3A_76] : memref<12x128x64xf32, #tpu.memory_space<vmem>> -> memref<1x128x64xf32, #tpu.memory_space<vmem>>
    %dma_wait3A_78 = tpu.memref_squeeze %dma_wait3A_77 : memref<1x128x64xf32, #tpu.memory_space<vmem>> -> memref<128x64xf32, #tpu.memory_space<vmem>>
    %dma_wait3A_79 = arith.constant 0 : i32
    %dma_wait3A_80 = tpu.memref_slice %arg5[%dma_wait3A, %dma_wait3A_79] : memref<50x128xi32, #tpu.memory_space<vmem>> -> memref<1x128xi32, #tpu.memory_space<vmem>>
    %dma_wait3A_81 = tpu.memref_squeeze %dma_wait3A_80 : memref<1x128xi32, #tpu.memory_space<vmem>> -> memref<128xi32, #tpu.memory_space<vmem>>
    %dma_wait3A_82 = arith.constant 0 : i32
    %dma_wait3A_83 = arith.constant 0 : i32
    %dma_wait3A_84 = tpu.memref_slice %arg2[%dma_wait3A_82, %dma_wait3A_83] : memref<100000x64xf32, #tpu.memory_space<hbm>> -> memref<100000x64xf32, #tpu.memory_space<hbm>>
    tpu.wait_indirect_dma semaphore(%arg7 : memref<!tpu.dma_semaphore, #tpu.memory_space<semaphore_mem>>) src(%dma_wait3A_84 : memref<100000x64xf32, #tpu.memory_space<hbm>>) dst(%dma_wait3A_78 : memref<128x64xf32, #tpu.memory_space<vmem>>)
    %dma_start3A_85 = arith.constant 0 : i32
    %dma_start3A_86 = arith.constant 0 : i32
    %dma_start3A_87 = arith.constant 0 : i32
    %dma_start3A_88 = arith.constant 0 : i32
    %dma_start3A_89 = tpu.memref_slice %arg6[%dma_start3A_85, %dma_start3A_87, %dma_start3A_88] : memref<12x128x64xf32, #tpu.memory_space<vmem>> -> memref<1x128x64xf32, #tpu.memory_space<vmem>>
    %dma_start3A_90 = tpu.memref_squeeze %dma_start3A_89 : memref<1x128x64xf32, #tpu.memory_space<vmem>> -> memref<128x64xf32, #tpu.memory_space<vmem>>
    %dma_start3A_91 = arith.constant 0 : i32
    %dma_start3A_92 = tpu.memref_slice %arg4[%dma_start3A_86, %mul3A_2, %dma_start3A_91] : memref<50x4096x64xf32, #tpu.memory_space<hbm>> -> memref<1x128x64xf32, #tpu.memory_space<hbm>>
    %dma_start3A_93 = tpu.memref_squeeze %dma_start3A_92 : memref<1x128x64xf32, #tpu.memory_space<hbm>> -> memref<128x64xf32, #tpu.memory_space<hbm>>
    %dma_start3A_94 = arith.constant 0 : i32
    %dma_start3A_95 = tpu.memref_slice %arg4[%dma_start3A_86, %mul3A_2, %dma_start3A_94] : memref<50x4096x64xf32, #tpu.memory_space<hbm>> -> memref<1x128x64xf32, #tpu.memory_space<hbm>>
    %dma_start3A_96 = tpu.memref_squeeze %dma_start3A_95 : memref<1x128x64xf32, #tpu.memory_space<hbm>> -> memref<128x64xf32, #tpu.memory_space<hbm>>
    %dma_start3A_97 = arith.constant 0 : i32
    %dma_start3A_98 = arith.constant 0 : i32
    %dma_start3A_99 = tpu.memref_slice %arg6[%dma_start3A_85, %dma_start3A_97, %dma_start3A_98] : memref<12x128x64xf32, #tpu.memory_space<vmem>> -> memref<1x128x64xf32, #tpu.memory_space<vmem>>
    %dma_start3A_100 = tpu.memref_squeeze %dma_start3A_99 : memref<1x128x64xf32, #tpu.memory_space<vmem>> -> memref<128x64xf32, #tpu.memory_space<vmem>>
    tpu.enqueue_dma source(%dma_start3A_100 : memref<128x64xf32, #tpu.memory_space<vmem>>) target(%dma_start3A_96 : memref<128x64xf32, #tpu.memory_space<hbm>>) target_semaphore(%arg19 : memref<!tpu.dma_semaphore, #tpu.memory_space<semaphore_mem>>)
    %dma_start3A_101 = arith.constant 6 : i32
    %dma_start3A_102 = arith.constant 6 : i32
    %dma_start3A_103 = arith.constant 0 : i32
    %dma_start3A_104 = arith.constant 0 : i32
    %dma_start3A_105 = tpu.memref_slice %arg6[%dma_start3A_102, %dma_start3A_103, %dma_start3A_104] : memref<12x128x64xf32, #tpu.memory_space<vmem>> -> memref<1x128x64xf32, #tpu.memory_space<vmem>>
    %dma_start3A_106 = tpu.memref_squeeze %dma_start3A_105 : memref<1x128x64xf32, #tpu.memory_space<vmem>> -> memref<128x64xf32, #tpu.memory_space<vmem>>
    %dma_start3A_107 = arith.constant 0 : i32
    %dma_start3A_108 = tpu.memref_slice %arg5[%dma_start3A_101, %dma_start3A_107] : memref<50x128xi32, #tpu.memory_space<vmem>> -> memref<1x128xi32, #tpu.memory_space<vmem>>
    %dma_start3A_109 = tpu.memref_squeeze %dma_start3A_108 : memref<1x128xi32, #tpu.memory_space<vmem>> -> memref<128xi32, #tpu.memory_space<vmem>>
    %dma_start3A_110 = arith.constant 0 : i32
    %dma_start3A_111 = arith.constant 0 : i32
    %dma_start3A_112 = tpu.memref_slice %arg2[%dma_start3A_110, %dma_start3A_111] : memref<100000x64xf32, #tpu.memory_space<hbm>> -> memref<100000x64xf32, #tpu.memory_space<hbm>>
    tpu.enqueue_indirect_dma source(%dma_start3A_112 : memref<100000x64xf32, #tpu.memory_space<hbm>>) target(%dma_start3A_106 : memref<128x64xf32, #tpu.memory_space<vmem>>) offsets(%dma_start3A_109 : memref<128xi32, #tpu.memory_space<vmem>>) semaphore(%arg13 : memref<!tpu.dma_semaphore, #tpu.memory_space<semaphore_mem>>)
    %dma_wait3A_113 = arith.constant 1 : i32
    %dma_wait3A_114 = arith.constant 1 : i32
    %dma_wait3A_115 = arith.constant 0 : i32
    %dma_wait3A_116 = arith.constant 0 : i32
    %dma_wait3A_117 = tpu.memref_slice %arg6[%dma_wait3A_114, %dma_wait3A_115, %dma_wait3A_116] : memref<12x128x64xf32, #tpu.memory_space<vmem>> -> memref<1x128x64xf32, #tpu.memory_space<vmem>>
    %dma_wait3A_118 = tpu.memref_squeeze %dma_wait3A_117 : memref<1x128x64xf32, #tpu.memory_space<vmem>> -> memref<128x64xf32, #tpu.memory_space<vmem>>
    %dma_wait3A_119 = arith.constant 0 : i32
    %dma_wait3A_120 = tpu.memref_slice %arg5[%dma_wait3A_113, %dma_wait3A_119] : memref<50x128xi32, #tpu.memory_space<vmem>> -> memref<1x128xi32, #tpu.memory_space<vmem>>
    %dma_wait3A_121 = tpu.memref_squeeze %dma_wait3A_120 : memref<1x128xi32, #tpu.memory_space<vmem>> -> memref<128xi32, #tpu.memory_space<vmem>>
    %dma_wait3A_122 = arith.constant 0 : i32
    %dma_wait3A_123 = arith.constant 0 : i32
    %dma_wait3A_124 = tpu.memref_slice %arg2[%dma_wait3A_122, %dma_wait3A_123] : memref<100000x64xf32, #tpu.memory_space<hbm>> -> memref<100000x64xf32, #tpu.memory_space<hbm>>
    tpu.wait_indirect_dma semaphore(%arg8 : memref<!tpu.dma_semaphore, #tpu.memory_space<semaphore_mem>>) src(%dma_wait3A_124 : memref<100000x64xf32, #tpu.memory_space<hbm>>) dst(%dma_wait3A_118 : memref<128x64xf32, #tpu.memory_space<vmem>>)
    %dma_start3A_125 = arith.constant 1 : i32
    %dma_start3A_126 = arith.constant 1 : i32
    %dma_start3A_127 = arith.constant 0 : i32
    %dma_start3A_128 = arith.constant 0 : i32
    %dma_start3A_129 = tpu.memref_slice %arg6[%dma_start3A_125, %dma_start3A_127, %dma_start3A_128] : memref<12x128x64xf32, #tpu.memory_space<vmem>> -> memref<1x128x64xf32, #tpu.memory_space<vmem>>
    %dma_start3A_130 = tpu.memref_squeeze %dma_start3A_129 : memref<1x128x64xf32, #tpu.memory_space<vmem>> -> memref<128x64xf32, #tpu.memory_space<vmem>>
    %dma_start3A_131 = arith.constant 0 : i32
    %dma_start3A_132 = tpu.memref_slice %arg4[%dma_start3A_126, %mul3A_2, %dma_start3A_131] : memref<50x4096x64xf32, #tpu.memory_space<hbm>> -> memref<1x128x64xf32, #tpu.memory_space<hbm>>
    %dma_start3A_133 = tpu.memref_squeeze %dma_start3A_132 : memref<1x128x64xf32, #tpu.memory_space<hbm>> -> memref<128x64xf32, #tpu.memory_space<hbm>>
    %dma_start3A_134 = arith.constant 0 : i32
    %dma_start3A_135 = tpu.memref_slice %arg4[%dma_start3A_126, %mul3A_2, %dma_start3A_134] : memref<50x4096x64xf32, #tpu.memory_space<hbm>> -> memref<1x128x64xf32, #tpu.memory_space<hbm>>
    %dma_start3A_136 = tpu.memref_squeeze %dma_start3A_135 : memref<1x128x64xf32, #tpu.memory_space<hbm>> -> memref<128x64xf32, #tpu.memory_space<hbm>>
    %dma_start3A_137 = arith.constant 0 : i32
    %dma_start3A_138 = arith.constant 0 : i32
    %dma_start3A_139 = tpu.memref_slice %arg6[%dma_start3A_125, %dma_start3A_137, %dma_start3A_138] : memref<12x128x64xf32, #tpu.memory_space<vmem>> -> memref<1x128x64xf32, #tpu.memory_space<vmem>>
    %dma_start3A_140 = tpu.memref_squeeze %dma_start3A_139 : memref<1x128x64xf32, #tpu.memory_space<vmem>> -> memref<128x64xf32, #tpu.memory_space<vmem>>
    tpu.enqueue_dma source(%dma_start3A_140 : memref<128x64xf32, #tpu.memory_space<vmem>>) target(%dma_start3A_136 : memref<128x64xf32, #tpu.memory_space<hbm>>) target_semaphore(%arg20 : memref<!tpu.dma_semaphore, #tpu.memory_space<semaphore_mem>>)
    %dma_start3A_141 = arith.constant 7 : i32
    %dma_start3A_142 = arith.constant 7 : i32
    %dma_start3A_143 = arith.constant 0 : i32
    %dma_start3A_144 = arith.constant 0 : i32
    %dma_start3A_145 = tpu.memref_slice %arg6[%dma_start3A_142, %dma_start3A_143, %dma_start3A_144] : memref<12x128x64xf32, #tpu.memory_space<vmem>> -> memref<1x128x64xf32, #tpu.memory_space<vmem>>
    %dma_start3A_146 = tpu.memref_squeeze %dma_start3A_145 : memref<1x128x64xf32, #tpu.memory_space<vmem>> -> memref<128x64xf32, #tpu.memory_space<vmem>>
    %dma_start3A_147 = arith.constant 0 : i32
    %dma_start3A_148 = tpu.memref_slice %arg5[%dma_start3A_141, %dma_start3A_147] : memref<50x128xi32, #tpu.memory_space<vmem>> -> memref<1x128xi32, #tpu.memory_space<vmem>>
    %dma_start3A_149 = tpu.memref_squeeze %dma_start3A_148 : memref<1x128xi32, #tpu.memory_space<vmem>> -> memref<128xi32, #tpu.memory_space<vmem>>
    %dma_start3A_150 = arith.constant 0 : i32
    %dma_start3A_151 = arith.constant 0 : i32
    %dma_start3A_152 = tpu.memref_slice %arg2[%dma_start3A_150, %dma_start3A_151] : memref<100000x64xf32, #tpu.memory_space<hbm>> -> memref<100000x64xf32, #tpu.memory_space<hbm>>
    tpu.enqueue_indirect_dma source(%dma_start3A_152 : memref<100000x64xf32, #tpu.memory_space<hbm>>) target(%dma_start3A_146 : memref<128x64xf32, #tpu.memory_space<vmem>>) offsets(%dma_start3A_149 : memref<128xi32, #tpu.memory_space<vmem>>) semaphore(%arg14 : memref<!tpu.dma_semaphore, #tpu.memory_space<semaphore_mem>>)
    %dma_wait3A_153 = arith.constant 2 : i32
    %dma_wait3A_154 = arith.constant 2 : i32
    %dma_wait3A_155 = arith.constant 0 : i32
    %dma_wait3A_156 = arith.constant 0 : i32
    %dma_wait3A_157 = tpu.memref_slice %arg6[%dma_wait3A_154, %dma_wait3A_155, %dma_wait3A_156] : memref<12x128x64xf32, #tpu.memory_space<vmem>> -> memref<1x128x64xf32, #tpu.memory_space<vmem>>
    %dma_wait3A_158 = tpu.memref_squeeze %dma_wait3A_157 : memref<1x128x64xf32, #tpu.memory_space<vmem>> -> memref<128x64xf32, #tpu.memory_space<vmem>>
    %dma_wait3A_159 = arith.constant 0 : i32
    %dma_wait3A_160 = tpu.memref_slice %arg5[%dma_wait3A_153, %dma_wait3A_159] : memref<50x128xi32, #tpu.memory_space<vmem>> -> memref<1x128xi32, #tpu.memory_space<vmem>>
    %dma_wait3A_161 = tpu.memref_squeeze %dma_wait3A_160 : memref<1x128xi32, #tpu.memory_space<vmem>> -> memref<128xi32, #tpu.memory_space<vmem>>
    %dma_wait3A_162 = arith.constant 0 : i32
    %dma_wait3A_163 = arith.constant 0 : i32
    %dma_wait3A_164 = tpu.memref_slice %arg2[%dma_wait3A_162, %dma_wait3A_163] : memref<100000x64xf32, #tpu.memory_space<hbm>> -> memref<100000x64xf32, #tpu.memory_space<hbm>>
    tpu.wait_indirect_dma semaphore(%arg9 : memref<!tpu.dma_semaphore, #tpu.memory_space<semaphore_mem>>) src(%dma_wait3A_164 : memref<100000x64xf32, #tpu.memory_space<hbm>>) dst(%dma_wait3A_158 : memref<128x64xf32, #tpu.memory_space<vmem>>)
    %dma_start3A_165 = arith.constant 2 : i32
    %dma_start3A_166 = arith.constant 2 : i32
    %dma_start3A_167 = arith.constant 0 : i32
    %dma_start3A_168 = arith.constant 0 : i32
    %dma_start3A_169 = tpu.memref_slice %arg6[%dma_start3A_165, %dma_start3A_167, %dma_start3A_168] : memref<12x128x64xf32, #tpu.memory_space<vmem>> -> memref<1x128x64xf32, #tpu.memory_space<vmem>>
    %dma_start3A_170 = tpu.memref_squeeze %dma_start3A_169 : memref<1x128x64xf32, #tpu.memory_space<vmem>> -> memref<128x64xf32, #tpu.memory_space<vmem>>
    %dma_start3A_171 = arith.constant 0 : i32
    %dma_start3A_172 = tpu.memref_slice %arg4[%dma_start3A_166, %mul3A_2, %dma_start3A_171] : memref<50x4096x64xf32, #tpu.memory_space<hbm>> -> memref<1x128x64xf32, #tpu.memory_space<hbm>>
    %dma_start3A_173 = tpu.memref_squeeze %dma_start3A_172 : memref<1x128x64xf32, #tpu.memory_space<hbm>> -> memref<128x64xf32, #tpu.memory_space<hbm>>
    %dma_start3A_174 = arith.constant 0 : i32
    %dma_start3A_175 = tpu.memref_slice %arg4[%dma_start3A_166, %mul3A_2, %dma_start3A_174] : memref<50x4096x64xf32, #tpu.memory_space<hbm>> -> memref<1x128x64xf32, #tpu.memory_space<hbm>>
    %dma_start3A_176 = tpu.memref_squeeze %dma_start3A_175 : memref<1x128x64xf32, #tpu.memory_space<hbm>> -> memref<128x64xf32, #tpu.memory_space<hbm>>
    %dma_start3A_177 = arith.constant 0 : i32
    %dma_start3A_178 = arith.constant 0 : i32
    %dma_start3A_179 = tpu.memref_slice %arg6[%dma_start3A_165, %dma_start3A_177, %dma_start3A_178] : memref<12x128x64xf32, #tpu.memory_space<vmem>> -> memref<1x128x64xf32, #tpu.memory_space<vmem>>
    %dma_start3A_180 = tpu.memref_squeeze %dma_start3A_179 : memref<1x128x64xf32, #tpu.memory_space<vmem>> -> memref<128x64xf32, #tpu.memory_space<vmem>>
    tpu.enqueue_dma source(%dma_start3A_180 : memref<128x64xf32, #tpu.memory_space<vmem>>) target(%dma_start3A_176 : memref<128x64xf32, #tpu.memory_space<hbm>>) target_semaphore(%arg21 : memref<!tpu.dma_semaphore, #tpu.memory_space<semaphore_mem>>)
    %dma_start3A_181 = arith.constant 8 : i32
    %dma_start3A_182 = arith.constant 8 : i32
    %dma_start3A_183 = arith.constant 0 : i32
    %dma_start3A_184 = arith.constant 0 : i32
    %dma_start3A_185 = tpu.memref_slice %arg6[%dma_start3A_182, %dma_start3A_183, %dma_start3A_184] : memref<12x128x64xf32, #tpu.memory_space<vmem>> -> memref<1x128x64xf32, #tpu.memory_space<vmem>>
    %dma_start3A_186 = tpu.memref_squeeze %dma_start3A_185 : memref<1x128x64xf32, #tpu.memory_space<vmem>> -> memref<128x64xf32, #tpu.memory_space<vmem>>
    %dma_start3A_187 = arith.constant 0 : i32
    %dma_start3A_188 = tpu.memref_slice %arg5[%dma_start3A_181, %dma_start3A_187] : memref<50x128xi32, #tpu.memory_space<vmem>> -> memref<1x128xi32, #tpu.memory_space<vmem>>
    %dma_start3A_189 = tpu.memref_squeeze %dma_start3A_188 : memref<1x128xi32, #tpu.memory_space<vmem>> -> memref<128xi32, #tpu.memory_space<vmem>>
    %dma_start3A_190 = arith.constant 0 : i32
    %dma_start3A_191 = arith.constant 0 : i32
    %dma_start3A_192 = tpu.memref_slice %arg2[%dma_start3A_190, %dma_start3A_191] : memref<100000x64xf32, #tpu.memory_space<hbm>> -> memref<100000x64xf32, #tpu.memory_space<hbm>>
    tpu.enqueue_indirect_dma source(%dma_start3A_192 : memref<100000x64xf32, #tpu.memory_space<hbm>>) target(%dma_start3A_186 : memref<128x64xf32, #tpu.memory_space<vmem>>) offsets(%dma_start3A_189 : memref<128xi32, #tpu.memory_space<vmem>>) semaphore(%arg15 : memref<!tpu.dma_semaphore, #tpu.memory_space<semaphore_mem>>)
    %dma_wait3A_193 = arith.constant 3 : i32
    %dma_wait3A_194 = arith.constant 3 : i32
    %dma_wait3A_195 = arith.constant 0 : i32
    %dma_wait3A_196 = arith.constant 0 : i32
    %dma_wait3A_197 = tpu.memref_slice %arg6[%dma_wait3A_194, %dma_wait3A_195, %dma_wait3A_196] : memref<12x128x64xf32, #tpu.memory_space<vmem>> -> memref<1x128x64xf32, #tpu.memory_space<vmem>>
    %dma_wait3A_198 = tpu.memref_squeeze %dma_wait3A_197 : memref<1x128x64xf32, #tpu.memory_space<vmem>> -> memref<128x64xf32, #tpu.memory_space<vmem>>
    %dma_wait3A_199 = arith.constant 0 : i32
    %dma_wait3A_200 = tpu.memref_slice %arg5[%dma_wait3A_193, %dma_wait3A_199] : memref<50x128xi32, #tpu.memory_space<vmem>> -> memref<1x128xi32, #tpu.memory_space<vmem>>
    %dma_wait3A_201 = tpu.memref_squeeze %dma_wait3A_200 : memref<1x128xi32, #tpu.memory_space<vmem>> -> memref<128xi32, #tpu.memory_space<vmem>>
    %dma_wait3A_202 = arith.constant 0 : i32
    %dma_wait3A_203 = arith.constant 0 : i32
    %dma_wait3A_204 = tpu.memref_slice %arg2[%dma_wait3A_202, %dma_wait3A_203] : memref<100000x64xf32, #tpu.memory_space<hbm>> -> memref<100000x64xf32, #tpu.memory_space<hbm>>
    tpu.wait_indirect_dma semaphore(%arg10 : memref<!tpu.dma_semaphore, #tpu.memory_space<semaphore_mem>>) src(%dma_wait3A_204 : memref<100000x64xf32, #tpu.memory_space<hbm>>) dst(%dma_wait3A_198 : memref<128x64xf32, #tpu.memory_space<vmem>>)
    %dma_start3A_205 = arith.constant 3 : i32
    %dma_start3A_206 = arith.constant 3 : i32
    %dma_start3A_207 = arith.constant 0 : i32
    %dma_start3A_208 = arith.constant 0 : i32
    %dma_start3A_209 = tpu.memref_slice %arg6[%dma_start3A_205, %dma_start3A_207, %dma_start3A_208] : memref<12x128x64xf32, #tpu.memory_space<vmem>> -> memref<1x128x64xf32, #tpu.memory_space<vmem>>
    %dma_start3A_210 = tpu.memref_squeeze %dma_start3A_209 : memref<1x128x64xf32, #tpu.memory_space<vmem>> -> memref<128x64xf32, #tpu.memory_space<vmem>>
    %dma_start3A_211 = arith.constant 0 : i32
    %dma_start3A_212 = tpu.memref_slice %arg4[%dma_start3A_206, %mul3A_2, %dma_start3A_211] : memref<50x4096x64xf32, #tpu.memory_space<hbm>> -> memref<1x128x64xf32, #tpu.memory_space<hbm>>
    %dma_start3A_213 = tpu.memref_squeeze %dma_start3A_212 : memref<1x128x64xf32, #tpu.memory_space<hbm>> -> memref<128x64xf32, #tpu.memory_space<hbm>>
    %dma_start3A_214 = arith.constant 0 : i32
    %dma_start3A_215 = tpu.memref_slice %arg4[%dma_start3A_206, %mul3A_2, %dma_start3A_214] : memref<50x4096x64xf32, #tpu.memory_space<hbm>> -> memref<1x128x64xf32, #tpu.memory_space<hbm>>
    %dma_start3A_216 = tpu.memref_squeeze %dma_start3A_215 : memref<1x128x64xf32, #tpu.memory_space<hbm>> -> memref<128x64xf32, #tpu.memory_space<hbm>>
    %dma_start3A_217 = arith.constant 0 : i32
    %dma_start3A_218 = arith.constant 0 : i32
    %dma_start3A_219 = tpu.memref_slice %arg6[%dma_start3A_205, %dma_start3A_217, %dma_start3A_218] : memref<12x128x64xf32, #tpu.memory_space<vmem>> -> memref<1x128x64xf32, #tpu.memory_space<vmem>>
    %dma_start3A_220 = tpu.memref_squeeze %dma_start3A_219 : memref<1x128x64xf32, #tpu.memory_space<vmem>> -> memref<128x64xf32, #tpu.memory_space<vmem>>
    tpu.enqueue_dma source(%dma_start3A_220 : memref<128x64xf32, #tpu.memory_space<vmem>>) target(%dma_start3A_216 : memref<128x64xf32, #tpu.memory_space<hbm>>) target_semaphore(%arg22 : memref<!tpu.dma_semaphore, #tpu.memory_space<semaphore_mem>>)
    %dma_start3A_221 = arith.constant 9 : i32
    %dma_start3A_222 = arith.constant 9 : i32
    %dma_start3A_223 = arith.constant 0 : i32
    %dma_start3A_224 = arith.constant 0 : i32
    %dma_start3A_225 = tpu.memref_slice %arg6[%dma_start3A_222, %dma_start3A_223, %dma_start3A_224] : memref<12x128x64xf32, #tpu.memory_space<vmem>> -> memref<1x128x64xf32, #tpu.memory_space<vmem>>
    %dma_start3A_226 = tpu.memref_squeeze %dma_start3A_225 : memref<1x128x64xf32, #tpu.memory_space<vmem>> -> memref<128x64xf32, #tpu.memory_space<vmem>>
    %dma_start3A_227 = arith.constant 0 : i32
    %dma_start3A_228 = tpu.memref_slice %arg5[%dma_start3A_221, %dma_start3A_227] : memref<50x128xi32, #tpu.memory_space<vmem>> -> memref<1x128xi32, #tpu.memory_space<vmem>>
    %dma_start3A_229 = tpu.memref_squeeze %dma_start3A_228 : memref<1x128xi32, #tpu.memory_space<vmem>> -> memref<128xi32, #tpu.memory_space<vmem>>
    %dma_start3A_230 = arith.constant 0 : i32
    %dma_start3A_231 = arith.constant 0 : i32
    %dma_start3A_232 = tpu.memref_slice %arg2[%dma_start3A_230, %dma_start3A_231] : memref<100000x64xf32, #tpu.memory_space<hbm>> -> memref<100000x64xf32, #tpu.memory_space<hbm>>
    tpu.enqueue_indirect_dma source(%dma_start3A_232 : memref<100000x64xf32, #tpu.memory_space<hbm>>) target(%dma_start3A_226 : memref<128x64xf32, #tpu.memory_space<vmem>>) offsets(%dma_start3A_229 : memref<128xi32, #tpu.memory_space<vmem>>) semaphore(%arg16 : memref<!tpu.dma_semaphore, #tpu.memory_space<semaphore_mem>>)
    %dma_wait3A_233 = arith.constant 4 : i32
    %dma_wait3A_234 = arith.constant 4 : i32
    %dma_wait3A_235 = arith.constant 0 : i32
    %dma_wait3A_236 = arith.constant 0 : i32
    %dma_wait3A_237 = tpu.memref_slice %arg6[%dma_wait3A_234, %dma_wait3A_235, %dma_wait3A_236] : memref<12x128x64xf32, #tpu.memory_space<vmem>> -> memref<1x128x64xf32, #tpu.memory_space<vmem>>
    %dma_wait3A_238 = tpu.memref_squeeze %dma_wait3A_237 : memref<1x128x64xf32, #tpu.memory_space<vmem>> -> memref<128x64xf32, #tpu.memory_space<vmem>>
    %dma_wait3A_239 = arith.constant 0 : i32
    %dma_wait3A_240 = tpu.memref_slice %arg5[%dma_wait3A_233, %dma_wait3A_239] : memref<50x128xi32, #tpu.memory_space<vmem>> -> memref<1x128xi32, #tpu.memory_space<vmem>>
    %dma_wait3A_241 = tpu.memref_squeeze %dma_wait3A_240 : memref<1x128xi32, #tpu.memory_space<vmem>> -> memref<128xi32, #tpu.memory_space<vmem>>
    %dma_wait3A_242 = arith.constant 0 : i32
    %dma_wait3A_243 = arith.constant 0 : i32
    %dma_wait3A_244 = tpu.memref_slice %arg2[%dma_wait3A_242, %dma_wait3A_243] : memref<100000x64xf32, #tpu.memory_space<hbm>> -> memref<100000x64xf32, #tpu.memory_space<hbm>>
    tpu.wait_indirect_dma semaphore(%arg11 : memref<!tpu.dma_semaphore, #tpu.memory_space<semaphore_mem>>) src(%dma_wait3A_244 : memref<100000x64xf32, #tpu.memory_space<hbm>>) dst(%dma_wait3A_238 : memref<128x64xf32, #tpu.memory_space<vmem>>)
    %dma_start3A_245 = arith.constant 4 : i32
    %dma_start3A_246 = arith.constant 4 : i32
    %dma_start3A_247 = arith.constant 0 : i32
    %dma_start3A_248 = arith.constant 0 : i32
    %dma_start3A_249 = tpu.memref_slice %arg6[%dma_start3A_245, %dma_start3A_247, %dma_start3A_248] : memref<12x128x64xf32, #tpu.memory_space<vmem>> -> memref<1x128x64xf32, #tpu.memory_space<vmem>>
    %dma_start3A_250 = tpu.memref_squeeze %dma_start3A_249 : memref<1x128x64xf32, #tpu.memory_space<vmem>> -> memref<128x64xf32, #tpu.memory_space<vmem>>
    %dma_start3A_251 = arith.constant 0 : i32
    %dma_start3A_252 = tpu.memref_slice %arg4[%dma_start3A_246, %mul3A_2, %dma_start3A_251] : memref<50x4096x64xf32, #tpu.memory_space<hbm>> -> memref<1x128x64xf32, #tpu.memory_space<hbm>>
    %dma_start3A_253 = tpu.memref_squeeze %dma_start3A_252 : memref<1x128x64xf32, #tpu.memory_space<hbm>> -> memref<128x64xf32, #tpu.memory_space<hbm>>
    %dma_start3A_254 = arith.constant 0 : i32
    %dma_start3A_255 = tpu.memref_slice %arg4[%dma_start3A_246, %mul3A_2, %dma_start3A_254] : memref<50x4096x64xf32, #tpu.memory_space<hbm>> -> memref<1x128x64xf32, #tpu.memory_space<hbm>>
    %dma_start3A_256 = tpu.memref_squeeze %dma_start3A_255 : memref<1x128x64xf32, #tpu.memory_space<hbm>> -> memref<128x64xf32, #tpu.memory_space<hbm>>
    %dma_start3A_257 = arith.constant 0 : i32
    %dma_start3A_258 = arith.constant 0 : i32
    %dma_start3A_259 = tpu.memref_slice %arg6[%dma_start3A_245, %dma_start3A_257, %dma_start3A_258] : memref<12x128x64xf32, #tpu.memory_space<vmem>> -> memref<1x128x64xf32, #tpu.memory_space<vmem>>
    %dma_start3A_260 = tpu.memref_squeeze %dma_start3A_259 : memref<1x128x64xf32, #tpu.memory_space<vmem>> -> memref<128x64xf32, #tpu.memory_space<vmem>>
    tpu.enqueue_dma source(%dma_start3A_260 : memref<128x64xf32, #tpu.memory_space<vmem>>) target(%dma_start3A_256 : memref<128x64xf32, #tpu.memory_space<hbm>>) target_semaphore(%arg23 : memref<!tpu.dma_semaphore, #tpu.memory_space<semaphore_mem>>)
    %dma_start3A_261 = arith.constant 10 : i32
    %dma_start3A_262 = arith.constant 10 : i32
    %dma_start3A_263 = arith.constant 0 : i32
    %dma_start3A_264 = arith.constant 0 : i32
    %dma_start3A_265 = tpu.memref_slice %arg6[%dma_start3A_262, %dma_start3A_263, %dma_start3A_264] : memref<12x128x64xf32, #tpu.memory_space<vmem>> -> memref<1x128x64xf32, #tpu.memory_space<vmem>>
    %dma_start3A_266 = tpu.memref_squeeze %dma_start3A_265 : memref<1x128x64xf32, #tpu.memory_space<vmem>> -> memref<128x64xf32, #tpu.memory_space<vmem>>
    %dma_start3A_267 = arith.constant 0 : i32
    %dma_start3A_268 = tpu.memref_slice %arg5[%dma_start3A_261, %dma_start3A_267] : memref<50x128xi32, #tpu.memory_space<vmem>> -> memref<1x128xi32, #tpu.memory_space<vmem>>
    %dma_start3A_269 = tpu.memref_squeeze %dma_start3A_268 : memref<1x128xi32, #tpu.memory_space<vmem>> -> memref<128xi32, #tpu.memory_space<vmem>>
    %dma_start3A_270 = arith.constant 0 : i32
    %dma_start3A_271 = arith.constant 0 : i32
    %dma_start3A_272 = tpu.memref_slice %arg2[%dma_start3A_270, %dma_start3A_271] : memref<100000x64xf32, #tpu.memory_space<hbm>> -> memref<100000x64xf32, #tpu.memory_space<hbm>>
    tpu.enqueue_indirect_dma source(%dma_start3A_272 : memref<100000x64xf32, #tpu.memory_space<hbm>>) target(%dma_start3A_266 : memref<128x64xf32, #tpu.memory_space<vmem>>) offsets(%dma_start3A_269 : memref<128xi32, #tpu.memory_space<vmem>>) semaphore(%arg17 : memref<!tpu.dma_semaphore, #tpu.memory_space<semaphore_mem>>)
    %dma_wait3A_273 = arith.constant 5 : i32
    %dma_wait3A_274 = arith.constant 5 : i32
    %dma_wait3A_275 = arith.constant 0 : i32
    %dma_wait3A_276 = arith.constant 0 : i32
    %dma_wait3A_277 = tpu.memref_slice %arg6[%dma_wait3A_274, %dma_wait3A_275, %dma_wait3A_276] : memref<12x128x64xf32, #tpu.memory_space<vmem>> -> memref<1x128x64xf32, #tpu.memory_space<vmem>>
    %dma_wait3A_278 = tpu.memref_squeeze %dma_wait3A_277 : memref<1x128x64xf32, #tpu.memory_space<vmem>> -> memref<128x64xf32, #tpu.memory_space<vmem>>
    %dma_wait3A_279 = arith.constant 0 : i32
    %dma_wait3A_280 = tpu.memref_slice %arg5[%dma_wait3A_273, %dma_wait3A_279] : memref<50x128xi32, #tpu.memory_space<vmem>> -> memref<1x128xi32, #tpu.memory_space<vmem>>
    %dma_wait3A_281 = tpu.memref_squeeze %dma_wait3A_280 : memref<1x128xi32, #tpu.memory_space<vmem>> -> memref<128xi32, #tpu.memory_space<vmem>>
    %dma_wait3A_282 = arith.constant 0 : i32
    %dma_wait3A_283 = arith.constant 0 : i32
    %dma_wait3A_284 = tpu.memref_slice %arg2[%dma_wait3A_282, %dma_wait3A_283] : memref<100000x64xf32, #tpu.memory_space<hbm>> -> memref<100000x64xf32, #tpu.memory_space<hbm>>
    tpu.wait_indirect_dma semaphore(%arg12 : memref<!tpu.dma_semaphore, #tpu.memory_space<semaphore_mem>>) src(%dma_wait3A_284 : memref<100000x64xf32, #tpu.memory_space<hbm>>) dst(%dma_wait3A_278 : memref<128x64xf32, #tpu.memory_space<vmem>>)
    %dma_start3A_285 = arith.constant 5 : i32
    %dma_start3A_286 = arith.constant 5 : i32
    %dma_start3A_287 = arith.constant 0 : i32
    %dma_start3A_288 = arith.constant 0 : i32
    %dma_start3A_289 = tpu.memref_slice %arg6[%dma_start3A_285, %dma_start3A_287, %dma_start3A_288] : memref<12x128x64xf32, #tpu.memory_space<vmem>> -> memref<1x128x64xf32, #tpu.memory_space<vmem>>
    %dma_start3A_290 = tpu.memref_squeeze %dma_start3A_289 : memref<1x128x64xf32, #tpu.memory_space<vmem>> -> memref<128x64xf32, #tpu.memory_space<vmem>>
    %dma_start3A_291 = arith.constant 0 : i32
    %dma_start3A_292 = tpu.memref_slice %arg4[%dma_start3A_286, %mul3A_2, %dma_start3A_291] : memref<50x4096x64xf32, #tpu.memory_space<hbm>> -> memref<1x128x64xf32, #tpu.memory_space<hbm>>
    %dma_start3A_293 = tpu.memref_squeeze %dma_start3A_292 : memref<1x128x64xf32, #tpu.memory_space<hbm>> -> memref<128x64xf32, #tpu.memory_space<hbm>>
    %dma_start3A_294 = arith.constant 0 : i32
    %dma_start3A_295 = tpu.memref_slice %arg4[%dma_start3A_286, %mul3A_2, %dma_start3A_294] : memref<50x4096x64xf32, #tpu.memory_space<hbm>> -> memref<1x128x64xf32, #tpu.memory_space<hbm>>
    %dma_start3A_296 = tpu.memref_squeeze %dma_start3A_295 : memref<1x128x64xf32, #tpu.memory_space<hbm>> -> memref<128x64xf32, #tpu.memory_space<hbm>>
    %dma_start3A_297 = arith.constant 0 : i32
    %dma_start3A_298 = arith.constant 0 : i32
    %dma_start3A_299 = tpu.memref_slice %arg6[%dma_start3A_285, %dma_start3A_297, %dma_start3A_298] : memref<12x128x64xf32, #tpu.memory_space<vmem>> -> memref<1x128x64xf32, #tpu.memory_space<vmem>>
    %dma_start3A_300 = tpu.memref_squeeze %dma_start3A_299 : memref<1x128x64xf32, #tpu.memory_space<vmem>> -> memref<128x64xf32, #tpu.memory_space<vmem>>
    tpu.enqueue_dma source(%dma_start3A_300 : memref<128x64xf32, #tpu.memory_space<vmem>>) target(%dma_start3A_296 : memref<128x64xf32, #tpu.memory_space<hbm>>) target_semaphore(%arg24 : memref<!tpu.dma_semaphore, #tpu.memory_space<semaphore_mem>>)
    %dma_start3A_301 = arith.constant 11 : i32
    %dma_start3A_302 = arith.constant 11 : i32
    %dma_start3A_303 = arith.constant 0 : i32
    %dma_start3A_304 = arith.constant 0 : i32
    %dma_start3A_305 = tpu.memref_slice %arg6[%dma_start3A_302, %dma_start3A_303, %dma_start3A_304] : memref<12x128x64xf32, #tpu.memory_space<vmem>> -> memref<1x128x64xf32, #tpu.memory_space<vmem>>
    %dma_start3A_306 = tpu.memref_squeeze %dma_start3A_305 : memref<1x128x64xf32, #tpu.memory_space<vmem>> -> memref<128x64xf32, #tpu.memory_space<vmem>>
    %dma_start3A_307 = arith.constant 0 : i32
    %dma_start3A_308 = tpu.memref_slice %arg5[%dma_start3A_301, %dma_start3A_307] : memref<50x128xi32, #tpu.memory_space<vmem>> -> memref<1x128xi32, #tpu.memory_space<vmem>>
    %dma_start3A_309 = tpu.memref_squeeze %dma_start3A_308 : memref<1x128xi32, #tpu.memory_space<vmem>> -> memref<128xi32, #tpu.memory_space<vmem>>
    %dma_start3A_310 = arith.constant 0 : i32
    %dma_start3A_311 = arith.constant 0 : i32
    %dma_start3A_312 = tpu.memref_slice %arg2[%dma_start3A_310, %dma_start3A_311] : memref<100000x64xf32, #tpu.memory_space<hbm>> -> memref<100000x64xf32, #tpu.memory_space<hbm>>
    tpu.enqueue_indirect_dma source(%dma_start3A_312 : memref<100000x64xf32, #tpu.memory_space<hbm>>) target(%dma_start3A_306 : memref<128x64xf32, #tpu.memory_space<vmem>>) offsets(%dma_start3A_309 : memref<128xi32, #tpu.memory_space<vmem>>) semaphore(%arg18 : memref<!tpu.dma_semaphore, #tpu.memory_space<semaphore_mem>>)
    %dma_wait3A_313 = arith.constant 6 : i32
    %dma_wait3A_314 = arith.constant 6 : i32
    %dma_wait3A_315 = arith.constant 0 : i32
    %dma_wait3A_316 = arith.constant 0 : i32
    %dma_wait3A_317 = tpu.memref_slice %arg6[%dma_wait3A_314, %dma_wait3A_315, %dma_wait3A_316] : memref<12x128x64xf32, #tpu.memory_space<vmem>> -> memref<1x128x64xf32, #tpu.memory_space<vmem>>
    %dma_wait3A_318 = tpu.memref_squeeze %dma_wait3A_317 : memref<1x128x64xf32, #tpu.memory_space<vmem>> -> memref<128x64xf32, #tpu.memory_space<vmem>>
    %dma_wait3A_319 = arith.constant 0 : i32
    %dma_wait3A_320 = tpu.memref_slice %arg5[%dma_wait3A_313, %dma_wait3A_319] : memref<50x128xi32, #tpu.memory_space<vmem>> -> memref<1x128xi32, #tpu.memory_space<vmem>>
    %dma_wait3A_321 = tpu.memref_squeeze %dma_wait3A_320 : memref<1x128xi32, #tpu.memory_space<vmem>> -> memref<128xi32, #tpu.memory_space<vmem>>
    %dma_wait3A_322 = arith.constant 0 : i32
    %dma_wait3A_323 = arith.constant 0 : i32
    %dma_wait3A_324 = tpu.memref_slice %arg2[%dma_wait3A_322, %dma_wait3A_323] : memref<100000x64xf32, #tpu.memory_space<hbm>> -> memref<100000x64xf32, #tpu.memory_space<hbm>>
    tpu.wait_indirect_dma semaphore(%arg13 : memref<!tpu.dma_semaphore, #tpu.memory_space<semaphore_mem>>) src(%dma_wait3A_324 : memref<100000x64xf32, #tpu.memory_space<hbm>>) dst(%dma_wait3A_318 : memref<128x64xf32, #tpu.memory_space<vmem>>)
    %dma_start3A_325 = arith.constant 6 : i32
    %dma_start3A_326 = arith.constant 6 : i32
    %dma_start3A_327 = arith.constant 0 : i32
    %dma_start3A_328 = arith.constant 0 : i32
    %dma_start3A_329 = tpu.memref_slice %arg6[%dma_start3A_325, %dma_start3A_327, %dma_start3A_328] : memref<12x128x64xf32, #tpu.memory_space<vmem>> -> memref<1x128x64xf32, #tpu.memory_space<vmem>>
    %dma_start3A_330 = tpu.memref_squeeze %dma_start3A_329 : memref<1x128x64xf32, #tpu.memory_space<vmem>> -> memref<128x64xf32, #tpu.memory_space<vmem>>
    %dma_start3A_331 = arith.constant 0 : i32
    %dma_start3A_332 = tpu.memref_slice %arg4[%dma_start3A_326, %mul3A_2, %dma_start3A_331] : memref<50x4096x64xf32, #tpu.memory_space<hbm>> -> memref<1x128x64xf32, #tpu.memory_space<hbm>>
    %dma_start3A_333 = tpu.memref_squeeze %dma_start3A_332 : memref<1x128x64xf32, #tpu.memory_space<hbm>> -> memref<128x64xf32, #tpu.memory_space<hbm>>
    %dma_start3A_334 = arith.constant 0 : i32
    %dma_start3A_335 = tpu.memref_slice %arg4[%dma_start3A_326, %mul3A_2, %dma_start3A_334] : memref<50x4096x64xf32, #tpu.memory_space<hbm>> -> memref<1x128x64xf32, #tpu.memory_space<hbm>>
    %dma_start3A_336 = tpu.memref_squeeze %dma_start3A_335 : memref<1x128x64xf32, #tpu.memory_space<hbm>> -> memref<128x64xf32, #tpu.memory_space<hbm>>
    %dma_start3A_337 = arith.constant 0 : i32
    %dma_start3A_338 = arith.constant 0 : i32
    %dma_start3A_339 = tpu.memref_slice %arg6[%dma_start3A_325, %dma_start3A_337, %dma_start3A_338] : memref<12x128x64xf32, #tpu.memory_space<vmem>> -> memref<1x128x64xf32, #tpu.memory_space<vmem>>
    %dma_start3A_340 = tpu.memref_squeeze %dma_start3A_339 : memref<1x128x64xf32, #tpu.memory_space<vmem>> -> memref<128x64xf32, #tpu.memory_space<vmem>>
    tpu.enqueue_dma source(%dma_start3A_340 : memref<128x64xf32, #tpu.memory_space<vmem>>) target(%dma_start3A_336 : memref<128x64xf32, #tpu.memory_space<hbm>>) target_semaphore(%arg25 : memref<!tpu.dma_semaphore, #tpu.memory_space<semaphore_mem>>)
    %dma_wait3A_341 = arith.constant 0 : i32
    %dma_wait3A_342 = arith.constant 0 : i32
    %dma_wait3A_343 = arith.constant 0 : i32
    %dma_wait3A_344 = arith.constant 0 : i32
    %dma_wait3A_345 = tpu.memref_slice %arg6[%dma_wait3A_341, %dma_wait3A_343, %dma_wait3A_344] : memref<12x128x64xf32, #tpu.memory_space<vmem>> -> memref<1x128x64xf32, #tpu.memory_space<vmem>>
    %dma_wait3A_346 = tpu.memref_squeeze %dma_wait3A_345 : memref<1x128x64xf32, #tpu.memory_space<vmem>> -> memref<128x64xf32, #tpu.memory_space<vmem>>
    %dma_wait3A_347 = arith.constant 0 : i32
    %dma_wait3A_348 = tpu.memref_slice %arg4[%dma_wait3A_342, %mul3A_2, %dma_wait3A_347] : memref<50x4096x64xf32, #tpu.memory_space<hbm>> -> memref<1x128x64xf32, #tpu.memory_space<hbm>>
    %dma_wait3A_349 = tpu.memref_squeeze %dma_wait3A_348 : memref<1x128x64xf32, #tpu.memory_space<hbm>> -> memref<128x64xf32, #tpu.memory_space<hbm>>
    %dma_wait3A_350 = arith.constant 0 : i32
    %dma_wait3A_351 = tpu.memref_slice %arg4[%dma_wait3A_342, %mul3A_2, %dma_wait3A_350] : memref<50x4096x64xf32, #tpu.memory_space<hbm>> -> memref<1x128x64xf32, #tpu.memory_space<hbm>>
    %dma_wait3A_352 = tpu.memref_squeeze %dma_wait3A_351 : memref<1x128x64xf32, #tpu.memory_space<hbm>> -> memref<128x64xf32, #tpu.memory_space<hbm>>
    %dma_wait3A_353 = arith.constant 0 : i32
    %dma_wait3A_354 = arith.constant 0 : i32
    %dma_wait3A_355 = tpu.memref_slice %arg6[%dma_wait3A_341, %dma_wait3A_353, %dma_wait3A_354] : memref<12x128x64xf32, #tpu.memory_space<vmem>> -> memref<1x128x64xf32, #tpu.memory_space<vmem>>
    %dma_wait3A_356 = tpu.memref_squeeze %dma_wait3A_355 : memref<1x128x64xf32, #tpu.memory_space<vmem>> -> memref<128x64xf32, #tpu.memory_space<vmem>>
    tpu.wait_dma2 semaphore(%arg19 : memref<!tpu.dma_semaphore, #tpu.memory_space<semaphore_mem>>) src(%dma_wait3A_356 : memref<128x64xf32, #tpu.memory_space<vmem>>) dst(%dma_wait3A_352 : memref<128x64xf32, #tpu.memory_space<hbm>>)
    %dma_start3A_357 = arith.constant 12 : i32
    %dma_start3A_358 = arith.constant 0 : i32
    %dma_start3A_359 = arith.constant 0 : i32
    %dma_start3A_360 = arith.constant 0 : i32
    %dma_start3A_361 = tpu.memref_slice %arg6[%dma_start3A_358, %dma_start3A_359, %dma_start3A_360] : memref<12x128x64xf32, #tpu.memory_space<vmem>> -> memref<1x128x64xf32, #tpu.memory_space<vmem>>
    %dma_start3A_362 = tpu.memref_squeeze %dma_start3A_361 : memref<1x128x64xf32, #tpu.memory_space<vmem>> -> memref<128x64xf32, #tpu.memory_space<vmem>>
    %dma_start3A_363 = arith.constant 0 : i32
    %dma_start3A_364 = tpu.memref_slice %arg5[%dma_start3A_357, %dma_start3A_363] : memref<50x128xi32, #tpu.memory_space<vmem>> -> memref<1x128xi32, #tpu.memory_space<vmem>>
    %dma_start3A_365 = tpu.memref_squeeze %dma_start3A_364 : memref<1x128xi32, #tpu.memory_space<vmem>> -> memref<128xi32, #tpu.memory_space<vmem>>
    %dma_start3A_366 = arith.constant 0 : i32
    %dma_start3A_367 = arith.constant 0 : i32
    %dma_start3A_368 = tpu.memref_slice %arg2[%dma_start3A_366, %dma_start3A_367] : memref<100000x64xf32, #tpu.memory_space<hbm>> -> memref<100000x64xf32, #tpu.memory_space<hbm>>
    tpu.enqueue_indirect_dma source(%dma_start3A_368 : memref<100000x64xf32, #tpu.memory_space<hbm>>) target(%dma_start3A_362 : memref<128x64xf32, #tpu.memory_space<vmem>>) offsets(%dma_start3A_365 : memref<128xi32, #tpu.memory_space<vmem>>) semaphore(%arg7 : memref<!tpu.dma_semaphore, #tpu.memory_space<semaphore_mem>>)
    %dma_wait3A_369 = arith.constant 7 : i32
    %dma_wait3A_370 = arith.constant 7 : i32
    %dma_wait3A_371 = arith.constant 0 : i32
    %dma_wait3A_372 = arith.constant 0 : i32
    %dma_wait3A_373 = tpu.memref_slice %arg6[%dma_wait3A_370, %dma_wait3A_371, %dma_wait3A_372] : memref<12x128x64xf32, #tpu.memory_space<vmem>> -> memref<1x128x64xf32, #tpu.memory_space<vmem>>
    %dma_wait3A_374 = tpu.memref_squeeze %dma_wait3A_373 : memref<1x128x64xf32, #tpu.memory_space<vmem>> -> memref<128x64xf32, #tpu.memory_space<vmem>>
    %dma_wait3A_375 = arith.constant 0 : i32
    %dma_wait3A_376 = tpu.memref_slice %arg5[%dma_wait3A_369, %dma_wait3A_375] : memref<50x128xi32, #tpu.memory_space<vmem>> -> memref<1x128xi32, #tpu.memory_space<vmem>>
    %dma_wait3A_377 = tpu.memref_squeeze %dma_wait3A_376 : memref<1x128xi32, #tpu.memory_space<vmem>> -> memref<128xi32, #tpu.memory_space<vmem>>
    %dma_wait3A_378 = arith.constant 0 : i32
    %dma_wait3A_379 = arith.constant 0 : i32
    %dma_wait3A_380 = tpu.memref_slice %arg2[%dma_wait3A_378, %dma_wait3A_379] : memref<100000x64xf32, #tpu.memory_space<hbm>> -> memref<100000x64xf32, #tpu.memory_space<hbm>>
    tpu.wait_indirect_dma semaphore(%arg14 : memref<!tpu.dma_semaphore, #tpu.memory_space<semaphore_mem>>) src(%dma_wait3A_380 : memref<100000x64xf32, #tpu.memory_space<hbm>>) dst(%dma_wait3A_374 : memref<128x64xf32, #tpu.memory_space<vmem>>)
    %dma_start3A_381 = arith.constant 7 : i32
    %dma_start3A_382 = arith.constant 7 : i32
    %dma_start3A_383 = arith.constant 0 : i32
    %dma_start3A_384 = arith.constant 0 : i32
    %dma_start3A_385 = tpu.memref_slice %arg6[%dma_start3A_381, %dma_start3A_383, %dma_start3A_384] : memref<12x128x64xf32, #tpu.memory_space<vmem>> -> memref<1x128x64xf32, #tpu.memory_space<vmem>>
    %dma_start3A_386 = tpu.memref_squeeze %dma_start3A_385 : memref<1x128x64xf32, #tpu.memory_space<vmem>> -> memref<128x64xf32, #tpu.memory_space<vmem>>
    %dma_start3A_387 = arith.constant 0 : i32
    %dma_start3A_388 = tpu.memref_slice %arg4[%dma_start3A_382, %mul3A_2, %dma_start3A_387] : memref<50x4096x64xf32, #tpu.memory_space<hbm>> -> memref<1x128x64xf32, #tpu.memory_space<hbm>>
    %dma_start3A_389 = tpu.memref_squeeze %dma_start3A_388 : memref<1x128x64xf32, #tpu.memory_space<hbm>> -> memref<128x64xf32, #tpu.memory_space<hbm>>
    %dma_start3A_390 = arith.constant 0 : i32
    %dma_start3A_391 = tpu.memref_slice %arg4[%dma_start3A_382, %mul3A_2, %dma_start3A_390] : memref<50x4096x64xf32, #tpu.memory_space<hbm>> -> memref<1x128x64xf32, #tpu.memory_space<hbm>>
    %dma_start3A_392 = tpu.memref_squeeze %dma_start3A_391 : memref<1x128x64xf32, #tpu.memory_space<hbm>> -> memref<128x64xf32, #tpu.memory_space<hbm>>
    %dma_start3A_393 = arith.constant 0 : i32
    %dma_start3A_394 = arith.constant 0 : i32
    %dma_start3A_395 = tpu.memref_slice %arg6[%dma_start3A_381, %dma_start3A_393, %dma_start3A_394] : memref<12x128x64xf32, #tpu.memory_space<vmem>> -> memref<1x128x64xf32, #tpu.memory_space<vmem>>
    %dma_start3A_396 = tpu.memref_squeeze %dma_start3A_395 : memref<1x128x64xf32, #tpu.memory_space<vmem>> -> memref<128x64xf32, #tpu.memory_space<vmem>>
    tpu.enqueue_dma source(%dma_start3A_396 : memref<128x64xf32, #tpu.memory_space<vmem>>) target(%dma_start3A_392 : memref<128x64xf32, #tpu.memory_space<hbm>>) target_semaphore(%arg26 : memref<!tpu.dma_semaphore, #tpu.memory_space<semaphore_mem>>)
    %dma_wait3A_397 = arith.constant 1 : i32
    %dma_wait3A_398 = arith.constant 1 : i32
    %dma_wait3A_399 = arith.constant 0 : i32
    %dma_wait3A_400 = arith.constant 0 : i32
    %dma_wait3A_401 = tpu.memref_slice %arg6[%dma_wait3A_397, %dma_wait3A_399, %dma_wait3A_400] : memref<12x128x64xf32, #tpu.memory_space<vmem>> -> memref<1x128x64xf32, #tpu.memory_space<vmem>>
    %dma_wait3A_402 = tpu.memref_squeeze %dma_wait3A_401 : memref<1x128x64xf32, #tpu.memory_space<vmem>> -> memref<128x64xf32, #tpu.memory_space<vmem>>
    %dma_wait3A_403 = arith.constant 0 : i32
    %dma_wait3A_404 = tpu.memref_slice %arg4[%dma_wait3A_398, %mul3A_2, %dma_wait3A_403] : memref<50x4096x64xf32, #tpu.memory_space<hbm>> -> memref<1x128x64xf32, #tpu.memory_space<hbm>>
    %dma_wait3A_405 = tpu.memref_squeeze %dma_wait3A_404 : memref<1x128x64xf32, #tpu.memory_space<hbm>> -> memref<128x64xf32, #tpu.memory_space<hbm>>
    %dma_wait3A_406 = arith.constant 0 : i32
    %dma_wait3A_407 = tpu.memref_slice %arg4[%dma_wait3A_398, %mul3A_2, %dma_wait3A_406] : memref<50x4096x64xf32, #tpu.memory_space<hbm>> -> memref<1x128x64xf32, #tpu.memory_space<hbm>>
    %dma_wait3A_408 = tpu.memref_squeeze %dma_wait3A_407 : memref<1x128x64xf32, #tpu.memory_space<hbm>> -> memref<128x64xf32, #tpu.memory_space<hbm>>
    %dma_wait3A_409 = arith.constant 0 : i32
    %dma_wait3A_410 = arith.constant 0 : i32
    %dma_wait3A_411 = tpu.memref_slice %arg6[%dma_wait3A_397, %dma_wait3A_409, %dma_wait3A_410] : memref<12x128x64xf32, #tpu.memory_space<vmem>> -> memref<1x128x64xf32, #tpu.memory_space<vmem>>
    %dma_wait3A_412 = tpu.memref_squeeze %dma_wait3A_411 : memref<1x128x64xf32, #tpu.memory_space<vmem>> -> memref<128x64xf32, #tpu.memory_space<vmem>>
    tpu.wait_dma2 semaphore(%arg20 : memref<!tpu.dma_semaphore, #tpu.memory_space<semaphore_mem>>) src(%dma_wait3A_412 : memref<128x64xf32, #tpu.memory_space<vmem>>) dst(%dma_wait3A_408 : memref<128x64xf32, #tpu.memory_space<hbm>>)
    %dma_start3A_413 = arith.constant 13 : i32
    %dma_start3A_414 = arith.constant 1 : i32
    %dma_start3A_415 = arith.constant 0 : i32
    %dma_start3A_416 = arith.constant 0 : i32
    %dma_start3A_417 = tpu.memref_slice %arg6[%dma_start3A_414, %dma_start3A_415, %dma_start3A_416] : memref<12x128x64xf32, #tpu.memory_space<vmem>> -> memref<1x128x64xf32, #tpu.memory_space<vmem>>
    %dma_start3A_418 = tpu.memref_squeeze %dma_start3A_417 : memref<1x128x64xf32, #tpu.memory_space<vmem>> -> memref<128x64xf32, #tpu.memory_space<vmem>>
    %dma_start3A_419 = arith.constant 0 : i32
    %dma_start3A_420 = tpu.memref_slice %arg5[%dma_start3A_413, %dma_start3A_419] : memref<50x128xi32, #tpu.memory_space<vmem>> -> memref<1x128xi32, #tpu.memory_space<vmem>>
    %dma_start3A_421 = tpu.memref_squeeze %dma_start3A_420 : memref<1x128xi32, #tpu.memory_space<vmem>> -> memref<128xi32, #tpu.memory_space<vmem>>
    %dma_start3A_422 = arith.constant 0 : i32
    %dma_start3A_423 = arith.constant 0 : i32
    %dma_start3A_424 = tpu.memref_slice %arg2[%dma_start3A_422, %dma_start3A_423] : memref<100000x64xf32, #tpu.memory_space<hbm>> -> memref<100000x64xf32, #tpu.memory_space<hbm>>
    tpu.enqueue_indirect_dma source(%dma_start3A_424 : memref<100000x64xf32, #tpu.memory_space<hbm>>) target(%dma_start3A_418 : memref<128x64xf32, #tpu.memory_space<vmem>>) offsets(%dma_start3A_421 : memref<128xi32, #tpu.memory_space<vmem>>) semaphore(%arg8 : memref<!tpu.dma_semaphore, #tpu.memory_space<semaphore_mem>>)
    %dma_wait3A_425 = arith.constant 8 : i32
    %dma_wait3A_426 = arith.constant 8 : i32
    %dma_wait3A_427 = arith.constant 0 : i32
    %dma_wait3A_428 = arith.constant 0 : i32
    %dma_wait3A_429 = tpu.memref_slice %arg6[%dma_wait3A_426, %dma_wait3A_427, %dma_wait3A_428] : memref<12x128x64xf32, #tpu.memory_space<vmem>> -> memref<1x128x64xf32, #tpu.memory_space<vmem>>
    %dma_wait3A_430 = tpu.memref_squeeze %dma_wait3A_429 : memref<1x128x64xf32, #tpu.memory_space<vmem>> -> memref<128x64xf32, #tpu.memory_space<vmem>>
    %dma_wait3A_431 = arith.constant 0 : i32
    %dma_wait3A_432 = tpu.memref_slice %arg5[%dma_wait3A_425, %dma_wait3A_431] : memref<50x128xi32, #tpu.memory_space<vmem>> -> memref<1x128xi32, #tpu.memory_space<vmem>>
    %dma_wait3A_433 = tpu.memref_squeeze %dma_wait3A_432 : memref<1x128xi32, #tpu.memory_space<vmem>> -> memref<128xi32, #tpu.memory_space<vmem>>
    %dma_wait3A_434 = arith.constant 0 : i32
    %dma_wait3A_435 = arith.constant 0 : i32
    %dma_wait3A_436 = tpu.memref_slice %arg2[%dma_wait3A_434, %dma_wait3A_435] : memref<100000x64xf32, #tpu.memory_space<hbm>> -> memref<100000x64xf32, #tpu.memory_space<hbm>>
    tpu.wait_indirect_dma semaphore(%arg15 : memref<!tpu.dma_semaphore, #tpu.memory_space<semaphore_mem>>) src(%dma_wait3A_436 : memref<100000x64xf32, #tpu.memory_space<hbm>>) dst(%dma_wait3A_430 : memref<128x64xf32, #tpu.memory_space<vmem>>)
    %dma_start3A_437 = arith.constant 8 : i32
    %dma_start3A_438 = arith.constant 8 : i32
    %dma_start3A_439 = arith.constant 0 : i32
    %dma_start3A_440 = arith.constant 0 : i32
    %dma_start3A_441 = tpu.memref_slice %arg6[%dma_start3A_437, %dma_start3A_439, %dma_start3A_440] : memref<12x128x64xf32, #tpu.memory_space<vmem>> -> memref<1x128x64xf32, #tpu.memory_space<vmem>>
    %dma_start3A_442 = tpu.memref_squeeze %dma_start3A_441 : memref<1x128x64xf32, #tpu.memory_space<vmem>> -> memref<128x64xf32, #tpu.memory_space<vmem>>
    %dma_start3A_443 = arith.constant 0 : i32
    %dma_start3A_444 = tpu.memref_slice %arg4[%dma_start3A_438, %mul3A_2, %dma_start3A_443] : memref<50x4096x64xf32, #tpu.memory_space<hbm>> -> memref<1x128x64xf32, #tpu.memory_space<hbm>>
    %dma_start3A_445 = tpu.memref_squeeze %dma_start3A_444 : memref<1x128x64xf32, #tpu.memory_space<hbm>> -> memref<128x64xf32, #tpu.memory_space<hbm>>
    %dma_start3A_446 = arith.constant 0 : i32
    %dma_start3A_447 = tpu.memref_slice %arg4[%dma_start3A_438, %mul3A_2, %dma_start3A_446] : memref<50x4096x64xf32, #tpu.memory_space<hbm>> -> memref<1x128x64xf32, #tpu.memory_space<hbm>>
    %dma_start3A_448 = tpu.memref_squeeze %dma_start3A_447 : memref<1x128x64xf32, #tpu.memory_space<hbm>> -> memref<128x64xf32, #tpu.memory_space<hbm>>
    %dma_start3A_449 = arith.constant 0 : i32
    %dma_start3A_450 = arith.constant 0 : i32
    %dma_start3A_451 = tpu.memref_slice %arg6[%dma_start3A_437, %dma_start3A_449, %dma_start3A_450] : memref<12x128x64xf32, #tpu.memory_space<vmem>> -> memref<1x128x64xf32, #tpu.memory_space<vmem>>
    %dma_start3A_452 = tpu.memref_squeeze %dma_start3A_451 : memref<1x128x64xf32, #tpu.memory_space<vmem>> -> memref<128x64xf32, #tpu.memory_space<vmem>>
    tpu.enqueue_dma source(%dma_start3A_452 : memref<128x64xf32, #tpu.memory_space<vmem>>) target(%dma_start3A_448 : memref<128x64xf32, #tpu.memory_space<hbm>>) target_semaphore(%arg27 : memref<!tpu.dma_semaphore, #tpu.memory_space<semaphore_mem>>)
    %dma_wait3A_453 = arith.constant 2 : i32
    %dma_wait3A_454 = arith.constant 2 : i32
    %dma_wait3A_455 = arith.constant 0 : i32
    %dma_wait3A_456 = arith.constant 0 : i32
    %dma_wait3A_457 = tpu.memref_slice %arg6[%dma_wait3A_453, %dma_wait3A_455, %dma_wait3A_456] : memref<12x128x64xf32, #tpu.memory_space<vmem>> -> memref<1x128x64xf32, #tpu.memory_space<vmem>>
    %dma_wait3A_458 = tpu.memref_squeeze %dma_wait3A_457 : memref<1x128x64xf32, #tpu.memory_space<vmem>> -> memref<128x64xf32, #tpu.memory_space<vmem>>
    %dma_wait3A_459 = arith.constant 0 : i32
    %dma_wait3A_460 = tpu.memref_slice %arg4[%dma_wait3A_454, %mul3A_2, %dma_wait3A_459] : memref<50x4096x64xf32, #tpu.memory_space<hbm>> -> memref<1x128x64xf32, #tpu.memory_space<hbm>>
    %dma_wait3A_461 = tpu.memref_squeeze %dma_wait3A_460 : memref<1x128x64xf32, #tpu.memory_space<hbm>> -> memref<128x64xf32, #tpu.memory_space<hbm>>
    %dma_wait3A_462 = arith.constant 0 : i32
    %dma_wait3A_463 = tpu.memref_slice %arg4[%dma_wait3A_454, %mul3A_2, %dma_wait3A_462] : memref<50x4096x64xf32, #tpu.memory_space<hbm>> -> memref<1x128x64xf32, #tpu.memory_space<hbm>>
    %dma_wait3A_464 = tpu.memref_squeeze %dma_wait3A_463 : memref<1x128x64xf32, #tpu.memory_space<hbm>> -> memref<128x64xf32, #tpu.memory_space<hbm>>
    %dma_wait3A_465 = arith.constant 0 : i32
    %dma_wait3A_466 = arith.constant 0 : i32
    %dma_wait3A_467 = tpu.memref_slice %arg6[%dma_wait3A_453, %dma_wait3A_465, %dma_wait3A_466] : memref<12x128x64xf32, #tpu.memory_space<vmem>> -> memref<1x128x64xf32, #tpu.memory_space<vmem>>
    %dma_wait3A_468 = tpu.memref_squeeze %dma_wait3A_467 : memref<1x128x64xf32, #tpu.memory_space<vmem>> -> memref<128x64xf32, #tpu.memory_space<vmem>>
    tpu.wait_dma2 semaphore(%arg21 : memref<!tpu.dma_semaphore, #tpu.memory_space<semaphore_mem>>) src(%dma_wait3A_468 : memref<128x64xf32, #tpu.memory_space<vmem>>) dst(%dma_wait3A_464 : memref<128x64xf32, #tpu.memory_space<hbm>>)
    %dma_start3A_469 = arith.constant 14 : i32
    %dma_start3A_470 = arith.constant 2 : i32
    %dma_start3A_471 = arith.constant 0 : i32
    %dma_start3A_472 = arith.constant 0 : i32
    %dma_start3A_473 = tpu.memref_slice %arg6[%dma_start3A_470, %dma_start3A_471, %dma_start3A_472] : memref<12x128x64xf32, #tpu.memory_space<vmem>> -> memref<1x128x64xf32, #tpu.memory_space<vmem>>
    %dma_start3A_474 = tpu.memref_squeeze %dma_start3A_473 : memref<1x128x64xf32, #tpu.memory_space<vmem>> -> memref<128x64xf32, #tpu.memory_space<vmem>>
    %dma_start3A_475 = arith.constant 0 : i32
    %dma_start3A_476 = tpu.memref_slice %arg5[%dma_start3A_469, %dma_start3A_475] : memref<50x128xi32, #tpu.memory_space<vmem>> -> memref<1x128xi32, #tpu.memory_space<vmem>>
    %dma_start3A_477 = tpu.memref_squeeze %dma_start3A_476 : memref<1x128xi32, #tpu.memory_space<vmem>> -> memref<128xi32, #tpu.memory_space<vmem>>
    %dma_start3A_478 = arith.constant 0 : i32
    %dma_start3A_479 = arith.constant 0 : i32
    %dma_start3A_480 = tpu.memref_slice %arg2[%dma_start3A_478, %dma_start3A_479] : memref<100000x64xf32, #tpu.memory_space<hbm>> -> memref<100000x64xf32, #tpu.memory_space<hbm>>
    tpu.enqueue_indirect_dma source(%dma_start3A_480 : memref<100000x64xf32, #tpu.memory_space<hbm>>) target(%dma_start3A_474 : memref<128x64xf32, #tpu.memory_space<vmem>>) offsets(%dma_start3A_477 : memref<128xi32, #tpu.memory_space<vmem>>) semaphore(%arg9 : memref<!tpu.dma_semaphore, #tpu.memory_space<semaphore_mem>>)
    %dma_wait3A_481 = arith.constant 9 : i32
    %dma_wait3A_482 = arith.constant 9 : i32
    %dma_wait3A_483 = arith.constant 0 : i32
    %dma_wait3A_484 = arith.constant 0 : i32
    %dma_wait3A_485 = tpu.memref_slice %arg6[%dma_wait3A_482, %dma_wait3A_483, %dma_wait3A_484] : memref<12x128x64xf32, #tpu.memory_space<vmem>> -> memref<1x128x64xf32, #tpu.memory_space<vmem>>
    %dma_wait3A_486 = tpu.memref_squeeze %dma_wait3A_485 : memref<1x128x64xf32, #tpu.memory_space<vmem>> -> memref<128x64xf32, #tpu.memory_space<vmem>>
    %dma_wait3A_487 = arith.constant 0 : i32
    %dma_wait3A_488 = tpu.memref_slice %arg5[%dma_wait3A_481, %dma_wait3A_487] : memref<50x128xi32, #tpu.memory_space<vmem>> -> memref<1x128xi32, #tpu.memory_space<vmem>>
    %dma_wait3A_489 = tpu.memref_squeeze %dma_wait3A_488 : memref<1x128xi32, #tpu.memory_space<vmem>> -> memref<128xi32, #tpu.memory_space<vmem>>
    %dma_wait3A_490 = arith.constant 0 : i32
    %dma_wait3A_491 = arith.constant 0 : i32
    %dma_wait3A_492 = tpu.memref_slice %arg2[%dma_wait3A_490, %dma_wait3A_491] : memref<100000x64xf32, #tpu.memory_space<hbm>> -> memref<100000x64xf32, #tpu.memory_space<hbm>>
    tpu.wait_indirect_dma semaphore(%arg16 : memref<!tpu.dma_semaphore, #tpu.memory_space<semaphore_mem>>) src(%dma_wait3A_492 : memref<100000x64xf32, #tpu.memory_space<hbm>>) dst(%dma_wait3A_486 : memref<128x64xf32, #tpu.memory_space<vmem>>)
    %dma_start3A_493 = arith.constant 9 : i32
    %dma_start3A_494 = arith.constant 9 : i32
    %dma_start3A_495 = arith.constant 0 : i32
    %dma_start3A_496 = arith.constant 0 : i32
    %dma_start3A_497 = tpu.memref_slice %arg6[%dma_start3A_493, %dma_start3A_495, %dma_start3A_496] : memref<12x128x64xf32, #tpu.memory_space<vmem>> -> memref<1x128x64xf32, #tpu.memory_space<vmem>>
    %dma_start3A_498 = tpu.memref_squeeze %dma_start3A_497 : memref<1x128x64xf32, #tpu.memory_space<vmem>> -> memref<128x64xf32, #tpu.memory_space<vmem>>
    %dma_start3A_499 = arith.constant 0 : i32
    %dma_start3A_500 = tpu.memref_slice %arg4[%dma_start3A_494, %mul3A_2, %dma_start3A_499] : memref<50x4096x64xf32, #tpu.memory_space<hbm>> -> memref<1x128x64xf32, #tpu.memory_space<hbm>>
    %dma_start3A_501 = tpu.memref_squeeze %dma_start3A_500 : memref<1x128x64xf32, #tpu.memory_space<hbm>> -> memref<128x64xf32, #tpu.memory_space<hbm>>
    %dma_start3A_502 = arith.constant 0 : i32
    %dma_start3A_503 = tpu.memref_slice %arg4[%dma_start3A_494, %mul3A_2, %dma_start3A_502] : memref<50x4096x64xf32, #tpu.memory_space<hbm>> -> memref<1x128x64xf32, #tpu.memory_space<hbm>>
    %dma_start3A_504 = tpu.memref_squeeze %dma_start3A_503 : memref<1x128x64xf32, #tpu.memory_space<hbm>> -> memref<128x64xf32, #tpu.memory_space<hbm>>
    %dma_start3A_505 = arith.constant 0 : i32
    %dma_start3A_506 = arith.constant 0 : i32
    %dma_start3A_507 = tpu.memref_slice %arg6[%dma_start3A_493, %dma_start3A_505, %dma_start3A_506] : memref<12x128x64xf32, #tpu.memory_space<vmem>> -> memref<1x128x64xf32, #tpu.memory_space<vmem>>
    %dma_start3A_508 = tpu.memref_squeeze %dma_start3A_507 : memref<1x128x64xf32, #tpu.memory_space<vmem>> -> memref<128x64xf32, #tpu.memory_space<vmem>>
    tpu.enqueue_dma source(%dma_start3A_508 : memref<128x64xf32, #tpu.memory_space<vmem>>) target(%dma_start3A_504 : memref<128x64xf32, #tpu.memory_space<hbm>>) target_semaphore(%arg28 : memref<!tpu.dma_semaphore, #tpu.memory_space<semaphore_mem>>)
    %dma_wait3A_509 = arith.constant 3 : i32
    %dma_wait3A_510 = arith.constant 3 : i32
    %dma_wait3A_511 = arith.constant 0 : i32
    %dma_wait3A_512 = arith.constant 0 : i32
    %dma_wait3A_513 = tpu.memref_slice %arg6[%dma_wait3A_509, %dma_wait3A_511, %dma_wait3A_512] : memref<12x128x64xf32, #tpu.memory_space<vmem>> -> memref<1x128x64xf32, #tpu.memory_space<vmem>>
    %dma_wait3A_514 = tpu.memref_squeeze %dma_wait3A_513 : memref<1x128x64xf32, #tpu.memory_space<vmem>> -> memref<128x64xf32, #tpu.memory_space<vmem>>
    %dma_wait3A_515 = arith.constant 0 : i32
    %dma_wait3A_516 = tpu.memref_slice %arg4[%dma_wait3A_510, %mul3A_2, %dma_wait3A_515] : memref<50x4096x64xf32, #tpu.memory_space<hbm>> -> memref<1x128x64xf32, #tpu.memory_space<hbm>>
    %dma_wait3A_517 = tpu.memref_squeeze %dma_wait3A_516 : memref<1x128x64xf32, #tpu.memory_space<hbm>> -> memref<128x64xf32, #tpu.memory_space<hbm>>
    %dma_wait3A_518 = arith.constant 0 : i32
    %dma_wait3A_519 = tpu.memref_slice %arg4[%dma_wait3A_510, %mul3A_2, %dma_wait3A_518] : memref<50x4096x64xf32, #tpu.memory_space<hbm>> -> memref<1x128x64xf32, #tpu.memory_space<hbm>>
    %dma_wait3A_520 = tpu.memref_squeeze %dma_wait3A_519 : memref<1x128x64xf32, #tpu.memory_space<hbm>> -> memref<128x64xf32, #tpu.memory_space<hbm>>
    %dma_wait3A_521 = arith.constant 0 : i32
    %dma_wait3A_522 = arith.constant 0 : i32
    %dma_wait3A_523 = tpu.memref_slice %arg6[%dma_wait3A_509, %dma_wait3A_521, %dma_wait3A_522] : memref<12x128x64xf32, #tpu.memory_space<vmem>> -> memref<1x128x64xf32, #tpu.memory_space<vmem>>
    %dma_wait3A_524 = tpu.memref_squeeze %dma_wait3A_523 : memref<1x128x64xf32, #tpu.memory_space<vmem>> -> memref<128x64xf32, #tpu.memory_space<vmem>>
    tpu.wait_dma2 semaphore(%arg22 : memref<!tpu.dma_semaphore, #tpu.memory_space<semaphore_mem>>) src(%dma_wait3A_524 : memref<128x64xf32, #tpu.memory_space<vmem>>) dst(%dma_wait3A_520 : memref<128x64xf32, #tpu.memory_space<hbm>>)
    %dma_start3A_525 = arith.constant 15 : i32
    %dma_start3A_526 = arith.constant 3 : i32
    %dma_start3A_527 = arith.constant 0 : i32
    %dma_start3A_528 = arith.constant 0 : i32
    %dma_start3A_529 = tpu.memref_slice %arg6[%dma_start3A_526, %dma_start3A_527, %dma_start3A_528] : memref<12x128x64xf32, #tpu.memory_space<vmem>> -> memref<1x128x64xf32, #tpu.memory_space<vmem>>
    %dma_start3A_530 = tpu.memref_squeeze %dma_start3A_529 : memref<1x128x64xf32, #tpu.memory_space<vmem>> -> memref<128x64xf32, #tpu.memory_space<vmem>>
    %dma_start3A_531 = arith.constant 0 : i32
    %dma_start3A_532 = tpu.memref_slice %arg5[%dma_start3A_525, %dma_start3A_531] : memref<50x128xi32, #tpu.memory_space<vmem>> -> memref<1x128xi32, #tpu.memory_space<vmem>>
    %dma_start3A_533 = tpu.memref_squeeze %dma_start3A_532 : memref<1x128xi32, #tpu.memory_space<vmem>> -> memref<128xi32, #tpu.memory_space<vmem>>
    %dma_start3A_534 = arith.constant 0 : i32
    %dma_start3A_535 = arith.constant 0 : i32
    %dma_start3A_536 = tpu.memref_slice %arg2[%dma_start3A_534, %dma_start3A_535] : memref<100000x64xf32, #tpu.memory_space<hbm>> -> memref<100000x64xf32, #tpu.memory_space<hbm>>
    tpu.enqueue_indirect_dma source(%dma_start3A_536 : memref<100000x64xf32, #tpu.memory_space<hbm>>) target(%dma_start3A_530 : memref<128x64xf32, #tpu.memory_space<vmem>>) offsets(%dma_start3A_533 : memref<128xi32, #tpu.memory_space<vmem>>) semaphore(%arg10 : memref<!tpu.dma_semaphore, #tpu.memory_space<semaphore_mem>>)
    %dma_wait3A_537 = arith.constant 10 : i32
    %dma_wait3A_538 = arith.constant 10 : i32
    %dma_wait3A_539 = arith.constant 0 : i32
    %dma_wait3A_540 = arith.constant 0 : i32
    %dma_wait3A_541 = tpu.memref_slice %arg6[%dma_wait3A_538, %dma_wait3A_539, %dma_wait3A_540] : memref<12x128x64xf32, #tpu.memory_space<vmem>> -> memref<1x128x64xf32, #tpu.memory_space<vmem>>
    %dma_wait3A_542 = tpu.memref_squeeze %dma_wait3A_541 : memref<1x128x64xf32, #tpu.memory_space<vmem>> -> memref<128x64xf32, #tpu.memory_space<vmem>>
    %dma_wait3A_543 = arith.constant 0 : i32
    %dma_wait3A_544 = tpu.memref_slice %arg5[%dma_wait3A_537, %dma_wait3A_543] : memref<50x128xi32, #tpu.memory_space<vmem>> -> memref<1x128xi32, #tpu.memory_space<vmem>>
    %dma_wait3A_545 = tpu.memref_squeeze %dma_wait3A_544 : memref<1x128xi32, #tpu.memory_space<vmem>> -> memref<128xi32, #tpu.memory_space<vmem>>
    %dma_wait3A_546 = arith.constant 0 : i32
    %dma_wait3A_547 = arith.constant 0 : i32
    %dma_wait3A_548 = tpu.memref_slice %arg2[%dma_wait3A_546, %dma_wait3A_547] : memref<100000x64xf32, #tpu.memory_space<hbm>> -> memref<100000x64xf32, #tpu.memory_space<hbm>>
    tpu.wait_indirect_dma semaphore(%arg17 : memref<!tpu.dma_semaphore, #tpu.memory_space<semaphore_mem>>) src(%dma_wait3A_548 : memref<100000x64xf32, #tpu.memory_space<hbm>>) dst(%dma_wait3A_542 : memref<128x64xf32, #tpu.memory_space<vmem>>)
    %dma_start3A_549 = arith.constant 10 : i32
    %dma_start3A_550 = arith.constant 10 : i32
    %dma_start3A_551 = arith.constant 0 : i32
    %dma_start3A_552 = arith.constant 0 : i32
    %dma_start3A_553 = tpu.memref_slice %arg6[%dma_start3A_549, %dma_start3A_551, %dma_start3A_552] : memref<12x128x64xf32, #tpu.memory_space<vmem>> -> memref<1x128x64xf32, #tpu.memory_space<vmem>>
    %dma_start3A_554 = tpu.memref_squeeze %dma_start3A_553 : memref<1x128x64xf32, #tpu.memory_space<vmem>> -> memref<128x64xf32, #tpu.memory_space<vmem>>
    %dma_start3A_555 = arith.constant 0 : i32
    %dma_start3A_556 = tpu.memref_slice %arg4[%dma_start3A_550, %mul3A_2, %dma_start3A_555] : memref<50x4096x64xf32, #tpu.memory_space<hbm>> -> memref<1x128x64xf32, #tpu.memory_space<hbm>>
    %dma_start3A_557 = tpu.memref_squeeze %dma_start3A_556 : memref<1x128x64xf32, #tpu.memory_space<hbm>> -> memref<128x64xf32, #tpu.memory_space<hbm>>
    %dma_start3A_558 = arith.constant 0 : i32
    %dma_start3A_559 = tpu.memref_slice %arg4[%dma_start3A_550, %mul3A_2, %dma_start3A_558] : memref<50x4096x64xf32, #tpu.memory_space<hbm>> -> memref<1x128x64xf32, #tpu.memory_space<hbm>>
    %dma_start3A_560 = tpu.memref_squeeze %dma_start3A_559 : memref<1x128x64xf32, #tpu.memory_space<hbm>> -> memref<128x64xf32, #tpu.memory_space<hbm>>
    %dma_start3A_561 = arith.constant 0 : i32
    %dma_start3A_562 = arith.constant 0 : i32
    %dma_start3A_563 = tpu.memref_slice %arg6[%dma_start3A_549, %dma_start3A_561, %dma_start3A_562] : memref<12x128x64xf32, #tpu.memory_space<vmem>> -> memref<1x128x64xf32, #tpu.memory_space<vmem>>
    %dma_start3A_564 = tpu.memref_squeeze %dma_start3A_563 : memref<1x128x64xf32, #tpu.memory_space<vmem>> -> memref<128x64xf32, #tpu.memory_space<vmem>>
    tpu.enqueue_dma source(%dma_start3A_564 : memref<128x64xf32, #tpu.memory_space<vmem>>) target(%dma_start3A_560 : memref<128x64xf32, #tpu.memory_space<hbm>>) target_semaphore(%arg29 : memref<!tpu.dma_semaphore, #tpu.memory_space<semaphore_mem>>)
    %dma_wait3A_565 = arith.constant 4 : i32
    %dma_wait3A_566 = arith.constant 4 : i32
    %dma_wait3A_567 = arith.constant 0 : i32
    %dma_wait3A_568 = arith.constant 0 : i32
    %dma_wait3A_569 = tpu.memref_slice %arg6[%dma_wait3A_565, %dma_wait3A_567, %dma_wait3A_568] : memref<12x128x64xf32, #tpu.memory_space<vmem>> -> memref<1x128x64xf32, #tpu.memory_space<vmem>>
    %dma_wait3A_570 = tpu.memref_squeeze %dma_wait3A_569 : memref<1x128x64xf32, #tpu.memory_space<vmem>> -> memref<128x64xf32, #tpu.memory_space<vmem>>
    %dma_wait3A_571 = arith.constant 0 : i32
    %dma_wait3A_572 = tpu.memref_slice %arg4[%dma_wait3A_566, %mul3A_2, %dma_wait3A_571] : memref<50x4096x64xf32, #tpu.memory_space<hbm>> -> memref<1x128x64xf32, #tpu.memory_space<hbm>>
    %dma_wait3A_573 = tpu.memref_squeeze %dma_wait3A_572 : memref<1x128x64xf32, #tpu.memory_space<hbm>> -> memref<128x64xf32, #tpu.memory_space<hbm>>
    %dma_wait3A_574 = arith.constant 0 : i32
    %dma_wait3A_575 = tpu.memref_slice %arg4[%dma_wait3A_566, %mul3A_2, %dma_wait3A_574] : memref<50x4096x64xf32, #tpu.memory_space<hbm>> -> memref<1x128x64xf32, #tpu.memory_space<hbm>>
    %dma_wait3A_576 = tpu.memref_squeeze %dma_wait3A_575 : memref<1x128x64xf32, #tpu.memory_space<hbm>> -> memref<128x64xf32, #tpu.memory_space<hbm>>
    %dma_wait3A_577 = arith.constant 0 : i32
    %dma_wait3A_578 = arith.constant 0 : i32
    %dma_wait3A_579 = tpu.memref_slice %arg6[%dma_wait3A_565, %dma_wait3A_577, %dma_wait3A_578] : memref<12x128x64xf32, #tpu.memory_space<vmem>> -> memref<1x128x64xf32, #tpu.memory_space<vmem>>
    %dma_wait3A_580 = tpu.memref_squeeze %dma_wait3A_579 : memref<1x128x64xf32, #tpu.memory_space<vmem>> -> memref<128x64xf32, #tpu.memory_space<vmem>>
    tpu.wait_dma2 semaphore(%arg23 : memref<!tpu.dma_semaphore, #tpu.memory_space<semaphore_mem>>) src(%dma_wait3A_580 : memref<128x64xf32, #tpu.memory_space<vmem>>) dst(%dma_wait3A_576 : memref<128x64xf32, #tpu.memory_space<hbm>>)
    %dma_start3A_581 = arith.constant 16 : i32
    %dma_start3A_582 = arith.constant 4 : i32
    %dma_start3A_583 = arith.constant 0 : i32
    %dma_start3A_584 = arith.constant 0 : i32
    %dma_start3A_585 = tpu.memref_slice %arg6[%dma_start3A_582, %dma_start3A_583, %dma_start3A_584] : memref<12x128x64xf32, #tpu.memory_space<vmem>> -> memref<1x128x64xf32, #tpu.memory_space<vmem>>
    %dma_start3A_586 = tpu.memref_squeeze %dma_start3A_585 : memref<1x128x64xf32, #tpu.memory_space<vmem>> -> memref<128x64xf32, #tpu.memory_space<vmem>>
    %dma_start3A_587 = arith.constant 0 : i32
    %dma_start3A_588 = tpu.memref_slice %arg5[%dma_start3A_581, %dma_start3A_587] : memref<50x128xi32, #tpu.memory_space<vmem>> -> memref<1x128xi32, #tpu.memory_space<vmem>>
    %dma_start3A_589 = tpu.memref_squeeze %dma_start3A_588 : memref<1x128xi32, #tpu.memory_space<vmem>> -> memref<128xi32, #tpu.memory_space<vmem>>
    %dma_start3A_590 = arith.constant 0 : i32
    %dma_start3A_591 = arith.constant 0 : i32
    %dma_start3A_592 = tpu.memref_slice %arg2[%dma_start3A_590, %dma_start3A_591] : memref<100000x64xf32, #tpu.memory_space<hbm>> -> memref<100000x64xf32, #tpu.memory_space<hbm>>
    tpu.enqueue_indirect_dma source(%dma_start3A_592 : memref<100000x64xf32, #tpu.memory_space<hbm>>) target(%dma_start3A_586 : memref<128x64xf32, #tpu.memory_space<vmem>>) offsets(%dma_start3A_589 : memref<128xi32, #tpu.memory_space<vmem>>) semaphore(%arg11 : memref<!tpu.dma_semaphore, #tpu.memory_space<semaphore_mem>>)
    %dma_wait3A_593 = arith.constant 11 : i32
    %dma_wait3A_594 = arith.constant 11 : i32
    %dma_wait3A_595 = arith.constant 0 : i32
    %dma_wait3A_596 = arith.constant 0 : i32
    %dma_wait3A_597 = tpu.memref_slice %arg6[%dma_wait3A_594, %dma_wait3A_595, %dma_wait3A_596] : memref<12x128x64xf32, #tpu.memory_space<vmem>> -> memref<1x128x64xf32, #tpu.memory_space<vmem>>
    %dma_wait3A_598 = tpu.memref_squeeze %dma_wait3A_597 : memref<1x128x64xf32, #tpu.memory_space<vmem>> -> memref<128x64xf32, #tpu.memory_space<vmem>>
    %dma_wait3A_599 = arith.constant 0 : i32
    %dma_wait3A_600 = tpu.memref_slice %arg5[%dma_wait3A_593, %dma_wait3A_599] : memref<50x128xi32, #tpu.memory_space<vmem>> -> memref<1x128xi32, #tpu.memory_space<vmem>>
    %dma_wait3A_601 = tpu.memref_squeeze %dma_wait3A_600 : memref<1x128xi32, #tpu.memory_space<vmem>> -> memref<128xi32, #tpu.memory_space<vmem>>
    %dma_wait3A_602 = arith.constant 0 : i32
    %dma_wait3A_603 = arith.constant 0 : i32
    %dma_wait3A_604 = tpu.memref_slice %arg2[%dma_wait3A_602, %dma_wait3A_603] : memref<100000x64xf32, #tpu.memory_space<hbm>> -> memref<100000x64xf32, #tpu.memory_space<hbm>>
    tpu.wait_indirect_dma semaphore(%arg18 : memref<!tpu.dma_semaphore, #tpu.memory_space<semaphore_mem>>) src(%dma_wait3A_604 : memref<100000x64xf32, #tpu.memory_space<hbm>>) dst(%dma_wait3A_598 : memref<128x64xf32, #tpu.memory_space<vmem>>)
    %dma_start3A_605 = arith.constant 11 : i32
    %dma_start3A_606 = arith.constant 11 : i32
    %dma_start3A_607 = arith.constant 0 : i32
    %dma_start3A_608 = arith.constant 0 : i32
    %dma_start3A_609 = tpu.memref_slice %arg6[%dma_start3A_605, %dma_start3A_607, %dma_start3A_608] : memref<12x128x64xf32, #tpu.memory_space<vmem>> -> memref<1x128x64xf32, #tpu.memory_space<vmem>>
    %dma_start3A_610 = tpu.memref_squeeze %dma_start3A_609 : memref<1x128x64xf32, #tpu.memory_space<vmem>> -> memref<128x64xf32, #tpu.memory_space<vmem>>
    %dma_start3A_611 = arith.constant 0 : i32
    %dma_start3A_612 = tpu.memref_slice %arg4[%dma_start3A_606, %mul3A_2, %dma_start3A_611] : memref<50x4096x64xf32, #tpu.memory_space<hbm>> -> memref<1x128x64xf32, #tpu.memory_space<hbm>>
    %dma_start3A_613 = tpu.memref_squeeze %dma_start3A_612 : memref<1x128x64xf32, #tpu.memory_space<hbm>> -> memref<128x64xf32, #tpu.memory_space<hbm>>
    %dma_start3A_614 = arith.constant 0 : i32
    %dma_start3A_615 = tpu.memref_slice %arg4[%dma_start3A_606, %mul3A_2, %dma_start3A_614] : memref<50x4096x64xf32, #tpu.memory_space<hbm>> -> memref<1x128x64xf32, #tpu.memory_space<hbm>>
    %dma_start3A_616 = tpu.memref_squeeze %dma_start3A_615 : memref<1x128x64xf32, #tpu.memory_space<hbm>> -> memref<128x64xf32, #tpu.memory_space<hbm>>
    %dma_start3A_617 = arith.constant 0 : i32
    %dma_start3A_618 = arith.constant 0 : i32
    %dma_start3A_619 = tpu.memref_slice %arg6[%dma_start3A_605, %dma_start3A_617, %dma_start3A_618] : memref<12x128x64xf32, #tpu.memory_space<vmem>> -> memref<1x128x64xf32, #tpu.memory_space<vmem>>
    %dma_start3A_620 = tpu.memref_squeeze %dma_start3A_619 : memref<1x128x64xf32, #tpu.memory_space<vmem>> -> memref<128x64xf32, #tpu.memory_space<vmem>>
    tpu.enqueue_dma source(%dma_start3A_620 : memref<128x64xf32, #tpu.memory_space<vmem>>) target(%dma_start3A_616 : memref<128x64xf32, #tpu.memory_space<hbm>>) target_semaphore(%arg30 : memref<!tpu.dma_semaphore, #tpu.memory_space<semaphore_mem>>)
    %dma_wait3A_621 = arith.constant 5 : i32
    %dma_wait3A_622 = arith.constant 5 : i32
    %dma_wait3A_623 = arith.constant 0 : i32
    %dma_wait3A_624 = arith.constant 0 : i32
    %dma_wait3A_625 = tpu.memref_slice %arg6[%dma_wait3A_621, %dma_wait3A_623, %dma_wait3A_624] : memref<12x128x64xf32, #tpu.memory_space<vmem>> -> memref<1x128x64xf32, #tpu.memory_space<vmem>>
    %dma_wait3A_626 = tpu.memref_squeeze %dma_wait3A_625 : memref<1x128x64xf32, #tpu.memory_space<vmem>> -> memref<128x64xf32, #tpu.memory_space<vmem>>
    %dma_wait3A_627 = arith.constant 0 : i32
    %dma_wait3A_628 = tpu.memref_slice %arg4[%dma_wait3A_622, %mul3A_2, %dma_wait3A_627] : memref<50x4096x64xf32, #tpu.memory_space<hbm>> -> memref<1x128x64xf32, #tpu.memory_space<hbm>>
    %dma_wait3A_629 = tpu.memref_squeeze %dma_wait3A_628 : memref<1x128x64xf32, #tpu.memory_space<hbm>> -> memref<128x64xf32, #tpu.memory_space<hbm>>
    %dma_wait3A_630 = arith.constant 0 : i32
    %dma_wait3A_631 = tpu.memref_slice %arg4[%dma_wait3A_622, %mul3A_2, %dma_wait3A_630] : memref<50x4096x64xf32, #tpu.memory_space<hbm>> -> memref<1x128x64xf32, #tpu.memory_space<hbm>>
    %dma_wait3A_632 = tpu.memref_squeeze %dma_wait3A_631 : memref<1x128x64xf32, #tpu.memory_space<hbm>> -> memref<128x64xf32, #tpu.memory_space<hbm>>
    %dma_wait3A_633 = arith.constant 0 : i32
    %dma_wait3A_634 = arith.constant 0 : i32
    %dma_wait3A_635 = tpu.memref_slice %arg6[%dma_wait3A_621, %dma_wait3A_633, %dma_wait3A_634] : memref<12x128x64xf32, #tpu.memory_space<vmem>> -> memref<1x128x64xf32, #tpu.memory_space<vmem>>
    %dma_wait3A_636 = tpu.memref_squeeze %dma_wait3A_635 : memref<1x128x64xf32, #tpu.memory_space<vmem>> -> memref<128x64xf32, #tpu.memory_space<vmem>>
    tpu.wait_dma2 semaphore(%arg24 : memref<!tpu.dma_semaphore, #tpu.memory_space<semaphore_mem>>) src(%dma_wait3A_636 : memref<128x64xf32, #tpu.memory_space<vmem>>) dst(%dma_wait3A_632 : memref<128x64xf32, #tpu.memory_space<hbm>>)
    %dma_start3A_637 = arith.constant 17 : i32
    %dma_start3A_638 = arith.constant 5 : i32
    %dma_start3A_639 = arith.constant 0 : i32
    %dma_start3A_640 = arith.constant 0 : i32
    %dma_start3A_641 = tpu.memref_slice %arg6[%dma_start3A_638, %dma_start3A_639, %dma_start3A_640] : memref<12x128x64xf32, #tpu.memory_space<vmem>> -> memref<1x128x64xf32, #tpu.memory_space<vmem>>
    %dma_start3A_642 = tpu.memref_squeeze %dma_start3A_641 : memref<1x128x64xf32, #tpu.memory_space<vmem>> -> memref<128x64xf32, #tpu.memory_space<vmem>>
    %dma_start3A_643 = arith.constant 0 : i32
    %dma_start3A_644 = tpu.memref_slice %arg5[%dma_start3A_637, %dma_start3A_643] : memref<50x128xi32, #tpu.memory_space<vmem>> -> memref<1x128xi32, #tpu.memory_space<vmem>>
    %dma_start3A_645 = tpu.memref_squeeze %dma_start3A_644 : memref<1x128xi32, #tpu.memory_space<vmem>> -> memref<128xi32, #tpu.memory_space<vmem>>
    %dma_start3A_646 = arith.constant 0 : i32
    %dma_start3A_647 = arith.constant 0 : i32
    %dma_start3A_648 = tpu.memref_slice %arg2[%dma_start3A_646, %dma_start3A_647] : memref<100000x64xf32, #tpu.memory_space<hbm>> -> memref<100000x64xf32, #tpu.memory_space<hbm>>
    tpu.enqueue_indirect_dma source(%dma_start3A_648 : memref<100000x64xf32, #tpu.memory_space<hbm>>) target(%dma_start3A_642 : memref<128x64xf32, #tpu.memory_space<vmem>>) offsets(%dma_start3A_645 : memref<128xi32, #tpu.memory_space<vmem>>) semaphore(%arg12 : memref<!tpu.dma_semaphore, #tpu.memory_space<semaphore_mem>>)
    %dma_wait3A_649 = arith.constant 12 : i32
    %dma_wait3A_650 = arith.constant 0 : i32
    %dma_wait3A_651 = arith.constant 0 : i32
    %dma_wait3A_652 = arith.constant 0 : i32
    %dma_wait3A_653 = tpu.memref_slice %arg6[%dma_wait3A_650, %dma_wait3A_651, %dma_wait3A_652] : memref<12x128x64xf32, #tpu.memory_space<vmem>> -> memref<1x128x64xf32, #tpu.memory_space<vmem>>
    %dma_wait3A_654 = tpu.memref_squeeze %dma_wait3A_653 : memref<1x128x64xf32, #tpu.memory_space<vmem>> -> memref<128x64xf32, #tpu.memory_space<vmem>>
    %dma_wait3A_655 = arith.constant 0 : i32
    %dma_wait3A_656 = tpu.memref_slice %arg5[%dma_wait3A_649, %dma_wait3A_655] : memref<50x128xi32, #tpu.memory_space<vmem>> -> memref<1x128xi32, #tpu.memory_space<vmem>>
    %dma_wait3A_657 = tpu.memref_squeeze %dma_wait3A_656 : memref<1x128xi32, #tpu.memory_space<vmem>> -> memref<128xi32, #tpu.memory_space<vmem>>
    %dma_wait3A_658 = arith.constant 0 : i32
    %dma_wait3A_659 = arith.constant 0 : i32
    %dma_wait3A_660 = tpu.memref_slice %arg2[%dma_wait3A_658, %dma_wait3A_659] : memref<100000x64xf32, #tpu.memory_space<hbm>> -> memref<100000x64xf32, #tpu.memory_space<hbm>>
    tpu.wait_indirect_dma semaphore(%arg7 : memref<!tpu.dma_semaphore, #tpu.memory_space<semaphore_mem>>) src(%dma_wait3A_660 : memref<100000x64xf32, #tpu.memory_space<hbm>>) dst(%dma_wait3A_654 : memref<128x64xf32, #tpu.memory_space<vmem>>)
    %dma_start3A_661 = arith.constant 0 : i32
    %dma_start3A_662 = arith.constant 12 : i32
    %dma_start3A_663 = arith.constant 0 : i32
    %dma_start3A_664 = arith.constant 0 : i32
    %dma_start3A_665 = tpu.memref_slice %arg6[%dma_start3A_661, %dma_start3A_663, %dma_start3A_664] : memref<12x128x64xf32, #tpu.memory_space<vmem>> -> memref<1x128x64xf32, #tpu.memory_space<vmem>>
    %dma_start3A_666 = tpu.memref_squeeze %dma_start3A_665 : memref<1x128x64xf32, #tpu.memory_space<vmem>> -> memref<128x64xf32, #tpu.memory_space<vmem>>
    %dma_start3A_667 = arith.constant 0 : i32
    %dma_start3A_668 = tpu.memref_slice %arg4[%dma_start3A_662, %mul3A_2, %dma_start3A_667] : memref<50x4096x64xf32, #tpu.memory_space<hbm>> -> memref<1x128x64xf32, #tpu.memory_space<hbm>>
    %dma_start3A_669 = tpu.memref_squeeze %dma_start3A_668 : memref<1x128x64xf32, #tpu.memory_space<hbm>> -> memref<128x64xf32, #tpu.memory_space<hbm>>
    %dma_start3A_670 = arith.constant 0 : i32
    %dma_start3A_671 = tpu.memref_slice %arg4[%dma_start3A_662, %mul3A_2, %dma_start3A_670] : memref<50x4096x64xf32, #tpu.memory_space<hbm>> -> memref<1x128x64xf32, #tpu.memory_space<hbm>>
    %dma_start3A_672 = tpu.memref_squeeze %dma_start3A_671 : memref<1x128x64xf32, #tpu.memory_space<hbm>> -> memref<128x64xf32, #tpu.memory_space<hbm>>
    %dma_start3A_673 = arith.constant 0 : i32
    %dma_start3A_674 = arith.constant 0 : i32
    %dma_start3A_675 = tpu.memref_slice %arg6[%dma_start3A_661, %dma_start3A_673, %dma_start3A_674] : memref<12x128x64xf32, #tpu.memory_space<vmem>> -> memref<1x128x64xf32, #tpu.memory_space<vmem>>
    %dma_start3A_676 = tpu.memref_squeeze %dma_start3A_675 : memref<1x128x64xf32, #tpu.memory_space<vmem>> -> memref<128x64xf32, #tpu.memory_space<vmem>>
    tpu.enqueue_dma source(%dma_start3A_676 : memref<128x64xf32, #tpu.memory_space<vmem>>) target(%dma_start3A_672 : memref<128x64xf32, #tpu.memory_space<hbm>>) target_semaphore(%arg19 : memref<!tpu.dma_semaphore, #tpu.memory_space<semaphore_mem>>)
    %dma_wait3A_677 = arith.constant 6 : i32
    %dma_wait3A_678 = arith.constant 6 : i32
    %dma_wait3A_679 = arith.constant 0 : i32
    %dma_wait3A_680 = arith.constant 0 : i32
    %dma_wait3A_681 = tpu.memref_slice %arg6[%dma_wait3A_677, %dma_wait3A_679, %dma_wait3A_680] : memref<12x128x64xf32, #tpu.memory_space<vmem>> -> memref<1x128x64xf32, #tpu.memory_space<vmem>>
    %dma_wait3A_682 = tpu.memref_squeeze %dma_wait3A_681 : memref<1x128x64xf32, #tpu.memory_space<vmem>> -> memref<128x64xf32, #tpu.memory_space<vmem>>
    %dma_wait3A_683 = arith.constant 0 : i32
    %dma_wait3A_684 = tpu.memref_slice %arg4[%dma_wait3A_678, %mul3A_2, %dma_wait3A_683] : memref<50x4096x64xf32, #tpu.memory_space<hbm>> -> memref<1x128x64xf32, #tpu.memory_space<hbm>>
    %dma_wait3A_685 = tpu.memref_squeeze %dma_wait3A_684 : memref<1x128x64xf32, #tpu.memory_space<hbm>> -> memref<128x64xf32, #tpu.memory_space<hbm>>
    %dma_wait3A_686 = arith.constant 0 : i32
    %dma_wait3A_687 = tpu.memref_slice %arg4[%dma_wait3A_678, %mul3A_2, %dma_wait3A_686] : memref<50x4096x64xf32, #tpu.memory_space<hbm>> -> memref<1x128x64xf32, #tpu.memory_space<hbm>>
    %dma_wait3A_688 = tpu.memref_squeeze %dma_wait3A_687 : memref<1x128x64xf32, #tpu.memory_space<hbm>> -> memref<128x64xf32, #tpu.memory_space<hbm>>
    %dma_wait3A_689 = arith.constant 0 : i32
    %dma_wait3A_690 = arith.constant 0 : i32
    %dma_wait3A_691 = tpu.memref_slice %arg6[%dma_wait3A_677, %dma_wait3A_689, %dma_wait3A_690] : memref<12x128x64xf32, #tpu.memory_space<vmem>> -> memref<1x128x64xf32, #tpu.memory_space<vmem>>
    %dma_wait3A_692 = tpu.memref_squeeze %dma_wait3A_691 : memref<1x128x64xf32, #tpu.memory_space<vmem>> -> memref<128x64xf32, #tpu.memory_space<vmem>>
    tpu.wait_dma2 semaphore(%arg25 : memref<!tpu.dma_semaphore, #tpu.memory_space<semaphore_mem>>) src(%dma_wait3A_692 : memref<128x64xf32, #tpu.memory_space<vmem>>) dst(%dma_wait3A_688 : memref<128x64xf32, #tpu.memory_space<hbm>>)
    %dma_start3A_693 = arith.constant 18 : i32
    %dma_start3A_694 = arith.constant 6 : i32
    %dma_start3A_695 = arith.constant 0 : i32
    %dma_start3A_696 = arith.constant 0 : i32
    %dma_start3A_697 = tpu.memref_slice %arg6[%dma_start3A_694, %dma_start3A_695, %dma_start3A_696] : memref<12x128x64xf32, #tpu.memory_space<vmem>> -> memref<1x128x64xf32, #tpu.memory_space<vmem>>
    %dma_start3A_698 = tpu.memref_squeeze %dma_start3A_697 : memref<1x128x64xf32, #tpu.memory_space<vmem>> -> memref<128x64xf32, #tpu.memory_space<vmem>>
    %dma_start3A_699 = arith.constant 0 : i32
    %dma_start3A_700 = tpu.memref_slice %arg5[%dma_start3A_693, %dma_start3A_699] : memref<50x128xi32, #tpu.memory_space<vmem>> -> memref<1x128xi32, #tpu.memory_space<vmem>>
    %dma_start3A_701 = tpu.memref_squeeze %dma_start3A_700 : memref<1x128xi32, #tpu.memory_space<vmem>> -> memref<128xi32, #tpu.memory_space<vmem>>
    %dma_start3A_702 = arith.constant 0 : i32
    %dma_start3A_703 = arith.constant 0 : i32
    %dma_start3A_704 = tpu.memref_slice %arg2[%dma_start3A_702, %dma_start3A_703] : memref<100000x64xf32, #tpu.memory_space<hbm>> -> memref<100000x64xf32, #tpu.memory_space<hbm>>
    tpu.enqueue_indirect_dma source(%dma_start3A_704 : memref<100000x64xf32, #tpu.memory_space<hbm>>) target(%dma_start3A_698 : memref<128x64xf32, #tpu.memory_space<vmem>>) offsets(%dma_start3A_701 : memref<128xi32, #tpu.memory_space<vmem>>) semaphore(%arg13 : memref<!tpu.dma_semaphore, #tpu.memory_space<semaphore_mem>>)
    %dma_wait3A_705 = arith.constant 13 : i32
    %dma_wait3A_706 = arith.constant 1 : i32
    %dma_wait3A_707 = arith.constant 0 : i32
    %dma_wait3A_708 = arith.constant 0 : i32
    %dma_wait3A_709 = tpu.memref_slice %arg6[%dma_wait3A_706, %dma_wait3A_707, %dma_wait3A_708] : memref<12x128x64xf32, #tpu.memory_space<vmem>> -> memref<1x128x64xf32, #tpu.memory_space<vmem>>
    %dma_wait3A_710 = tpu.memref_squeeze %dma_wait3A_709 : memref<1x128x64xf32, #tpu.memory_space<vmem>> -> memref<128x64xf32, #tpu.memory_space<vmem>>
    %dma_wait3A_711 = arith.constant 0 : i32
    %dma_wait3A_712 = tpu.memref_slice %arg5[%dma_wait3A_705, %dma_wait3A_711] : memref<50x128xi32, #tpu.memory_space<vmem>> -> memref<1x128xi32, #tpu.memory_space<vmem>>
    %dma_wait3A_713 = tpu.memref_squeeze %dma_wait3A_712 : memref<1x128xi32, #tpu.memory_space<vmem>> -> memref<128xi32, #tpu.memory_space<vmem>>
    %dma_wait3A_714 = arith.constant 0 : i32
    %dma_wait3A_715 = arith.constant 0 : i32
    %dma_wait3A_716 = tpu.memref_slice %arg2[%dma_wait3A_714, %dma_wait3A_715] : memref<100000x64xf32, #tpu.memory_space<hbm>> -> memref<100000x64xf32, #tpu.memory_space<hbm>>
    tpu.wait_indirect_dma semaphore(%arg8 : memref<!tpu.dma_semaphore, #tpu.memory_space<semaphore_mem>>) src(%dma_wait3A_716 : memref<100000x64xf32, #tpu.memory_space<hbm>>) dst(%dma_wait3A_710 : memref<128x64xf32, #tpu.memory_space<vmem>>)
    %dma_start3A_717 = arith.constant 1 : i32
    %dma_start3A_718 = arith.constant 13 : i32
    %dma_start3A_719 = arith.constant 0 : i32
    %dma_start3A_720 = arith.constant 0 : i32
    %dma_start3A_721 = tpu.memref_slice %arg6[%dma_start3A_717, %dma_start3A_719, %dma_start3A_720] : memref<12x128x64xf32, #tpu.memory_space<vmem>> -> memref<1x128x64xf32, #tpu.memory_space<vmem>>
    %dma_start3A_722 = tpu.memref_squeeze %dma_start3A_721 : memref<1x128x64xf32, #tpu.memory_space<vmem>> -> memref<128x64xf32, #tpu.memory_space<vmem>>
    %dma_start3A_723 = arith.constant 0 : i32
    %dma_start3A_724 = tpu.memref_slice %arg4[%dma_start3A_718, %mul3A_2, %dma_start3A_723] : memref<50x4096x64xf32, #tpu.memory_space<hbm>> -> memref<1x128x64xf32, #tpu.memory_space<hbm>>
    %dma_start3A_725 = tpu.memref_squeeze %dma_start3A_724 : memref<1x128x64xf32, #tpu.memory_space<hbm>> -> memref<128x64xf32, #tpu.memory_space<hbm>>
    %dma_start3A_726 = arith.constant 0 : i32
    %dma_start3A_727 = tpu.memref_slice %arg4[%dma_start3A_718, %mul3A_2, %dma_start3A_726] : memref<50x4096x64xf32, #tpu.memory_space<hbm>> -> memref<1x128x64xf32, #tpu.memory_space<hbm>>
    %dma_start3A_728 = tpu.memref_squeeze %dma_start3A_727 : memref<1x128x64xf32, #tpu.memory_space<hbm>> -> memref<128x64xf32, #tpu.memory_space<hbm>>
    %dma_start3A_729 = arith.constant 0 : i32
    %dma_start3A_730 = arith.constant 0 : i32
    %dma_start3A_731 = tpu.memref_slice %arg6[%dma_start3A_717, %dma_start3A_729, %dma_start3A_730] : memref<12x128x64xf32, #tpu.memory_space<vmem>> -> memref<1x128x64xf32, #tpu.memory_space<vmem>>
    %dma_start3A_732 = tpu.memref_squeeze %dma_start3A_731 : memref<1x128x64xf32, #tpu.memory_space<vmem>> -> memref<128x64xf32, #tpu.memory_space<vmem>>
    tpu.enqueue_dma source(%dma_start3A_732 : memref<128x64xf32, #tpu.memory_space<vmem>>) target(%dma_start3A_728 : memref<128x64xf32, #tpu.memory_space<hbm>>) target_semaphore(%arg20 : memref<!tpu.dma_semaphore, #tpu.memory_space<semaphore_mem>>)
    %dma_wait3A_733 = arith.constant 7 : i32
    %dma_wait3A_734 = arith.constant 7 : i32
    %dma_wait3A_735 = arith.constant 0 : i32
    %dma_wait3A_736 = arith.constant 0 : i32
    %dma_wait3A_737 = tpu.memref_slice %arg6[%dma_wait3A_733, %dma_wait3A_735, %dma_wait3A_736] : memref<12x128x64xf32, #tpu.memory_space<vmem>> -> memref<1x128x64xf32, #tpu.memory_space<vmem>>
    %dma_wait3A_738 = tpu.memref_squeeze %dma_wait3A_737 : memref<1x128x64xf32, #tpu.memory_space<vmem>> -> memref<128x64xf32, #tpu.memory_space<vmem>>
    %dma_wait3A_739 = arith.constant 0 : i32
    %dma_wait3A_740 = tpu.memref_slice %arg4[%dma_wait3A_734, %mul3A_2, %dma_wait3A_739] : memref<50x4096x64xf32, #tpu.memory_space<hbm>> -> memref<1x128x64xf32, #tpu.memory_space<hbm>>
    %dma_wait3A_741 = tpu.memref_squeeze %dma_wait3A_740 : memref<1x128x64xf32, #tpu.memory_space<hbm>> -> memref<128x64xf32, #tpu.memory_space<hbm>>
    %dma_wait3A_742 = arith.constant 0 : i32
    %dma_wait3A_743 = tpu.memref_slice %arg4[%dma_wait3A_734, %mul3A_2, %dma_wait3A_742] : memref<50x4096x64xf32, #tpu.memory_space<hbm>> -> memref<1x128x64xf32, #tpu.memory_space<hbm>>
    %dma_wait3A_744 = tpu.memref_squeeze %dma_wait3A_743 : memref<1x128x64xf32, #tpu.memory_space<hbm>> -> memref<128x64xf32, #tpu.memory_space<hbm>>
    %dma_wait3A_745 = arith.constant 0 : i32
    %dma_wait3A_746 = arith.constant 0 : i32
    %dma_wait3A_747 = tpu.memref_slice %arg6[%dma_wait3A_733, %dma_wait3A_745, %dma_wait3A_746] : memref<12x128x64xf32, #tpu.memory_space<vmem>> -> memref<1x128x64xf32, #tpu.memory_space<vmem>>
    %dma_wait3A_748 = tpu.memref_squeeze %dma_wait3A_747 : memref<1x128x64xf32, #tpu.memory_space<vmem>> -> memref<128x64xf32, #tpu.memory_space<vmem>>
    tpu.wait_dma2 semaphore(%arg26 : memref<!tpu.dma_semaphore, #tpu.memory_space<semaphore_mem>>) src(%dma_wait3A_748 : memref<128x64xf32, #tpu.memory_space<vmem>>) dst(%dma_wait3A_744 : memref<128x64xf32, #tpu.memory_space<hbm>>)
    %dma_start3A_749 = arith.constant 19 : i32
    %dma_start3A_750 = arith.constant 7 : i32
    %dma_start3A_751 = arith.constant 0 : i32
    %dma_start3A_752 = arith.constant 0 : i32
    %dma_start3A_753 = tpu.memref_slice %arg6[%dma_start3A_750, %dma_start3A_751, %dma_start3A_752] : memref<12x128x64xf32, #tpu.memory_space<vmem>> -> memref<1x128x64xf32, #tpu.memory_space<vmem>>
    %dma_start3A_754 = tpu.memref_squeeze %dma_start3A_753 : memref<1x128x64xf32, #tpu.memory_space<vmem>> -> memref<128x64xf32, #tpu.memory_space<vmem>>
    %dma_start3A_755 = arith.constant 0 : i32
    %dma_start3A_756 = tpu.memref_slice %arg5[%dma_start3A_749, %dma_start3A_755] : memref<50x128xi32, #tpu.memory_space<vmem>> -> memref<1x128xi32, #tpu.memory_space<vmem>>
    %dma_start3A_757 = tpu.memref_squeeze %dma_start3A_756 : memref<1x128xi32, #tpu.memory_space<vmem>> -> memref<128xi32, #tpu.memory_space<vmem>>
    %dma_start3A_758 = arith.constant 0 : i32
    %dma_start3A_759 = arith.constant 0 : i32
    %dma_start3A_760 = tpu.memref_slice %arg2[%dma_start3A_758, %dma_start3A_759] : memref<100000x64xf32, #tpu.memory_space<hbm>> -> memref<100000x64xf32, #tpu.memory_space<hbm>>
    tpu.enqueue_indirect_dma source(%dma_start3A_760 : memref<100000x64xf32, #tpu.memory_space<hbm>>) target(%dma_start3A_754 : memref<128x64xf32, #tpu.memory_space<vmem>>) offsets(%dma_start3A_757 : memref<128xi32, #tpu.memory_space<vmem>>) semaphore(%arg14 : memref<!tpu.dma_semaphore, #tpu.memory_space<semaphore_mem>>)
    %dma_wait3A_761 = arith.constant 14 : i32
    %dma_wait3A_762 = arith.constant 2 : i32
    %dma_wait3A_763 = arith.constant 0 : i32
    %dma_wait3A_764 = arith.constant 0 : i32
    %dma_wait3A_765 = tpu.memref_slice %arg6[%dma_wait3A_762, %dma_wait3A_763, %dma_wait3A_764] : memref<12x128x64xf32, #tpu.memory_space<vmem>> -> memref<1x128x64xf32, #tpu.memory_space<vmem>>
    %dma_wait3A_766 = tpu.memref_squeeze %dma_wait3A_765 : memref<1x128x64xf32, #tpu.memory_space<vmem>> -> memref<128x64xf32, #tpu.memory_space<vmem>>
    %dma_wait3A_767 = arith.constant 0 : i32
    %dma_wait3A_768 = tpu.memref_slice %arg5[%dma_wait3A_761, %dma_wait3A_767] : memref<50x128xi32, #tpu.memory_space<vmem>> -> memref<1x128xi32, #tpu.memory_space<vmem>>
    %dma_wait3A_769 = tpu.memref_squeeze %dma_wait3A_768 : memref<1x128xi32, #tpu.memory_space<vmem>> -> memref<128xi32, #tpu.memory_space<vmem>>
    %dma_wait3A_770 = arith.constant 0 : i32
    %dma_wait3A_771 = arith.constant 0 : i32
    %dma_wait3A_772 = tpu.memref_slice %arg2[%dma_wait3A_770, %dma_wait3A_771] : memref<100000x64xf32, #tpu.memory_space<hbm>> -> memref<100000x64xf32, #tpu.memory_space<hbm>>
    tpu.wait_indirect_dma semaphore(%arg9 : memref<!tpu.dma_semaphore, #tpu.memory_space<semaphore_mem>>) src(%dma_wait3A_772 : memref<100000x64xf32, #tpu.memory_space<hbm>>) dst(%dma_wait3A_766 : memref<128x64xf32, #tpu.memory_space<vmem>>)
    %dma_start3A_773 = arith.constant 2 : i32
    %dma_start3A_774 = arith.constant 14 : i32
    %dma_start3A_775 = arith.constant 0 : i32
    %dma_start3A_776 = arith.constant 0 : i32
    %dma_start3A_777 = tpu.memref_slice %arg6[%dma_start3A_773, %dma_start3A_775, %dma_start3A_776] : memref<12x128x64xf32, #tpu.memory_space<vmem>> -> memref<1x128x64xf32, #tpu.memory_space<vmem>>
    %dma_start3A_778 = tpu.memref_squeeze %dma_start3A_777 : memref<1x128x64xf32, #tpu.memory_space<vmem>> -> memref<128x64xf32, #tpu.memory_space<vmem>>
    %dma_start3A_779 = arith.constant 0 : i32
    %dma_start3A_780 = tpu.memref_slice %arg4[%dma_start3A_774, %mul3A_2, %dma_start3A_779] : memref<50x4096x64xf32, #tpu.memory_space<hbm>> -> memref<1x128x64xf32, #tpu.memory_space<hbm>>
    %dma_start3A_781 = tpu.memref_squeeze %dma_start3A_780 : memref<1x128x64xf32, #tpu.memory_space<hbm>> -> memref<128x64xf32, #tpu.memory_space<hbm>>
    %dma_start3A_782 = arith.constant 0 : i32
    %dma_start3A_783 = tpu.memref_slice %arg4[%dma_start3A_774, %mul3A_2, %dma_start3A_782] : memref<50x4096x64xf32, #tpu.memory_space<hbm>> -> memref<1x128x64xf32, #tpu.memory_space<hbm>>
    %dma_start3A_784 = tpu.memref_squeeze %dma_start3A_783 : memref<1x128x64xf32, #tpu.memory_space<hbm>> -> memref<128x64xf32, #tpu.memory_space<hbm>>
    %dma_start3A_785 = arith.constant 0 : i32
    %dma_start3A_786 = arith.constant 0 : i32
    %dma_start3A_787 = tpu.memref_slice %arg6[%dma_start3A_773, %dma_start3A_785, %dma_start3A_786] : memref<12x128x64xf32, #tpu.memory_space<vmem>> -> memref<1x128x64xf32, #tpu.memory_space<vmem>>
    %dma_start3A_788 = tpu.memref_squeeze %dma_start3A_787 : memref<1x128x64xf32, #tpu.memory_space<vmem>> -> memref<128x64xf32, #tpu.memory_space<vmem>>
    tpu.enqueue_dma source(%dma_start3A_788 : memref<128x64xf32, #tpu.memory_space<vmem>>) target(%dma_start3A_784 : memref<128x64xf32, #tpu.memory_space<hbm>>) target_semaphore(%arg21 : memref<!tpu.dma_semaphore, #tpu.memory_space<semaphore_mem>>)
    %dma_wait3A_789 = arith.constant 8 : i32
    %dma_wait3A_790 = arith.constant 8 : i32
    %dma_wait3A_791 = arith.constant 0 : i32
    %dma_wait3A_792 = arith.constant 0 : i32
    %dma_wait3A_793 = tpu.memref_slice %arg6[%dma_wait3A_789, %dma_wait3A_791, %dma_wait3A_792] : memref<12x128x64xf32, #tpu.memory_space<vmem>> -> memref<1x128x64xf32, #tpu.memory_space<vmem>>
    %dma_wait3A_794 = tpu.memref_squeeze %dma_wait3A_793 : memref<1x128x64xf32, #tpu.memory_space<vmem>> -> memref<128x64xf32, #tpu.memory_space<vmem>>
    %dma_wait3A_795 = arith.constant 0 : i32
    %dma_wait3A_796 = tpu.memref_slice %arg4[%dma_wait3A_790, %mul3A_2, %dma_wait3A_795] : memref<50x4096x64xf32, #tpu.memory_space<hbm>> -> memref<1x128x64xf32, #tpu.memory_space<hbm>>
    %dma_wait3A_797 = tpu.memref_squeeze %dma_wait3A_796 : memref<1x128x64xf32, #tpu.memory_space<hbm>> -> memref<128x64xf32, #tpu.memory_space<hbm>>
    %dma_wait3A_798 = arith.constant 0 : i32
    %dma_wait3A_799 = tpu.memref_slice %arg4[%dma_wait3A_790, %mul3A_2, %dma_wait3A_798] : memref<50x4096x64xf32, #tpu.memory_space<hbm>> -> memref<1x128x64xf32, #tpu.memory_space<hbm>>
    %dma_wait3A_800 = tpu.memref_squeeze %dma_wait3A_799 : memref<1x128x64xf32, #tpu.memory_space<hbm>> -> memref<128x64xf32, #tpu.memory_space<hbm>>
    %dma_wait3A_801 = arith.constant 0 : i32
    %dma_wait3A_802 = arith.constant 0 : i32
    %dma_wait3A_803 = tpu.memref_slice %arg6[%dma_wait3A_789, %dma_wait3A_801, %dma_wait3A_802] : memref<12x128x64xf32, #tpu.memory_space<vmem>> -> memref<1x128x64xf32, #tpu.memory_space<vmem>>
    %dma_wait3A_804 = tpu.memref_squeeze %dma_wait3A_803 : memref<1x128x64xf32, #tpu.memory_space<vmem>> -> memref<128x64xf32, #tpu.memory_space<vmem>>
    tpu.wait_dma2 semaphore(%arg27 : memref<!tpu.dma_semaphore, #tpu.memory_space<semaphore_mem>>) src(%dma_wait3A_804 : memref<128x64xf32, #tpu.memory_space<vmem>>) dst(%dma_wait3A_800 : memref<128x64xf32, #tpu.memory_space<hbm>>)
    %dma_start3A_805 = arith.constant 20 : i32
    %dma_start3A_806 = arith.constant 8 : i32
    %dma_start3A_807 = arith.constant 0 : i32
    %dma_start3A_808 = arith.constant 0 : i32
    %dma_start3A_809 = tpu.memref_slice %arg6[%dma_start3A_806, %dma_start3A_807, %dma_start3A_808] : memref<12x128x64xf32, #tpu.memory_space<vmem>> -> memref<1x128x64xf32, #tpu.memory_space<vmem>>
    %dma_start3A_810 = tpu.memref_squeeze %dma_start3A_809 : memref<1x128x64xf32, #tpu.memory_space<vmem>> -> memref<128x64xf32, #tpu.memory_space<vmem>>
    %dma_start3A_811 = arith.constant 0 : i32
    %dma_start3A_812 = tpu.memref_slice %arg5[%dma_start3A_805, %dma_start3A_811] : memref<50x128xi32, #tpu.memory_space<vmem>> -> memref<1x128xi32, #tpu.memory_space<vmem>>
    %dma_start3A_813 = tpu.memref_squeeze %dma_start3A_812 : memref<1x128xi32, #tpu.memory_space<vmem>> -> memref<128xi32, #tpu.memory_space<vmem>>
    %dma_start3A_814 = arith.constant 0 : i32
    %dma_start3A_815 = arith.constant 0 : i32
    %dma_start3A_816 = tpu.memref_slice %arg2[%dma_start3A_814, %dma_start3A_815] : memref<100000x64xf32, #tpu.memory_space<hbm>> -> memref<100000x64xf32, #tpu.memory_space<hbm>>
    tpu.enqueue_indirect_dma source(%dma_start3A_816 : memref<100000x64xf32, #tpu.memory_space<hbm>>) target(%dma_start3A_810 : memref<128x64xf32, #tpu.memory_space<vmem>>) offsets(%dma_start3A_813 : memref<128xi32, #tpu.memory_space<vmem>>) semaphore(%arg15 : memref<!tpu.dma_semaphore, #tpu.memory_space<semaphore_mem>>)
    %dma_wait3A_817 = arith.constant 15 : i32
    %dma_wait3A_818 = arith.constant 3 : i32
    %dma_wait3A_819 = arith.constant 0 : i32
    %dma_wait3A_820 = arith.constant 0 : i32
    %dma_wait3A_821 = tpu.memref_slice %arg6[%dma_wait3A_818, %dma_wait3A_819, %dma_wait3A_820] : memref<12x128x64xf32, #tpu.memory_space<vmem>> -> memref<1x128x64xf32, #tpu.memory_space<vmem>>
    %dma_wait3A_822 = tpu.memref_squeeze %dma_wait3A_821 : memref<1x128x64xf32, #tpu.memory_space<vmem>> -> memref<128x64xf32, #tpu.memory_space<vmem>>
    %dma_wait3A_823 = arith.constant 0 : i32
    %dma_wait3A_824 = tpu.memref_slice %arg5[%dma_wait3A_817, %dma_wait3A_823] : memref<50x128xi32, #tpu.memory_space<vmem>> -> memref<1x128xi32, #tpu.memory_space<vmem>>
    %dma_wait3A_825 = tpu.memref_squeeze %dma_wait3A_824 : memref<1x128xi32, #tpu.memory_space<vmem>> -> memref<128xi32, #tpu.memory_space<vmem>>
    %dma_wait3A_826 = arith.constant 0 : i32
    %dma_wait3A_827 = arith.constant 0 : i32
    %dma_wait3A_828 = tpu.memref_slice %arg2[%dma_wait3A_826, %dma_wait3A_827] : memref<100000x64xf32, #tpu.memory_space<hbm>> -> memref<100000x64xf32, #tpu.memory_space<hbm>>
    tpu.wait_indirect_dma semaphore(%arg10 : memref<!tpu.dma_semaphore, #tpu.memory_space<semaphore_mem>>) src(%dma_wait3A_828 : memref<100000x64xf32, #tpu.memory_space<hbm>>) dst(%dma_wait3A_822 : memref<128x64xf32, #tpu.memory_space<vmem>>)
    %dma_start3A_829 = arith.constant 3 : i32
    %dma_start3A_830 = arith.constant 15 : i32
    %dma_start3A_831 = arith.constant 0 : i32
    %dma_start3A_832 = arith.constant 0 : i32
    %dma_start3A_833 = tpu.memref_slice %arg6[%dma_start3A_829, %dma_start3A_831, %dma_start3A_832] : memref<12x128x64xf32, #tpu.memory_space<vmem>> -> memref<1x128x64xf32, #tpu.memory_space<vmem>>
    %dma_start3A_834 = tpu.memref_squeeze %dma_start3A_833 : memref<1x128x64xf32, #tpu.memory_space<vmem>> -> memref<128x64xf32, #tpu.memory_space<vmem>>
    %dma_start3A_835 = arith.constant 0 : i32
    %dma_start3A_836 = tpu.memref_slice %arg4[%dma_start3A_830, %mul3A_2, %dma_start3A_835] : memref<50x4096x64xf32, #tpu.memory_space<hbm>> -> memref<1x128x64xf32, #tpu.memory_space<hbm>>
    %dma_start3A_837 = tpu.memref_squeeze %dma_start3A_836 : memref<1x128x64xf32, #tpu.memory_space<hbm>> -> memref<128x64xf32, #tpu.memory_space<hbm>>
    %dma_start3A_838 = arith.constant 0 : i32
    %dma_start3A_839 = tpu.memref_slice %arg4[%dma_start3A_830, %mul3A_2, %dma_start3A_838] : memref<50x4096x64xf32, #tpu.memory_space<hbm>> -> memref<1x128x64xf32, #tpu.memory_space<hbm>>
    %dma_start3A_840 = tpu.memref_squeeze %dma_start3A_839 : memref<1x128x64xf32, #tpu.memory_space<hbm>> -> memref<128x64xf32, #tpu.memory_space<hbm>>
    %dma_start3A_841 = arith.constant 0 : i32
    %dma_start3A_842 = arith.constant 0 : i32
    %dma_start3A_843 = tpu.memref_slice %arg6[%dma_start3A_829, %dma_start3A_841, %dma_start3A_842] : memref<12x128x64xf32, #tpu.memory_space<vmem>> -> memref<1x128x64xf32, #tpu.memory_space<vmem>>
    %dma_start3A_844 = tpu.memref_squeeze %dma_start3A_843 : memref<1x128x64xf32, #tpu.memory_space<vmem>> -> memref<128x64xf32, #tpu.memory_space<vmem>>
    tpu.enqueue_dma source(%dma_start3A_844 : memref<128x64xf32, #tpu.memory_space<vmem>>) target(%dma_start3A_840 : memref<128x64xf32, #tpu.memory_space<hbm>>) target_semaphore(%arg22 : memref<!tpu.dma_semaphore, #tpu.memory_space<semaphore_mem>>)
    %dma_wait3A_845 = arith.constant 9 : i32
    %dma_wait3A_846 = arith.constant 9 : i32
    %dma_wait3A_847 = arith.constant 0 : i32
    %dma_wait3A_848 = arith.constant 0 : i32
    %dma_wait3A_849 = tpu.memref_slice %arg6[%dma_wait3A_845, %dma_wait3A_847, %dma_wait3A_848] : memref<12x128x64xf32, #tpu.memory_space<vmem>> -> memref<1x128x64xf32, #tpu.memory_space<vmem>>
    %dma_wait3A_850 = tpu.memref_squeeze %dma_wait3A_849 : memref<1x128x64xf32, #tpu.memory_space<vmem>> -> memref<128x64xf32, #tpu.memory_space<vmem>>
    %dma_wait3A_851 = arith.constant 0 : i32
    %dma_wait3A_852 = tpu.memref_slice %arg4[%dma_wait3A_846, %mul3A_2, %dma_wait3A_851] : memref<50x4096x64xf32, #tpu.memory_space<hbm>> -> memref<1x128x64xf32, #tpu.memory_space<hbm>>
    %dma_wait3A_853 = tpu.memref_squeeze %dma_wait3A_852 : memref<1x128x64xf32, #tpu.memory_space<hbm>> -> memref<128x64xf32, #tpu.memory_space<hbm>>
    %dma_wait3A_854 = arith.constant 0 : i32
    %dma_wait3A_855 = tpu.memref_slice %arg4[%dma_wait3A_846, %mul3A_2, %dma_wait3A_854] : memref<50x4096x64xf32, #tpu.memory_space<hbm>> -> memref<1x128x64xf32, #tpu.memory_space<hbm>>
    %dma_wait3A_856 = tpu.memref_squeeze %dma_wait3A_855 : memref<1x128x64xf32, #tpu.memory_space<hbm>> -> memref<128x64xf32, #tpu.memory_space<hbm>>
    %dma_wait3A_857 = arith.constant 0 : i32
    %dma_wait3A_858 = arith.constant 0 : i32
    %dma_wait3A_859 = tpu.memref_slice %arg6[%dma_wait3A_845, %dma_wait3A_857, %dma_wait3A_858] : memref<12x128x64xf32, #tpu.memory_space<vmem>> -> memref<1x128x64xf32, #tpu.memory_space<vmem>>
    %dma_wait3A_860 = tpu.memref_squeeze %dma_wait3A_859 : memref<1x128x64xf32, #tpu.memory_space<vmem>> -> memref<128x64xf32, #tpu.memory_space<vmem>>
    tpu.wait_dma2 semaphore(%arg28 : memref<!tpu.dma_semaphore, #tpu.memory_space<semaphore_mem>>) src(%dma_wait3A_860 : memref<128x64xf32, #tpu.memory_space<vmem>>) dst(%dma_wait3A_856 : memref<128x64xf32, #tpu.memory_space<hbm>>)
    %dma_start3A_861 = arith.constant 21 : i32
    %dma_start3A_862 = arith.constant 9 : i32
    %dma_start3A_863 = arith.constant 0 : i32
    %dma_start3A_864 = arith.constant 0 : i32
    %dma_start3A_865 = tpu.memref_slice %arg6[%dma_start3A_862, %dma_start3A_863, %dma_start3A_864] : memref<12x128x64xf32, #tpu.memory_space<vmem>> -> memref<1x128x64xf32, #tpu.memory_space<vmem>>
    %dma_start3A_866 = tpu.memref_squeeze %dma_start3A_865 : memref<1x128x64xf32, #tpu.memory_space<vmem>> -> memref<128x64xf32, #tpu.memory_space<vmem>>
    %dma_start3A_867 = arith.constant 0 : i32
    %dma_start3A_868 = tpu.memref_slice %arg5[%dma_start3A_861, %dma_start3A_867] : memref<50x128xi32, #tpu.memory_space<vmem>> -> memref<1x128xi32, #tpu.memory_space<vmem>>
    %dma_start3A_869 = tpu.memref_squeeze %dma_start3A_868 : memref<1x128xi32, #tpu.memory_space<vmem>> -> memref<128xi32, #tpu.memory_space<vmem>>
    %dma_start3A_870 = arith.constant 0 : i32
    %dma_start3A_871 = arith.constant 0 : i32
    %dma_start3A_872 = tpu.memref_slice %arg2[%dma_start3A_870, %dma_start3A_871] : memref<100000x64xf32, #tpu.memory_space<hbm>> -> memref<100000x64xf32, #tpu.memory_space<hbm>>
    tpu.enqueue_indirect_dma source(%dma_start3A_872 : memref<100000x64xf32, #tpu.memory_space<hbm>>) target(%dma_start3A_866 : memref<128x64xf32, #tpu.memory_space<vmem>>) offsets(%dma_start3A_869 : memref<128xi32, #tpu.memory_space<vmem>>) semaphore(%arg16 : memref<!tpu.dma_semaphore, #tpu.memory_space<semaphore_mem>>)
    %dma_wait3A_873 = arith.constant 16 : i32
    %dma_wait3A_874 = arith.constant 4 : i32
    %dma_wait3A_875 = arith.constant 0 : i32
    %dma_wait3A_876 = arith.constant 0 : i32
    %dma_wait3A_877 = tpu.memref_slice %arg6[%dma_wait3A_874, %dma_wait3A_875, %dma_wait3A_876] : memref<12x128x64xf32, #tpu.memory_space<vmem>> -> memref<1x128x64xf32, #tpu.memory_space<vmem>>
    %dma_wait3A_878 = tpu.memref_squeeze %dma_wait3A_877 : memref<1x128x64xf32, #tpu.memory_space<vmem>> -> memref<128x64xf32, #tpu.memory_space<vmem>>
    %dma_wait3A_879 = arith.constant 0 : i32
    %dma_wait3A_880 = tpu.memref_slice %arg5[%dma_wait3A_873, %dma_wait3A_879] : memref<50x128xi32, #tpu.memory_space<vmem>> -> memref<1x128xi32, #tpu.memory_space<vmem>>
    %dma_wait3A_881 = tpu.memref_squeeze %dma_wait3A_880 : memref<1x128xi32, #tpu.memory_space<vmem>> -> memref<128xi32, #tpu.memory_space<vmem>>
    %dma_wait3A_882 = arith.constant 0 : i32
    %dma_wait3A_883 = arith.constant 0 : i32
    %dma_wait3A_884 = tpu.memref_slice %arg2[%dma_wait3A_882, %dma_wait3A_883] : memref<100000x64xf32, #tpu.memory_space<hbm>> -> memref<100000x64xf32, #tpu.memory_space<hbm>>
    tpu.wait_indirect_dma semaphore(%arg11 : memref<!tpu.dma_semaphore, #tpu.memory_space<semaphore_mem>>) src(%dma_wait3A_884 : memref<100000x64xf32, #tpu.memory_space<hbm>>) dst(%dma_wait3A_878 : memref<128x64xf32, #tpu.memory_space<vmem>>)
    %dma_start3A_885 = arith.constant 4 : i32
    %dma_start3A_886 = arith.constant 16 : i32
    %dma_start3A_887 = arith.constant 0 : i32
    %dma_start3A_888 = arith.constant 0 : i32
    %dma_start3A_889 = tpu.memref_slice %arg6[%dma_start3A_885, %dma_start3A_887, %dma_start3A_888] : memref<12x128x64xf32, #tpu.memory_space<vmem>> -> memref<1x128x64xf32, #tpu.memory_space<vmem>>
    %dma_start3A_890 = tpu.memref_squeeze %dma_start3A_889 : memref<1x128x64xf32, #tpu.memory_space<vmem>> -> memref<128x64xf32, #tpu.memory_space<vmem>>
    %dma_start3A_891 = arith.constant 0 : i32
    %dma_start3A_892 = tpu.memref_slice %arg4[%dma_start3A_886, %mul3A_2, %dma_start3A_891] : memref<50x4096x64xf32, #tpu.memory_space<hbm>> -> memref<1x128x64xf32, #tpu.memory_space<hbm>>
    %dma_start3A_893 = tpu.memref_squeeze %dma_start3A_892 : memref<1x128x64xf32, #tpu.memory_space<hbm>> -> memref<128x64xf32, #tpu.memory_space<hbm>>
    %dma_start3A_894 = arith.constant 0 : i32
    %dma_start3A_895 = tpu.memref_slice %arg4[%dma_start3A_886, %mul3A_2, %dma_start3A_894] : memref<50x4096x64xf32, #tpu.memory_space<hbm>> -> memref<1x128x64xf32, #tpu.memory_space<hbm>>
    %dma_start3A_896 = tpu.memref_squeeze %dma_start3A_895 : memref<1x128x64xf32, #tpu.memory_space<hbm>> -> memref<128x64xf32, #tpu.memory_space<hbm>>
    %dma_start3A_897 = arith.constant 0 : i32
    %dma_start3A_898 = arith.constant 0 : i32
    %dma_start3A_899 = tpu.memref_slice %arg6[%dma_start3A_885, %dma_start3A_897, %dma_start3A_898] : memref<12x128x64xf32, #tpu.memory_space<vmem>> -> memref<1x128x64xf32, #tpu.memory_space<vmem>>
    %dma_start3A_900 = tpu.memref_squeeze %dma_start3A_899 : memref<1x128x64xf32, #tpu.memory_space<vmem>> -> memref<128x64xf32, #tpu.memory_space<vmem>>
    tpu.enqueue_dma source(%dma_start3A_900 : memref<128x64xf32, #tpu.memory_space<vmem>>) target(%dma_start3A_896 : memref<128x64xf32, #tpu.memory_space<hbm>>) target_semaphore(%arg23 : memref<!tpu.dma_semaphore, #tpu.memory_space<semaphore_mem>>)
    %dma_wait3A_901 = arith.constant 10 : i32
    %dma_wait3A_902 = arith.constant 10 : i32
    %dma_wait3A_903 = arith.constant 0 : i32
    %dma_wait3A_904 = arith.constant 0 : i32
    %dma_wait3A_905 = tpu.memref_slice %arg6[%dma_wait3A_901, %dma_wait3A_903, %dma_wait3A_904] : memref<12x128x64xf32, #tpu.memory_space<vmem>> -> memref<1x128x64xf32, #tpu.memory_space<vmem>>
    %dma_wait3A_906 = tpu.memref_squeeze %dma_wait3A_905 : memref<1x128x64xf32, #tpu.memory_space<vmem>> -> memref<128x64xf32, #tpu.memory_space<vmem>>
    %dma_wait3A_907 = arith.constant 0 : i32
    %dma_wait3A_908 = tpu.memref_slice %arg4[%dma_wait3A_902, %mul3A_2, %dma_wait3A_907] : memref<50x4096x64xf32, #tpu.memory_space<hbm>> -> memref<1x128x64xf32, #tpu.memory_space<hbm>>
    %dma_wait3A_909 = tpu.memref_squeeze %dma_wait3A_908 : memref<1x128x64xf32, #tpu.memory_space<hbm>> -> memref<128x64xf32, #tpu.memory_space<hbm>>
    %dma_wait3A_910 = arith.constant 0 : i32
    %dma_wait3A_911 = tpu.memref_slice %arg4[%dma_wait3A_902, %mul3A_2, %dma_wait3A_910] : memref<50x4096x64xf32, #tpu.memory_space<hbm>> -> memref<1x128x64xf32, #tpu.memory_space<hbm>>
    %dma_wait3A_912 = tpu.memref_squeeze %dma_wait3A_911 : memref<1x128x64xf32, #tpu.memory_space<hbm>> -> memref<128x64xf32, #tpu.memory_space<hbm>>
    %dma_wait3A_913 = arith.constant 0 : i32
    %dma_wait3A_914 = arith.constant 0 : i32
    %dma_wait3A_915 = tpu.memref_slice %arg6[%dma_wait3A_901, %dma_wait3A_913, %dma_wait3A_914] : memref<12x128x64xf32, #tpu.memory_space<vmem>> -> memref<1x128x64xf32, #tpu.memory_space<vmem>>
    %dma_wait3A_916 = tpu.memref_squeeze %dma_wait3A_915 : memref<1x128x64xf32, #tpu.memory_space<vmem>> -> memref<128x64xf32, #tpu.memory_space<vmem>>
    tpu.wait_dma2 semaphore(%arg29 : memref<!tpu.dma_semaphore, #tpu.memory_space<semaphore_mem>>) src(%dma_wait3A_916 : memref<128x64xf32, #tpu.memory_space<vmem>>) dst(%dma_wait3A_912 : memref<128x64xf32, #tpu.memory_space<hbm>>)
    %dma_start3A_917 = arith.constant 22 : i32
    %dma_start3A_918 = arith.constant 10 : i32
    %dma_start3A_919 = arith.constant 0 : i32
    %dma_start3A_920 = arith.constant 0 : i32
    %dma_start3A_921 = tpu.memref_slice %arg6[%dma_start3A_918, %dma_start3A_919, %dma_start3A_920] : memref<12x128x64xf32, #tpu.memory_space<vmem>> -> memref<1x128x64xf32, #tpu.memory_space<vmem>>
    %dma_start3A_922 = tpu.memref_squeeze %dma_start3A_921 : memref<1x128x64xf32, #tpu.memory_space<vmem>> -> memref<128x64xf32, #tpu.memory_space<vmem>>
    %dma_start3A_923 = arith.constant 0 : i32
    %dma_start3A_924 = tpu.memref_slice %arg5[%dma_start3A_917, %dma_start3A_923] : memref<50x128xi32, #tpu.memory_space<vmem>> -> memref<1x128xi32, #tpu.memory_space<vmem>>
    %dma_start3A_925 = tpu.memref_squeeze %dma_start3A_924 : memref<1x128xi32, #tpu.memory_space<vmem>> -> memref<128xi32, #tpu.memory_space<vmem>>
    %dma_start3A_926 = arith.constant 0 : i32
    %dma_start3A_927 = arith.constant 0 : i32
    %dma_start3A_928 = tpu.memref_slice %arg2[%dma_start3A_926, %dma_start3A_927] : memref<100000x64xf32, #tpu.memory_space<hbm>> -> memref<100000x64xf32, #tpu.memory_space<hbm>>
    tpu.enqueue_indirect_dma source(%dma_start3A_928 : memref<100000x64xf32, #tpu.memory_space<hbm>>) target(%dma_start3A_922 : memref<128x64xf32, #tpu.memory_space<vmem>>) offsets(%dma_start3A_925 : memref<128xi32, #tpu.memory_space<vmem>>) semaphore(%arg17 : memref<!tpu.dma_semaphore, #tpu.memory_space<semaphore_mem>>)
    %dma_wait3A_929 = arith.constant 17 : i32
    %dma_wait3A_930 = arith.constant 5 : i32
    %dma_wait3A_931 = arith.constant 0 : i32
    %dma_wait3A_932 = arith.constant 0 : i32
    %dma_wait3A_933 = tpu.memref_slice %arg6[%dma_wait3A_930, %dma_wait3A_931, %dma_wait3A_932] : memref<12x128x64xf32, #tpu.memory_space<vmem>> -> memref<1x128x64xf32, #tpu.memory_space<vmem>>
    %dma_wait3A_934 = tpu.memref_squeeze %dma_wait3A_933 : memref<1x128x64xf32, #tpu.memory_space<vmem>> -> memref<128x64xf32, #tpu.memory_space<vmem>>
    %dma_wait3A_935 = arith.constant 0 : i32
    %dma_wait3A_936 = tpu.memref_slice %arg5[%dma_wait3A_929, %dma_wait3A_935] : memref<50x128xi32, #tpu.memory_space<vmem>> -> memref<1x128xi32, #tpu.memory_space<vmem>>
    %dma_wait3A_937 = tpu.memref_squeeze %dma_wait3A_936 : memref<1x128xi32, #tpu.memory_space<vmem>> -> memref<128xi32, #tpu.memory_space<vmem>>
    %dma_wait3A_938 = arith.constant 0 : i32
    %dma_wait3A_939 = arith.constant 0 : i32
    %dma_wait3A_940 = tpu.memref_slice %arg2[%dma_wait3A_938, %dma_wait3A_939] : memref<100000x64xf32, #tpu.memory_space<hbm>> -> memref<100000x64xf32, #tpu.memory_space<hbm>>
    tpu.wait_indirect_dma semaphore(%arg12 : memref<!tpu.dma_semaphore, #tpu.memory_space<semaphore_mem>>) src(%dma_wait3A_940 : memref<100000x64xf32, #tpu.memory_space<hbm>>) dst(%dma_wait3A_934 : memref<128x64xf32, #tpu.memory_space<vmem>>)
    %dma_start3A_941 = arith.constant 5 : i32
    %dma_start3A_942 = arith.constant 17 : i32
    %dma_start3A_943 = arith.constant 0 : i32
    %dma_start3A_944 = arith.constant 0 : i32
    %dma_start3A_945 = tpu.memref_slice %arg6[%dma_start3A_941, %dma_start3A_943, %dma_start3A_944] : memref<12x128x64xf32, #tpu.memory_space<vmem>> -> memref<1x128x64xf32, #tpu.memory_space<vmem>>
    %dma_start3A_946 = tpu.memref_squeeze %dma_start3A_945 : memref<1x128x64xf32, #tpu.memory_space<vmem>> -> memref<128x64xf32, #tpu.memory_space<vmem>>
    %dma_start3A_947 = arith.constant 0 : i32
    %dma_start3A_948 = tpu.memref_slice %arg4[%dma_start3A_942, %mul3A_2, %dma_start3A_947] : memref<50x4096x64xf32, #tpu.memory_space<hbm>> -> memref<1x128x64xf32, #tpu.memory_space<hbm>>
    %dma_start3A_949 = tpu.memref_squeeze %dma_start3A_948 : memref<1x128x64xf32, #tpu.memory_space<hbm>> -> memref<128x64xf32, #tpu.memory_space<hbm>>
    %dma_start3A_950 = arith.constant 0 : i32
    %dma_start3A_951 = tpu.memref_slice %arg4[%dma_start3A_942, %mul3A_2, %dma_start3A_950] : memref<50x4096x64xf32, #tpu.memory_space<hbm>> -> memref<1x128x64xf32, #tpu.memory_space<hbm>>
    %dma_start3A_952 = tpu.memref_squeeze %dma_start3A_951 : memref<1x128x64xf32, #tpu.memory_space<hbm>> -> memref<128x64xf32, #tpu.memory_space<hbm>>
    %dma_start3A_953 = arith.constant 0 : i32
    %dma_start3A_954 = arith.constant 0 : i32
    %dma_start3A_955 = tpu.memref_slice %arg6[%dma_start3A_941, %dma_start3A_953, %dma_start3A_954] : memref<12x128x64xf32, #tpu.memory_space<vmem>> -> memref<1x128x64xf32, #tpu.memory_space<vmem>>
    %dma_start3A_956 = tpu.memref_squeeze %dma_start3A_955 : memref<1x128x64xf32, #tpu.memory_space<vmem>> -> memref<128x64xf32, #tpu.memory_space<vmem>>
    tpu.enqueue_dma source(%dma_start3A_956 : memref<128x64xf32, #tpu.memory_space<vmem>>) target(%dma_start3A_952 : memref<128x64xf32, #tpu.memory_space<hbm>>) target_semaphore(%arg24 : memref<!tpu.dma_semaphore, #tpu.memory_space<semaphore_mem>>)
    %dma_wait3A_957 = arith.constant 11 : i32
    %dma_wait3A_958 = arith.constant 11 : i32
    %dma_wait3A_959 = arith.constant 0 : i32
    %dma_wait3A_960 = arith.constant 0 : i32
    %dma_wait3A_961 = tpu.memref_slice %arg6[%dma_wait3A_957, %dma_wait3A_959, %dma_wait3A_960] : memref<12x128x64xf32, #tpu.memory_space<vmem>> -> memref<1x128x64xf32, #tpu.memory_space<vmem>>
    %dma_wait3A_962 = tpu.memref_squeeze %dma_wait3A_961 : memref<1x128x64xf32, #tpu.memory_space<vmem>> -> memref<128x64xf32, #tpu.memory_space<vmem>>
    %dma_wait3A_963 = arith.constant 0 : i32
    %dma_wait3A_964 = tpu.memref_slice %arg4[%dma_wait3A_958, %mul3A_2, %dma_wait3A_963] : memref<50x4096x64xf32, #tpu.memory_space<hbm>> -> memref<1x128x64xf32, #tpu.memory_space<hbm>>
    %dma_wait3A_965 = tpu.memref_squeeze %dma_wait3A_964 : memref<1x128x64xf32, #tpu.memory_space<hbm>> -> memref<128x64xf32, #tpu.memory_space<hbm>>
    %dma_wait3A_966 = arith.constant 0 : i32
    %dma_wait3A_967 = tpu.memref_slice %arg4[%dma_wait3A_958, %mul3A_2, %dma_wait3A_966] : memref<50x4096x64xf32, #tpu.memory_space<hbm>> -> memref<1x128x64xf32, #tpu.memory_space<hbm>>
    %dma_wait3A_968 = tpu.memref_squeeze %dma_wait3A_967 : memref<1x128x64xf32, #tpu.memory_space<hbm>> -> memref<128x64xf32, #tpu.memory_space<hbm>>
    %dma_wait3A_969 = arith.constant 0 : i32
    %dma_wait3A_970 = arith.constant 0 : i32
    %dma_wait3A_971 = tpu.memref_slice %arg6[%dma_wait3A_957, %dma_wait3A_969, %dma_wait3A_970] : memref<12x128x64xf32, #tpu.memory_space<vmem>> -> memref<1x128x64xf32, #tpu.memory_space<vmem>>
    %dma_wait3A_972 = tpu.memref_squeeze %dma_wait3A_971 : memref<1x128x64xf32, #tpu.memory_space<vmem>> -> memref<128x64xf32, #tpu.memory_space<vmem>>
    tpu.wait_dma2 semaphore(%arg30 : memref<!tpu.dma_semaphore, #tpu.memory_space<semaphore_mem>>) src(%dma_wait3A_972 : memref<128x64xf32, #tpu.memory_space<vmem>>) dst(%dma_wait3A_968 : memref<128x64xf32, #tpu.memory_space<hbm>>)
    %dma_start3A_973 = arith.constant 23 : i32
    %dma_start3A_974 = arith.constant 11 : i32
    %dma_start3A_975 = arith.constant 0 : i32
    %dma_start3A_976 = arith.constant 0 : i32
    %dma_start3A_977 = tpu.memref_slice %arg6[%dma_start3A_974, %dma_start3A_975, %dma_start3A_976] : memref<12x128x64xf32, #tpu.memory_space<vmem>> -> memref<1x128x64xf32, #tpu.memory_space<vmem>>
    %dma_start3A_978 = tpu.memref_squeeze %dma_start3A_977 : memref<1x128x64xf32, #tpu.memory_space<vmem>> -> memref<128x64xf32, #tpu.memory_space<vmem>>
    %dma_start3A_979 = arith.constant 0 : i32
    %dma_start3A_980 = tpu.memref_slice %arg5[%dma_start3A_973, %dma_start3A_979] : memref<50x128xi32, #tpu.memory_space<vmem>> -> memref<1x128xi32, #tpu.memory_space<vmem>>
    %dma_start3A_981 = tpu.memref_squeeze %dma_start3A_980 : memref<1x128xi32, #tpu.memory_space<vmem>> -> memref<128xi32, #tpu.memory_space<vmem>>
    %dma_start3A_982 = arith.constant 0 : i32
    %dma_start3A_983 = arith.constant 0 : i32
    %dma_start3A_984 = tpu.memref_slice %arg2[%dma_start3A_982, %dma_start3A_983] : memref<100000x64xf32, #tpu.memory_space<hbm>> -> memref<100000x64xf32, #tpu.memory_space<hbm>>
    tpu.enqueue_indirect_dma source(%dma_start3A_984 : memref<100000x64xf32, #tpu.memory_space<hbm>>) target(%dma_start3A_978 : memref<128x64xf32, #tpu.memory_space<vmem>>) offsets(%dma_start3A_981 : memref<128xi32, #tpu.memory_space<vmem>>) semaphore(%arg18 : memref<!tpu.dma_semaphore, #tpu.memory_space<semaphore_mem>>)
    %dma_wait3A_985 = arith.constant 18 : i32
    %dma_wait3A_986 = arith.constant 6 : i32
    %dma_wait3A_987 = arith.constant 0 : i32
    %dma_wait3A_988 = arith.constant 0 : i32
    %dma_wait3A_989 = tpu.memref_slice %arg6[%dma_wait3A_986, %dma_wait3A_987, %dma_wait3A_988] : memref<12x128x64xf32, #tpu.memory_space<vmem>> -> memref<1x128x64xf32, #tpu.memory_space<vmem>>
    %dma_wait3A_990 = tpu.memref_squeeze %dma_wait3A_989 : memref<1x128x64xf32, #tpu.memory_space<vmem>> -> memref<128x64xf32, #tpu.memory_space<vmem>>
    %dma_wait3A_991 = arith.constant 0 : i32
    %dma_wait3A_992 = tpu.memref_slice %arg5[%dma_wait3A_985, %dma_wait3A_991] : memref<50x128xi32, #tpu.memory_space<vmem>> -> memref<1x128xi32, #tpu.memory_space<vmem>>
    %dma_wait3A_993 = tpu.memref_squeeze %dma_wait3A_992 : memref<1x128xi32, #tpu.memory_space<vmem>> -> memref<128xi32, #tpu.memory_space<vmem>>
    %dma_wait3A_994 = arith.constant 0 : i32
    %dma_wait3A_995 = arith.constant 0 : i32
    %dma_wait3A_996 = tpu.memref_slice %arg2[%dma_wait3A_994, %dma_wait3A_995] : memref<100000x64xf32, #tpu.memory_space<hbm>> -> memref<100000x64xf32, #tpu.memory_space<hbm>>
    tpu.wait_indirect_dma semaphore(%arg13 : memref<!tpu.dma_semaphore, #tpu.memory_space<semaphore_mem>>) src(%dma_wait3A_996 : memref<100000x64xf32, #tpu.memory_space<hbm>>) dst(%dma_wait3A_990 : memref<128x64xf32, #tpu.memory_space<vmem>>)
    %dma_start3A_997 = arith.constant 6 : i32
    %dma_start3A_998 = arith.constant 18 : i32
    %dma_start3A_999 = arith.constant 0 : i32
    %dma_start3A_1000 = arith.constant 0 : i32
    %dma_start3A_1001 = tpu.memref_slice %arg6[%dma_start3A_997, %dma_start3A_999, %dma_start3A_1000] : memref<12x128x64xf32, #tpu.memory_space<vmem>> -> memref<1x128x64xf32, #tpu.memory_space<vmem>>
    %dma_start3A_1002 = tpu.memref_squeeze %dma_start3A_1001 : memref<1x128x64xf32, #tpu.memory_space<vmem>> -> memref<128x64xf32, #tpu.memory_space<vmem>>
    %dma_start3A_1003 = arith.constant 0 : i32
    %dma_start3A_1004 = tpu.memref_slice %arg4[%dma_start3A_998, %mul3A_2, %dma_start3A_1003] : memref<50x4096x64xf32, #tpu.memory_space<hbm>> -> memref<1x128x64xf32, #tpu.memory_space<hbm>>
    %dma_start3A_1005 = tpu.memref_squeeze %dma_start3A_1004 : memref<1x128x64xf32, #tpu.memory_space<hbm>> -> memref<128x64xf32, #tpu.memory_space<hbm>>
    %dma_start3A_1006 = arith.constant 0 : i32
    %dma_start3A_1007 = tpu.memref_slice %arg4[%dma_start3A_998, %mul3A_2, %dma_start3A_1006] : memref<50x4096x64xf32, #tpu.memory_space<hbm>> -> memref<1x128x64xf32, #tpu.memory_space<hbm>>
    %dma_start3A_1008 = tpu.memref_squeeze %dma_start3A_1007 : memref<1x128x64xf32, #tpu.memory_space<hbm>> -> memref<128x64xf32, #tpu.memory_space<hbm>>
    %dma_start3A_1009 = arith.constant 0 : i32
    %dma_start3A_1010 = arith.constant 0 : i32
    %dma_start3A_1011 = tpu.memref_slice %arg6[%dma_start3A_997, %dma_start3A_1009, %dma_start3A_1010] : memref<12x128x64xf32, #tpu.memory_space<vmem>> -> memref<1x128x64xf32, #tpu.memory_space<vmem>>
    %dma_start3A_1012 = tpu.memref_squeeze %dma_start3A_1011 : memref<1x128x64xf32, #tpu.memory_space<vmem>> -> memref<128x64xf32, #tpu.memory_space<vmem>>
    tpu.enqueue_dma source(%dma_start3A_1012 : memref<128x64xf32, #tpu.memory_space<vmem>>) target(%dma_start3A_1008 : memref<128x64xf32, #tpu.memory_space<hbm>>) target_semaphore(%arg25 : memref<!tpu.dma_semaphore, #tpu.memory_space<semaphore_mem>>)
    %dma_wait3A_1013 = arith.constant 0 : i32
    %dma_wait3A_1014 = arith.constant 12 : i32
    %dma_wait3A_1015 = arith.constant 0 : i32
    %dma_wait3A_1016 = arith.constant 0 : i32
    %dma_wait3A_1017 = tpu.memref_slice %arg6[%dma_wait3A_1013, %dma_wait3A_1015, %dma_wait3A_1016] : memref<12x128x64xf32, #tpu.memory_space<vmem>> -> memref<1x128x64xf32, #tpu.memory_space<vmem>>
    %dma_wait3A_1018 = tpu.memref_squeeze %dma_wait3A_1017 : memref<1x128x64xf32, #tpu.memory_space<vmem>> -> memref<128x64xf32, #tpu.memory_space<vmem>>
    %dma_wait3A_1019 = arith.constant 0 : i32
    %dma_wait3A_1020 = tpu.memref_slice %arg4[%dma_wait3A_1014, %mul3A_2, %dma_wait3A_1019] : memref<50x4096x64xf32, #tpu.memory_space<hbm>> -> memref<1x128x64xf32, #tpu.memory_space<hbm>>
    %dma_wait3A_1021 = tpu.memref_squeeze %dma_wait3A_1020 : memref<1x128x64xf32, #tpu.memory_space<hbm>> -> memref<128x64xf32, #tpu.memory_space<hbm>>
    %dma_wait3A_1022 = arith.constant 0 : i32
    %dma_wait3A_1023 = tpu.memref_slice %arg4[%dma_wait3A_1014, %mul3A_2, %dma_wait3A_1022] : memref<50x4096x64xf32, #tpu.memory_space<hbm>> -> memref<1x128x64xf32, #tpu.memory_space<hbm>>
    %dma_wait3A_1024 = tpu.memref_squeeze %dma_wait3A_1023 : memref<1x128x64xf32, #tpu.memory_space<hbm>> -> memref<128x64xf32, #tpu.memory_space<hbm>>
    %dma_wait3A_1025 = arith.constant 0 : i32
    %dma_wait3A_1026 = arith.constant 0 : i32
    %dma_wait3A_1027 = tpu.memref_slice %arg6[%dma_wait3A_1013, %dma_wait3A_1025, %dma_wait3A_1026] : memref<12x128x64xf32, #tpu.memory_space<vmem>> -> memref<1x128x64xf32, #tpu.memory_space<vmem>>
    %dma_wait3A_1028 = tpu.memref_squeeze %dma_wait3A_1027 : memref<1x128x64xf32, #tpu.memory_space<vmem>> -> memref<128x64xf32, #tpu.memory_space<vmem>>
    tpu.wait_dma2 semaphore(%arg19 : memref<!tpu.dma_semaphore, #tpu.memory_space<semaphore_mem>>) src(%dma_wait3A_1028 : memref<128x64xf32, #tpu.memory_space<vmem>>) dst(%dma_wait3A_1024 : memref<128x64xf32, #tpu.memory_space<hbm>>)
    %dma_start3A_1029 = arith.constant 24 : i32
    %dma_start3A_1030 = arith.constant 0 : i32
    %dma_start3A_1031 = arith.constant 0 : i32
    %dma_start3A_1032 = arith.constant 0 : i32
    %dma_start3A_1033 = tpu.memref_slice %arg6[%dma_start3A_1030, %dma_start3A_1031, %dma_start3A_1032] : memref<12x128x64xf32, #tpu.memory_space<vmem>> -> memref<1x128x64xf32, #tpu.memory_space<vmem>>
    %dma_start3A_1034 = tpu.memref_squeeze %dma_start3A_1033 : memref<1x128x64xf32, #tpu.memory_space<vmem>> -> memref<128x64xf32, #tpu.memory_space<vmem>>
    %dma_start3A_1035 = arith.constant 0 : i32
    %dma_start3A_1036 = tpu.memref_slice %arg5[%dma_start3A_1029, %dma_start3A_1035] : memref<50x128xi32, #tpu.memory_space<vmem>> -> memref<1x128xi32, #tpu.memory_space<vmem>>
    %dma_start3A_1037 = tpu.memref_squeeze %dma_start3A_1036 : memref<1x128xi32, #tpu.memory_space<vmem>> -> memref<128xi32, #tpu.memory_space<vmem>>
    %dma_start3A_1038 = arith.constant 0 : i32
    %dma_start3A_1039 = arith.constant 0 : i32
    %dma_start3A_1040 = tpu.memref_slice %arg2[%dma_start3A_1038, %dma_start3A_1039] : memref<100000x64xf32, #tpu.memory_space<hbm>> -> memref<100000x64xf32, #tpu.memory_space<hbm>>
    tpu.enqueue_indirect_dma source(%dma_start3A_1040 : memref<100000x64xf32, #tpu.memory_space<hbm>>) target(%dma_start3A_1034 : memref<128x64xf32, #tpu.memory_space<vmem>>) offsets(%dma_start3A_1037 : memref<128xi32, #tpu.memory_space<vmem>>) semaphore(%arg7 : memref<!tpu.dma_semaphore, #tpu.memory_space<semaphore_mem>>)
    %dma_wait3A_1041 = arith.constant 19 : i32
    %dma_wait3A_1042 = arith.constant 7 : i32
    %dma_wait3A_1043 = arith.constant 0 : i32
    %dma_wait3A_1044 = arith.constant 0 : i32
    %dma_wait3A_1045 = tpu.memref_slice %arg6[%dma_wait3A_1042, %dma_wait3A_1043, %dma_wait3A_1044] : memref<12x128x64xf32, #tpu.memory_space<vmem>> -> memref<1x128x64xf32, #tpu.memory_space<vmem>>
    %dma_wait3A_1046 = tpu.memref_squeeze %dma_wait3A_1045 : memref<1x128x64xf32, #tpu.memory_space<vmem>> -> memref<128x64xf32, #tpu.memory_space<vmem>>
    %dma_wait3A_1047 = arith.constant 0 : i32
    %dma_wait3A_1048 = tpu.memref_slice %arg5[%dma_wait3A_1041, %dma_wait3A_1047] : memref<50x128xi32, #tpu.memory_space<vmem>> -> memref<1x128xi32, #tpu.memory_space<vmem>>
    %dma_wait3A_1049 = tpu.memref_squeeze %dma_wait3A_1048 : memref<1x128xi32, #tpu.memory_space<vmem>> -> memref<128xi32, #tpu.memory_space<vmem>>
    %dma_wait3A_1050 = arith.constant 0 : i32
    %dma_wait3A_1051 = arith.constant 0 : i32
    %dma_wait3A_1052 = tpu.memref_slice %arg2[%dma_wait3A_1050, %dma_wait3A_1051] : memref<100000x64xf32, #tpu.memory_space<hbm>> -> memref<100000x64xf32, #tpu.memory_space<hbm>>
    tpu.wait_indirect_dma semaphore(%arg14 : memref<!tpu.dma_semaphore, #tpu.memory_space<semaphore_mem>>) src(%dma_wait3A_1052 : memref<100000x64xf32, #tpu.memory_space<hbm>>) dst(%dma_wait3A_1046 : memref<128x64xf32, #tpu.memory_space<vmem>>)
    %dma_start3A_1053 = arith.constant 7 : i32
    %dma_start3A_1054 = arith.constant 19 : i32
    %dma_start3A_1055 = arith.constant 0 : i32
    %dma_start3A_1056 = arith.constant 0 : i32
    %dma_start3A_1057 = tpu.memref_slice %arg6[%dma_start3A_1053, %dma_start3A_1055, %dma_start3A_1056] : memref<12x128x64xf32, #tpu.memory_space<vmem>> -> memref<1x128x64xf32, #tpu.memory_space<vmem>>
    %dma_start3A_1058 = tpu.memref_squeeze %dma_start3A_1057 : memref<1x128x64xf32, #tpu.memory_space<vmem>> -> memref<128x64xf32, #tpu.memory_space<vmem>>
    %dma_start3A_1059 = arith.constant 0 : i32
    %dma_start3A_1060 = tpu.memref_slice %arg4[%dma_start3A_1054, %mul3A_2, %dma_start3A_1059] : memref<50x4096x64xf32, #tpu.memory_space<hbm>> -> memref<1x128x64xf32, #tpu.memory_space<hbm>>
    %dma_start3A_1061 = tpu.memref_squeeze %dma_start3A_1060 : memref<1x128x64xf32, #tpu.memory_space<hbm>> -> memref<128x64xf32, #tpu.memory_space<hbm>>
    %dma_start3A_1062 = arith.constant 0 : i32
    %dma_start3A_1063 = tpu.memref_slice %arg4[%dma_start3A_1054, %mul3A_2, %dma_start3A_1062] : memref<50x4096x64xf32, #tpu.memory_space<hbm>> -> memref<1x128x64xf32, #tpu.memory_space<hbm>>
    %dma_start3A_1064 = tpu.memref_squeeze %dma_start3A_1063 : memref<1x128x64xf32, #tpu.memory_space<hbm>> -> memref<128x64xf32, #tpu.memory_space<hbm>>
    %dma_start3A_1065 = arith.constant 0 : i32
    %dma_start3A_1066 = arith.constant 0 : i32
    %dma_start3A_1067 = tpu.memref_slice %arg6[%dma_start3A_1053, %dma_start3A_1065, %dma_start3A_1066] : memref<12x128x64xf32, #tpu.memory_space<vmem>> -> memref<1x128x64xf32, #tpu.memory_space<vmem>>
    %dma_start3A_1068 = tpu.memref_squeeze %dma_start3A_1067 : memref<1x128x64xf32, #tpu.memory_space<vmem>> -> memref<128x64xf32, #tpu.memory_space<vmem>>
    tpu.enqueue_dma source(%dma_start3A_1068 : memref<128x64xf32, #tpu.memory_space<vmem>>) target(%dma_start3A_1064 : memref<128x64xf32, #tpu.memory_space<hbm>>) target_semaphore(%arg26 : memref<!tpu.dma_semaphore, #tpu.memory_space<semaphore_mem>>)
    %dma_wait3A_1069 = arith.constant 1 : i32
    %dma_wait3A_1070 = arith.constant 13 : i32
    %dma_wait3A_1071 = arith.constant 0 : i32
    %dma_wait3A_1072 = arith.constant 0 : i32
    %dma_wait3A_1073 = tpu.memref_slice %arg6[%dma_wait3A_1069, %dma_wait3A_1071, %dma_wait3A_1072] : memref<12x128x64xf32, #tpu.memory_space<vmem>> -> memref<1x128x64xf32, #tpu.memory_space<vmem>>
    %dma_wait3A_1074 = tpu.memref_squeeze %dma_wait3A_1073 : memref<1x128x64xf32, #tpu.memory_space<vmem>> -> memref<128x64xf32, #tpu.memory_space<vmem>>
    %dma_wait3A_1075 = arith.constant 0 : i32
    %dma_wait3A_1076 = tpu.memref_slice %arg4[%dma_wait3A_1070, %mul3A_2, %dma_wait3A_1075] : memref<50x4096x64xf32, #tpu.memory_space<hbm>> -> memref<1x128x64xf32, #tpu.memory_space<hbm>>
    %dma_wait3A_1077 = tpu.memref_squeeze %dma_wait3A_1076 : memref<1x128x64xf32, #tpu.memory_space<hbm>> -> memref<128x64xf32, #tpu.memory_space<hbm>>
    %dma_wait3A_1078 = arith.constant 0 : i32
    %dma_wait3A_1079 = tpu.memref_slice %arg4[%dma_wait3A_1070, %mul3A_2, %dma_wait3A_1078] : memref<50x4096x64xf32, #tpu.memory_space<hbm>> -> memref<1x128x64xf32, #tpu.memory_space<hbm>>
    %dma_wait3A_1080 = tpu.memref_squeeze %dma_wait3A_1079 : memref<1x128x64xf32, #tpu.memory_space<hbm>> -> memref<128x64xf32, #tpu.memory_space<hbm>>
    %dma_wait3A_1081 = arith.constant 0 : i32
    %dma_wait3A_1082 = arith.constant 0 : i32
    %dma_wait3A_1083 = tpu.memref_slice %arg6[%dma_wait3A_1069, %dma_wait3A_1081, %dma_wait3A_1082] : memref<12x128x64xf32, #tpu.memory_space<vmem>> -> memref<1x128x64xf32, #tpu.memory_space<vmem>>
    %dma_wait3A_1084 = tpu.memref_squeeze %dma_wait3A_1083 : memref<1x128x64xf32, #tpu.memory_space<vmem>> -> memref<128x64xf32, #tpu.memory_space<vmem>>
    tpu.wait_dma2 semaphore(%arg20 : memref<!tpu.dma_semaphore, #tpu.memory_space<semaphore_mem>>) src(%dma_wait3A_1084 : memref<128x64xf32, #tpu.memory_space<vmem>>) dst(%dma_wait3A_1080 : memref<128x64xf32, #tpu.memory_space<hbm>>)
    %dma_start3A_1085 = arith.constant 25 : i32
    %dma_start3A_1086 = arith.constant 1 : i32
    %dma_start3A_1087 = arith.constant 0 : i32
    %dma_start3A_1088 = arith.constant 0 : i32
    %dma_start3A_1089 = tpu.memref_slice %arg6[%dma_start3A_1086, %dma_start3A_1087, %dma_start3A_1088] : memref<12x128x64xf32, #tpu.memory_space<vmem>> -> memref<1x128x64xf32, #tpu.memory_space<vmem>>
    %dma_start3A_1090 = tpu.memref_squeeze %dma_start3A_1089 : memref<1x128x64xf32, #tpu.memory_space<vmem>> -> memref<128x64xf32, #tpu.memory_space<vmem>>
    %dma_start3A_1091 = arith.constant 0 : i32
    %dma_start3A_1092 = tpu.memref_slice %arg5[%dma_start3A_1085, %dma_start3A_1091] : memref<50x128xi32, #tpu.memory_space<vmem>> -> memref<1x128xi32, #tpu.memory_space<vmem>>
    %dma_start3A_1093 = tpu.memref_squeeze %dma_start3A_1092 : memref<1x128xi32, #tpu.memory_space<vmem>> -> memref<128xi32, #tpu.memory_space<vmem>>
    %dma_start3A_1094 = arith.constant 0 : i32
    %dma_start3A_1095 = arith.constant 0 : i32
    %dma_start3A_1096 = tpu.memref_slice %arg2[%dma_start3A_1094, %dma_start3A_1095] : memref<100000x64xf32, #tpu.memory_space<hbm>> -> memref<100000x64xf32, #tpu.memory_space<hbm>>
    tpu.enqueue_indirect_dma source(%dma_start3A_1096 : memref<100000x64xf32, #tpu.memory_space<hbm>>) target(%dma_start3A_1090 : memref<128x64xf32, #tpu.memory_space<vmem>>) offsets(%dma_start3A_1093 : memref<128xi32, #tpu.memory_space<vmem>>) semaphore(%arg8 : memref<!tpu.dma_semaphore, #tpu.memory_space<semaphore_mem>>)
    %dma_wait3A_1097 = arith.constant 20 : i32
    %dma_wait3A_1098 = arith.constant 8 : i32
    %dma_wait3A_1099 = arith.constant 0 : i32
    %dma_wait3A_1100 = arith.constant 0 : i32
    %dma_wait3A_1101 = tpu.memref_slice %arg6[%dma_wait3A_1098, %dma_wait3A_1099, %dma_wait3A_1100] : memref<12x128x64xf32, #tpu.memory_space<vmem>> -> memref<1x128x64xf32, #tpu.memory_space<vmem>>
    %dma_wait3A_1102 = tpu.memref_squeeze %dma_wait3A_1101 : memref<1x128x64xf32, #tpu.memory_space<vmem>> -> memref<128x64xf32, #tpu.memory_space<vmem>>
    %dma_wait3A_1103 = arith.constant 0 : i32
    %dma_wait3A_1104 = tpu.memref_slice %arg5[%dma_wait3A_1097, %dma_wait3A_1103] : memref<50x128xi32, #tpu.memory_space<vmem>> -> memref<1x128xi32, #tpu.memory_space<vmem>>
    %dma_wait3A_1105 = tpu.memref_squeeze %dma_wait3A_1104 : memref<1x128xi32, #tpu.memory_space<vmem>> -> memref<128xi32, #tpu.memory_space<vmem>>
    %dma_wait3A_1106 = arith.constant 0 : i32
    %dma_wait3A_1107 = arith.constant 0 : i32
    %dma_wait3A_1108 = tpu.memref_slice %arg2[%dma_wait3A_1106, %dma_wait3A_1107] : memref<100000x64xf32, #tpu.memory_space<hbm>> -> memref<100000x64xf32, #tpu.memory_space<hbm>>
    tpu.wait_indirect_dma semaphore(%arg15 : memref<!tpu.dma_semaphore, #tpu.memory_space<semaphore_mem>>) src(%dma_wait3A_1108 : memref<100000x64xf32, #tpu.memory_space<hbm>>) dst(%dma_wait3A_1102 : memref<128x64xf32, #tpu.memory_space<vmem>>)
    %dma_start3A_1109 = arith.constant 8 : i32
    %dma_start3A_1110 = arith.constant 20 : i32
    %dma_start3A_1111 = arith.constant 0 : i32
    %dma_start3A_1112 = arith.constant 0 : i32
    %dma_start3A_1113 = tpu.memref_slice %arg6[%dma_start3A_1109, %dma_start3A_1111, %dma_start3A_1112] : memref<12x128x64xf32, #tpu.memory_space<vmem>> -> memref<1x128x64xf32, #tpu.memory_space<vmem>>
    %dma_start3A_1114 = tpu.memref_squeeze %dma_start3A_1113 : memref<1x128x64xf32, #tpu.memory_space<vmem>> -> memref<128x64xf32, #tpu.memory_space<vmem>>
    %dma_start3A_1115 = arith.constant 0 : i32
    %dma_start3A_1116 = tpu.memref_slice %arg4[%dma_start3A_1110, %mul3A_2, %dma_start3A_1115] : memref<50x4096x64xf32, #tpu.memory_space<hbm>> -> memref<1x128x64xf32, #tpu.memory_space<hbm>>
    %dma_start3A_1117 = tpu.memref_squeeze %dma_start3A_1116 : memref<1x128x64xf32, #tpu.memory_space<hbm>> -> memref<128x64xf32, #tpu.memory_space<hbm>>
    %dma_start3A_1118 = arith.constant 0 : i32
    %dma_start3A_1119 = tpu.memref_slice %arg4[%dma_start3A_1110, %mul3A_2, %dma_start3A_1118] : memref<50x4096x64xf32, #tpu.memory_space<hbm>> -> memref<1x128x64xf32, #tpu.memory_space<hbm>>
    %dma_start3A_1120 = tpu.memref_squeeze %dma_start3A_1119 : memref<1x128x64xf32, #tpu.memory_space<hbm>> -> memref<128x64xf32, #tpu.memory_space<hbm>>
    %dma_start3A_1121 = arith.constant 0 : i32
    %dma_start3A_1122 = arith.constant 0 : i32
    %dma_start3A_1123 = tpu.memref_slice %arg6[%dma_start3A_1109, %dma_start3A_1121, %dma_start3A_1122] : memref<12x128x64xf32, #tpu.memory_space<vmem>> -> memref<1x128x64xf32, #tpu.memory_space<vmem>>
    %dma_start3A_1124 = tpu.memref_squeeze %dma_start3A_1123 : memref<1x128x64xf32, #tpu.memory_space<vmem>> -> memref<128x64xf32, #tpu.memory_space<vmem>>
    tpu.enqueue_dma source(%dma_start3A_1124 : memref<128x64xf32, #tpu.memory_space<vmem>>) target(%dma_start3A_1120 : memref<128x64xf32, #tpu.memory_space<hbm>>) target_semaphore(%arg27 : memref<!tpu.dma_semaphore, #tpu.memory_space<semaphore_mem>>)
    %dma_wait3A_1125 = arith.constant 2 : i32
    %dma_wait3A_1126 = arith.constant 14 : i32
    %dma_wait3A_1127 = arith.constant 0 : i32
    %dma_wait3A_1128 = arith.constant 0 : i32
    %dma_wait3A_1129 = tpu.memref_slice %arg6[%dma_wait3A_1125, %dma_wait3A_1127, %dma_wait3A_1128] : memref<12x128x64xf32, #tpu.memory_space<vmem>> -> memref<1x128x64xf32, #tpu.memory_space<vmem>>
    %dma_wait3A_1130 = tpu.memref_squeeze %dma_wait3A_1129 : memref<1x128x64xf32, #tpu.memory_space<vmem>> -> memref<128x64xf32, #tpu.memory_space<vmem>>
    %dma_wait3A_1131 = arith.constant 0 : i32
    %dma_wait3A_1132 = tpu.memref_slice %arg4[%dma_wait3A_1126, %mul3A_2, %dma_wait3A_1131] : memref<50x4096x64xf32, #tpu.memory_space<hbm>> -> memref<1x128x64xf32, #tpu.memory_space<hbm>>
    %dma_wait3A_1133 = tpu.memref_squeeze %dma_wait3A_1132 : memref<1x128x64xf32, #tpu.memory_space<hbm>> -> memref<128x64xf32, #tpu.memory_space<hbm>>
    %dma_wait3A_1134 = arith.constant 0 : i32
    %dma_wait3A_1135 = tpu.memref_slice %arg4[%dma_wait3A_1126, %mul3A_2, %dma_wait3A_1134] : memref<50x4096x64xf32, #tpu.memory_space<hbm>> -> memref<1x128x64xf32, #tpu.memory_space<hbm>>
    %dma_wait3A_1136 = tpu.memref_squeeze %dma_wait3A_1135 : memref<1x128x64xf32, #tpu.memory_space<hbm>> -> memref<128x64xf32, #tpu.memory_space<hbm>>
    %dma_wait3A_1137 = arith.constant 0 : i32
    %dma_wait3A_1138 = arith.constant 0 : i32
    %dma_wait3A_1139 = tpu.memref_slice %arg6[%dma_wait3A_1125, %dma_wait3A_1137, %dma_wait3A_1138] : memref<12x128x64xf32, #tpu.memory_space<vmem>> -> memref<1x128x64xf32, #tpu.memory_space<vmem>>
    %dma_wait3A_1140 = tpu.memref_squeeze %dma_wait3A_1139 : memref<1x128x64xf32, #tpu.memory_space<vmem>> -> memref<128x64xf32, #tpu.memory_space<vmem>>
    tpu.wait_dma2 semaphore(%arg21 : memref<!tpu.dma_semaphore, #tpu.memory_space<semaphore_mem>>) src(%dma_wait3A_1140 : memref<128x64xf32, #tpu.memory_space<vmem>>) dst(%dma_wait3A_1136 : memref<128x64xf32, #tpu.memory_space<hbm>>)
    %dma_start3A_1141 = arith.constant 26 : i32
    %dma_start3A_1142 = arith.constant 2 : i32
    %dma_start3A_1143 = arith.constant 0 : i32
    %dma_start3A_1144 = arith.constant 0 : i32
    %dma_start3A_1145 = tpu.memref_slice %arg6[%dma_start3A_1142, %dma_start3A_1143, %dma_start3A_1144] : memref<12x128x64xf32, #tpu.memory_space<vmem>> -> memref<1x128x64xf32, #tpu.memory_space<vmem>>
    %dma_start3A_1146 = tpu.memref_squeeze %dma_start3A_1145 : memref<1x128x64xf32, #tpu.memory_space<vmem>> -> memref<128x64xf32, #tpu.memory_space<vmem>>
    %dma_start3A_1147 = arith.constant 0 : i32
    %dma_start3A_1148 = tpu.memref_slice %arg5[%dma_start3A_1141, %dma_start3A_1147] : memref<50x128xi32, #tpu.memory_space<vmem>> -> memref<1x128xi32, #tpu.memory_space<vmem>>
    %dma_start3A_1149 = tpu.memref_squeeze %dma_start3A_1148 : memref<1x128xi32, #tpu.memory_space<vmem>> -> memref<128xi32, #tpu.memory_space<vmem>>
    %dma_start3A_1150 = arith.constant 0 : i32
    %dma_start3A_1151 = arith.constant 0 : i32
    %dma_start3A_1152 = tpu.memref_slice %arg2[%dma_start3A_1150, %dma_start3A_1151] : memref<100000x64xf32, #tpu.memory_space<hbm>> -> memref<100000x64xf32, #tpu.memory_space<hbm>>
    tpu.enqueue_indirect_dma source(%dma_start3A_1152 : memref<100000x64xf32, #tpu.memory_space<hbm>>) target(%dma_start3A_1146 : memref<128x64xf32, #tpu.memory_space<vmem>>) offsets(%dma_start3A_1149 : memref<128xi32, #tpu.memory_space<vmem>>) semaphore(%arg9 : memref<!tpu.dma_semaphore, #tpu.memory_space<semaphore_mem>>)
    %dma_wait3A_1153 = arith.constant 21 : i32
    %dma_wait3A_1154 = arith.constant 9 : i32
    %dma_wait3A_1155 = arith.constant 0 : i32
    %dma_wait3A_1156 = arith.constant 0 : i32
    %dma_wait3A_1157 = tpu.memref_slice %arg6[%dma_wait3A_1154, %dma_wait3A_1155, %dma_wait3A_1156] : memref<12x128x64xf32, #tpu.memory_space<vmem>> -> memref<1x128x64xf32, #tpu.memory_space<vmem>>
    %dma_wait3A_1158 = tpu.memref_squeeze %dma_wait3A_1157 : memref<1x128x64xf32, #tpu.memory_space<vmem>> -> memref<128x64xf32, #tpu.memory_space<vmem>>
    %dma_wait3A_1159 = arith.constant 0 : i32
    %dma_wait3A_1160 = tpu.memref_slice %arg5[%dma_wait3A_1153, %dma_wait3A_1159] : memref<50x128xi32, #tpu.memory_space<vmem>> -> memref<1x128xi32, #tpu.memory_space<vmem>>
    %dma_wait3A_1161 = tpu.memref_squeeze %dma_wait3A_1160 : memref<1x128xi32, #tpu.memory_space<vmem>> -> memref<128xi32, #tpu.memory_space<vmem>>
    %dma_wait3A_1162 = arith.constant 0 : i32
    %dma_wait3A_1163 = arith.constant 0 : i32
    %dma_wait3A_1164 = tpu.memref_slice %arg2[%dma_wait3A_1162, %dma_wait3A_1163] : memref<100000x64xf32, #tpu.memory_space<hbm>> -> memref<100000x64xf32, #tpu.memory_space<hbm>>
    tpu.wait_indirect_dma semaphore(%arg16 : memref<!tpu.dma_semaphore, #tpu.memory_space<semaphore_mem>>) src(%dma_wait3A_1164 : memref<100000x64xf32, #tpu.memory_space<hbm>>) dst(%dma_wait3A_1158 : memref<128x64xf32, #tpu.memory_space<vmem>>)
    %dma_start3A_1165 = arith.constant 9 : i32
    %dma_start3A_1166 = arith.constant 21 : i32
    %dma_start3A_1167 = arith.constant 0 : i32
    %dma_start3A_1168 = arith.constant 0 : i32
    %dma_start3A_1169 = tpu.memref_slice %arg6[%dma_start3A_1165, %dma_start3A_1167, %dma_start3A_1168] : memref<12x128x64xf32, #tpu.memory_space<vmem>> -> memref<1x128x64xf32, #tpu.memory_space<vmem>>
    %dma_start3A_1170 = tpu.memref_squeeze %dma_start3A_1169 : memref<1x128x64xf32, #tpu.memory_space<vmem>> -> memref<128x64xf32, #tpu.memory_space<vmem>>
    %dma_start3A_1171 = arith.constant 0 : i32
    %dma_start3A_1172 = tpu.memref_slice %arg4[%dma_start3A_1166, %mul3A_2, %dma_start3A_1171] : memref<50x4096x64xf32, #tpu.memory_space<hbm>> -> memref<1x128x64xf32, #tpu.memory_space<hbm>>
    %dma_start3A_1173 = tpu.memref_squeeze %dma_start3A_1172 : memref<1x128x64xf32, #tpu.memory_space<hbm>> -> memref<128x64xf32, #tpu.memory_space<hbm>>
    %dma_start3A_1174 = arith.constant 0 : i32
    %dma_start3A_1175 = tpu.memref_slice %arg4[%dma_start3A_1166, %mul3A_2, %dma_start3A_1174] : memref<50x4096x64xf32, #tpu.memory_space<hbm>> -> memref<1x128x64xf32, #tpu.memory_space<hbm>>
    %dma_start3A_1176 = tpu.memref_squeeze %dma_start3A_1175 : memref<1x128x64xf32, #tpu.memory_space<hbm>> -> memref<128x64xf32, #tpu.memory_space<hbm>>
    %dma_start3A_1177 = arith.constant 0 : i32
    %dma_start3A_1178 = arith.constant 0 : i32
    %dma_start3A_1179 = tpu.memref_slice %arg6[%dma_start3A_1165, %dma_start3A_1177, %dma_start3A_1178] : memref<12x128x64xf32, #tpu.memory_space<vmem>> -> memref<1x128x64xf32, #tpu.memory_space<vmem>>
    %dma_start3A_1180 = tpu.memref_squeeze %dma_start3A_1179 : memref<1x128x64xf32, #tpu.memory_space<vmem>> -> memref<128x64xf32, #tpu.memory_space<vmem>>
    tpu.enqueue_dma source(%dma_start3A_1180 : memref<128x64xf32, #tpu.memory_space<vmem>>) target(%dma_start3A_1176 : memref<128x64xf32, #tpu.memory_space<hbm>>) target_semaphore(%arg28 : memref<!tpu.dma_semaphore, #tpu.memory_space<semaphore_mem>>)
    %dma_wait3A_1181 = arith.constant 3 : i32
    %dma_wait3A_1182 = arith.constant 15 : i32
    %dma_wait3A_1183 = arith.constant 0 : i32
    %dma_wait3A_1184 = arith.constant 0 : i32
    %dma_wait3A_1185 = tpu.memref_slice %arg6[%dma_wait3A_1181, %dma_wait3A_1183, %dma_wait3A_1184] : memref<12x128x64xf32, #tpu.memory_space<vmem>> -> memref<1x128x64xf32, #tpu.memory_space<vmem>>
    %dma_wait3A_1186 = tpu.memref_squeeze %dma_wait3A_1185 : memref<1x128x64xf32, #tpu.memory_space<vmem>> -> memref<128x64xf32, #tpu.memory_space<vmem>>
    %dma_wait3A_1187 = arith.constant 0 : i32
    %dma_wait3A_1188 = tpu.memref_slice %arg4[%dma_wait3A_1182, %mul3A_2, %dma_wait3A_1187] : memref<50x4096x64xf32, #tpu.memory_space<hbm>> -> memref<1x128x64xf32, #tpu.memory_space<hbm>>
    %dma_wait3A_1189 = tpu.memref_squeeze %dma_wait3A_1188 : memref<1x128x64xf32, #tpu.memory_space<hbm>> -> memref<128x64xf32, #tpu.memory_space<hbm>>
    %dma_wait3A_1190 = arith.constant 0 : i32
    %dma_wait3A_1191 = tpu.memref_slice %arg4[%dma_wait3A_1182, %mul3A_2, %dma_wait3A_1190] : memref<50x4096x64xf32, #tpu.memory_space<hbm>> -> memref<1x128x64xf32, #tpu.memory_space<hbm>>
    %dma_wait3A_1192 = tpu.memref_squeeze %dma_wait3A_1191 : memref<1x128x64xf32, #tpu.memory_space<hbm>> -> memref<128x64xf32, #tpu.memory_space<hbm>>
    %dma_wait3A_1193 = arith.constant 0 : i32
    %dma_wait3A_1194 = arith.constant 0 : i32
    %dma_wait3A_1195 = tpu.memref_slice %arg6[%dma_wait3A_1181, %dma_wait3A_1193, %dma_wait3A_1194] : memref<12x128x64xf32, #tpu.memory_space<vmem>> -> memref<1x128x64xf32, #tpu.memory_space<vmem>>
    %dma_wait3A_1196 = tpu.memref_squeeze %dma_wait3A_1195 : memref<1x128x64xf32, #tpu.memory_space<vmem>> -> memref<128x64xf32, #tpu.memory_space<vmem>>
    tpu.wait_dma2 semaphore(%arg22 : memref<!tpu.dma_semaphore, #tpu.memory_space<semaphore_mem>>) src(%dma_wait3A_1196 : memref<128x64xf32, #tpu.memory_space<vmem>>) dst(%dma_wait3A_1192 : memref<128x64xf32, #tpu.memory_space<hbm>>)
    %dma_start3A_1197 = arith.constant 27 : i32
    %dma_start3A_1198 = arith.constant 3 : i32
    %dma_start3A_1199 = arith.constant 0 : i32
    %dma_start3A_1200 = arith.constant 0 : i32
    %dma_start3A_1201 = tpu.memref_slice %arg6[%dma_start3A_1198, %dma_start3A_1199, %dma_start3A_1200] : memref<12x128x64xf32, #tpu.memory_space<vmem>> -> memref<1x128x64xf32, #tpu.memory_space<vmem>>
    %dma_start3A_1202 = tpu.memref_squeeze %dma_start3A_1201 : memref<1x128x64xf32, #tpu.memory_space<vmem>> -> memref<128x64xf32, #tpu.memory_space<vmem>>
    %dma_start3A_1203 = arith.constant 0 : i32
    %dma_start3A_1204 = tpu.memref_slice %arg5[%dma_start3A_1197, %dma_start3A_1203] : memref<50x128xi32, #tpu.memory_space<vmem>> -> memref<1x128xi32, #tpu.memory_space<vmem>>
    %dma_start3A_1205 = tpu.memref_squeeze %dma_start3A_1204 : memref<1x128xi32, #tpu.memory_space<vmem>> -> memref<128xi32, #tpu.memory_space<vmem>>
    %dma_start3A_1206 = arith.constant 0 : i32
    %dma_start3A_1207 = arith.constant 0 : i32
    %dma_start3A_1208 = tpu.memref_slice %arg2[%dma_start3A_1206, %dma_start3A_1207] : memref<100000x64xf32, #tpu.memory_space<hbm>> -> memref<100000x64xf32, #tpu.memory_space<hbm>>
    tpu.enqueue_indirect_dma source(%dma_start3A_1208 : memref<100000x64xf32, #tpu.memory_space<hbm>>) target(%dma_start3A_1202 : memref<128x64xf32, #tpu.memory_space<vmem>>) offsets(%dma_start3A_1205 : memref<128xi32, #tpu.memory_space<vmem>>) semaphore(%arg10 : memref<!tpu.dma_semaphore, #tpu.memory_space<semaphore_mem>>)
    %dma_wait3A_1209 = arith.constant 22 : i32
    %dma_wait3A_1210 = arith.constant 10 : i32
    %dma_wait3A_1211 = arith.constant 0 : i32
    %dma_wait3A_1212 = arith.constant 0 : i32
    %dma_wait3A_1213 = tpu.memref_slice %arg6[%dma_wait3A_1210, %dma_wait3A_1211, %dma_wait3A_1212] : memref<12x128x64xf32, #tpu.memory_space<vmem>> -> memref<1x128x64xf32, #tpu.memory_space<vmem>>
    %dma_wait3A_1214 = tpu.memref_squeeze %dma_wait3A_1213 : memref<1x128x64xf32, #tpu.memory_space<vmem>> -> memref<128x64xf32, #tpu.memory_space<vmem>>
    %dma_wait3A_1215 = arith.constant 0 : i32
    %dma_wait3A_1216 = tpu.memref_slice %arg5[%dma_wait3A_1209, %dma_wait3A_1215] : memref<50x128xi32, #tpu.memory_space<vmem>> -> memref<1x128xi32, #tpu.memory_space<vmem>>
    %dma_wait3A_1217 = tpu.memref_squeeze %dma_wait3A_1216 : memref<1x128xi32, #tpu.memory_space<vmem>> -> memref<128xi32, #tpu.memory_space<vmem>>
    %dma_wait3A_1218 = arith.constant 0 : i32
    %dma_wait3A_1219 = arith.constant 0 : i32
    %dma_wait3A_1220 = tpu.memref_slice %arg2[%dma_wait3A_1218, %dma_wait3A_1219] : memref<100000x64xf32, #tpu.memory_space<hbm>> -> memref<100000x64xf32, #tpu.memory_space<hbm>>
    tpu.wait_indirect_dma semaphore(%arg17 : memref<!tpu.dma_semaphore, #tpu.memory_space<semaphore_mem>>) src(%dma_wait3A_1220 : memref<100000x64xf32, #tpu.memory_space<hbm>>) dst(%dma_wait3A_1214 : memref<128x64xf32, #tpu.memory_space<vmem>>)
    %dma_start3A_1221 = arith.constant 10 : i32
    %dma_start3A_1222 = arith.constant 22 : i32
    %dma_start3A_1223 = arith.constant 0 : i32
    %dma_start3A_1224 = arith.constant 0 : i32
    %dma_start3A_1225 = tpu.memref_slice %arg6[%dma_start3A_1221, %dma_start3A_1223, %dma_start3A_1224] : memref<12x128x64xf32, #tpu.memory_space<vmem>> -> memref<1x128x64xf32, #tpu.memory_space<vmem>>
    %dma_start3A_1226 = tpu.memref_squeeze %dma_start3A_1225 : memref<1x128x64xf32, #tpu.memory_space<vmem>> -> memref<128x64xf32, #tpu.memory_space<vmem>>
    %dma_start3A_1227 = arith.constant 0 : i32
    %dma_start3A_1228 = tpu.memref_slice %arg4[%dma_start3A_1222, %mul3A_2, %dma_start3A_1227] : memref<50x4096x64xf32, #tpu.memory_space<hbm>> -> memref<1x128x64xf32, #tpu.memory_space<hbm>>
    %dma_start3A_1229 = tpu.memref_squeeze %dma_start3A_1228 : memref<1x128x64xf32, #tpu.memory_space<hbm>> -> memref<128x64xf32, #tpu.memory_space<hbm>>
    %dma_start3A_1230 = arith.constant 0 : i32
    %dma_start3A_1231 = tpu.memref_slice %arg4[%dma_start3A_1222, %mul3A_2, %dma_start3A_1230] : memref<50x4096x64xf32, #tpu.memory_space<hbm>> -> memref<1x128x64xf32, #tpu.memory_space<hbm>>
    %dma_start3A_1232 = tpu.memref_squeeze %dma_start3A_1231 : memref<1x128x64xf32, #tpu.memory_space<hbm>> -> memref<128x64xf32, #tpu.memory_space<hbm>>
    %dma_start3A_1233 = arith.constant 0 : i32
    %dma_start3A_1234 = arith.constant 0 : i32
    %dma_start3A_1235 = tpu.memref_slice %arg6[%dma_start3A_1221, %dma_start3A_1233, %dma_start3A_1234] : memref<12x128x64xf32, #tpu.memory_space<vmem>> -> memref<1x128x64xf32, #tpu.memory_space<vmem>>
    %dma_start3A_1236 = tpu.memref_squeeze %dma_start3A_1235 : memref<1x128x64xf32, #tpu.memory_space<vmem>> -> memref<128x64xf32, #tpu.memory_space<vmem>>
    tpu.enqueue_dma source(%dma_start3A_1236 : memref<128x64xf32, #tpu.memory_space<vmem>>) target(%dma_start3A_1232 : memref<128x64xf32, #tpu.memory_space<hbm>>) target_semaphore(%arg29 : memref<!tpu.dma_semaphore, #tpu.memory_space<semaphore_mem>>)
    %dma_wait3A_1237 = arith.constant 4 : i32
    %dma_wait3A_1238 = arith.constant 16 : i32
    %dma_wait3A_1239 = arith.constant 0 : i32
    %dma_wait3A_1240 = arith.constant 0 : i32
    %dma_wait3A_1241 = tpu.memref_slice %arg6[%dma_wait3A_1237, %dma_wait3A_1239, %dma_wait3A_1240] : memref<12x128x64xf32, #tpu.memory_space<vmem>> -> memref<1x128x64xf32, #tpu.memory_space<vmem>>
    %dma_wait3A_1242 = tpu.memref_squeeze %dma_wait3A_1241 : memref<1x128x64xf32, #tpu.memory_space<vmem>> -> memref<128x64xf32, #tpu.memory_space<vmem>>
    %dma_wait3A_1243 = arith.constant 0 : i32
    %dma_wait3A_1244 = tpu.memref_slice %arg4[%dma_wait3A_1238, %mul3A_2, %dma_wait3A_1243] : memref<50x4096x64xf32, #tpu.memory_space<hbm>> -> memref<1x128x64xf32, #tpu.memory_space<hbm>>
    %dma_wait3A_1245 = tpu.memref_squeeze %dma_wait3A_1244 : memref<1x128x64xf32, #tpu.memory_space<hbm>> -> memref<128x64xf32, #tpu.memory_space<hbm>>
    %dma_wait3A_1246 = arith.constant 0 : i32
    %dma_wait3A_1247 = tpu.memref_slice %arg4[%dma_wait3A_1238, %mul3A_2, %dma_wait3A_1246] : memref<50x4096x64xf32, #tpu.memory_space<hbm>> -> memref<1x128x64xf32, #tpu.memory_space<hbm>>
    %dma_wait3A_1248 = tpu.memref_squeeze %dma_wait3A_1247 : memref<1x128x64xf32, #tpu.memory_space<hbm>> -> memref<128x64xf32, #tpu.memory_space<hbm>>
    %dma_wait3A_1249 = arith.constant 0 : i32
    %dma_wait3A_1250 = arith.constant 0 : i32
    %dma_wait3A_1251 = tpu.memref_slice %arg6[%dma_wait3A_1237, %dma_wait3A_1249, %dma_wait3A_1250] : memref<12x128x64xf32, #tpu.memory_space<vmem>> -> memref<1x128x64xf32, #tpu.memory_space<vmem>>
    %dma_wait3A_1252 = tpu.memref_squeeze %dma_wait3A_1251 : memref<1x128x64xf32, #tpu.memory_space<vmem>> -> memref<128x64xf32, #tpu.memory_space<vmem>>
    tpu.wait_dma2 semaphore(%arg23 : memref<!tpu.dma_semaphore, #tpu.memory_space<semaphore_mem>>) src(%dma_wait3A_1252 : memref<128x64xf32, #tpu.memory_space<vmem>>) dst(%dma_wait3A_1248 : memref<128x64xf32, #tpu.memory_space<hbm>>)
    %dma_start3A_1253 = arith.constant 28 : i32
    %dma_start3A_1254 = arith.constant 4 : i32
    %dma_start3A_1255 = arith.constant 0 : i32
    %dma_start3A_1256 = arith.constant 0 : i32
    %dma_start3A_1257 = tpu.memref_slice %arg6[%dma_start3A_1254, %dma_start3A_1255, %dma_start3A_1256] : memref<12x128x64xf32, #tpu.memory_space<vmem>> -> memref<1x128x64xf32, #tpu.memory_space<vmem>>
    %dma_start3A_1258 = tpu.memref_squeeze %dma_start3A_1257 : memref<1x128x64xf32, #tpu.memory_space<vmem>> -> memref<128x64xf32, #tpu.memory_space<vmem>>
    %dma_start3A_1259 = arith.constant 0 : i32
    %dma_start3A_1260 = tpu.memref_slice %arg5[%dma_start3A_1253, %dma_start3A_1259] : memref<50x128xi32, #tpu.memory_space<vmem>> -> memref<1x128xi32, #tpu.memory_space<vmem>>
    %dma_start3A_1261 = tpu.memref_squeeze %dma_start3A_1260 : memref<1x128xi32, #tpu.memory_space<vmem>> -> memref<128xi32, #tpu.memory_space<vmem>>
    %dma_start3A_1262 = arith.constant 0 : i32
    %dma_start3A_1263 = arith.constant 0 : i32
    %dma_start3A_1264 = tpu.memref_slice %arg2[%dma_start3A_1262, %dma_start3A_1263] : memref<100000x64xf32, #tpu.memory_space<hbm>> -> memref<100000x64xf32, #tpu.memory_space<hbm>>
    tpu.enqueue_indirect_dma source(%dma_start3A_1264 : memref<100000x64xf32, #tpu.memory_space<hbm>>) target(%dma_start3A_1258 : memref<128x64xf32, #tpu.memory_space<vmem>>) offsets(%dma_start3A_1261 : memref<128xi32, #tpu.memory_space<vmem>>) semaphore(%arg11 : memref<!tpu.dma_semaphore, #tpu.memory_space<semaphore_mem>>)
    %dma_wait3A_1265 = arith.constant 23 : i32
    %dma_wait3A_1266 = arith.constant 11 : i32
    %dma_wait3A_1267 = arith.constant 0 : i32
    %dma_wait3A_1268 = arith.constant 0 : i32
    %dma_wait3A_1269 = tpu.memref_slice %arg6[%dma_wait3A_1266, %dma_wait3A_1267, %dma_wait3A_1268] : memref<12x128x64xf32, #tpu.memory_space<vmem>> -> memref<1x128x64xf32, #tpu.memory_space<vmem>>
    %dma_wait3A_1270 = tpu.memref_squeeze %dma_wait3A_1269 : memref<1x128x64xf32, #tpu.memory_space<vmem>> -> memref<128x64xf32, #tpu.memory_space<vmem>>
    %dma_wait3A_1271 = arith.constant 0 : i32
    %dma_wait3A_1272 = tpu.memref_slice %arg5[%dma_wait3A_1265, %dma_wait3A_1271] : memref<50x128xi32, #tpu.memory_space<vmem>> -> memref<1x128xi32, #tpu.memory_space<vmem>>
    %dma_wait3A_1273 = tpu.memref_squeeze %dma_wait3A_1272 : memref<1x128xi32, #tpu.memory_space<vmem>> -> memref<128xi32, #tpu.memory_space<vmem>>
    %dma_wait3A_1274 = arith.constant 0 : i32
    %dma_wait3A_1275 = arith.constant 0 : i32
    %dma_wait3A_1276 = tpu.memref_slice %arg2[%dma_wait3A_1274, %dma_wait3A_1275] : memref<100000x64xf32, #tpu.memory_space<hbm>> -> memref<100000x64xf32, #tpu.memory_space<hbm>>
    tpu.wait_indirect_dma semaphore(%arg18 : memref<!tpu.dma_semaphore, #tpu.memory_space<semaphore_mem>>) src(%dma_wait3A_1276 : memref<100000x64xf32, #tpu.memory_space<hbm>>) dst(%dma_wait3A_1270 : memref<128x64xf32, #tpu.memory_space<vmem>>)
    %dma_start3A_1277 = arith.constant 11 : i32
    %dma_start3A_1278 = arith.constant 23 : i32
    %dma_start3A_1279 = arith.constant 0 : i32
    %dma_start3A_1280 = arith.constant 0 : i32
    %dma_start3A_1281 = tpu.memref_slice %arg6[%dma_start3A_1277, %dma_start3A_1279, %dma_start3A_1280] : memref<12x128x64xf32, #tpu.memory_space<vmem>> -> memref<1x128x64xf32, #tpu.memory_space<vmem>>
    %dma_start3A_1282 = tpu.memref_squeeze %dma_start3A_1281 : memref<1x128x64xf32, #tpu.memory_space<vmem>> -> memref<128x64xf32, #tpu.memory_space<vmem>>
    %dma_start3A_1283 = arith.constant 0 : i32
    %dma_start3A_1284 = tpu.memref_slice %arg4[%dma_start3A_1278, %mul3A_2, %dma_start3A_1283] : memref<50x4096x64xf32, #tpu.memory_space<hbm>> -> memref<1x128x64xf32, #tpu.memory_space<hbm>>
    %dma_start3A_1285 = tpu.memref_squeeze %dma_start3A_1284 : memref<1x128x64xf32, #tpu.memory_space<hbm>> -> memref<128x64xf32, #tpu.memory_space<hbm>>
    %dma_start3A_1286 = arith.constant 0 : i32
    %dma_start3A_1287 = tpu.memref_slice %arg4[%dma_start3A_1278, %mul3A_2, %dma_start3A_1286] : memref<50x4096x64xf32, #tpu.memory_space<hbm>> -> memref<1x128x64xf32, #tpu.memory_space<hbm>>
    %dma_start3A_1288 = tpu.memref_squeeze %dma_start3A_1287 : memref<1x128x64xf32, #tpu.memory_space<hbm>> -> memref<128x64xf32, #tpu.memory_space<hbm>>
    %dma_start3A_1289 = arith.constant 0 : i32
    %dma_start3A_1290 = arith.constant 0 : i32
    %dma_start3A_1291 = tpu.memref_slice %arg6[%dma_start3A_1277, %dma_start3A_1289, %dma_start3A_1290] : memref<12x128x64xf32, #tpu.memory_space<vmem>> -> memref<1x128x64xf32, #tpu.memory_space<vmem>>
    %dma_start3A_1292 = tpu.memref_squeeze %dma_start3A_1291 : memref<1x128x64xf32, #tpu.memory_space<vmem>> -> memref<128x64xf32, #tpu.memory_space<vmem>>
    tpu.enqueue_dma source(%dma_start3A_1292 : memref<128x64xf32, #tpu.memory_space<vmem>>) target(%dma_start3A_1288 : memref<128x64xf32, #tpu.memory_space<hbm>>) target_semaphore(%arg30 : memref<!tpu.dma_semaphore, #tpu.memory_space<semaphore_mem>>)
    %dma_wait3A_1293 = arith.constant 5 : i32
    %dma_wait3A_1294 = arith.constant 17 : i32
    %dma_wait3A_1295 = arith.constant 0 : i32
    %dma_wait3A_1296 = arith.constant 0 : i32
    %dma_wait3A_1297 = tpu.memref_slice %arg6[%dma_wait3A_1293, %dma_wait3A_1295, %dma_wait3A_1296] : memref<12x128x64xf32, #tpu.memory_space<vmem>> -> memref<1x128x64xf32, #tpu.memory_space<vmem>>
    %dma_wait3A_1298 = tpu.memref_squeeze %dma_wait3A_1297 : memref<1x128x64xf32, #tpu.memory_space<vmem>> -> memref<128x64xf32, #tpu.memory_space<vmem>>
    %dma_wait3A_1299 = arith.constant 0 : i32
    %dma_wait3A_1300 = tpu.memref_slice %arg4[%dma_wait3A_1294, %mul3A_2, %dma_wait3A_1299] : memref<50x4096x64xf32, #tpu.memory_space<hbm>> -> memref<1x128x64xf32, #tpu.memory_space<hbm>>
    %dma_wait3A_1301 = tpu.memref_squeeze %dma_wait3A_1300 : memref<1x128x64xf32, #tpu.memory_space<hbm>> -> memref<128x64xf32, #tpu.memory_space<hbm>>
    %dma_wait3A_1302 = arith.constant 0 : i32
    %dma_wait3A_1303 = tpu.memref_slice %arg4[%dma_wait3A_1294, %mul3A_2, %dma_wait3A_1302] : memref<50x4096x64xf32, #tpu.memory_space<hbm>> -> memref<1x128x64xf32, #tpu.memory_space<hbm>>
    %dma_wait3A_1304 = tpu.memref_squeeze %dma_wait3A_1303 : memref<1x128x64xf32, #tpu.memory_space<hbm>> -> memref<128x64xf32, #tpu.memory_space<hbm>>
    %dma_wait3A_1305 = arith.constant 0 : i32
    %dma_wait3A_1306 = arith.constant 0 : i32
    %dma_wait3A_1307 = tpu.memref_slice %arg6[%dma_wait3A_1293, %dma_wait3A_1305, %dma_wait3A_1306] : memref<12x128x64xf32, #tpu.memory_space<vmem>> -> memref<1x128x64xf32, #tpu.memory_space<vmem>>
    %dma_wait3A_1308 = tpu.memref_squeeze %dma_wait3A_1307 : memref<1x128x64xf32, #tpu.memory_space<vmem>> -> memref<128x64xf32, #tpu.memory_space<vmem>>
    tpu.wait_dma2 semaphore(%arg24 : memref<!tpu.dma_semaphore, #tpu.memory_space<semaphore_mem>>) src(%dma_wait3A_1308 : memref<128x64xf32, #tpu.memory_space<vmem>>) dst(%dma_wait3A_1304 : memref<128x64xf32, #tpu.memory_space<hbm>>)
    %dma_start3A_1309 = arith.constant 29 : i32
    %dma_start3A_1310 = arith.constant 5 : i32
    %dma_start3A_1311 = arith.constant 0 : i32
    %dma_start3A_1312 = arith.constant 0 : i32
    %dma_start3A_1313 = tpu.memref_slice %arg6[%dma_start3A_1310, %dma_start3A_1311, %dma_start3A_1312] : memref<12x128x64xf32, #tpu.memory_space<vmem>> -> memref<1x128x64xf32, #tpu.memory_space<vmem>>
    %dma_start3A_1314 = tpu.memref_squeeze %dma_start3A_1313 : memref<1x128x64xf32, #tpu.memory_space<vmem>> -> memref<128x64xf32, #tpu.memory_space<vmem>>
    %dma_start3A_1315 = arith.constant 0 : i32
    %dma_start3A_1316 = tpu.memref_slice %arg5[%dma_start3A_1309, %dma_start3A_1315] : memref<50x128xi32, #tpu.memory_space<vmem>> -> memref<1x128xi32, #tpu.memory_space<vmem>>
    %dma_start3A_1317 = tpu.memref_squeeze %dma_start3A_1316 : memref<1x128xi32, #tpu.memory_space<vmem>> -> memref<128xi32, #tpu.memory_space<vmem>>
    %dma_start3A_1318 = arith.constant 0 : i32
    %dma_start3A_1319 = arith.constant 0 : i32
    %dma_start3A_1320 = tpu.memref_slice %arg2[%dma_start3A_1318, %dma_start3A_1319] : memref<100000x64xf32, #tpu.memory_space<hbm>> -> memref<100000x64xf32, #tpu.memory_space<hbm>>
    tpu.enqueue_indirect_dma source(%dma_start3A_1320 : memref<100000x64xf32, #tpu.memory_space<hbm>>) target(%dma_start3A_1314 : memref<128x64xf32, #tpu.memory_space<vmem>>) offsets(%dma_start3A_1317 : memref<128xi32, #tpu.memory_space<vmem>>) semaphore(%arg12 : memref<!tpu.dma_semaphore, #tpu.memory_space<semaphore_mem>>)
    %dma_wait3A_1321 = arith.constant 24 : i32
    %dma_wait3A_1322 = arith.constant 0 : i32
    %dma_wait3A_1323 = arith.constant 0 : i32
    %dma_wait3A_1324 = arith.constant 0 : i32
    %dma_wait3A_1325 = tpu.memref_slice %arg6[%dma_wait3A_1322, %dma_wait3A_1323, %dma_wait3A_1324] : memref<12x128x64xf32, #tpu.memory_space<vmem>> -> memref<1x128x64xf32, #tpu.memory_space<vmem>>
    %dma_wait3A_1326 = tpu.memref_squeeze %dma_wait3A_1325 : memref<1x128x64xf32, #tpu.memory_space<vmem>> -> memref<128x64xf32, #tpu.memory_space<vmem>>
    %dma_wait3A_1327 = arith.constant 0 : i32
    %dma_wait3A_1328 = tpu.memref_slice %arg5[%dma_wait3A_1321, %dma_wait3A_1327] : memref<50x128xi32, #tpu.memory_space<vmem>> -> memref<1x128xi32, #tpu.memory_space<vmem>>
    %dma_wait3A_1329 = tpu.memref_squeeze %dma_wait3A_1328 : memref<1x128xi32, #tpu.memory_space<vmem>> -> memref<128xi32, #tpu.memory_space<vmem>>
    %dma_wait3A_1330 = arith.constant 0 : i32
    %dma_wait3A_1331 = arith.constant 0 : i32
    %dma_wait3A_1332 = tpu.memref_slice %arg2[%dma_wait3A_1330, %dma_wait3A_1331] : memref<100000x64xf32, #tpu.memory_space<hbm>> -> memref<100000x64xf32, #tpu.memory_space<hbm>>
    tpu.wait_indirect_dma semaphore(%arg7 : memref<!tpu.dma_semaphore, #tpu.memory_space<semaphore_mem>>) src(%dma_wait3A_1332 : memref<100000x64xf32, #tpu.memory_space<hbm>>) dst(%dma_wait3A_1326 : memref<128x64xf32, #tpu.memory_space<vmem>>)
    %dma_start3A_1333 = arith.constant 0 : i32
    %dma_start3A_1334 = arith.constant 24 : i32
    %dma_start3A_1335 = arith.constant 0 : i32
    %dma_start3A_1336 = arith.constant 0 : i32
    %dma_start3A_1337 = tpu.memref_slice %arg6[%dma_start3A_1333, %dma_start3A_1335, %dma_start3A_1336] : memref<12x128x64xf32, #tpu.memory_space<vmem>> -> memref<1x128x64xf32, #tpu.memory_space<vmem>>
    %dma_start3A_1338 = tpu.memref_squeeze %dma_start3A_1337 : memref<1x128x64xf32, #tpu.memory_space<vmem>> -> memref<128x64xf32, #tpu.memory_space<vmem>>
    %dma_start3A_1339 = arith.constant 0 : i32
    %dma_start3A_1340 = tpu.memref_slice %arg4[%dma_start3A_1334, %mul3A_2, %dma_start3A_1339] : memref<50x4096x64xf32, #tpu.memory_space<hbm>> -> memref<1x128x64xf32, #tpu.memory_space<hbm>>
    %dma_start3A_1341 = tpu.memref_squeeze %dma_start3A_1340 : memref<1x128x64xf32, #tpu.memory_space<hbm>> -> memref<128x64xf32, #tpu.memory_space<hbm>>
    %dma_start3A_1342 = arith.constant 0 : i32
    %dma_start3A_1343 = tpu.memref_slice %arg4[%dma_start3A_1334, %mul3A_2, %dma_start3A_1342] : memref<50x4096x64xf32, #tpu.memory_space<hbm>> -> memref<1x128x64xf32, #tpu.memory_space<hbm>>
    %dma_start3A_1344 = tpu.memref_squeeze %dma_start3A_1343 : memref<1x128x64xf32, #tpu.memory_space<hbm>> -> memref<128x64xf32, #tpu.memory_space<hbm>>
    %dma_start3A_1345 = arith.constant 0 : i32
    %dma_start3A_1346 = arith.constant 0 : i32
    %dma_start3A_1347 = tpu.memref_slice %arg6[%dma_start3A_1333, %dma_start3A_1345, %dma_start3A_1346] : memref<12x128x64xf32, #tpu.memory_space<vmem>> -> memref<1x128x64xf32, #tpu.memory_space<vmem>>
    %dma_start3A_1348 = tpu.memref_squeeze %dma_start3A_1347 : memref<1x128x64xf32, #tpu.memory_space<vmem>> -> memref<128x64xf32, #tpu.memory_space<vmem>>
    tpu.enqueue_dma source(%dma_start3A_1348 : memref<128x64xf32, #tpu.memory_space<vmem>>) target(%dma_start3A_1344 : memref<128x64xf32, #tpu.memory_space<hbm>>) target_semaphore(%arg19 : memref<!tpu.dma_semaphore, #tpu.memory_space<semaphore_mem>>)
    %dma_wait3A_1349 = arith.constant 6 : i32
    %dma_wait3A_1350 = arith.constant 18 : i32
    %dma_wait3A_1351 = arith.constant 0 : i32
    %dma_wait3A_1352 = arith.constant 0 : i32
    %dma_wait3A_1353 = tpu.memref_slice %arg6[%dma_wait3A_1349, %dma_wait3A_1351, %dma_wait3A_1352] : memref<12x128x64xf32, #tpu.memory_space<vmem>> -> memref<1x128x64xf32, #tpu.memory_space<vmem>>
    %dma_wait3A_1354 = tpu.memref_squeeze %dma_wait3A_1353 : memref<1x128x64xf32, #tpu.memory_space<vmem>> -> memref<128x64xf32, #tpu.memory_space<vmem>>
    %dma_wait3A_1355 = arith.constant 0 : i32
    %dma_wait3A_1356 = tpu.memref_slice %arg4[%dma_wait3A_1350, %mul3A_2, %dma_wait3A_1355] : memref<50x4096x64xf32, #tpu.memory_space<hbm>> -> memref<1x128x64xf32, #tpu.memory_space<hbm>>
    %dma_wait3A_1357 = tpu.memref_squeeze %dma_wait3A_1356 : memref<1x128x64xf32, #tpu.memory_space<hbm>> -> memref<128x64xf32, #tpu.memory_space<hbm>>
    %dma_wait3A_1358 = arith.constant 0 : i32
    %dma_wait3A_1359 = tpu.memref_slice %arg4[%dma_wait3A_1350, %mul3A_2, %dma_wait3A_1358] : memref<50x4096x64xf32, #tpu.memory_space<hbm>> -> memref<1x128x64xf32, #tpu.memory_space<hbm>>
    %dma_wait3A_1360 = tpu.memref_squeeze %dma_wait3A_1359 : memref<1x128x64xf32, #tpu.memory_space<hbm>> -> memref<128x64xf32, #tpu.memory_space<hbm>>
    %dma_wait3A_1361 = arith.constant 0 : i32
    %dma_wait3A_1362 = arith.constant 0 : i32
    %dma_wait3A_1363 = tpu.memref_slice %arg6[%dma_wait3A_1349, %dma_wait3A_1361, %dma_wait3A_1362] : memref<12x128x64xf32, #tpu.memory_space<vmem>> -> memref<1x128x64xf32, #tpu.memory_space<vmem>>
    %dma_wait3A_1364 = tpu.memref_squeeze %dma_wait3A_1363 : memref<1x128x64xf32, #tpu.memory_space<vmem>> -> memref<128x64xf32, #tpu.memory_space<vmem>>
    tpu.wait_dma2 semaphore(%arg25 : memref<!tpu.dma_semaphore, #tpu.memory_space<semaphore_mem>>) src(%dma_wait3A_1364 : memref<128x64xf32, #tpu.memory_space<vmem>>) dst(%dma_wait3A_1360 : memref<128x64xf32, #tpu.memory_space<hbm>>)
    %dma_start3A_1365 = arith.constant 30 : i32
    %dma_start3A_1366 = arith.constant 6 : i32
    %dma_start3A_1367 = arith.constant 0 : i32
    %dma_start3A_1368 = arith.constant 0 : i32
    %dma_start3A_1369 = tpu.memref_slice %arg6[%dma_start3A_1366, %dma_start3A_1367, %dma_start3A_1368] : memref<12x128x64xf32, #tpu.memory_space<vmem>> -> memref<1x128x64xf32, #tpu.memory_space<vmem>>
    %dma_start3A_1370 = tpu.memref_squeeze %dma_start3A_1369 : memref<1x128x64xf32, #tpu.memory_space<vmem>> -> memref<128x64xf32, #tpu.memory_space<vmem>>
    %dma_start3A_1371 = arith.constant 0 : i32
    %dma_start3A_1372 = tpu.memref_slice %arg5[%dma_start3A_1365, %dma_start3A_1371] : memref<50x128xi32, #tpu.memory_space<vmem>> -> memref<1x128xi32, #tpu.memory_space<vmem>>
    %dma_start3A_1373 = tpu.memref_squeeze %dma_start3A_1372 : memref<1x128xi32, #tpu.memory_space<vmem>> -> memref<128xi32, #tpu.memory_space<vmem>>
    %dma_start3A_1374 = arith.constant 0 : i32
    %dma_start3A_1375 = arith.constant 0 : i32
    %dma_start3A_1376 = tpu.memref_slice %arg2[%dma_start3A_1374, %dma_start3A_1375] : memref<100000x64xf32, #tpu.memory_space<hbm>> -> memref<100000x64xf32, #tpu.memory_space<hbm>>
    tpu.enqueue_indirect_dma source(%dma_start3A_1376 : memref<100000x64xf32, #tpu.memory_space<hbm>>) target(%dma_start3A_1370 : memref<128x64xf32, #tpu.memory_space<vmem>>) offsets(%dma_start3A_1373 : memref<128xi32, #tpu.memory_space<vmem>>) semaphore(%arg13 : memref<!tpu.dma_semaphore, #tpu.memory_space<semaphore_mem>>)
    %dma_wait3A_1377 = arith.constant 25 : i32
    %dma_wait3A_1378 = arith.constant 1 : i32
    %dma_wait3A_1379 = arith.constant 0 : i32
    %dma_wait3A_1380 = arith.constant 0 : i32
    %dma_wait3A_1381 = tpu.memref_slice %arg6[%dma_wait3A_1378, %dma_wait3A_1379, %dma_wait3A_1380] : memref<12x128x64xf32, #tpu.memory_space<vmem>> -> memref<1x128x64xf32, #tpu.memory_space<vmem>>
    %dma_wait3A_1382 = tpu.memref_squeeze %dma_wait3A_1381 : memref<1x128x64xf32, #tpu.memory_space<vmem>> -> memref<128x64xf32, #tpu.memory_space<vmem>>
    %dma_wait3A_1383 = arith.constant 0 : i32
    %dma_wait3A_1384 = tpu.memref_slice %arg5[%dma_wait3A_1377, %dma_wait3A_1383] : memref<50x128xi32, #tpu.memory_space<vmem>> -> memref<1x128xi32, #tpu.memory_space<vmem>>
    %dma_wait3A_1385 = tpu.memref_squeeze %dma_wait3A_1384 : memref<1x128xi32, #tpu.memory_space<vmem>> -> memref<128xi32, #tpu.memory_space<vmem>>
    %dma_wait3A_1386 = arith.constant 0 : i32
    %dma_wait3A_1387 = arith.constant 0 : i32
    %dma_wait3A_1388 = tpu.memref_slice %arg2[%dma_wait3A_1386, %dma_wait3A_1387] : memref<100000x64xf32, #tpu.memory_space<hbm>> -> memref<100000x64xf32, #tpu.memory_space<hbm>>
    tpu.wait_indirect_dma semaphore(%arg8 : memref<!tpu.dma_semaphore, #tpu.memory_space<semaphore_mem>>) src(%dma_wait3A_1388 : memref<100000x64xf32, #tpu.memory_space<hbm>>) dst(%dma_wait3A_1382 : memref<128x64xf32, #tpu.memory_space<vmem>>)
    %dma_start3A_1389 = arith.constant 1 : i32
    %dma_start3A_1390 = arith.constant 25 : i32
    %dma_start3A_1391 = arith.constant 0 : i32
    %dma_start3A_1392 = arith.constant 0 : i32
    %dma_start3A_1393 = tpu.memref_slice %arg6[%dma_start3A_1389, %dma_start3A_1391, %dma_start3A_1392] : memref<12x128x64xf32, #tpu.memory_space<vmem>> -> memref<1x128x64xf32, #tpu.memory_space<vmem>>
    %dma_start3A_1394 = tpu.memref_squeeze %dma_start3A_1393 : memref<1x128x64xf32, #tpu.memory_space<vmem>> -> memref<128x64xf32, #tpu.memory_space<vmem>>
    %dma_start3A_1395 = arith.constant 0 : i32
    %dma_start3A_1396 = tpu.memref_slice %arg4[%dma_start3A_1390, %mul3A_2, %dma_start3A_1395] : memref<50x4096x64xf32, #tpu.memory_space<hbm>> -> memref<1x128x64xf32, #tpu.memory_space<hbm>>
    %dma_start3A_1397 = tpu.memref_squeeze %dma_start3A_1396 : memref<1x128x64xf32, #tpu.memory_space<hbm>> -> memref<128x64xf32, #tpu.memory_space<hbm>>
    %dma_start3A_1398 = arith.constant 0 : i32
    %dma_start3A_1399 = tpu.memref_slice %arg4[%dma_start3A_1390, %mul3A_2, %dma_start3A_1398] : memref<50x4096x64xf32, #tpu.memory_space<hbm>> -> memref<1x128x64xf32, #tpu.memory_space<hbm>>
    %dma_start3A_1400 = tpu.memref_squeeze %dma_start3A_1399 : memref<1x128x64xf32, #tpu.memory_space<hbm>> -> memref<128x64xf32, #tpu.memory_space<hbm>>
    %dma_start3A_1401 = arith.constant 0 : i32
    %dma_start3A_1402 = arith.constant 0 : i32
    %dma_start3A_1403 = tpu.memref_slice %arg6[%dma_start3A_1389, %dma_start3A_1401, %dma_start3A_1402] : memref<12x128x64xf32, #tpu.memory_space<vmem>> -> memref<1x128x64xf32, #tpu.memory_space<vmem>>
    %dma_start3A_1404 = tpu.memref_squeeze %dma_start3A_1403 : memref<1x128x64xf32, #tpu.memory_space<vmem>> -> memref<128x64xf32, #tpu.memory_space<vmem>>
    tpu.enqueue_dma source(%dma_start3A_1404 : memref<128x64xf32, #tpu.memory_space<vmem>>) target(%dma_start3A_1400 : memref<128x64xf32, #tpu.memory_space<hbm>>) target_semaphore(%arg20 : memref<!tpu.dma_semaphore, #tpu.memory_space<semaphore_mem>>)
    %dma_wait3A_1405 = arith.constant 7 : i32
    %dma_wait3A_1406 = arith.constant 19 : i32
    %dma_wait3A_1407 = arith.constant 0 : i32
    %dma_wait3A_1408 = arith.constant 0 : i32
    %dma_wait3A_1409 = tpu.memref_slice %arg6[%dma_wait3A_1405, %dma_wait3A_1407, %dma_wait3A_1408] : memref<12x128x64xf32, #tpu.memory_space<vmem>> -> memref<1x128x64xf32, #tpu.memory_space<vmem>>
    %dma_wait3A_1410 = tpu.memref_squeeze %dma_wait3A_1409 : memref<1x128x64xf32, #tpu.memory_space<vmem>> -> memref<128x64xf32, #tpu.memory_space<vmem>>
    %dma_wait3A_1411 = arith.constant 0 : i32
    %dma_wait3A_1412 = tpu.memref_slice %arg4[%dma_wait3A_1406, %mul3A_2, %dma_wait3A_1411] : memref<50x4096x64xf32, #tpu.memory_space<hbm>> -> memref<1x128x64xf32, #tpu.memory_space<hbm>>
    %dma_wait3A_1413 = tpu.memref_squeeze %dma_wait3A_1412 : memref<1x128x64xf32, #tpu.memory_space<hbm>> -> memref<128x64xf32, #tpu.memory_space<hbm>>
    %dma_wait3A_1414 = arith.constant 0 : i32
    %dma_wait3A_1415 = tpu.memref_slice %arg4[%dma_wait3A_1406, %mul3A_2, %dma_wait3A_1414] : memref<50x4096x64xf32, #tpu.memory_space<hbm>> -> memref<1x128x64xf32, #tpu.memory_space<hbm>>
    %dma_wait3A_1416 = tpu.memref_squeeze %dma_wait3A_1415 : memref<1x128x64xf32, #tpu.memory_space<hbm>> -> memref<128x64xf32, #tpu.memory_space<hbm>>
    %dma_wait3A_1417 = arith.constant 0 : i32
    %dma_wait3A_1418 = arith.constant 0 : i32
    %dma_wait3A_1419 = tpu.memref_slice %arg6[%dma_wait3A_1405, %dma_wait3A_1417, %dma_wait3A_1418] : memref<12x128x64xf32, #tpu.memory_space<vmem>> -> memref<1x128x64xf32, #tpu.memory_space<vmem>>
    %dma_wait3A_1420 = tpu.memref_squeeze %dma_wait3A_1419 : memref<1x128x64xf32, #tpu.memory_space<vmem>> -> memref<128x64xf32, #tpu.memory_space<vmem>>
    tpu.wait_dma2 semaphore(%arg26 : memref<!tpu.dma_semaphore, #tpu.memory_space<semaphore_mem>>) src(%dma_wait3A_1420 : memref<128x64xf32, #tpu.memory_space<vmem>>) dst(%dma_wait3A_1416 : memref<128x64xf32, #tpu.memory_space<hbm>>)
    %dma_start3A_1421 = arith.constant 31 : i32
    %dma_start3A_1422 = arith.constant 7 : i32
    %dma_start3A_1423 = arith.constant 0 : i32
    %dma_start3A_1424 = arith.constant 0 : i32
    %dma_start3A_1425 = tpu.memref_slice %arg6[%dma_start3A_1422, %dma_start3A_1423, %dma_start3A_1424] : memref<12x128x64xf32, #tpu.memory_space<vmem>> -> memref<1x128x64xf32, #tpu.memory_space<vmem>>
    %dma_start3A_1426 = tpu.memref_squeeze %dma_start3A_1425 : memref<1x128x64xf32, #tpu.memory_space<vmem>> -> memref<128x64xf32, #tpu.memory_space<vmem>>
    %dma_start3A_1427 = arith.constant 0 : i32
    %dma_start3A_1428 = tpu.memref_slice %arg5[%dma_start3A_1421, %dma_start3A_1427] : memref<50x128xi32, #tpu.memory_space<vmem>> -> memref<1x128xi32, #tpu.memory_space<vmem>>
    %dma_start3A_1429 = tpu.memref_squeeze %dma_start3A_1428 : memref<1x128xi32, #tpu.memory_space<vmem>> -> memref<128xi32, #tpu.memory_space<vmem>>
    %dma_start3A_1430 = arith.constant 0 : i32
    %dma_start3A_1431 = arith.constant 0 : i32
    %dma_start3A_1432 = tpu.memref_slice %arg2[%dma_start3A_1430, %dma_start3A_1431] : memref<100000x64xf32, #tpu.memory_space<hbm>> -> memref<100000x64xf32, #tpu.memory_space<hbm>>
    tpu.enqueue_indirect_dma source(%dma_start3A_1432 : memref<100000x64xf32, #tpu.memory_space<hbm>>) target(%dma_start3A_1426 : memref<128x64xf32, #tpu.memory_space<vmem>>) offsets(%dma_start3A_1429 : memref<128xi32, #tpu.memory_space<vmem>>) semaphore(%arg14 : memref<!tpu.dma_semaphore, #tpu.memory_space<semaphore_mem>>)
    %dma_wait3A_1433 = arith.constant 26 : i32
    %dma_wait3A_1434 = arith.constant 2 : i32
    %dma_wait3A_1435 = arith.constant 0 : i32
    %dma_wait3A_1436 = arith.constant 0 : i32
    %dma_wait3A_1437 = tpu.memref_slice %arg6[%dma_wait3A_1434, %dma_wait3A_1435, %dma_wait3A_1436] : memref<12x128x64xf32, #tpu.memory_space<vmem>> -> memref<1x128x64xf32, #tpu.memory_space<vmem>>
    %dma_wait3A_1438 = tpu.memref_squeeze %dma_wait3A_1437 : memref<1x128x64xf32, #tpu.memory_space<vmem>> -> memref<128x64xf32, #tpu.memory_space<vmem>>
    %dma_wait3A_1439 = arith.constant 0 : i32
    %dma_wait3A_1440 = tpu.memref_slice %arg5[%dma_wait3A_1433, %dma_wait3A_1439] : memref<50x128xi32, #tpu.memory_space<vmem>> -> memref<1x128xi32, #tpu.memory_space<vmem>>
    %dma_wait3A_1441 = tpu.memref_squeeze %dma_wait3A_1440 : memref<1x128xi32, #tpu.memory_space<vmem>> -> memref<128xi32, #tpu.memory_space<vmem>>
    %dma_wait3A_1442 = arith.constant 0 : i32
    %dma_wait3A_1443 = arith.constant 0 : i32
    %dma_wait3A_1444 = tpu.memref_slice %arg2[%dma_wait3A_1442, %dma_wait3A_1443] : memref<100000x64xf32, #tpu.memory_space<hbm>> -> memref<100000x64xf32, #tpu.memory_space<hbm>>
    tpu.wait_indirect_dma semaphore(%arg9 : memref<!tpu.dma_semaphore, #tpu.memory_space<semaphore_mem>>) src(%dma_wait3A_1444 : memref<100000x64xf32, #tpu.memory_space<hbm>>) dst(%dma_wait3A_1438 : memref<128x64xf32, #tpu.memory_space<vmem>>)
    %dma_start3A_1445 = arith.constant 2 : i32
    %dma_start3A_1446 = arith.constant 26 : i32
    %dma_start3A_1447 = arith.constant 0 : i32
    %dma_start3A_1448 = arith.constant 0 : i32
    %dma_start3A_1449 = tpu.memref_slice %arg6[%dma_start3A_1445, %dma_start3A_1447, %dma_start3A_1448] : memref<12x128x64xf32, #tpu.memory_space<vmem>> -> memref<1x128x64xf32, #tpu.memory_space<vmem>>
    %dma_start3A_1450 = tpu.memref_squeeze %dma_start3A_1449 : memref<1x128x64xf32, #tpu.memory_space<vmem>> -> memref<128x64xf32, #tpu.memory_space<vmem>>
    %dma_start3A_1451 = arith.constant 0 : i32
    %dma_start3A_1452 = tpu.memref_slice %arg4[%dma_start3A_1446, %mul3A_2, %dma_start3A_1451] : memref<50x4096x64xf32, #tpu.memory_space<hbm>> -> memref<1x128x64xf32, #tpu.memory_space<hbm>>
    %dma_start3A_1453 = tpu.memref_squeeze %dma_start3A_1452 : memref<1x128x64xf32, #tpu.memory_space<hbm>> -> memref<128x64xf32, #tpu.memory_space<hbm>>
    %dma_start3A_1454 = arith.constant 0 : i32
    %dma_start3A_1455 = tpu.memref_slice %arg4[%dma_start3A_1446, %mul3A_2, %dma_start3A_1454] : memref<50x4096x64xf32, #tpu.memory_space<hbm>> -> memref<1x128x64xf32, #tpu.memory_space<hbm>>
    %dma_start3A_1456 = tpu.memref_squeeze %dma_start3A_1455 : memref<1x128x64xf32, #tpu.memory_space<hbm>> -> memref<128x64xf32, #tpu.memory_space<hbm>>
    %dma_start3A_1457 = arith.constant 0 : i32
    %dma_start3A_1458 = arith.constant 0 : i32
    %dma_start3A_1459 = tpu.memref_slice %arg6[%dma_start3A_1445, %dma_start3A_1457, %dma_start3A_1458] : memref<12x128x64xf32, #tpu.memory_space<vmem>> -> memref<1x128x64xf32, #tpu.memory_space<vmem>>
    %dma_start3A_1460 = tpu.memref_squeeze %dma_start3A_1459 : memref<1x128x64xf32, #tpu.memory_space<vmem>> -> memref<128x64xf32, #tpu.memory_space<vmem>>
    tpu.enqueue_dma source(%dma_start3A_1460 : memref<128x64xf32, #tpu.memory_space<vmem>>) target(%dma_start3A_1456 : memref<128x64xf32, #tpu.memory_space<hbm>>) target_semaphore(%arg21 : memref<!tpu.dma_semaphore, #tpu.memory_space<semaphore_mem>>)
    %dma_wait3A_1461 = arith.constant 8 : i32
    %dma_wait3A_1462 = arith.constant 20 : i32
    %dma_wait3A_1463 = arith.constant 0 : i32
    %dma_wait3A_1464 = arith.constant 0 : i32
    %dma_wait3A_1465 = tpu.memref_slice %arg6[%dma_wait3A_1461, %dma_wait3A_1463, %dma_wait3A_1464] : memref<12x128x64xf32, #tpu.memory_space<vmem>> -> memref<1x128x64xf32, #tpu.memory_space<vmem>>
    %dma_wait3A_1466 = tpu.memref_squeeze %dma_wait3A_1465 : memref<1x128x64xf32, #tpu.memory_space<vmem>> -> memref<128x64xf32, #tpu.memory_space<vmem>>
    %dma_wait3A_1467 = arith.constant 0 : i32
    %dma_wait3A_1468 = tpu.memref_slice %arg4[%dma_wait3A_1462, %mul3A_2, %dma_wait3A_1467] : memref<50x4096x64xf32, #tpu.memory_space<hbm>> -> memref<1x128x64xf32, #tpu.memory_space<hbm>>
    %dma_wait3A_1469 = tpu.memref_squeeze %dma_wait3A_1468 : memref<1x128x64xf32, #tpu.memory_space<hbm>> -> memref<128x64xf32, #tpu.memory_space<hbm>>
    %dma_wait3A_1470 = arith.constant 0 : i32
    %dma_wait3A_1471 = tpu.memref_slice %arg4[%dma_wait3A_1462, %mul3A_2, %dma_wait3A_1470] : memref<50x4096x64xf32, #tpu.memory_space<hbm>> -> memref<1x128x64xf32, #tpu.memory_space<hbm>>
    %dma_wait3A_1472 = tpu.memref_squeeze %dma_wait3A_1471 : memref<1x128x64xf32, #tpu.memory_space<hbm>> -> memref<128x64xf32, #tpu.memory_space<hbm>>
    %dma_wait3A_1473 = arith.constant 0 : i32
    %dma_wait3A_1474 = arith.constant 0 : i32
    %dma_wait3A_1475 = tpu.memref_slice %arg6[%dma_wait3A_1461, %dma_wait3A_1473, %dma_wait3A_1474] : memref<12x128x64xf32, #tpu.memory_space<vmem>> -> memref<1x128x64xf32, #tpu.memory_space<vmem>>
    %dma_wait3A_1476 = tpu.memref_squeeze %dma_wait3A_1475 : memref<1x128x64xf32, #tpu.memory_space<vmem>> -> memref<128x64xf32, #tpu.memory_space<vmem>>
    tpu.wait_dma2 semaphore(%arg27 : memref<!tpu.dma_semaphore, #tpu.memory_space<semaphore_mem>>) src(%dma_wait3A_1476 : memref<128x64xf32, #tpu.memory_space<vmem>>) dst(%dma_wait3A_1472 : memref<128x64xf32, #tpu.memory_space<hbm>>)
    %dma_start3A_1477 = arith.constant 32 : i32
    %dma_start3A_1478 = arith.constant 8 : i32
    %dma_start3A_1479 = arith.constant 0 : i32
    %dma_start3A_1480 = arith.constant 0 : i32
    %dma_start3A_1481 = tpu.memref_slice %arg6[%dma_start3A_1478, %dma_start3A_1479, %dma_start3A_1480] : memref<12x128x64xf32, #tpu.memory_space<vmem>> -> memref<1x128x64xf32, #tpu.memory_space<vmem>>
    %dma_start3A_1482 = tpu.memref_squeeze %dma_start3A_1481 : memref<1x128x64xf32, #tpu.memory_space<vmem>> -> memref<128x64xf32, #tpu.memory_space<vmem>>
    %dma_start3A_1483 = arith.constant 0 : i32
    %dma_start3A_1484 = tpu.memref_slice %arg5[%dma_start3A_1477, %dma_start3A_1483] : memref<50x128xi32, #tpu.memory_space<vmem>> -> memref<1x128xi32, #tpu.memory_space<vmem>>
    %dma_start3A_1485 = tpu.memref_squeeze %dma_start3A_1484 : memref<1x128xi32, #tpu.memory_space<vmem>> -> memref<128xi32, #tpu.memory_space<vmem>>
    %dma_start3A_1486 = arith.constant 0 : i32
    %dma_start3A_1487 = arith.constant 0 : i32
    %dma_start3A_1488 = tpu.memref_slice %arg2[%dma_start3A_1486, %dma_start3A_1487] : memref<100000x64xf32, #tpu.memory_space<hbm>> -> memref<100000x64xf32, #tpu.memory_space<hbm>>
    tpu.enqueue_indirect_dma source(%dma_start3A_1488 : memref<100000x64xf32, #tpu.memory_space<hbm>>) target(%dma_start3A_1482 : memref<128x64xf32, #tpu.memory_space<vmem>>) offsets(%dma_start3A_1485 : memref<128xi32, #tpu.memory_space<vmem>>) semaphore(%arg15 : memref<!tpu.dma_semaphore, #tpu.memory_space<semaphore_mem>>)
    %dma_wait3A_1489 = arith.constant 27 : i32
    %dma_wait3A_1490 = arith.constant 3 : i32
    %dma_wait3A_1491 = arith.constant 0 : i32
    %dma_wait3A_1492 = arith.constant 0 : i32
    %dma_wait3A_1493 = tpu.memref_slice %arg6[%dma_wait3A_1490, %dma_wait3A_1491, %dma_wait3A_1492] : memref<12x128x64xf32, #tpu.memory_space<vmem>> -> memref<1x128x64xf32, #tpu.memory_space<vmem>>
    %dma_wait3A_1494 = tpu.memref_squeeze %dma_wait3A_1493 : memref<1x128x64xf32, #tpu.memory_space<vmem>> -> memref<128x64xf32, #tpu.memory_space<vmem>>
    %dma_wait3A_1495 = arith.constant 0 : i32
    %dma_wait3A_1496 = tpu.memref_slice %arg5[%dma_wait3A_1489, %dma_wait3A_1495] : memref<50x128xi32, #tpu.memory_space<vmem>> -> memref<1x128xi32, #tpu.memory_space<vmem>>
    %dma_wait3A_1497 = tpu.memref_squeeze %dma_wait3A_1496 : memref<1x128xi32, #tpu.memory_space<vmem>> -> memref<128xi32, #tpu.memory_space<vmem>>
    %dma_wait3A_1498 = arith.constant 0 : i32
    %dma_wait3A_1499 = arith.constant 0 : i32
    %dma_wait3A_1500 = tpu.memref_slice %arg2[%dma_wait3A_1498, %dma_wait3A_1499] : memref<100000x64xf32, #tpu.memory_space<hbm>> -> memref<100000x64xf32, #tpu.memory_space<hbm>>
    tpu.wait_indirect_dma semaphore(%arg10 : memref<!tpu.dma_semaphore, #tpu.memory_space<semaphore_mem>>) src(%dma_wait3A_1500 : memref<100000x64xf32, #tpu.memory_space<hbm>>) dst(%dma_wait3A_1494 : memref<128x64xf32, #tpu.memory_space<vmem>>)
    %dma_start3A_1501 = arith.constant 3 : i32
    %dma_start3A_1502 = arith.constant 27 : i32
    %dma_start3A_1503 = arith.constant 0 : i32
    %dma_start3A_1504 = arith.constant 0 : i32
    %dma_start3A_1505 = tpu.memref_slice %arg6[%dma_start3A_1501, %dma_start3A_1503, %dma_start3A_1504] : memref<12x128x64xf32, #tpu.memory_space<vmem>> -> memref<1x128x64xf32, #tpu.memory_space<vmem>>
    %dma_start3A_1506 = tpu.memref_squeeze %dma_start3A_1505 : memref<1x128x64xf32, #tpu.memory_space<vmem>> -> memref<128x64xf32, #tpu.memory_space<vmem>>
    %dma_start3A_1507 = arith.constant 0 : i32
    %dma_start3A_1508 = tpu.memref_slice %arg4[%dma_start3A_1502, %mul3A_2, %dma_start3A_1507] : memref<50x4096x64xf32, #tpu.memory_space<hbm>> -> memref<1x128x64xf32, #tpu.memory_space<hbm>>
    %dma_start3A_1509 = tpu.memref_squeeze %dma_start3A_1508 : memref<1x128x64xf32, #tpu.memory_space<hbm>> -> memref<128x64xf32, #tpu.memory_space<hbm>>
    %dma_start3A_1510 = arith.constant 0 : i32
    %dma_start3A_1511 = tpu.memref_slice %arg4[%dma_start3A_1502, %mul3A_2, %dma_start3A_1510] : memref<50x4096x64xf32, #tpu.memory_space<hbm>> -> memref<1x128x64xf32, #tpu.memory_space<hbm>>
    %dma_start3A_1512 = tpu.memref_squeeze %dma_start3A_1511 : memref<1x128x64xf32, #tpu.memory_space<hbm>> -> memref<128x64xf32, #tpu.memory_space<hbm>>
    %dma_start3A_1513 = arith.constant 0 : i32
    %dma_start3A_1514 = arith.constant 0 : i32
    %dma_start3A_1515 = tpu.memref_slice %arg6[%dma_start3A_1501, %dma_start3A_1513, %dma_start3A_1514] : memref<12x128x64xf32, #tpu.memory_space<vmem>> -> memref<1x128x64xf32, #tpu.memory_space<vmem>>
    %dma_start3A_1516 = tpu.memref_squeeze %dma_start3A_1515 : memref<1x128x64xf32, #tpu.memory_space<vmem>> -> memref<128x64xf32, #tpu.memory_space<vmem>>
    tpu.enqueue_dma source(%dma_start3A_1516 : memref<128x64xf32, #tpu.memory_space<vmem>>) target(%dma_start3A_1512 : memref<128x64xf32, #tpu.memory_space<hbm>>) target_semaphore(%arg22 : memref<!tpu.dma_semaphore, #tpu.memory_space<semaphore_mem>>)
    %dma_wait3A_1517 = arith.constant 9 : i32
    %dma_wait3A_1518 = arith.constant 21 : i32
    %dma_wait3A_1519 = arith.constant 0 : i32
    %dma_wait3A_1520 = arith.constant 0 : i32
    %dma_wait3A_1521 = tpu.memref_slice %arg6[%dma_wait3A_1517, %dma_wait3A_1519, %dma_wait3A_1520] : memref<12x128x64xf32, #tpu.memory_space<vmem>> -> memref<1x128x64xf32, #tpu.memory_space<vmem>>
    %dma_wait3A_1522 = tpu.memref_squeeze %dma_wait3A_1521 : memref<1x128x64xf32, #tpu.memory_space<vmem>> -> memref<128x64xf32, #tpu.memory_space<vmem>>
    %dma_wait3A_1523 = arith.constant 0 : i32
    %dma_wait3A_1524 = tpu.memref_slice %arg4[%dma_wait3A_1518, %mul3A_2, %dma_wait3A_1523] : memref<50x4096x64xf32, #tpu.memory_space<hbm>> -> memref<1x128x64xf32, #tpu.memory_space<hbm>>
    %dma_wait3A_1525 = tpu.memref_squeeze %dma_wait3A_1524 : memref<1x128x64xf32, #tpu.memory_space<hbm>> -> memref<128x64xf32, #tpu.memory_space<hbm>>
    %dma_wait3A_1526 = arith.constant 0 : i32
    %dma_wait3A_1527 = tpu.memref_slice %arg4[%dma_wait3A_1518, %mul3A_2, %dma_wait3A_1526] : memref<50x4096x64xf32, #tpu.memory_space<hbm>> -> memref<1x128x64xf32, #tpu.memory_space<hbm>>
    %dma_wait3A_1528 = tpu.memref_squeeze %dma_wait3A_1527 : memref<1x128x64xf32, #tpu.memory_space<hbm>> -> memref<128x64xf32, #tpu.memory_space<hbm>>
    %dma_wait3A_1529 = arith.constant 0 : i32
    %dma_wait3A_1530 = arith.constant 0 : i32
    %dma_wait3A_1531 = tpu.memref_slice %arg6[%dma_wait3A_1517, %dma_wait3A_1529, %dma_wait3A_1530] : memref<12x128x64xf32, #tpu.memory_space<vmem>> -> memref<1x128x64xf32, #tpu.memory_space<vmem>>
    %dma_wait3A_1532 = tpu.memref_squeeze %dma_wait3A_1531 : memref<1x128x64xf32, #tpu.memory_space<vmem>> -> memref<128x64xf32, #tpu.memory_space<vmem>>
    tpu.wait_dma2 semaphore(%arg28 : memref<!tpu.dma_semaphore, #tpu.memory_space<semaphore_mem>>) src(%dma_wait3A_1532 : memref<128x64xf32, #tpu.memory_space<vmem>>) dst(%dma_wait3A_1528 : memref<128x64xf32, #tpu.memory_space<hbm>>)
    %dma_start3A_1533 = arith.constant 33 : i32
    %dma_start3A_1534 = arith.constant 9 : i32
    %dma_start3A_1535 = arith.constant 0 : i32
    %dma_start3A_1536 = arith.constant 0 : i32
    %dma_start3A_1537 = tpu.memref_slice %arg6[%dma_start3A_1534, %dma_start3A_1535, %dma_start3A_1536] : memref<12x128x64xf32, #tpu.memory_space<vmem>> -> memref<1x128x64xf32, #tpu.memory_space<vmem>>
    %dma_start3A_1538 = tpu.memref_squeeze %dma_start3A_1537 : memref<1x128x64xf32, #tpu.memory_space<vmem>> -> memref<128x64xf32, #tpu.memory_space<vmem>>
    %dma_start3A_1539 = arith.constant 0 : i32
    %dma_start3A_1540 = tpu.memref_slice %arg5[%dma_start3A_1533, %dma_start3A_1539] : memref<50x128xi32, #tpu.memory_space<vmem>> -> memref<1x128xi32, #tpu.memory_space<vmem>>
    %dma_start3A_1541 = tpu.memref_squeeze %dma_start3A_1540 : memref<1x128xi32, #tpu.memory_space<vmem>> -> memref<128xi32, #tpu.memory_space<vmem>>
    %dma_start3A_1542 = arith.constant 0 : i32
    %dma_start3A_1543 = arith.constant 0 : i32
    %dma_start3A_1544 = tpu.memref_slice %arg2[%dma_start3A_1542, %dma_start3A_1543] : memref<100000x64xf32, #tpu.memory_space<hbm>> -> memref<100000x64xf32, #tpu.memory_space<hbm>>
    tpu.enqueue_indirect_dma source(%dma_start3A_1544 : memref<100000x64xf32, #tpu.memory_space<hbm>>) target(%dma_start3A_1538 : memref<128x64xf32, #tpu.memory_space<vmem>>) offsets(%dma_start3A_1541 : memref<128xi32, #tpu.memory_space<vmem>>) semaphore(%arg16 : memref<!tpu.dma_semaphore, #tpu.memory_space<semaphore_mem>>)
    %dma_wait3A_1545 = arith.constant 28 : i32
    %dma_wait3A_1546 = arith.constant 4 : i32
    %dma_wait3A_1547 = arith.constant 0 : i32
    %dma_wait3A_1548 = arith.constant 0 : i32
    %dma_wait3A_1549 = tpu.memref_slice %arg6[%dma_wait3A_1546, %dma_wait3A_1547, %dma_wait3A_1548] : memref<12x128x64xf32, #tpu.memory_space<vmem>> -> memref<1x128x64xf32, #tpu.memory_space<vmem>>
    %dma_wait3A_1550 = tpu.memref_squeeze %dma_wait3A_1549 : memref<1x128x64xf32, #tpu.memory_space<vmem>> -> memref<128x64xf32, #tpu.memory_space<vmem>>
    %dma_wait3A_1551 = arith.constant 0 : i32
    %dma_wait3A_1552 = tpu.memref_slice %arg5[%dma_wait3A_1545, %dma_wait3A_1551] : memref<50x128xi32, #tpu.memory_space<vmem>> -> memref<1x128xi32, #tpu.memory_space<vmem>>
    %dma_wait3A_1553 = tpu.memref_squeeze %dma_wait3A_1552 : memref<1x128xi32, #tpu.memory_space<vmem>> -> memref<128xi32, #tpu.memory_space<vmem>>
    %dma_wait3A_1554 = arith.constant 0 : i32
    %dma_wait3A_1555 = arith.constant 0 : i32
    %dma_wait3A_1556 = tpu.memref_slice %arg2[%dma_wait3A_1554, %dma_wait3A_1555] : memref<100000x64xf32, #tpu.memory_space<hbm>> -> memref<100000x64xf32, #tpu.memory_space<hbm>>
    tpu.wait_indirect_dma semaphore(%arg11 : memref<!tpu.dma_semaphore, #tpu.memory_space<semaphore_mem>>) src(%dma_wait3A_1556 : memref<100000x64xf32, #tpu.memory_space<hbm>>) dst(%dma_wait3A_1550 : memref<128x64xf32, #tpu.memory_space<vmem>>)
    %dma_start3A_1557 = arith.constant 4 : i32
    %dma_start3A_1558 = arith.constant 28 : i32
    %dma_start3A_1559 = arith.constant 0 : i32
    %dma_start3A_1560 = arith.constant 0 : i32
    %dma_start3A_1561 = tpu.memref_slice %arg6[%dma_start3A_1557, %dma_start3A_1559, %dma_start3A_1560] : memref<12x128x64xf32, #tpu.memory_space<vmem>> -> memref<1x128x64xf32, #tpu.memory_space<vmem>>
    %dma_start3A_1562 = tpu.memref_squeeze %dma_start3A_1561 : memref<1x128x64xf32, #tpu.memory_space<vmem>> -> memref<128x64xf32, #tpu.memory_space<vmem>>
    %dma_start3A_1563 = arith.constant 0 : i32
    %dma_start3A_1564 = tpu.memref_slice %arg4[%dma_start3A_1558, %mul3A_2, %dma_start3A_1563] : memref<50x4096x64xf32, #tpu.memory_space<hbm>> -> memref<1x128x64xf32, #tpu.memory_space<hbm>>
    %dma_start3A_1565 = tpu.memref_squeeze %dma_start3A_1564 : memref<1x128x64xf32, #tpu.memory_space<hbm>> -> memref<128x64xf32, #tpu.memory_space<hbm>>
    %dma_start3A_1566 = arith.constant 0 : i32
    %dma_start3A_1567 = tpu.memref_slice %arg4[%dma_start3A_1558, %mul3A_2, %dma_start3A_1566] : memref<50x4096x64xf32, #tpu.memory_space<hbm>> -> memref<1x128x64xf32, #tpu.memory_space<hbm>>
    %dma_start3A_1568 = tpu.memref_squeeze %dma_start3A_1567 : memref<1x128x64xf32, #tpu.memory_space<hbm>> -> memref<128x64xf32, #tpu.memory_space<hbm>>
    %dma_start3A_1569 = arith.constant 0 : i32
    %dma_start3A_1570 = arith.constant 0 : i32
    %dma_start3A_1571 = tpu.memref_slice %arg6[%dma_start3A_1557, %dma_start3A_1569, %dma_start3A_1570] : memref<12x128x64xf32, #tpu.memory_space<vmem>> -> memref<1x128x64xf32, #tpu.memory_space<vmem>>
    %dma_start3A_1572 = tpu.memref_squeeze %dma_start3A_1571 : memref<1x128x64xf32, #tpu.memory_space<vmem>> -> memref<128x64xf32, #tpu.memory_space<vmem>>
    tpu.enqueue_dma source(%dma_start3A_1572 : memref<128x64xf32, #tpu.memory_space<vmem>>) target(%dma_start3A_1568 : memref<128x64xf32, #tpu.memory_space<hbm>>) target_semaphore(%arg23 : memref<!tpu.dma_semaphore, #tpu.memory_space<semaphore_mem>>)
    %dma_wait3A_1573 = arith.constant 10 : i32
    %dma_wait3A_1574 = arith.constant 22 : i32
    %dma_wait3A_1575 = arith.constant 0 : i32
    %dma_wait3A_1576 = arith.constant 0 : i32
    %dma_wait3A_1577 = tpu.memref_slice %arg6[%dma_wait3A_1573, %dma_wait3A_1575, %dma_wait3A_1576] : memref<12x128x64xf32, #tpu.memory_space<vmem>> -> memref<1x128x64xf32, #tpu.memory_space<vmem>>
    %dma_wait3A_1578 = tpu.memref_squeeze %dma_wait3A_1577 : memref<1x128x64xf32, #tpu.memory_space<vmem>> -> memref<128x64xf32, #tpu.memory_space<vmem>>
    %dma_wait3A_1579 = arith.constant 0 : i32
    %dma_wait3A_1580 = tpu.memref_slice %arg4[%dma_wait3A_1574, %mul3A_2, %dma_wait3A_1579] : memref<50x4096x64xf32, #tpu.memory_space<hbm>> -> memref<1x128x64xf32, #tpu.memory_space<hbm>>
    %dma_wait3A_1581 = tpu.memref_squeeze %dma_wait3A_1580 : memref<1x128x64xf32, #tpu.memory_space<hbm>> -> memref<128x64xf32, #tpu.memory_space<hbm>>
    %dma_wait3A_1582 = arith.constant 0 : i32
    %dma_wait3A_1583 = tpu.memref_slice %arg4[%dma_wait3A_1574, %mul3A_2, %dma_wait3A_1582] : memref<50x4096x64xf32, #tpu.memory_space<hbm>> -> memref<1x128x64xf32, #tpu.memory_space<hbm>>
    %dma_wait3A_1584 = tpu.memref_squeeze %dma_wait3A_1583 : memref<1x128x64xf32, #tpu.memory_space<hbm>> -> memref<128x64xf32, #tpu.memory_space<hbm>>
    %dma_wait3A_1585 = arith.constant 0 : i32
    %dma_wait3A_1586 = arith.constant 0 : i32
    %dma_wait3A_1587 = tpu.memref_slice %arg6[%dma_wait3A_1573, %dma_wait3A_1585, %dma_wait3A_1586] : memref<12x128x64xf32, #tpu.memory_space<vmem>> -> memref<1x128x64xf32, #tpu.memory_space<vmem>>
    %dma_wait3A_1588 = tpu.memref_squeeze %dma_wait3A_1587 : memref<1x128x64xf32, #tpu.memory_space<vmem>> -> memref<128x64xf32, #tpu.memory_space<vmem>>
    tpu.wait_dma2 semaphore(%arg29 : memref<!tpu.dma_semaphore, #tpu.memory_space<semaphore_mem>>) src(%dma_wait3A_1588 : memref<128x64xf32, #tpu.memory_space<vmem>>) dst(%dma_wait3A_1584 : memref<128x64xf32, #tpu.memory_space<hbm>>)
    %dma_start3A_1589 = arith.constant 34 : i32
    %dma_start3A_1590 = arith.constant 10 : i32
    %dma_start3A_1591 = arith.constant 0 : i32
    %dma_start3A_1592 = arith.constant 0 : i32
    %dma_start3A_1593 = tpu.memref_slice %arg6[%dma_start3A_1590, %dma_start3A_1591, %dma_start3A_1592] : memref<12x128x64xf32, #tpu.memory_space<vmem>> -> memref<1x128x64xf32, #tpu.memory_space<vmem>>
    %dma_start3A_1594 = tpu.memref_squeeze %dma_start3A_1593 : memref<1x128x64xf32, #tpu.memory_space<vmem>> -> memref<128x64xf32, #tpu.memory_space<vmem>>
    %dma_start3A_1595 = arith.constant 0 : i32
    %dma_start3A_1596 = tpu.memref_slice %arg5[%dma_start3A_1589, %dma_start3A_1595] : memref<50x128xi32, #tpu.memory_space<vmem>> -> memref<1x128xi32, #tpu.memory_space<vmem>>
    %dma_start3A_1597 = tpu.memref_squeeze %dma_start3A_1596 : memref<1x128xi32, #tpu.memory_space<vmem>> -> memref<128xi32, #tpu.memory_space<vmem>>
    %dma_start3A_1598 = arith.constant 0 : i32
    %dma_start3A_1599 = arith.constant 0 : i32
    %dma_start3A_1600 = tpu.memref_slice %arg2[%dma_start3A_1598, %dma_start3A_1599] : memref<100000x64xf32, #tpu.memory_space<hbm>> -> memref<100000x64xf32, #tpu.memory_space<hbm>>
    tpu.enqueue_indirect_dma source(%dma_start3A_1600 : memref<100000x64xf32, #tpu.memory_space<hbm>>) target(%dma_start3A_1594 : memref<128x64xf32, #tpu.memory_space<vmem>>) offsets(%dma_start3A_1597 : memref<128xi32, #tpu.memory_space<vmem>>) semaphore(%arg17 : memref<!tpu.dma_semaphore, #tpu.memory_space<semaphore_mem>>)
    %dma_wait3A_1601 = arith.constant 29 : i32
    %dma_wait3A_1602 = arith.constant 5 : i32
    %dma_wait3A_1603 = arith.constant 0 : i32
    %dma_wait3A_1604 = arith.constant 0 : i32
    %dma_wait3A_1605 = tpu.memref_slice %arg6[%dma_wait3A_1602, %dma_wait3A_1603, %dma_wait3A_1604] : memref<12x128x64xf32, #tpu.memory_space<vmem>> -> memref<1x128x64xf32, #tpu.memory_space<vmem>>
    %dma_wait3A_1606 = tpu.memref_squeeze %dma_wait3A_1605 : memref<1x128x64xf32, #tpu.memory_space<vmem>> -> memref<128x64xf32, #tpu.memory_space<vmem>>
    %dma_wait3A_1607 = arith.constant 0 : i32
    %dma_wait3A_1608 = tpu.memref_slice %arg5[%dma_wait3A_1601, %dma_wait3A_1607] : memref<50x128xi32, #tpu.memory_space<vmem>> -> memref<1x128xi32, #tpu.memory_space<vmem>>
    %dma_wait3A_1609 = tpu.memref_squeeze %dma_wait3A_1608 : memref<1x128xi32, #tpu.memory_space<vmem>> -> memref<128xi32, #tpu.memory_space<vmem>>
    %dma_wait3A_1610 = arith.constant 0 : i32
    %dma_wait3A_1611 = arith.constant 0 : i32
    %dma_wait3A_1612 = tpu.memref_slice %arg2[%dma_wait3A_1610, %dma_wait3A_1611] : memref<100000x64xf32, #tpu.memory_space<hbm>> -> memref<100000x64xf32, #tpu.memory_space<hbm>>
    tpu.wait_indirect_dma semaphore(%arg12 : memref<!tpu.dma_semaphore, #tpu.memory_space<semaphore_mem>>) src(%dma_wait3A_1612 : memref<100000x64xf32, #tpu.memory_space<hbm>>) dst(%dma_wait3A_1606 : memref<128x64xf32, #tpu.memory_space<vmem>>)
    %dma_start3A_1613 = arith.constant 5 : i32
    %dma_start3A_1614 = arith.constant 29 : i32
    %dma_start3A_1615 = arith.constant 0 : i32
    %dma_start3A_1616 = arith.constant 0 : i32
    %dma_start3A_1617 = tpu.memref_slice %arg6[%dma_start3A_1613, %dma_start3A_1615, %dma_start3A_1616] : memref<12x128x64xf32, #tpu.memory_space<vmem>> -> memref<1x128x64xf32, #tpu.memory_space<vmem>>
    %dma_start3A_1618 = tpu.memref_squeeze %dma_start3A_1617 : memref<1x128x64xf32, #tpu.memory_space<vmem>> -> memref<128x64xf32, #tpu.memory_space<vmem>>
    %dma_start3A_1619 = arith.constant 0 : i32
    %dma_start3A_1620 = tpu.memref_slice %arg4[%dma_start3A_1614, %mul3A_2, %dma_start3A_1619] : memref<50x4096x64xf32, #tpu.memory_space<hbm>> -> memref<1x128x64xf32, #tpu.memory_space<hbm>>
    %dma_start3A_1621 = tpu.memref_squeeze %dma_start3A_1620 : memref<1x128x64xf32, #tpu.memory_space<hbm>> -> memref<128x64xf32, #tpu.memory_space<hbm>>
    %dma_start3A_1622 = arith.constant 0 : i32
    %dma_start3A_1623 = tpu.memref_slice %arg4[%dma_start3A_1614, %mul3A_2, %dma_start3A_1622] : memref<50x4096x64xf32, #tpu.memory_space<hbm>> -> memref<1x128x64xf32, #tpu.memory_space<hbm>>
    %dma_start3A_1624 = tpu.memref_squeeze %dma_start3A_1623 : memref<1x128x64xf32, #tpu.memory_space<hbm>> -> memref<128x64xf32, #tpu.memory_space<hbm>>
    %dma_start3A_1625 = arith.constant 0 : i32
    %dma_start3A_1626 = arith.constant 0 : i32
    %dma_start3A_1627 = tpu.memref_slice %arg6[%dma_start3A_1613, %dma_start3A_1625, %dma_start3A_1626] : memref<12x128x64xf32, #tpu.memory_space<vmem>> -> memref<1x128x64xf32, #tpu.memory_space<vmem>>
    %dma_start3A_1628 = tpu.memref_squeeze %dma_start3A_1627 : memref<1x128x64xf32, #tpu.memory_space<vmem>> -> memref<128x64xf32, #tpu.memory_space<vmem>>
    tpu.enqueue_dma source(%dma_start3A_1628 : memref<128x64xf32, #tpu.memory_space<vmem>>) target(%dma_start3A_1624 : memref<128x64xf32, #tpu.memory_space<hbm>>) target_semaphore(%arg24 : memref<!tpu.dma_semaphore, #tpu.memory_space<semaphore_mem>>)
    %dma_wait3A_1629 = arith.constant 11 : i32
    %dma_wait3A_1630 = arith.constant 23 : i32
    %dma_wait3A_1631 = arith.constant 0 : i32
    %dma_wait3A_1632 = arith.constant 0 : i32
    %dma_wait3A_1633 = tpu.memref_slice %arg6[%dma_wait3A_1629, %dma_wait3A_1631, %dma_wait3A_1632] : memref<12x128x64xf32, #tpu.memory_space<vmem>> -> memref<1x128x64xf32, #tpu.memory_space<vmem>>
    %dma_wait3A_1634 = tpu.memref_squeeze %dma_wait3A_1633 : memref<1x128x64xf32, #tpu.memory_space<vmem>> -> memref<128x64xf32, #tpu.memory_space<vmem>>
    %dma_wait3A_1635 = arith.constant 0 : i32
    %dma_wait3A_1636 = tpu.memref_slice %arg4[%dma_wait3A_1630, %mul3A_2, %dma_wait3A_1635] : memref<50x4096x64xf32, #tpu.memory_space<hbm>> -> memref<1x128x64xf32, #tpu.memory_space<hbm>>
    %dma_wait3A_1637 = tpu.memref_squeeze %dma_wait3A_1636 : memref<1x128x64xf32, #tpu.memory_space<hbm>> -> memref<128x64xf32, #tpu.memory_space<hbm>>
    %dma_wait3A_1638 = arith.constant 0 : i32
    %dma_wait3A_1639 = tpu.memref_slice %arg4[%dma_wait3A_1630, %mul3A_2, %dma_wait3A_1638] : memref<50x4096x64xf32, #tpu.memory_space<hbm>> -> memref<1x128x64xf32, #tpu.memory_space<hbm>>
    %dma_wait3A_1640 = tpu.memref_squeeze %dma_wait3A_1639 : memref<1x128x64xf32, #tpu.memory_space<hbm>> -> memref<128x64xf32, #tpu.memory_space<hbm>>
    %dma_wait3A_1641 = arith.constant 0 : i32
    %dma_wait3A_1642 = arith.constant 0 : i32
    %dma_wait3A_1643 = tpu.memref_slice %arg6[%dma_wait3A_1629, %dma_wait3A_1641, %dma_wait3A_1642] : memref<12x128x64xf32, #tpu.memory_space<vmem>> -> memref<1x128x64xf32, #tpu.memory_space<vmem>>
    %dma_wait3A_1644 = tpu.memref_squeeze %dma_wait3A_1643 : memref<1x128x64xf32, #tpu.memory_space<vmem>> -> memref<128x64xf32, #tpu.memory_space<vmem>>
    tpu.wait_dma2 semaphore(%arg30 : memref<!tpu.dma_semaphore, #tpu.memory_space<semaphore_mem>>) src(%dma_wait3A_1644 : memref<128x64xf32, #tpu.memory_space<vmem>>) dst(%dma_wait3A_1640 : memref<128x64xf32, #tpu.memory_space<hbm>>)
    %dma_start3A_1645 = arith.constant 35 : i32
    %dma_start3A_1646 = arith.constant 11 : i32
    %dma_start3A_1647 = arith.constant 0 : i32
    %dma_start3A_1648 = arith.constant 0 : i32
    %dma_start3A_1649 = tpu.memref_slice %arg6[%dma_start3A_1646, %dma_start3A_1647, %dma_start3A_1648] : memref<12x128x64xf32, #tpu.memory_space<vmem>> -> memref<1x128x64xf32, #tpu.memory_space<vmem>>
    %dma_start3A_1650 = tpu.memref_squeeze %dma_start3A_1649 : memref<1x128x64xf32, #tpu.memory_space<vmem>> -> memref<128x64xf32, #tpu.memory_space<vmem>>
    %dma_start3A_1651 = arith.constant 0 : i32
    %dma_start3A_1652 = tpu.memref_slice %arg5[%dma_start3A_1645, %dma_start3A_1651] : memref<50x128xi32, #tpu.memory_space<vmem>> -> memref<1x128xi32, #tpu.memory_space<vmem>>
    %dma_start3A_1653 = tpu.memref_squeeze %dma_start3A_1652 : memref<1x128xi32, #tpu.memory_space<vmem>> -> memref<128xi32, #tpu.memory_space<vmem>>
    %dma_start3A_1654 = arith.constant 0 : i32
    %dma_start3A_1655 = arith.constant 0 : i32
    %dma_start3A_1656 = tpu.memref_slice %arg2[%dma_start3A_1654, %dma_start3A_1655] : memref<100000x64xf32, #tpu.memory_space<hbm>> -> memref<100000x64xf32, #tpu.memory_space<hbm>>
    tpu.enqueue_indirect_dma source(%dma_start3A_1656 : memref<100000x64xf32, #tpu.memory_space<hbm>>) target(%dma_start3A_1650 : memref<128x64xf32, #tpu.memory_space<vmem>>) offsets(%dma_start3A_1653 : memref<128xi32, #tpu.memory_space<vmem>>) semaphore(%arg18 : memref<!tpu.dma_semaphore, #tpu.memory_space<semaphore_mem>>)
    %dma_wait3A_1657 = arith.constant 30 : i32
    %dma_wait3A_1658 = arith.constant 6 : i32
    %dma_wait3A_1659 = arith.constant 0 : i32
    %dma_wait3A_1660 = arith.constant 0 : i32
    %dma_wait3A_1661 = tpu.memref_slice %arg6[%dma_wait3A_1658, %dma_wait3A_1659, %dma_wait3A_1660] : memref<12x128x64xf32, #tpu.memory_space<vmem>> -> memref<1x128x64xf32, #tpu.memory_space<vmem>>
    %dma_wait3A_1662 = tpu.memref_squeeze %dma_wait3A_1661 : memref<1x128x64xf32, #tpu.memory_space<vmem>> -> memref<128x64xf32, #tpu.memory_space<vmem>>
    %dma_wait3A_1663 = arith.constant 0 : i32
    %dma_wait3A_1664 = tpu.memref_slice %arg5[%dma_wait3A_1657, %dma_wait3A_1663] : memref<50x128xi32, #tpu.memory_space<vmem>> -> memref<1x128xi32, #tpu.memory_space<vmem>>
    %dma_wait3A_1665 = tpu.memref_squeeze %dma_wait3A_1664 : memref<1x128xi32, #tpu.memory_space<vmem>> -> memref<128xi32, #tpu.memory_space<vmem>>
    %dma_wait3A_1666 = arith.constant 0 : i32
    %dma_wait3A_1667 = arith.constant 0 : i32
    %dma_wait3A_1668 = tpu.memref_slice %arg2[%dma_wait3A_1666, %dma_wait3A_1667] : memref<100000x64xf32, #tpu.memory_space<hbm>> -> memref<100000x64xf32, #tpu.memory_space<hbm>>
    tpu.wait_indirect_dma semaphore(%arg13 : memref<!tpu.dma_semaphore, #tpu.memory_space<semaphore_mem>>) src(%dma_wait3A_1668 : memref<100000x64xf32, #tpu.memory_space<hbm>>) dst(%dma_wait3A_1662 : memref<128x64xf32, #tpu.memory_space<vmem>>)
    %dma_start3A_1669 = arith.constant 6 : i32
    %dma_start3A_1670 = arith.constant 30 : i32
    %dma_start3A_1671 = arith.constant 0 : i32
    %dma_start3A_1672 = arith.constant 0 : i32
    %dma_start3A_1673 = tpu.memref_slice %arg6[%dma_start3A_1669, %dma_start3A_1671, %dma_start3A_1672] : memref<12x128x64xf32, #tpu.memory_space<vmem>> -> memref<1x128x64xf32, #tpu.memory_space<vmem>>
    %dma_start3A_1674 = tpu.memref_squeeze %dma_start3A_1673 : memref<1x128x64xf32, #tpu.memory_space<vmem>> -> memref<128x64xf32, #tpu.memory_space<vmem>>
    %dma_start3A_1675 = arith.constant 0 : i32
    %dma_start3A_1676 = tpu.memref_slice %arg4[%dma_start3A_1670, %mul3A_2, %dma_start3A_1675] : memref<50x4096x64xf32, #tpu.memory_space<hbm>> -> memref<1x128x64xf32, #tpu.memory_space<hbm>>
    %dma_start3A_1677 = tpu.memref_squeeze %dma_start3A_1676 : memref<1x128x64xf32, #tpu.memory_space<hbm>> -> memref<128x64xf32, #tpu.memory_space<hbm>>
    %dma_start3A_1678 = arith.constant 0 : i32
    %dma_start3A_1679 = tpu.memref_slice %arg4[%dma_start3A_1670, %mul3A_2, %dma_start3A_1678] : memref<50x4096x64xf32, #tpu.memory_space<hbm>> -> memref<1x128x64xf32, #tpu.memory_space<hbm>>
    %dma_start3A_1680 = tpu.memref_squeeze %dma_start3A_1679 : memref<1x128x64xf32, #tpu.memory_space<hbm>> -> memref<128x64xf32, #tpu.memory_space<hbm>>
    %dma_start3A_1681 = arith.constant 0 : i32
    %dma_start3A_1682 = arith.constant 0 : i32
    %dma_start3A_1683 = tpu.memref_slice %arg6[%dma_start3A_1669, %dma_start3A_1681, %dma_start3A_1682] : memref<12x128x64xf32, #tpu.memory_space<vmem>> -> memref<1x128x64xf32, #tpu.memory_space<vmem>>
    %dma_start3A_1684 = tpu.memref_squeeze %dma_start3A_1683 : memref<1x128x64xf32, #tpu.memory_space<vmem>> -> memref<128x64xf32, #tpu.memory_space<vmem>>
    tpu.enqueue_dma source(%dma_start3A_1684 : memref<128x64xf32, #tpu.memory_space<vmem>>) target(%dma_start3A_1680 : memref<128x64xf32, #tpu.memory_space<hbm>>) target_semaphore(%arg25 : memref<!tpu.dma_semaphore, #tpu.memory_space<semaphore_mem>>)
    %dma_wait3A_1685 = arith.constant 0 : i32
    %dma_wait3A_1686 = arith.constant 24 : i32
    %dma_wait3A_1687 = arith.constant 0 : i32
    %dma_wait3A_1688 = arith.constant 0 : i32
    %dma_wait3A_1689 = tpu.memref_slice %arg6[%dma_wait3A_1685, %dma_wait3A_1687, %dma_wait3A_1688] : memref<12x128x64xf32, #tpu.memory_space<vmem>> -> memref<1x128x64xf32, #tpu.memory_space<vmem>>
    %dma_wait3A_1690 = tpu.memref_squeeze %dma_wait3A_1689 : memref<1x128x64xf32, #tpu.memory_space<vmem>> -> memref<128x64xf32, #tpu.memory_space<vmem>>
    %dma_wait3A_1691 = arith.constant 0 : i32
    %dma_wait3A_1692 = tpu.memref_slice %arg4[%dma_wait3A_1686, %mul3A_2, %dma_wait3A_1691] : memref<50x4096x64xf32, #tpu.memory_space<hbm>> -> memref<1x128x64xf32, #tpu.memory_space<hbm>>
    %dma_wait3A_1693 = tpu.memref_squeeze %dma_wait3A_1692 : memref<1x128x64xf32, #tpu.memory_space<hbm>> -> memref<128x64xf32, #tpu.memory_space<hbm>>
    %dma_wait3A_1694 = arith.constant 0 : i32
    %dma_wait3A_1695 = tpu.memref_slice %arg4[%dma_wait3A_1686, %mul3A_2, %dma_wait3A_1694] : memref<50x4096x64xf32, #tpu.memory_space<hbm>> -> memref<1x128x64xf32, #tpu.memory_space<hbm>>
    %dma_wait3A_1696 = tpu.memref_squeeze %dma_wait3A_1695 : memref<1x128x64xf32, #tpu.memory_space<hbm>> -> memref<128x64xf32, #tpu.memory_space<hbm>>
    %dma_wait3A_1697 = arith.constant 0 : i32
    %dma_wait3A_1698 = arith.constant 0 : i32
    %dma_wait3A_1699 = tpu.memref_slice %arg6[%dma_wait3A_1685, %dma_wait3A_1697, %dma_wait3A_1698] : memref<12x128x64xf32, #tpu.memory_space<vmem>> -> memref<1x128x64xf32, #tpu.memory_space<vmem>>
    %dma_wait3A_1700 = tpu.memref_squeeze %dma_wait3A_1699 : memref<1x128x64xf32, #tpu.memory_space<vmem>> -> memref<128x64xf32, #tpu.memory_space<vmem>>
    tpu.wait_dma2 semaphore(%arg19 : memref<!tpu.dma_semaphore, #tpu.memory_space<semaphore_mem>>) src(%dma_wait3A_1700 : memref<128x64xf32, #tpu.memory_space<vmem>>) dst(%dma_wait3A_1696 : memref<128x64xf32, #tpu.memory_space<hbm>>)
    %dma_start3A_1701 = arith.constant 36 : i32
    %dma_start3A_1702 = arith.constant 0 : i32
    %dma_start3A_1703 = arith.constant 0 : i32
    %dma_start3A_1704 = arith.constant 0 : i32
    %dma_start3A_1705 = tpu.memref_slice %arg6[%dma_start3A_1702, %dma_start3A_1703, %dma_start3A_1704] : memref<12x128x64xf32, #tpu.memory_space<vmem>> -> memref<1x128x64xf32, #tpu.memory_space<vmem>>
    %dma_start3A_1706 = tpu.memref_squeeze %dma_start3A_1705 : memref<1x128x64xf32, #tpu.memory_space<vmem>> -> memref<128x64xf32, #tpu.memory_space<vmem>>
    %dma_start3A_1707 = arith.constant 0 : i32
    %dma_start3A_1708 = tpu.memref_slice %arg5[%dma_start3A_1701, %dma_start3A_1707] : memref<50x128xi32, #tpu.memory_space<vmem>> -> memref<1x128xi32, #tpu.memory_space<vmem>>
    %dma_start3A_1709 = tpu.memref_squeeze %dma_start3A_1708 : memref<1x128xi32, #tpu.memory_space<vmem>> -> memref<128xi32, #tpu.memory_space<vmem>>
    %dma_start3A_1710 = arith.constant 0 : i32
    %dma_start3A_1711 = arith.constant 0 : i32
    %dma_start3A_1712 = tpu.memref_slice %arg2[%dma_start3A_1710, %dma_start3A_1711] : memref<100000x64xf32, #tpu.memory_space<hbm>> -> memref<100000x64xf32, #tpu.memory_space<hbm>>
    tpu.enqueue_indirect_dma source(%dma_start3A_1712 : memref<100000x64xf32, #tpu.memory_space<hbm>>) target(%dma_start3A_1706 : memref<128x64xf32, #tpu.memory_space<vmem>>) offsets(%dma_start3A_1709 : memref<128xi32, #tpu.memory_space<vmem>>) semaphore(%arg7 : memref<!tpu.dma_semaphore, #tpu.memory_space<semaphore_mem>>)
    %dma_wait3A_1713 = arith.constant 31 : i32
    %dma_wait3A_1714 = arith.constant 7 : i32
    %dma_wait3A_1715 = arith.constant 0 : i32
    %dma_wait3A_1716 = arith.constant 0 : i32
    %dma_wait3A_1717 = tpu.memref_slice %arg6[%dma_wait3A_1714, %dma_wait3A_1715, %dma_wait3A_1716] : memref<12x128x64xf32, #tpu.memory_space<vmem>> -> memref<1x128x64xf32, #tpu.memory_space<vmem>>
    %dma_wait3A_1718 = tpu.memref_squeeze %dma_wait3A_1717 : memref<1x128x64xf32, #tpu.memory_space<vmem>> -> memref<128x64xf32, #tpu.memory_space<vmem>>
    %dma_wait3A_1719 = arith.constant 0 : i32
    %dma_wait3A_1720 = tpu.memref_slice %arg5[%dma_wait3A_1713, %dma_wait3A_1719] : memref<50x128xi32, #tpu.memory_space<vmem>> -> memref<1x128xi32, #tpu.memory_space<vmem>>
    %dma_wait3A_1721 = tpu.memref_squeeze %dma_wait3A_1720 : memref<1x128xi32, #tpu.memory_space<vmem>> -> memref<128xi32, #tpu.memory_space<vmem>>
    %dma_wait3A_1722 = arith.constant 0 : i32
    %dma_wait3A_1723 = arith.constant 0 : i32
    %dma_wait3A_1724 = tpu.memref_slice %arg2[%dma_wait3A_1722, %dma_wait3A_1723] : memref<100000x64xf32, #tpu.memory_space<hbm>> -> memref<100000x64xf32, #tpu.memory_space<hbm>>
    tpu.wait_indirect_dma semaphore(%arg14 : memref<!tpu.dma_semaphore, #tpu.memory_space<semaphore_mem>>) src(%dma_wait3A_1724 : memref<100000x64xf32, #tpu.memory_space<hbm>>) dst(%dma_wait3A_1718 : memref<128x64xf32, #tpu.memory_space<vmem>>)
    %dma_start3A_1725 = arith.constant 7 : i32
    %dma_start3A_1726 = arith.constant 31 : i32
    %dma_start3A_1727 = arith.constant 0 : i32
    %dma_start3A_1728 = arith.constant 0 : i32
    %dma_start3A_1729 = tpu.memref_slice %arg6[%dma_start3A_1725, %dma_start3A_1727, %dma_start3A_1728] : memref<12x128x64xf32, #tpu.memory_space<vmem>> -> memref<1x128x64xf32, #tpu.memory_space<vmem>>
    %dma_start3A_1730 = tpu.memref_squeeze %dma_start3A_1729 : memref<1x128x64xf32, #tpu.memory_space<vmem>> -> memref<128x64xf32, #tpu.memory_space<vmem>>
    %dma_start3A_1731 = arith.constant 0 : i32
    %dma_start3A_1732 = tpu.memref_slice %arg4[%dma_start3A_1726, %mul3A_2, %dma_start3A_1731] : memref<50x4096x64xf32, #tpu.memory_space<hbm>> -> memref<1x128x64xf32, #tpu.memory_space<hbm>>
    %dma_start3A_1733 = tpu.memref_squeeze %dma_start3A_1732 : memref<1x128x64xf32, #tpu.memory_space<hbm>> -> memref<128x64xf32, #tpu.memory_space<hbm>>
    %dma_start3A_1734 = arith.constant 0 : i32
    %dma_start3A_1735 = tpu.memref_slice %arg4[%dma_start3A_1726, %mul3A_2, %dma_start3A_1734] : memref<50x4096x64xf32, #tpu.memory_space<hbm>> -> memref<1x128x64xf32, #tpu.memory_space<hbm>>
    %dma_start3A_1736 = tpu.memref_squeeze %dma_start3A_1735 : memref<1x128x64xf32, #tpu.memory_space<hbm>> -> memref<128x64xf32, #tpu.memory_space<hbm>>
    %dma_start3A_1737 = arith.constant 0 : i32
    %dma_start3A_1738 = arith.constant 0 : i32
    %dma_start3A_1739 = tpu.memref_slice %arg6[%dma_start3A_1725, %dma_start3A_1737, %dma_start3A_1738] : memref<12x128x64xf32, #tpu.memory_space<vmem>> -> memref<1x128x64xf32, #tpu.memory_space<vmem>>
    %dma_start3A_1740 = tpu.memref_squeeze %dma_start3A_1739 : memref<1x128x64xf32, #tpu.memory_space<vmem>> -> memref<128x64xf32, #tpu.memory_space<vmem>>
    tpu.enqueue_dma source(%dma_start3A_1740 : memref<128x64xf32, #tpu.memory_space<vmem>>) target(%dma_start3A_1736 : memref<128x64xf32, #tpu.memory_space<hbm>>) target_semaphore(%arg26 : memref<!tpu.dma_semaphore, #tpu.memory_space<semaphore_mem>>)
    %dma_wait3A_1741 = arith.constant 1 : i32
    %dma_wait3A_1742 = arith.constant 25 : i32
    %dma_wait3A_1743 = arith.constant 0 : i32
    %dma_wait3A_1744 = arith.constant 0 : i32
    %dma_wait3A_1745 = tpu.memref_slice %arg6[%dma_wait3A_1741, %dma_wait3A_1743, %dma_wait3A_1744] : memref<12x128x64xf32, #tpu.memory_space<vmem>> -> memref<1x128x64xf32, #tpu.memory_space<vmem>>
    %dma_wait3A_1746 = tpu.memref_squeeze %dma_wait3A_1745 : memref<1x128x64xf32, #tpu.memory_space<vmem>> -> memref<128x64xf32, #tpu.memory_space<vmem>>
    %dma_wait3A_1747 = arith.constant 0 : i32
    %dma_wait3A_1748 = tpu.memref_slice %arg4[%dma_wait3A_1742, %mul3A_2, %dma_wait3A_1747] : memref<50x4096x64xf32, #tpu.memory_space<hbm>> -> memref<1x128x64xf32, #tpu.memory_space<hbm>>
    %dma_wait3A_1749 = tpu.memref_squeeze %dma_wait3A_1748 : memref<1x128x64xf32, #tpu.memory_space<hbm>> -> memref<128x64xf32, #tpu.memory_space<hbm>>
    %dma_wait3A_1750 = arith.constant 0 : i32
    %dma_wait3A_1751 = tpu.memref_slice %arg4[%dma_wait3A_1742, %mul3A_2, %dma_wait3A_1750] : memref<50x4096x64xf32, #tpu.memory_space<hbm>> -> memref<1x128x64xf32, #tpu.memory_space<hbm>>
    %dma_wait3A_1752 = tpu.memref_squeeze %dma_wait3A_1751 : memref<1x128x64xf32, #tpu.memory_space<hbm>> -> memref<128x64xf32, #tpu.memory_space<hbm>>
    %dma_wait3A_1753 = arith.constant 0 : i32
    %dma_wait3A_1754 = arith.constant 0 : i32
    %dma_wait3A_1755 = tpu.memref_slice %arg6[%dma_wait3A_1741, %dma_wait3A_1753, %dma_wait3A_1754] : memref<12x128x64xf32, #tpu.memory_space<vmem>> -> memref<1x128x64xf32, #tpu.memory_space<vmem>>
    %dma_wait3A_1756 = tpu.memref_squeeze %dma_wait3A_1755 : memref<1x128x64xf32, #tpu.memory_space<vmem>> -> memref<128x64xf32, #tpu.memory_space<vmem>>
    tpu.wait_dma2 semaphore(%arg20 : memref<!tpu.dma_semaphore, #tpu.memory_space<semaphore_mem>>) src(%dma_wait3A_1756 : memref<128x64xf32, #tpu.memory_space<vmem>>) dst(%dma_wait3A_1752 : memref<128x64xf32, #tpu.memory_space<hbm>>)
    %dma_start3A_1757 = arith.constant 37 : i32
    %dma_start3A_1758 = arith.constant 1 : i32
    %dma_start3A_1759 = arith.constant 0 : i32
    %dma_start3A_1760 = arith.constant 0 : i32
    %dma_start3A_1761 = tpu.memref_slice %arg6[%dma_start3A_1758, %dma_start3A_1759, %dma_start3A_1760] : memref<12x128x64xf32, #tpu.memory_space<vmem>> -> memref<1x128x64xf32, #tpu.memory_space<vmem>>
    %dma_start3A_1762 = tpu.memref_squeeze %dma_start3A_1761 : memref<1x128x64xf32, #tpu.memory_space<vmem>> -> memref<128x64xf32, #tpu.memory_space<vmem>>
    %dma_start3A_1763 = arith.constant 0 : i32
    %dma_start3A_1764 = tpu.memref_slice %arg5[%dma_start3A_1757, %dma_start3A_1763] : memref<50x128xi32, #tpu.memory_space<vmem>> -> memref<1x128xi32, #tpu.memory_space<vmem>>
    %dma_start3A_1765 = tpu.memref_squeeze %dma_start3A_1764 : memref<1x128xi32, #tpu.memory_space<vmem>> -> memref<128xi32, #tpu.memory_space<vmem>>
    %dma_start3A_1766 = arith.constant 0 : i32
    %dma_start3A_1767 = arith.constant 0 : i32
    %dma_start3A_1768 = tpu.memref_slice %arg2[%dma_start3A_1766, %dma_start3A_1767] : memref<100000x64xf32, #tpu.memory_space<hbm>> -> memref<100000x64xf32, #tpu.memory_space<hbm>>
    tpu.enqueue_indirect_dma source(%dma_start3A_1768 : memref<100000x64xf32, #tpu.memory_space<hbm>>) target(%dma_start3A_1762 : memref<128x64xf32, #tpu.memory_space<vmem>>) offsets(%dma_start3A_1765 : memref<128xi32, #tpu.memory_space<vmem>>) semaphore(%arg8 : memref<!tpu.dma_semaphore, #tpu.memory_space<semaphore_mem>>)
    %dma_wait3A_1769 = arith.constant 32 : i32
    %dma_wait3A_1770 = arith.constant 8 : i32
    %dma_wait3A_1771 = arith.constant 0 : i32
    %dma_wait3A_1772 = arith.constant 0 : i32
    %dma_wait3A_1773 = tpu.memref_slice %arg6[%dma_wait3A_1770, %dma_wait3A_1771, %dma_wait3A_1772] : memref<12x128x64xf32, #tpu.memory_space<vmem>> -> memref<1x128x64xf32, #tpu.memory_space<vmem>>
    %dma_wait3A_1774 = tpu.memref_squeeze %dma_wait3A_1773 : memref<1x128x64xf32, #tpu.memory_space<vmem>> -> memref<128x64xf32, #tpu.memory_space<vmem>>
    %dma_wait3A_1775 = arith.constant 0 : i32
    %dma_wait3A_1776 = tpu.memref_slice %arg5[%dma_wait3A_1769, %dma_wait3A_1775] : memref<50x128xi32, #tpu.memory_space<vmem>> -> memref<1x128xi32, #tpu.memory_space<vmem>>
    %dma_wait3A_1777 = tpu.memref_squeeze %dma_wait3A_1776 : memref<1x128xi32, #tpu.memory_space<vmem>> -> memref<128xi32, #tpu.memory_space<vmem>>
    %dma_wait3A_1778 = arith.constant 0 : i32
    %dma_wait3A_1779 = arith.constant 0 : i32
    %dma_wait3A_1780 = tpu.memref_slice %arg2[%dma_wait3A_1778, %dma_wait3A_1779] : memref<100000x64xf32, #tpu.memory_space<hbm>> -> memref<100000x64xf32, #tpu.memory_space<hbm>>
    tpu.wait_indirect_dma semaphore(%arg15 : memref<!tpu.dma_semaphore, #tpu.memory_space<semaphore_mem>>) src(%dma_wait3A_1780 : memref<100000x64xf32, #tpu.memory_space<hbm>>) dst(%dma_wait3A_1774 : memref<128x64xf32, #tpu.memory_space<vmem>>)
    %dma_start3A_1781 = arith.constant 8 : i32
    %dma_start3A_1782 = arith.constant 32 : i32
    %dma_start3A_1783 = arith.constant 0 : i32
    %dma_start3A_1784 = arith.constant 0 : i32
    %dma_start3A_1785 = tpu.memref_slice %arg6[%dma_start3A_1781, %dma_start3A_1783, %dma_start3A_1784] : memref<12x128x64xf32, #tpu.memory_space<vmem>> -> memref<1x128x64xf32, #tpu.memory_space<vmem>>
    %dma_start3A_1786 = tpu.memref_squeeze %dma_start3A_1785 : memref<1x128x64xf32, #tpu.memory_space<vmem>> -> memref<128x64xf32, #tpu.memory_space<vmem>>
    %dma_start3A_1787 = arith.constant 0 : i32
    %dma_start3A_1788 = tpu.memref_slice %arg4[%dma_start3A_1782, %mul3A_2, %dma_start3A_1787] : memref<50x4096x64xf32, #tpu.memory_space<hbm>> -> memref<1x128x64xf32, #tpu.memory_space<hbm>>
    %dma_start3A_1789 = tpu.memref_squeeze %dma_start3A_1788 : memref<1x128x64xf32, #tpu.memory_space<hbm>> -> memref<128x64xf32, #tpu.memory_space<hbm>>
    %dma_start3A_1790 = arith.constant 0 : i32
    %dma_start3A_1791 = tpu.memref_slice %arg4[%dma_start3A_1782, %mul3A_2, %dma_start3A_1790] : memref<50x4096x64xf32, #tpu.memory_space<hbm>> -> memref<1x128x64xf32, #tpu.memory_space<hbm>>
    %dma_start3A_1792 = tpu.memref_squeeze %dma_start3A_1791 : memref<1x128x64xf32, #tpu.memory_space<hbm>> -> memref<128x64xf32, #tpu.memory_space<hbm>>
    %dma_start3A_1793 = arith.constant 0 : i32
    %dma_start3A_1794 = arith.constant 0 : i32
    %dma_start3A_1795 = tpu.memref_slice %arg6[%dma_start3A_1781, %dma_start3A_1793, %dma_start3A_1794] : memref<12x128x64xf32, #tpu.memory_space<vmem>> -> memref<1x128x64xf32, #tpu.memory_space<vmem>>
    %dma_start3A_1796 = tpu.memref_squeeze %dma_start3A_1795 : memref<1x128x64xf32, #tpu.memory_space<vmem>> -> memref<128x64xf32, #tpu.memory_space<vmem>>
    tpu.enqueue_dma source(%dma_start3A_1796 : memref<128x64xf32, #tpu.memory_space<vmem>>) target(%dma_start3A_1792 : memref<128x64xf32, #tpu.memory_space<hbm>>) target_semaphore(%arg27 : memref<!tpu.dma_semaphore, #tpu.memory_space<semaphore_mem>>)
    %dma_wait3A_1797 = arith.constant 2 : i32
    %dma_wait3A_1798 = arith.constant 26 : i32
    %dma_wait3A_1799 = arith.constant 0 : i32
    %dma_wait3A_1800 = arith.constant 0 : i32
    %dma_wait3A_1801 = tpu.memref_slice %arg6[%dma_wait3A_1797, %dma_wait3A_1799, %dma_wait3A_1800] : memref<12x128x64xf32, #tpu.memory_space<vmem>> -> memref<1x128x64xf32, #tpu.memory_space<vmem>>
    %dma_wait3A_1802 = tpu.memref_squeeze %dma_wait3A_1801 : memref<1x128x64xf32, #tpu.memory_space<vmem>> -> memref<128x64xf32, #tpu.memory_space<vmem>>
    %dma_wait3A_1803 = arith.constant 0 : i32
    %dma_wait3A_1804 = tpu.memref_slice %arg4[%dma_wait3A_1798, %mul3A_2, %dma_wait3A_1803] : memref<50x4096x64xf32, #tpu.memory_space<hbm>> -> memref<1x128x64xf32, #tpu.memory_space<hbm>>
    %dma_wait3A_1805 = tpu.memref_squeeze %dma_wait3A_1804 : memref<1x128x64xf32, #tpu.memory_space<hbm>> -> memref<128x64xf32, #tpu.memory_space<hbm>>
    %dma_wait3A_1806 = arith.constant 0 : i32
    %dma_wait3A_1807 = tpu.memref_slice %arg4[%dma_wait3A_1798, %mul3A_2, %dma_wait3A_1806] : memref<50x4096x64xf32, #tpu.memory_space<hbm>> -> memref<1x128x64xf32, #tpu.memory_space<hbm>>
    %dma_wait3A_1808 = tpu.memref_squeeze %dma_wait3A_1807 : memref<1x128x64xf32, #tpu.memory_space<hbm>> -> memref<128x64xf32, #tpu.memory_space<hbm>>
    %dma_wait3A_1809 = arith.constant 0 : i32
    %dma_wait3A_1810 = arith.constant 0 : i32
    %dma_wait3A_1811 = tpu.memref_slice %arg6[%dma_wait3A_1797, %dma_wait3A_1809, %dma_wait3A_1810] : memref<12x128x64xf32, #tpu.memory_space<vmem>> -> memref<1x128x64xf32, #tpu.memory_space<vmem>>
    %dma_wait3A_1812 = tpu.memref_squeeze %dma_wait3A_1811 : memref<1x128x64xf32, #tpu.memory_space<vmem>> -> memref<128x64xf32, #tpu.memory_space<vmem>>
    tpu.wait_dma2 semaphore(%arg21 : memref<!tpu.dma_semaphore, #tpu.memory_space<semaphore_mem>>) src(%dma_wait3A_1812 : memref<128x64xf32, #tpu.memory_space<vmem>>) dst(%dma_wait3A_1808 : memref<128x64xf32, #tpu.memory_space<hbm>>)
    %dma_start3A_1813 = arith.constant 38 : i32
    %dma_start3A_1814 = arith.constant 2 : i32
    %dma_start3A_1815 = arith.constant 0 : i32
    %dma_start3A_1816 = arith.constant 0 : i32
    %dma_start3A_1817 = tpu.memref_slice %arg6[%dma_start3A_1814, %dma_start3A_1815, %dma_start3A_1816] : memref<12x128x64xf32, #tpu.memory_space<vmem>> -> memref<1x128x64xf32, #tpu.memory_space<vmem>>
    %dma_start3A_1818 = tpu.memref_squeeze %dma_start3A_1817 : memref<1x128x64xf32, #tpu.memory_space<vmem>> -> memref<128x64xf32, #tpu.memory_space<vmem>>
    %dma_start3A_1819 = arith.constant 0 : i32
    %dma_start3A_1820 = tpu.memref_slice %arg5[%dma_start3A_1813, %dma_start3A_1819] : memref<50x128xi32, #tpu.memory_space<vmem>> -> memref<1x128xi32, #tpu.memory_space<vmem>>
    %dma_start3A_1821 = tpu.memref_squeeze %dma_start3A_1820 : memref<1x128xi32, #tpu.memory_space<vmem>> -> memref<128xi32, #tpu.memory_space<vmem>>
    %dma_start3A_1822 = arith.constant 0 : i32
    %dma_start3A_1823 = arith.constant 0 : i32
    %dma_start3A_1824 = tpu.memref_slice %arg2[%dma_start3A_1822, %dma_start3A_1823] : memref<100000x64xf32, #tpu.memory_space<hbm>> -> memref<100000x64xf32, #tpu.memory_space<hbm>>
    tpu.enqueue_indirect_dma source(%dma_start3A_1824 : memref<100000x64xf32, #tpu.memory_space<hbm>>) target(%dma_start3A_1818 : memref<128x64xf32, #tpu.memory_space<vmem>>) offsets(%dma_start3A_1821 : memref<128xi32, #tpu.memory_space<vmem>>) semaphore(%arg9 : memref<!tpu.dma_semaphore, #tpu.memory_space<semaphore_mem>>)
    %dma_wait3A_1825 = arith.constant 33 : i32
    %dma_wait3A_1826 = arith.constant 9 : i32
    %dma_wait3A_1827 = arith.constant 0 : i32
    %dma_wait3A_1828 = arith.constant 0 : i32
    %dma_wait3A_1829 = tpu.memref_slice %arg6[%dma_wait3A_1826, %dma_wait3A_1827, %dma_wait3A_1828] : memref<12x128x64xf32, #tpu.memory_space<vmem>> -> memref<1x128x64xf32, #tpu.memory_space<vmem>>
    %dma_wait3A_1830 = tpu.memref_squeeze %dma_wait3A_1829 : memref<1x128x64xf32, #tpu.memory_space<vmem>> -> memref<128x64xf32, #tpu.memory_space<vmem>>
    %dma_wait3A_1831 = arith.constant 0 : i32
    %dma_wait3A_1832 = tpu.memref_slice %arg5[%dma_wait3A_1825, %dma_wait3A_1831] : memref<50x128xi32, #tpu.memory_space<vmem>> -> memref<1x128xi32, #tpu.memory_space<vmem>>
    %dma_wait3A_1833 = tpu.memref_squeeze %dma_wait3A_1832 : memref<1x128xi32, #tpu.memory_space<vmem>> -> memref<128xi32, #tpu.memory_space<vmem>>
    %dma_wait3A_1834 = arith.constant 0 : i32
    %dma_wait3A_1835 = arith.constant 0 : i32
    %dma_wait3A_1836 = tpu.memref_slice %arg2[%dma_wait3A_1834, %dma_wait3A_1835] : memref<100000x64xf32, #tpu.memory_space<hbm>> -> memref<100000x64xf32, #tpu.memory_space<hbm>>
    tpu.wait_indirect_dma semaphore(%arg16 : memref<!tpu.dma_semaphore, #tpu.memory_space<semaphore_mem>>) src(%dma_wait3A_1836 : memref<100000x64xf32, #tpu.memory_space<hbm>>) dst(%dma_wait3A_1830 : memref<128x64xf32, #tpu.memory_space<vmem>>)
    %dma_start3A_1837 = arith.constant 9 : i32
    %dma_start3A_1838 = arith.constant 33 : i32
    %dma_start3A_1839 = arith.constant 0 : i32
    %dma_start3A_1840 = arith.constant 0 : i32
    %dma_start3A_1841 = tpu.memref_slice %arg6[%dma_start3A_1837, %dma_start3A_1839, %dma_start3A_1840] : memref<12x128x64xf32, #tpu.memory_space<vmem>> -> memref<1x128x64xf32, #tpu.memory_space<vmem>>
    %dma_start3A_1842 = tpu.memref_squeeze %dma_start3A_1841 : memref<1x128x64xf32, #tpu.memory_space<vmem>> -> memref<128x64xf32, #tpu.memory_space<vmem>>
    %dma_start3A_1843 = arith.constant 0 : i32
    %dma_start3A_1844 = tpu.memref_slice %arg4[%dma_start3A_1838, %mul3A_2, %dma_start3A_1843] : memref<50x4096x64xf32, #tpu.memory_space<hbm>> -> memref<1x128x64xf32, #tpu.memory_space<hbm>>
    %dma_start3A_1845 = tpu.memref_squeeze %dma_start3A_1844 : memref<1x128x64xf32, #tpu.memory_space<hbm>> -> memref<128x64xf32, #tpu.memory_space<hbm>>
    %dma_start3A_1846 = arith.constant 0 : i32
    %dma_start3A_1847 = tpu.memref_slice %arg4[%dma_start3A_1838, %mul3A_2, %dma_start3A_1846] : memref<50x4096x64xf32, #tpu.memory_space<hbm>> -> memref<1x128x64xf32, #tpu.memory_space<hbm>>
    %dma_start3A_1848 = tpu.memref_squeeze %dma_start3A_1847 : memref<1x128x64xf32, #tpu.memory_space<hbm>> -> memref<128x64xf32, #tpu.memory_space<hbm>>
    %dma_start3A_1849 = arith.constant 0 : i32
    %dma_start3A_1850 = arith.constant 0 : i32
    %dma_start3A_1851 = tpu.memref_slice %arg6[%dma_start3A_1837, %dma_start3A_1849, %dma_start3A_1850] : memref<12x128x64xf32, #tpu.memory_space<vmem>> -> memref<1x128x64xf32, #tpu.memory_space<vmem>>
    %dma_start3A_1852 = tpu.memref_squeeze %dma_start3A_1851 : memref<1x128x64xf32, #tpu.memory_space<vmem>> -> memref<128x64xf32, #tpu.memory_space<vmem>>
    tpu.enqueue_dma source(%dma_start3A_1852 : memref<128x64xf32, #tpu.memory_space<vmem>>) target(%dma_start3A_1848 : memref<128x64xf32, #tpu.memory_space<hbm>>) target_semaphore(%arg28 : memref<!tpu.dma_semaphore, #tpu.memory_space<semaphore_mem>>)
    %dma_wait3A_1853 = arith.constant 3 : i32
    %dma_wait3A_1854 = arith.constant 27 : i32
    %dma_wait3A_1855 = arith.constant 0 : i32
    %dma_wait3A_1856 = arith.constant 0 : i32
    %dma_wait3A_1857 = tpu.memref_slice %arg6[%dma_wait3A_1853, %dma_wait3A_1855, %dma_wait3A_1856] : memref<12x128x64xf32, #tpu.memory_space<vmem>> -> memref<1x128x64xf32, #tpu.memory_space<vmem>>
    %dma_wait3A_1858 = tpu.memref_squeeze %dma_wait3A_1857 : memref<1x128x64xf32, #tpu.memory_space<vmem>> -> memref<128x64xf32, #tpu.memory_space<vmem>>
    %dma_wait3A_1859 = arith.constant 0 : i32
    %dma_wait3A_1860 = tpu.memref_slice %arg4[%dma_wait3A_1854, %mul3A_2, %dma_wait3A_1859] : memref<50x4096x64xf32, #tpu.memory_space<hbm>> -> memref<1x128x64xf32, #tpu.memory_space<hbm>>
    %dma_wait3A_1861 = tpu.memref_squeeze %dma_wait3A_1860 : memref<1x128x64xf32, #tpu.memory_space<hbm>> -> memref<128x64xf32, #tpu.memory_space<hbm>>
    %dma_wait3A_1862 = arith.constant 0 : i32
    %dma_wait3A_1863 = tpu.memref_slice %arg4[%dma_wait3A_1854, %mul3A_2, %dma_wait3A_1862] : memref<50x4096x64xf32, #tpu.memory_space<hbm>> -> memref<1x128x64xf32, #tpu.memory_space<hbm>>
    %dma_wait3A_1864 = tpu.memref_squeeze %dma_wait3A_1863 : memref<1x128x64xf32, #tpu.memory_space<hbm>> -> memref<128x64xf32, #tpu.memory_space<hbm>>
    %dma_wait3A_1865 = arith.constant 0 : i32
    %dma_wait3A_1866 = arith.constant 0 : i32
    %dma_wait3A_1867 = tpu.memref_slice %arg6[%dma_wait3A_1853, %dma_wait3A_1865, %dma_wait3A_1866] : memref<12x128x64xf32, #tpu.memory_space<vmem>> -> memref<1x128x64xf32, #tpu.memory_space<vmem>>
    %dma_wait3A_1868 = tpu.memref_squeeze %dma_wait3A_1867 : memref<1x128x64xf32, #tpu.memory_space<vmem>> -> memref<128x64xf32, #tpu.memory_space<vmem>>
    tpu.wait_dma2 semaphore(%arg22 : memref<!tpu.dma_semaphore, #tpu.memory_space<semaphore_mem>>) src(%dma_wait3A_1868 : memref<128x64xf32, #tpu.memory_space<vmem>>) dst(%dma_wait3A_1864 : memref<128x64xf32, #tpu.memory_space<hbm>>)
    %dma_start3A_1869 = arith.constant 39 : i32
    %dma_start3A_1870 = arith.constant 3 : i32
    %dma_start3A_1871 = arith.constant 0 : i32
    %dma_start3A_1872 = arith.constant 0 : i32
    %dma_start3A_1873 = tpu.memref_slice %arg6[%dma_start3A_1870, %dma_start3A_1871, %dma_start3A_1872] : memref<12x128x64xf32, #tpu.memory_space<vmem>> -> memref<1x128x64xf32, #tpu.memory_space<vmem>>
    %dma_start3A_1874 = tpu.memref_squeeze %dma_start3A_1873 : memref<1x128x64xf32, #tpu.memory_space<vmem>> -> memref<128x64xf32, #tpu.memory_space<vmem>>
    %dma_start3A_1875 = arith.constant 0 : i32
    %dma_start3A_1876 = tpu.memref_slice %arg5[%dma_start3A_1869, %dma_start3A_1875] : memref<50x128xi32, #tpu.memory_space<vmem>> -> memref<1x128xi32, #tpu.memory_space<vmem>>
    %dma_start3A_1877 = tpu.memref_squeeze %dma_start3A_1876 : memref<1x128xi32, #tpu.memory_space<vmem>> -> memref<128xi32, #tpu.memory_space<vmem>>
    %dma_start3A_1878 = arith.constant 0 : i32
    %dma_start3A_1879 = arith.constant 0 : i32
    %dma_start3A_1880 = tpu.memref_slice %arg2[%dma_start3A_1878, %dma_start3A_1879] : memref<100000x64xf32, #tpu.memory_space<hbm>> -> memref<100000x64xf32, #tpu.memory_space<hbm>>
    tpu.enqueue_indirect_dma source(%dma_start3A_1880 : memref<100000x64xf32, #tpu.memory_space<hbm>>) target(%dma_start3A_1874 : memref<128x64xf32, #tpu.memory_space<vmem>>) offsets(%dma_start3A_1877 : memref<128xi32, #tpu.memory_space<vmem>>) semaphore(%arg10 : memref<!tpu.dma_semaphore, #tpu.memory_space<semaphore_mem>>)
    %dma_wait3A_1881 = arith.constant 34 : i32
    %dma_wait3A_1882 = arith.constant 10 : i32
    %dma_wait3A_1883 = arith.constant 0 : i32
    %dma_wait3A_1884 = arith.constant 0 : i32
    %dma_wait3A_1885 = tpu.memref_slice %arg6[%dma_wait3A_1882, %dma_wait3A_1883, %dma_wait3A_1884] : memref<12x128x64xf32, #tpu.memory_space<vmem>> -> memref<1x128x64xf32, #tpu.memory_space<vmem>>
    %dma_wait3A_1886 = tpu.memref_squeeze %dma_wait3A_1885 : memref<1x128x64xf32, #tpu.memory_space<vmem>> -> memref<128x64xf32, #tpu.memory_space<vmem>>
    %dma_wait3A_1887 = arith.constant 0 : i32
    %dma_wait3A_1888 = tpu.memref_slice %arg5[%dma_wait3A_1881, %dma_wait3A_1887] : memref<50x128xi32, #tpu.memory_space<vmem>> -> memref<1x128xi32, #tpu.memory_space<vmem>>
    %dma_wait3A_1889 = tpu.memref_squeeze %dma_wait3A_1888 : memref<1x128xi32, #tpu.memory_space<vmem>> -> memref<128xi32, #tpu.memory_space<vmem>>
    %dma_wait3A_1890 = arith.constant 0 : i32
    %dma_wait3A_1891 = arith.constant 0 : i32
    %dma_wait3A_1892 = tpu.memref_slice %arg2[%dma_wait3A_1890, %dma_wait3A_1891] : memref<100000x64xf32, #tpu.memory_space<hbm>> -> memref<100000x64xf32, #tpu.memory_space<hbm>>
    tpu.wait_indirect_dma semaphore(%arg17 : memref<!tpu.dma_semaphore, #tpu.memory_space<semaphore_mem>>) src(%dma_wait3A_1892 : memref<100000x64xf32, #tpu.memory_space<hbm>>) dst(%dma_wait3A_1886 : memref<128x64xf32, #tpu.memory_space<vmem>>)
    %dma_start3A_1893 = arith.constant 10 : i32
    %dma_start3A_1894 = arith.constant 34 : i32
    %dma_start3A_1895 = arith.constant 0 : i32
    %dma_start3A_1896 = arith.constant 0 : i32
    %dma_start3A_1897 = tpu.memref_slice %arg6[%dma_start3A_1893, %dma_start3A_1895, %dma_start3A_1896] : memref<12x128x64xf32, #tpu.memory_space<vmem>> -> memref<1x128x64xf32, #tpu.memory_space<vmem>>
    %dma_start3A_1898 = tpu.memref_squeeze %dma_start3A_1897 : memref<1x128x64xf32, #tpu.memory_space<vmem>> -> memref<128x64xf32, #tpu.memory_space<vmem>>
    %dma_start3A_1899 = arith.constant 0 : i32
    %dma_start3A_1900 = tpu.memref_slice %arg4[%dma_start3A_1894, %mul3A_2, %dma_start3A_1899] : memref<50x4096x64xf32, #tpu.memory_space<hbm>> -> memref<1x128x64xf32, #tpu.memory_space<hbm>>
    %dma_start3A_1901 = tpu.memref_squeeze %dma_start3A_1900 : memref<1x128x64xf32, #tpu.memory_space<hbm>> -> memref<128x64xf32, #tpu.memory_space<hbm>>
    %dma_start3A_1902 = arith.constant 0 : i32
    %dma_start3A_1903 = tpu.memref_slice %arg4[%dma_start3A_1894, %mul3A_2, %dma_start3A_1902] : memref<50x4096x64xf32, #tpu.memory_space<hbm>> -> memref<1x128x64xf32, #tpu.memory_space<hbm>>
    %dma_start3A_1904 = tpu.memref_squeeze %dma_start3A_1903 : memref<1x128x64xf32, #tpu.memory_space<hbm>> -> memref<128x64xf32, #tpu.memory_space<hbm>>
    %dma_start3A_1905 = arith.constant 0 : i32
    %dma_start3A_1906 = arith.constant 0 : i32
    %dma_start3A_1907 = tpu.memref_slice %arg6[%dma_start3A_1893, %dma_start3A_1905, %dma_start3A_1906] : memref<12x128x64xf32, #tpu.memory_space<vmem>> -> memref<1x128x64xf32, #tpu.memory_space<vmem>>
    %dma_start3A_1908 = tpu.memref_squeeze %dma_start3A_1907 : memref<1x128x64xf32, #tpu.memory_space<vmem>> -> memref<128x64xf32, #tpu.memory_space<vmem>>
    tpu.enqueue_dma source(%dma_start3A_1908 : memref<128x64xf32, #tpu.memory_space<vmem>>) target(%dma_start3A_1904 : memref<128x64xf32, #tpu.memory_space<hbm>>) target_semaphore(%arg29 : memref<!tpu.dma_semaphore, #tpu.memory_space<semaphore_mem>>)
    %dma_wait3A_1909 = arith.constant 4 : i32
    %dma_wait3A_1910 = arith.constant 28 : i32
    %dma_wait3A_1911 = arith.constant 0 : i32
    %dma_wait3A_1912 = arith.constant 0 : i32
    %dma_wait3A_1913 = tpu.memref_slice %arg6[%dma_wait3A_1909, %dma_wait3A_1911, %dma_wait3A_1912] : memref<12x128x64xf32, #tpu.memory_space<vmem>> -> memref<1x128x64xf32, #tpu.memory_space<vmem>>
    %dma_wait3A_1914 = tpu.memref_squeeze %dma_wait3A_1913 : memref<1x128x64xf32, #tpu.memory_space<vmem>> -> memref<128x64xf32, #tpu.memory_space<vmem>>
    %dma_wait3A_1915 = arith.constant 0 : i32
    %dma_wait3A_1916 = tpu.memref_slice %arg4[%dma_wait3A_1910, %mul3A_2, %dma_wait3A_1915] : memref<50x4096x64xf32, #tpu.memory_space<hbm>> -> memref<1x128x64xf32, #tpu.memory_space<hbm>>
    %dma_wait3A_1917 = tpu.memref_squeeze %dma_wait3A_1916 : memref<1x128x64xf32, #tpu.memory_space<hbm>> -> memref<128x64xf32, #tpu.memory_space<hbm>>
    %dma_wait3A_1918 = arith.constant 0 : i32
    %dma_wait3A_1919 = tpu.memref_slice %arg4[%dma_wait3A_1910, %mul3A_2, %dma_wait3A_1918] : memref<50x4096x64xf32, #tpu.memory_space<hbm>> -> memref<1x128x64xf32, #tpu.memory_space<hbm>>
    %dma_wait3A_1920 = tpu.memref_squeeze %dma_wait3A_1919 : memref<1x128x64xf32, #tpu.memory_space<hbm>> -> memref<128x64xf32, #tpu.memory_space<hbm>>
    %dma_wait3A_1921 = arith.constant 0 : i32
    %dma_wait3A_1922 = arith.constant 0 : i32
    %dma_wait3A_1923 = tpu.memref_slice %arg6[%dma_wait3A_1909, %dma_wait3A_1921, %dma_wait3A_1922] : memref<12x128x64xf32, #tpu.memory_space<vmem>> -> memref<1x128x64xf32, #tpu.memory_space<vmem>>
    %dma_wait3A_1924 = tpu.memref_squeeze %dma_wait3A_1923 : memref<1x128x64xf32, #tpu.memory_space<vmem>> -> memref<128x64xf32, #tpu.memory_space<vmem>>
    tpu.wait_dma2 semaphore(%arg23 : memref<!tpu.dma_semaphore, #tpu.memory_space<semaphore_mem>>) src(%dma_wait3A_1924 : memref<128x64xf32, #tpu.memory_space<vmem>>) dst(%dma_wait3A_1920 : memref<128x64xf32, #tpu.memory_space<hbm>>)
    %dma_start3A_1925 = arith.constant 40 : i32
    %dma_start3A_1926 = arith.constant 4 : i32
    %dma_start3A_1927 = arith.constant 0 : i32
    %dma_start3A_1928 = arith.constant 0 : i32
    %dma_start3A_1929 = tpu.memref_slice %arg6[%dma_start3A_1926, %dma_start3A_1927, %dma_start3A_1928] : memref<12x128x64xf32, #tpu.memory_space<vmem>> -> memref<1x128x64xf32, #tpu.memory_space<vmem>>
    %dma_start3A_1930 = tpu.memref_squeeze %dma_start3A_1929 : memref<1x128x64xf32, #tpu.memory_space<vmem>> -> memref<128x64xf32, #tpu.memory_space<vmem>>
    %dma_start3A_1931 = arith.constant 0 : i32
    %dma_start3A_1932 = tpu.memref_slice %arg5[%dma_start3A_1925, %dma_start3A_1931] : memref<50x128xi32, #tpu.memory_space<vmem>> -> memref<1x128xi32, #tpu.memory_space<vmem>>
    %dma_start3A_1933 = tpu.memref_squeeze %dma_start3A_1932 : memref<1x128xi32, #tpu.memory_space<vmem>> -> memref<128xi32, #tpu.memory_space<vmem>>
    %dma_start3A_1934 = arith.constant 0 : i32
    %dma_start3A_1935 = arith.constant 0 : i32
    %dma_start3A_1936 = tpu.memref_slice %arg2[%dma_start3A_1934, %dma_start3A_1935] : memref<100000x64xf32, #tpu.memory_space<hbm>> -> memref<100000x64xf32, #tpu.memory_space<hbm>>
    tpu.enqueue_indirect_dma source(%dma_start3A_1936 : memref<100000x64xf32, #tpu.memory_space<hbm>>) target(%dma_start3A_1930 : memref<128x64xf32, #tpu.memory_space<vmem>>) offsets(%dma_start3A_1933 : memref<128xi32, #tpu.memory_space<vmem>>) semaphore(%arg11 : memref<!tpu.dma_semaphore, #tpu.memory_space<semaphore_mem>>)
    %dma_wait3A_1937 = arith.constant 35 : i32
    %dma_wait3A_1938 = arith.constant 11 : i32
    %dma_wait3A_1939 = arith.constant 0 : i32
    %dma_wait3A_1940 = arith.constant 0 : i32
    %dma_wait3A_1941 = tpu.memref_slice %arg6[%dma_wait3A_1938, %dma_wait3A_1939, %dma_wait3A_1940] : memref<12x128x64xf32, #tpu.memory_space<vmem>> -> memref<1x128x64xf32, #tpu.memory_space<vmem>>
    %dma_wait3A_1942 = tpu.memref_squeeze %dma_wait3A_1941 : memref<1x128x64xf32, #tpu.memory_space<vmem>> -> memref<128x64xf32, #tpu.memory_space<vmem>>
    %dma_wait3A_1943 = arith.constant 0 : i32
    %dma_wait3A_1944 = tpu.memref_slice %arg5[%dma_wait3A_1937, %dma_wait3A_1943] : memref<50x128xi32, #tpu.memory_space<vmem>> -> memref<1x128xi32, #tpu.memory_space<vmem>>
    %dma_wait3A_1945 = tpu.memref_squeeze %dma_wait3A_1944 : memref<1x128xi32, #tpu.memory_space<vmem>> -> memref<128xi32, #tpu.memory_space<vmem>>
    %dma_wait3A_1946 = arith.constant 0 : i32
    %dma_wait3A_1947 = arith.constant 0 : i32
    %dma_wait3A_1948 = tpu.memref_slice %arg2[%dma_wait3A_1946, %dma_wait3A_1947] : memref<100000x64xf32, #tpu.memory_space<hbm>> -> memref<100000x64xf32, #tpu.memory_space<hbm>>
    tpu.wait_indirect_dma semaphore(%arg18 : memref<!tpu.dma_semaphore, #tpu.memory_space<semaphore_mem>>) src(%dma_wait3A_1948 : memref<100000x64xf32, #tpu.memory_space<hbm>>) dst(%dma_wait3A_1942 : memref<128x64xf32, #tpu.memory_space<vmem>>)
    %dma_start3A_1949 = arith.constant 11 : i32
    %dma_start3A_1950 = arith.constant 35 : i32
    %dma_start3A_1951 = arith.constant 0 : i32
    %dma_start3A_1952 = arith.constant 0 : i32
    %dma_start3A_1953 = tpu.memref_slice %arg6[%dma_start3A_1949, %dma_start3A_1951, %dma_start3A_1952] : memref<12x128x64xf32, #tpu.memory_space<vmem>> -> memref<1x128x64xf32, #tpu.memory_space<vmem>>
    %dma_start3A_1954 = tpu.memref_squeeze %dma_start3A_1953 : memref<1x128x64xf32, #tpu.memory_space<vmem>> -> memref<128x64xf32, #tpu.memory_space<vmem>>
    %dma_start3A_1955 = arith.constant 0 : i32
    %dma_start3A_1956 = tpu.memref_slice %arg4[%dma_start3A_1950, %mul3A_2, %dma_start3A_1955] : memref<50x4096x64xf32, #tpu.memory_space<hbm>> -> memref<1x128x64xf32, #tpu.memory_space<hbm>>
    %dma_start3A_1957 = tpu.memref_squeeze %dma_start3A_1956 : memref<1x128x64xf32, #tpu.memory_space<hbm>> -> memref<128x64xf32, #tpu.memory_space<hbm>>
    %dma_start3A_1958 = arith.constant 0 : i32
    %dma_start3A_1959 = tpu.memref_slice %arg4[%dma_start3A_1950, %mul3A_2, %dma_start3A_1958] : memref<50x4096x64xf32, #tpu.memory_space<hbm>> -> memref<1x128x64xf32, #tpu.memory_space<hbm>>
    %dma_start3A_1960 = tpu.memref_squeeze %dma_start3A_1959 : memref<1x128x64xf32, #tpu.memory_space<hbm>> -> memref<128x64xf32, #tpu.memory_space<hbm>>
    %dma_start3A_1961 = arith.constant 0 : i32
    %dma_start3A_1962 = arith.constant 0 : i32
    %dma_start3A_1963 = tpu.memref_slice %arg6[%dma_start3A_1949, %dma_start3A_1961, %dma_start3A_1962] : memref<12x128x64xf32, #tpu.memory_space<vmem>> -> memref<1x128x64xf32, #tpu.memory_space<vmem>>
    %dma_start3A_1964 = tpu.memref_squeeze %dma_start3A_1963 : memref<1x128x64xf32, #tpu.memory_space<vmem>> -> memref<128x64xf32, #tpu.memory_space<vmem>>
    tpu.enqueue_dma source(%dma_start3A_1964 : memref<128x64xf32, #tpu.memory_space<vmem>>) target(%dma_start3A_1960 : memref<128x64xf32, #tpu.memory_space<hbm>>) target_semaphore(%arg30 : memref<!tpu.dma_semaphore, #tpu.memory_space<semaphore_mem>>)
    %dma_wait3A_1965 = arith.constant 5 : i32
    %dma_wait3A_1966 = arith.constant 29 : i32
    %dma_wait3A_1967 = arith.constant 0 : i32
    %dma_wait3A_1968 = arith.constant 0 : i32
    %dma_wait3A_1969 = tpu.memref_slice %arg6[%dma_wait3A_1965, %dma_wait3A_1967, %dma_wait3A_1968] : memref<12x128x64xf32, #tpu.memory_space<vmem>> -> memref<1x128x64xf32, #tpu.memory_space<vmem>>
    %dma_wait3A_1970 = tpu.memref_squeeze %dma_wait3A_1969 : memref<1x128x64xf32, #tpu.memory_space<vmem>> -> memref<128x64xf32, #tpu.memory_space<vmem>>
    %dma_wait3A_1971 = arith.constant 0 : i32
    %dma_wait3A_1972 = tpu.memref_slice %arg4[%dma_wait3A_1966, %mul3A_2, %dma_wait3A_1971] : memref<50x4096x64xf32, #tpu.memory_space<hbm>> -> memref<1x128x64xf32, #tpu.memory_space<hbm>>
    %dma_wait3A_1973 = tpu.memref_squeeze %dma_wait3A_1972 : memref<1x128x64xf32, #tpu.memory_space<hbm>> -> memref<128x64xf32, #tpu.memory_space<hbm>>
    %dma_wait3A_1974 = arith.constant 0 : i32
    %dma_wait3A_1975 = tpu.memref_slice %arg4[%dma_wait3A_1966, %mul3A_2, %dma_wait3A_1974] : memref<50x4096x64xf32, #tpu.memory_space<hbm>> -> memref<1x128x64xf32, #tpu.memory_space<hbm>>
    %dma_wait3A_1976 = tpu.memref_squeeze %dma_wait3A_1975 : memref<1x128x64xf32, #tpu.memory_space<hbm>> -> memref<128x64xf32, #tpu.memory_space<hbm>>
    %dma_wait3A_1977 = arith.constant 0 : i32
    %dma_wait3A_1978 = arith.constant 0 : i32
    %dma_wait3A_1979 = tpu.memref_slice %arg6[%dma_wait3A_1965, %dma_wait3A_1977, %dma_wait3A_1978] : memref<12x128x64xf32, #tpu.memory_space<vmem>> -> memref<1x128x64xf32, #tpu.memory_space<vmem>>
    %dma_wait3A_1980 = tpu.memref_squeeze %dma_wait3A_1979 : memref<1x128x64xf32, #tpu.memory_space<vmem>> -> memref<128x64xf32, #tpu.memory_space<vmem>>
    tpu.wait_dma2 semaphore(%arg24 : memref<!tpu.dma_semaphore, #tpu.memory_space<semaphore_mem>>) src(%dma_wait3A_1980 : memref<128x64xf32, #tpu.memory_space<vmem>>) dst(%dma_wait3A_1976 : memref<128x64xf32, #tpu.memory_space<hbm>>)
    %dma_start3A_1981 = arith.constant 41 : i32
    %dma_start3A_1982 = arith.constant 5 : i32
    %dma_start3A_1983 = arith.constant 0 : i32
    %dma_start3A_1984 = arith.constant 0 : i32
    %dma_start3A_1985 = tpu.memref_slice %arg6[%dma_start3A_1982, %dma_start3A_1983, %dma_start3A_1984] : memref<12x128x64xf32, #tpu.memory_space<vmem>> -> memref<1x128x64xf32, #tpu.memory_space<vmem>>
    %dma_start3A_1986 = tpu.memref_squeeze %dma_start3A_1985 : memref<1x128x64xf32, #tpu.memory_space<vmem>> -> memref<128x64xf32, #tpu.memory_space<vmem>>
    %dma_start3A_1987 = arith.constant 0 : i32
    %dma_start3A_1988 = tpu.memref_slice %arg5[%dma_start3A_1981, %dma_start3A_1987] : memref<50x128xi32, #tpu.memory_space<vmem>> -> memref<1x128xi32, #tpu.memory_space<vmem>>
    %dma_start3A_1989 = tpu.memref_squeeze %dma_start3A_1988 : memref<1x128xi32, #tpu.memory_space<vmem>> -> memref<128xi32, #tpu.memory_space<vmem>>
    %dma_start3A_1990 = arith.constant 0 : i32
    %dma_start3A_1991 = arith.constant 0 : i32
    %dma_start3A_1992 = tpu.memref_slice %arg2[%dma_start3A_1990, %dma_start3A_1991] : memref<100000x64xf32, #tpu.memory_space<hbm>> -> memref<100000x64xf32, #tpu.memory_space<hbm>>
    tpu.enqueue_indirect_dma source(%dma_start3A_1992 : memref<100000x64xf32, #tpu.memory_space<hbm>>) target(%dma_start3A_1986 : memref<128x64xf32, #tpu.memory_space<vmem>>) offsets(%dma_start3A_1989 : memref<128xi32, #tpu.memory_space<vmem>>) semaphore(%arg12 : memref<!tpu.dma_semaphore, #tpu.memory_space<semaphore_mem>>)
    %dma_wait3A_1993 = arith.constant 36 : i32
    %dma_wait3A_1994 = arith.constant 0 : i32
    %dma_wait3A_1995 = arith.constant 0 : i32
    %dma_wait3A_1996 = arith.constant 0 : i32
    %dma_wait3A_1997 = tpu.memref_slice %arg6[%dma_wait3A_1994, %dma_wait3A_1995, %dma_wait3A_1996] : memref<12x128x64xf32, #tpu.memory_space<vmem>> -> memref<1x128x64xf32, #tpu.memory_space<vmem>>
    %dma_wait3A_1998 = tpu.memref_squeeze %dma_wait3A_1997 : memref<1x128x64xf32, #tpu.memory_space<vmem>> -> memref<128x64xf32, #tpu.memory_space<vmem>>
    %dma_wait3A_1999 = arith.constant 0 : i32
    %dma_wait3A_2000 = tpu.memref_slice %arg5[%dma_wait3A_1993, %dma_wait3A_1999] : memref<50x128xi32, #tpu.memory_space<vmem>> -> memref<1x128xi32, #tpu.memory_space<vmem>>
    %dma_wait3A_2001 = tpu.memref_squeeze %dma_wait3A_2000 : memref<1x128xi32, #tpu.memory_space<vmem>> -> memref<128xi32, #tpu.memory_space<vmem>>
    %dma_wait3A_2002 = arith.constant 0 : i32
    %dma_wait3A_2003 = arith.constant 0 : i32
    %dma_wait3A_2004 = tpu.memref_slice %arg2[%dma_wait3A_2002, %dma_wait3A_2003] : memref<100000x64xf32, #tpu.memory_space<hbm>> -> memref<100000x64xf32, #tpu.memory_space<hbm>>
    tpu.wait_indirect_dma semaphore(%arg7 : memref<!tpu.dma_semaphore, #tpu.memory_space<semaphore_mem>>) src(%dma_wait3A_2004 : memref<100000x64xf32, #tpu.memory_space<hbm>>) dst(%dma_wait3A_1998 : memref<128x64xf32, #tpu.memory_space<vmem>>)
    %dma_start3A_2005 = arith.constant 0 : i32
    %dma_start3A_2006 = arith.constant 36 : i32
    %dma_start3A_2007 = arith.constant 0 : i32
    %dma_start3A_2008 = arith.constant 0 : i32
    %dma_start3A_2009 = tpu.memref_slice %arg6[%dma_start3A_2005, %dma_start3A_2007, %dma_start3A_2008] : memref<12x128x64xf32, #tpu.memory_space<vmem>> -> memref<1x128x64xf32, #tpu.memory_space<vmem>>
    %dma_start3A_2010 = tpu.memref_squeeze %dma_start3A_2009 : memref<1x128x64xf32, #tpu.memory_space<vmem>> -> memref<128x64xf32, #tpu.memory_space<vmem>>
    %dma_start3A_2011 = arith.constant 0 : i32
    %dma_start3A_2012 = tpu.memref_slice %arg4[%dma_start3A_2006, %mul3A_2, %dma_start3A_2011] : memref<50x4096x64xf32, #tpu.memory_space<hbm>> -> memref<1x128x64xf32, #tpu.memory_space<hbm>>
    %dma_start3A_2013 = tpu.memref_squeeze %dma_start3A_2012 : memref<1x128x64xf32, #tpu.memory_space<hbm>> -> memref<128x64xf32, #tpu.memory_space<hbm>>
    %dma_start3A_2014 = arith.constant 0 : i32
    %dma_start3A_2015 = tpu.memref_slice %arg4[%dma_start3A_2006, %mul3A_2, %dma_start3A_2014] : memref<50x4096x64xf32, #tpu.memory_space<hbm>> -> memref<1x128x64xf32, #tpu.memory_space<hbm>>
    %dma_start3A_2016 = tpu.memref_squeeze %dma_start3A_2015 : memref<1x128x64xf32, #tpu.memory_space<hbm>> -> memref<128x64xf32, #tpu.memory_space<hbm>>
    %dma_start3A_2017 = arith.constant 0 : i32
    %dma_start3A_2018 = arith.constant 0 : i32
    %dma_start3A_2019 = tpu.memref_slice %arg6[%dma_start3A_2005, %dma_start3A_2017, %dma_start3A_2018] : memref<12x128x64xf32, #tpu.memory_space<vmem>> -> memref<1x128x64xf32, #tpu.memory_space<vmem>>
    %dma_start3A_2020 = tpu.memref_squeeze %dma_start3A_2019 : memref<1x128x64xf32, #tpu.memory_space<vmem>> -> memref<128x64xf32, #tpu.memory_space<vmem>>
    tpu.enqueue_dma source(%dma_start3A_2020 : memref<128x64xf32, #tpu.memory_space<vmem>>) target(%dma_start3A_2016 : memref<128x64xf32, #tpu.memory_space<hbm>>) target_semaphore(%arg19 : memref<!tpu.dma_semaphore, #tpu.memory_space<semaphore_mem>>)
    %dma_wait3A_2021 = arith.constant 6 : i32
    %dma_wait3A_2022 = arith.constant 30 : i32
    %dma_wait3A_2023 = arith.constant 0 : i32
    %dma_wait3A_2024 = arith.constant 0 : i32
    %dma_wait3A_2025 = tpu.memref_slice %arg6[%dma_wait3A_2021, %dma_wait3A_2023, %dma_wait3A_2024] : memref<12x128x64xf32, #tpu.memory_space<vmem>> -> memref<1x128x64xf32, #tpu.memory_space<vmem>>
    %dma_wait3A_2026 = tpu.memref_squeeze %dma_wait3A_2025 : memref<1x128x64xf32, #tpu.memory_space<vmem>> -> memref<128x64xf32, #tpu.memory_space<vmem>>
    %dma_wait3A_2027 = arith.constant 0 : i32
    %dma_wait3A_2028 = tpu.memref_slice %arg4[%dma_wait3A_2022, %mul3A_2, %dma_wait3A_2027] : memref<50x4096x64xf32, #tpu.memory_space<hbm>> -> memref<1x128x64xf32, #tpu.memory_space<hbm>>
    %dma_wait3A_2029 = tpu.memref_squeeze %dma_wait3A_2028 : memref<1x128x64xf32, #tpu.memory_space<hbm>> -> memref<128x64xf32, #tpu.memory_space<hbm>>
    %dma_wait3A_2030 = arith.constant 0 : i32
    %dma_wait3A_2031 = tpu.memref_slice %arg4[%dma_wait3A_2022, %mul3A_2, %dma_wait3A_2030] : memref<50x4096x64xf32, #tpu.memory_space<hbm>> -> memref<1x128x64xf32, #tpu.memory_space<hbm>>
    %dma_wait3A_2032 = tpu.memref_squeeze %dma_wait3A_2031 : memref<1x128x64xf32, #tpu.memory_space<hbm>> -> memref<128x64xf32, #tpu.memory_space<hbm>>
    %dma_wait3A_2033 = arith.constant 0 : i32
    %dma_wait3A_2034 = arith.constant 0 : i32
    %dma_wait3A_2035 = tpu.memref_slice %arg6[%dma_wait3A_2021, %dma_wait3A_2033, %dma_wait3A_2034] : memref<12x128x64xf32, #tpu.memory_space<vmem>> -> memref<1x128x64xf32, #tpu.memory_space<vmem>>
    %dma_wait3A_2036 = tpu.memref_squeeze %dma_wait3A_2035 : memref<1x128x64xf32, #tpu.memory_space<vmem>> -> memref<128x64xf32, #tpu.memory_space<vmem>>
    tpu.wait_dma2 semaphore(%arg25 : memref<!tpu.dma_semaphore, #tpu.memory_space<semaphore_mem>>) src(%dma_wait3A_2036 : memref<128x64xf32, #tpu.memory_space<vmem>>) dst(%dma_wait3A_2032 : memref<128x64xf32, #tpu.memory_space<hbm>>)
    %dma_start3A_2037 = arith.constant 42 : i32
    %dma_start3A_2038 = arith.constant 6 : i32
    %dma_start3A_2039 = arith.constant 0 : i32
    %dma_start3A_2040 = arith.constant 0 : i32
    %dma_start3A_2041 = tpu.memref_slice %arg6[%dma_start3A_2038, %dma_start3A_2039, %dma_start3A_2040] : memref<12x128x64xf32, #tpu.memory_space<vmem>> -> memref<1x128x64xf32, #tpu.memory_space<vmem>>
    %dma_start3A_2042 = tpu.memref_squeeze %dma_start3A_2041 : memref<1x128x64xf32, #tpu.memory_space<vmem>> -> memref<128x64xf32, #tpu.memory_space<vmem>>
    %dma_start3A_2043 = arith.constant 0 : i32
    %dma_start3A_2044 = tpu.memref_slice %arg5[%dma_start3A_2037, %dma_start3A_2043] : memref<50x128xi32, #tpu.memory_space<vmem>> -> memref<1x128xi32, #tpu.memory_space<vmem>>
    %dma_start3A_2045 = tpu.memref_squeeze %dma_start3A_2044 : memref<1x128xi32, #tpu.memory_space<vmem>> -> memref<128xi32, #tpu.memory_space<vmem>>
    %dma_start3A_2046 = arith.constant 0 : i32
    %dma_start3A_2047 = arith.constant 0 : i32
    %dma_start3A_2048 = tpu.memref_slice %arg2[%dma_start3A_2046, %dma_start3A_2047] : memref<100000x64xf32, #tpu.memory_space<hbm>> -> memref<100000x64xf32, #tpu.memory_space<hbm>>
    tpu.enqueue_indirect_dma source(%dma_start3A_2048 : memref<100000x64xf32, #tpu.memory_space<hbm>>) target(%dma_start3A_2042 : memref<128x64xf32, #tpu.memory_space<vmem>>) offsets(%dma_start3A_2045 : memref<128xi32, #tpu.memory_space<vmem>>) semaphore(%arg13 : memref<!tpu.dma_semaphore, #tpu.memory_space<semaphore_mem>>)
    %dma_wait3A_2049 = arith.constant 37 : i32
    %dma_wait3A_2050 = arith.constant 1 : i32
    %dma_wait3A_2051 = arith.constant 0 : i32
    %dma_wait3A_2052 = arith.constant 0 : i32
    %dma_wait3A_2053 = tpu.memref_slice %arg6[%dma_wait3A_2050, %dma_wait3A_2051, %dma_wait3A_2052] : memref<12x128x64xf32, #tpu.memory_space<vmem>> -> memref<1x128x64xf32, #tpu.memory_space<vmem>>
    %dma_wait3A_2054 = tpu.memref_squeeze %dma_wait3A_2053 : memref<1x128x64xf32, #tpu.memory_space<vmem>> -> memref<128x64xf32, #tpu.memory_space<vmem>>
    %dma_wait3A_2055 = arith.constant 0 : i32
    %dma_wait3A_2056 = tpu.memref_slice %arg5[%dma_wait3A_2049, %dma_wait3A_2055] : memref<50x128xi32, #tpu.memory_space<vmem>> -> memref<1x128xi32, #tpu.memory_space<vmem>>
    %dma_wait3A_2057 = tpu.memref_squeeze %dma_wait3A_2056 : memref<1x128xi32, #tpu.memory_space<vmem>> -> memref<128xi32, #tpu.memory_space<vmem>>
    %dma_wait3A_2058 = arith.constant 0 : i32
    %dma_wait3A_2059 = arith.constant 0 : i32
    %dma_wait3A_2060 = tpu.memref_slice %arg2[%dma_wait3A_2058, %dma_wait3A_2059] : memref<100000x64xf32, #tpu.memory_space<hbm>> -> memref<100000x64xf32, #tpu.memory_space<hbm>>
    tpu.wait_indirect_dma semaphore(%arg8 : memref<!tpu.dma_semaphore, #tpu.memory_space<semaphore_mem>>) src(%dma_wait3A_2060 : memref<100000x64xf32, #tpu.memory_space<hbm>>) dst(%dma_wait3A_2054 : memref<128x64xf32, #tpu.memory_space<vmem>>)
    %dma_start3A_2061 = arith.constant 1 : i32
    %dma_start3A_2062 = arith.constant 37 : i32
    %dma_start3A_2063 = arith.constant 0 : i32
    %dma_start3A_2064 = arith.constant 0 : i32
    %dma_start3A_2065 = tpu.memref_slice %arg6[%dma_start3A_2061, %dma_start3A_2063, %dma_start3A_2064] : memref<12x128x64xf32, #tpu.memory_space<vmem>> -> memref<1x128x64xf32, #tpu.memory_space<vmem>>
    %dma_start3A_2066 = tpu.memref_squeeze %dma_start3A_2065 : memref<1x128x64xf32, #tpu.memory_space<vmem>> -> memref<128x64xf32, #tpu.memory_space<vmem>>
    %dma_start3A_2067 = arith.constant 0 : i32
    %dma_start3A_2068 = tpu.memref_slice %arg4[%dma_start3A_2062, %mul3A_2, %dma_start3A_2067] : memref<50x4096x64xf32, #tpu.memory_space<hbm>> -> memref<1x128x64xf32, #tpu.memory_space<hbm>>
    %dma_start3A_2069 = tpu.memref_squeeze %dma_start3A_2068 : memref<1x128x64xf32, #tpu.memory_space<hbm>> -> memref<128x64xf32, #tpu.memory_space<hbm>>
    %dma_start3A_2070 = arith.constant 0 : i32
    %dma_start3A_2071 = tpu.memref_slice %arg4[%dma_start3A_2062, %mul3A_2, %dma_start3A_2070] : memref<50x4096x64xf32, #tpu.memory_space<hbm>> -> memref<1x128x64xf32, #tpu.memory_space<hbm>>
    %dma_start3A_2072 = tpu.memref_squeeze %dma_start3A_2071 : memref<1x128x64xf32, #tpu.memory_space<hbm>> -> memref<128x64xf32, #tpu.memory_space<hbm>>
    %dma_start3A_2073 = arith.constant 0 : i32
    %dma_start3A_2074 = arith.constant 0 : i32
    %dma_start3A_2075 = tpu.memref_slice %arg6[%dma_start3A_2061, %dma_start3A_2073, %dma_start3A_2074] : memref<12x128x64xf32, #tpu.memory_space<vmem>> -> memref<1x128x64xf32, #tpu.memory_space<vmem>>
    %dma_start3A_2076 = tpu.memref_squeeze %dma_start3A_2075 : memref<1x128x64xf32, #tpu.memory_space<vmem>> -> memref<128x64xf32, #tpu.memory_space<vmem>>
    tpu.enqueue_dma source(%dma_start3A_2076 : memref<128x64xf32, #tpu.memory_space<vmem>>) target(%dma_start3A_2072 : memref<128x64xf32, #tpu.memory_space<hbm>>) target_semaphore(%arg20 : memref<!tpu.dma_semaphore, #tpu.memory_space<semaphore_mem>>)
    %dma_wait3A_2077 = arith.constant 7 : i32
    %dma_wait3A_2078 = arith.constant 31 : i32
    %dma_wait3A_2079 = arith.constant 0 : i32
    %dma_wait3A_2080 = arith.constant 0 : i32
    %dma_wait3A_2081 = tpu.memref_slice %arg6[%dma_wait3A_2077, %dma_wait3A_2079, %dma_wait3A_2080] : memref<12x128x64xf32, #tpu.memory_space<vmem>> -> memref<1x128x64xf32, #tpu.memory_space<vmem>>
    %dma_wait3A_2082 = tpu.memref_squeeze %dma_wait3A_2081 : memref<1x128x64xf32, #tpu.memory_space<vmem>> -> memref<128x64xf32, #tpu.memory_space<vmem>>
    %dma_wait3A_2083 = arith.constant 0 : i32
    %dma_wait3A_2084 = tpu.memref_slice %arg4[%dma_wait3A_2078, %mul3A_2, %dma_wait3A_2083] : memref<50x4096x64xf32, #tpu.memory_space<hbm>> -> memref<1x128x64xf32, #tpu.memory_space<hbm>>
    %dma_wait3A_2085 = tpu.memref_squeeze %dma_wait3A_2084 : memref<1x128x64xf32, #tpu.memory_space<hbm>> -> memref<128x64xf32, #tpu.memory_space<hbm>>
    %dma_wait3A_2086 = arith.constant 0 : i32
    %dma_wait3A_2087 = tpu.memref_slice %arg4[%dma_wait3A_2078, %mul3A_2, %dma_wait3A_2086] : memref<50x4096x64xf32, #tpu.memory_space<hbm>> -> memref<1x128x64xf32, #tpu.memory_space<hbm>>
    %dma_wait3A_2088 = tpu.memref_squeeze %dma_wait3A_2087 : memref<1x128x64xf32, #tpu.memory_space<hbm>> -> memref<128x64xf32, #tpu.memory_space<hbm>>
    %dma_wait3A_2089 = arith.constant 0 : i32
    %dma_wait3A_2090 = arith.constant 0 : i32
    %dma_wait3A_2091 = tpu.memref_slice %arg6[%dma_wait3A_2077, %dma_wait3A_2089, %dma_wait3A_2090] : memref<12x128x64xf32, #tpu.memory_space<vmem>> -> memref<1x128x64xf32, #tpu.memory_space<vmem>>
    %dma_wait3A_2092 = tpu.memref_squeeze %dma_wait3A_2091 : memref<1x128x64xf32, #tpu.memory_space<vmem>> -> memref<128x64xf32, #tpu.memory_space<vmem>>
    tpu.wait_dma2 semaphore(%arg26 : memref<!tpu.dma_semaphore, #tpu.memory_space<semaphore_mem>>) src(%dma_wait3A_2092 : memref<128x64xf32, #tpu.memory_space<vmem>>) dst(%dma_wait3A_2088 : memref<128x64xf32, #tpu.memory_space<hbm>>)
    %dma_start3A_2093 = arith.constant 43 : i32
    %dma_start3A_2094 = arith.constant 7 : i32
    %dma_start3A_2095 = arith.constant 0 : i32
    %dma_start3A_2096 = arith.constant 0 : i32
    %dma_start3A_2097 = tpu.memref_slice %arg6[%dma_start3A_2094, %dma_start3A_2095, %dma_start3A_2096] : memref<12x128x64xf32, #tpu.memory_space<vmem>> -> memref<1x128x64xf32, #tpu.memory_space<vmem>>
    %dma_start3A_2098 = tpu.memref_squeeze %dma_start3A_2097 : memref<1x128x64xf32, #tpu.memory_space<vmem>> -> memref<128x64xf32, #tpu.memory_space<vmem>>
    %dma_start3A_2099 = arith.constant 0 : i32
    %dma_start3A_2100 = tpu.memref_slice %arg5[%dma_start3A_2093, %dma_start3A_2099] : memref<50x128xi32, #tpu.memory_space<vmem>> -> memref<1x128xi32, #tpu.memory_space<vmem>>
    %dma_start3A_2101 = tpu.memref_squeeze %dma_start3A_2100 : memref<1x128xi32, #tpu.memory_space<vmem>> -> memref<128xi32, #tpu.memory_space<vmem>>
    %dma_start3A_2102 = arith.constant 0 : i32
    %dma_start3A_2103 = arith.constant 0 : i32
    %dma_start3A_2104 = tpu.memref_slice %arg2[%dma_start3A_2102, %dma_start3A_2103] : memref<100000x64xf32, #tpu.memory_space<hbm>> -> memref<100000x64xf32, #tpu.memory_space<hbm>>
    tpu.enqueue_indirect_dma source(%dma_start3A_2104 : memref<100000x64xf32, #tpu.memory_space<hbm>>) target(%dma_start3A_2098 : memref<128x64xf32, #tpu.memory_space<vmem>>) offsets(%dma_start3A_2101 : memref<128xi32, #tpu.memory_space<vmem>>) semaphore(%arg14 : memref<!tpu.dma_semaphore, #tpu.memory_space<semaphore_mem>>)
    %dma_wait3A_2105 = arith.constant 38 : i32
    %dma_wait3A_2106 = arith.constant 2 : i32
    %dma_wait3A_2107 = arith.constant 0 : i32
    %dma_wait3A_2108 = arith.constant 0 : i32
    %dma_wait3A_2109 = tpu.memref_slice %arg6[%dma_wait3A_2106, %dma_wait3A_2107, %dma_wait3A_2108] : memref<12x128x64xf32, #tpu.memory_space<vmem>> -> memref<1x128x64xf32, #tpu.memory_space<vmem>>
    %dma_wait3A_2110 = tpu.memref_squeeze %dma_wait3A_2109 : memref<1x128x64xf32, #tpu.memory_space<vmem>> -> memref<128x64xf32, #tpu.memory_space<vmem>>
    %dma_wait3A_2111 = arith.constant 0 : i32
    %dma_wait3A_2112 = tpu.memref_slice %arg5[%dma_wait3A_2105, %dma_wait3A_2111] : memref<50x128xi32, #tpu.memory_space<vmem>> -> memref<1x128xi32, #tpu.memory_space<vmem>>
    %dma_wait3A_2113 = tpu.memref_squeeze %dma_wait3A_2112 : memref<1x128xi32, #tpu.memory_space<vmem>> -> memref<128xi32, #tpu.memory_space<vmem>>
    %dma_wait3A_2114 = arith.constant 0 : i32
    %dma_wait3A_2115 = arith.constant 0 : i32
    %dma_wait3A_2116 = tpu.memref_slice %arg2[%dma_wait3A_2114, %dma_wait3A_2115] : memref<100000x64xf32, #tpu.memory_space<hbm>> -> memref<100000x64xf32, #tpu.memory_space<hbm>>
    tpu.wait_indirect_dma semaphore(%arg9 : memref<!tpu.dma_semaphore, #tpu.memory_space<semaphore_mem>>) src(%dma_wait3A_2116 : memref<100000x64xf32, #tpu.memory_space<hbm>>) dst(%dma_wait3A_2110 : memref<128x64xf32, #tpu.memory_space<vmem>>)
    %dma_start3A_2117 = arith.constant 2 : i32
    %dma_start3A_2118 = arith.constant 38 : i32
    %dma_start3A_2119 = arith.constant 0 : i32
    %dma_start3A_2120 = arith.constant 0 : i32
    %dma_start3A_2121 = tpu.memref_slice %arg6[%dma_start3A_2117, %dma_start3A_2119, %dma_start3A_2120] : memref<12x128x64xf32, #tpu.memory_space<vmem>> -> memref<1x128x64xf32, #tpu.memory_space<vmem>>
    %dma_start3A_2122 = tpu.memref_squeeze %dma_start3A_2121 : memref<1x128x64xf32, #tpu.memory_space<vmem>> -> memref<128x64xf32, #tpu.memory_space<vmem>>
    %dma_start3A_2123 = arith.constant 0 : i32
    %dma_start3A_2124 = tpu.memref_slice %arg4[%dma_start3A_2118, %mul3A_2, %dma_start3A_2123] : memref<50x4096x64xf32, #tpu.memory_space<hbm>> -> memref<1x128x64xf32, #tpu.memory_space<hbm>>
    %dma_start3A_2125 = tpu.memref_squeeze %dma_start3A_2124 : memref<1x128x64xf32, #tpu.memory_space<hbm>> -> memref<128x64xf32, #tpu.memory_space<hbm>>
    %dma_start3A_2126 = arith.constant 0 : i32
    %dma_start3A_2127 = tpu.memref_slice %arg4[%dma_start3A_2118, %mul3A_2, %dma_start3A_2126] : memref<50x4096x64xf32, #tpu.memory_space<hbm>> -> memref<1x128x64xf32, #tpu.memory_space<hbm>>
    %dma_start3A_2128 = tpu.memref_squeeze %dma_start3A_2127 : memref<1x128x64xf32, #tpu.memory_space<hbm>> -> memref<128x64xf32, #tpu.memory_space<hbm>>
    %dma_start3A_2129 = arith.constant 0 : i32
    %dma_start3A_2130 = arith.constant 0 : i32
    %dma_start3A_2131 = tpu.memref_slice %arg6[%dma_start3A_2117, %dma_start3A_2129, %dma_start3A_2130] : memref<12x128x64xf32, #tpu.memory_space<vmem>> -> memref<1x128x64xf32, #tpu.memory_space<vmem>>
    %dma_start3A_2132 = tpu.memref_squeeze %dma_start3A_2131 : memref<1x128x64xf32, #tpu.memory_space<vmem>> -> memref<128x64xf32, #tpu.memory_space<vmem>>
    tpu.enqueue_dma source(%dma_start3A_2132 : memref<128x64xf32, #tpu.memory_space<vmem>>) target(%dma_start3A_2128 : memref<128x64xf32, #tpu.memory_space<hbm>>) target_semaphore(%arg21 : memref<!tpu.dma_semaphore, #tpu.memory_space<semaphore_mem>>)
    %dma_wait3A_2133 = arith.constant 8 : i32
    %dma_wait3A_2134 = arith.constant 32 : i32
    %dma_wait3A_2135 = arith.constant 0 : i32
    %dma_wait3A_2136 = arith.constant 0 : i32
    %dma_wait3A_2137 = tpu.memref_slice %arg6[%dma_wait3A_2133, %dma_wait3A_2135, %dma_wait3A_2136] : memref<12x128x64xf32, #tpu.memory_space<vmem>> -> memref<1x128x64xf32, #tpu.memory_space<vmem>>
    %dma_wait3A_2138 = tpu.memref_squeeze %dma_wait3A_2137 : memref<1x128x64xf32, #tpu.memory_space<vmem>> -> memref<128x64xf32, #tpu.memory_space<vmem>>
    %dma_wait3A_2139 = arith.constant 0 : i32
    %dma_wait3A_2140 = tpu.memref_slice %arg4[%dma_wait3A_2134, %mul3A_2, %dma_wait3A_2139] : memref<50x4096x64xf32, #tpu.memory_space<hbm>> -> memref<1x128x64xf32, #tpu.memory_space<hbm>>
    %dma_wait3A_2141 = tpu.memref_squeeze %dma_wait3A_2140 : memref<1x128x64xf32, #tpu.memory_space<hbm>> -> memref<128x64xf32, #tpu.memory_space<hbm>>
    %dma_wait3A_2142 = arith.constant 0 : i32
    %dma_wait3A_2143 = tpu.memref_slice %arg4[%dma_wait3A_2134, %mul3A_2, %dma_wait3A_2142] : memref<50x4096x64xf32, #tpu.memory_space<hbm>> -> memref<1x128x64xf32, #tpu.memory_space<hbm>>
    %dma_wait3A_2144 = tpu.memref_squeeze %dma_wait3A_2143 : memref<1x128x64xf32, #tpu.memory_space<hbm>> -> memref<128x64xf32, #tpu.memory_space<hbm>>
    %dma_wait3A_2145 = arith.constant 0 : i32
    %dma_wait3A_2146 = arith.constant 0 : i32
    %dma_wait3A_2147 = tpu.memref_slice %arg6[%dma_wait3A_2133, %dma_wait3A_2145, %dma_wait3A_2146] : memref<12x128x64xf32, #tpu.memory_space<vmem>> -> memref<1x128x64xf32, #tpu.memory_space<vmem>>
    %dma_wait3A_2148 = tpu.memref_squeeze %dma_wait3A_2147 : memref<1x128x64xf32, #tpu.memory_space<vmem>> -> memref<128x64xf32, #tpu.memory_space<vmem>>
    tpu.wait_dma2 semaphore(%arg27 : memref<!tpu.dma_semaphore, #tpu.memory_space<semaphore_mem>>) src(%dma_wait3A_2148 : memref<128x64xf32, #tpu.memory_space<vmem>>) dst(%dma_wait3A_2144 : memref<128x64xf32, #tpu.memory_space<hbm>>)
    %dma_start3A_2149 = arith.constant 44 : i32
    %dma_start3A_2150 = arith.constant 8 : i32
    %dma_start3A_2151 = arith.constant 0 : i32
    %dma_start3A_2152 = arith.constant 0 : i32
    %dma_start3A_2153 = tpu.memref_slice %arg6[%dma_start3A_2150, %dma_start3A_2151, %dma_start3A_2152] : memref<12x128x64xf32, #tpu.memory_space<vmem>> -> memref<1x128x64xf32, #tpu.memory_space<vmem>>
    %dma_start3A_2154 = tpu.memref_squeeze %dma_start3A_2153 : memref<1x128x64xf32, #tpu.memory_space<vmem>> -> memref<128x64xf32, #tpu.memory_space<vmem>>
    %dma_start3A_2155 = arith.constant 0 : i32
    %dma_start3A_2156 = tpu.memref_slice %arg5[%dma_start3A_2149, %dma_start3A_2155] : memref<50x128xi32, #tpu.memory_space<vmem>> -> memref<1x128xi32, #tpu.memory_space<vmem>>
    %dma_start3A_2157 = tpu.memref_squeeze %dma_start3A_2156 : memref<1x128xi32, #tpu.memory_space<vmem>> -> memref<128xi32, #tpu.memory_space<vmem>>
    %dma_start3A_2158 = arith.constant 0 : i32
    %dma_start3A_2159 = arith.constant 0 : i32
    %dma_start3A_2160 = tpu.memref_slice %arg2[%dma_start3A_2158, %dma_start3A_2159] : memref<100000x64xf32, #tpu.memory_space<hbm>> -> memref<100000x64xf32, #tpu.memory_space<hbm>>
    tpu.enqueue_indirect_dma source(%dma_start3A_2160 : memref<100000x64xf32, #tpu.memory_space<hbm>>) target(%dma_start3A_2154 : memref<128x64xf32, #tpu.memory_space<vmem>>) offsets(%dma_start3A_2157 : memref<128xi32, #tpu.memory_space<vmem>>) semaphore(%arg15 : memref<!tpu.dma_semaphore, #tpu.memory_space<semaphore_mem>>)
    %dma_wait3A_2161 = arith.constant 39 : i32
    %dma_wait3A_2162 = arith.constant 3 : i32
    %dma_wait3A_2163 = arith.constant 0 : i32
    %dma_wait3A_2164 = arith.constant 0 : i32
    %dma_wait3A_2165 = tpu.memref_slice %arg6[%dma_wait3A_2162, %dma_wait3A_2163, %dma_wait3A_2164] : memref<12x128x64xf32, #tpu.memory_space<vmem>> -> memref<1x128x64xf32, #tpu.memory_space<vmem>>
    %dma_wait3A_2166 = tpu.memref_squeeze %dma_wait3A_2165 : memref<1x128x64xf32, #tpu.memory_space<vmem>> -> memref<128x64xf32, #tpu.memory_space<vmem>>
    %dma_wait3A_2167 = arith.constant 0 : i32
    %dma_wait3A_2168 = tpu.memref_slice %arg5[%dma_wait3A_2161, %dma_wait3A_2167] : memref<50x128xi32, #tpu.memory_space<vmem>> -> memref<1x128xi32, #tpu.memory_space<vmem>>
    %dma_wait3A_2169 = tpu.memref_squeeze %dma_wait3A_2168 : memref<1x128xi32, #tpu.memory_space<vmem>> -> memref<128xi32, #tpu.memory_space<vmem>>
    %dma_wait3A_2170 = arith.constant 0 : i32
    %dma_wait3A_2171 = arith.constant 0 : i32
    %dma_wait3A_2172 = tpu.memref_slice %arg2[%dma_wait3A_2170, %dma_wait3A_2171] : memref<100000x64xf32, #tpu.memory_space<hbm>> -> memref<100000x64xf32, #tpu.memory_space<hbm>>
    tpu.wait_indirect_dma semaphore(%arg10 : memref<!tpu.dma_semaphore, #tpu.memory_space<semaphore_mem>>) src(%dma_wait3A_2172 : memref<100000x64xf32, #tpu.memory_space<hbm>>) dst(%dma_wait3A_2166 : memref<128x64xf32, #tpu.memory_space<vmem>>)
    %dma_start3A_2173 = arith.constant 3 : i32
    %dma_start3A_2174 = arith.constant 39 : i32
    %dma_start3A_2175 = arith.constant 0 : i32
    %dma_start3A_2176 = arith.constant 0 : i32
    %dma_start3A_2177 = tpu.memref_slice %arg6[%dma_start3A_2173, %dma_start3A_2175, %dma_start3A_2176] : memref<12x128x64xf32, #tpu.memory_space<vmem>> -> memref<1x128x64xf32, #tpu.memory_space<vmem>>
    %dma_start3A_2178 = tpu.memref_squeeze %dma_start3A_2177 : memref<1x128x64xf32, #tpu.memory_space<vmem>> -> memref<128x64xf32, #tpu.memory_space<vmem>>
    %dma_start3A_2179 = arith.constant 0 : i32
    %dma_start3A_2180 = tpu.memref_slice %arg4[%dma_start3A_2174, %mul3A_2, %dma_start3A_2179] : memref<50x4096x64xf32, #tpu.memory_space<hbm>> -> memref<1x128x64xf32, #tpu.memory_space<hbm>>
    %dma_start3A_2181 = tpu.memref_squeeze %dma_start3A_2180 : memref<1x128x64xf32, #tpu.memory_space<hbm>> -> memref<128x64xf32, #tpu.memory_space<hbm>>
    %dma_start3A_2182 = arith.constant 0 : i32
    %dma_start3A_2183 = tpu.memref_slice %arg4[%dma_start3A_2174, %mul3A_2, %dma_start3A_2182] : memref<50x4096x64xf32, #tpu.memory_space<hbm>> -> memref<1x128x64xf32, #tpu.memory_space<hbm>>
    %dma_start3A_2184 = tpu.memref_squeeze %dma_start3A_2183 : memref<1x128x64xf32, #tpu.memory_space<hbm>> -> memref<128x64xf32, #tpu.memory_space<hbm>>
    %dma_start3A_2185 = arith.constant 0 : i32
    %dma_start3A_2186 = arith.constant 0 : i32
    %dma_start3A_2187 = tpu.memref_slice %arg6[%dma_start3A_2173, %dma_start3A_2185, %dma_start3A_2186] : memref<12x128x64xf32, #tpu.memory_space<vmem>> -> memref<1x128x64xf32, #tpu.memory_space<vmem>>
    %dma_start3A_2188 = tpu.memref_squeeze %dma_start3A_2187 : memref<1x128x64xf32, #tpu.memory_space<vmem>> -> memref<128x64xf32, #tpu.memory_space<vmem>>
    tpu.enqueue_dma source(%dma_start3A_2188 : memref<128x64xf32, #tpu.memory_space<vmem>>) target(%dma_start3A_2184 : memref<128x64xf32, #tpu.memory_space<hbm>>) target_semaphore(%arg22 : memref<!tpu.dma_semaphore, #tpu.memory_space<semaphore_mem>>)
    %dma_wait3A_2189 = arith.constant 9 : i32
    %dma_wait3A_2190 = arith.constant 33 : i32
    %dma_wait3A_2191 = arith.constant 0 : i32
    %dma_wait3A_2192 = arith.constant 0 : i32
    %dma_wait3A_2193 = tpu.memref_slice %arg6[%dma_wait3A_2189, %dma_wait3A_2191, %dma_wait3A_2192] : memref<12x128x64xf32, #tpu.memory_space<vmem>> -> memref<1x128x64xf32, #tpu.memory_space<vmem>>
    %dma_wait3A_2194 = tpu.memref_squeeze %dma_wait3A_2193 : memref<1x128x64xf32, #tpu.memory_space<vmem>> -> memref<128x64xf32, #tpu.memory_space<vmem>>
    %dma_wait3A_2195 = arith.constant 0 : i32
    %dma_wait3A_2196 = tpu.memref_slice %arg4[%dma_wait3A_2190, %mul3A_2, %dma_wait3A_2195] : memref<50x4096x64xf32, #tpu.memory_space<hbm>> -> memref<1x128x64xf32, #tpu.memory_space<hbm>>
    %dma_wait3A_2197 = tpu.memref_squeeze %dma_wait3A_2196 : memref<1x128x64xf32, #tpu.memory_space<hbm>> -> memref<128x64xf32, #tpu.memory_space<hbm>>
    %dma_wait3A_2198 = arith.constant 0 : i32
    %dma_wait3A_2199 = tpu.memref_slice %arg4[%dma_wait3A_2190, %mul3A_2, %dma_wait3A_2198] : memref<50x4096x64xf32, #tpu.memory_space<hbm>> -> memref<1x128x64xf32, #tpu.memory_space<hbm>>
    %dma_wait3A_2200 = tpu.memref_squeeze %dma_wait3A_2199 : memref<1x128x64xf32, #tpu.memory_space<hbm>> -> memref<128x64xf32, #tpu.memory_space<hbm>>
    %dma_wait3A_2201 = arith.constant 0 : i32
    %dma_wait3A_2202 = arith.constant 0 : i32
    %dma_wait3A_2203 = tpu.memref_slice %arg6[%dma_wait3A_2189, %dma_wait3A_2201, %dma_wait3A_2202] : memref<12x128x64xf32, #tpu.memory_space<vmem>> -> memref<1x128x64xf32, #tpu.memory_space<vmem>>
    %dma_wait3A_2204 = tpu.memref_squeeze %dma_wait3A_2203 : memref<1x128x64xf32, #tpu.memory_space<vmem>> -> memref<128x64xf32, #tpu.memory_space<vmem>>
    tpu.wait_dma2 semaphore(%arg28 : memref<!tpu.dma_semaphore, #tpu.memory_space<semaphore_mem>>) src(%dma_wait3A_2204 : memref<128x64xf32, #tpu.memory_space<vmem>>) dst(%dma_wait3A_2200 : memref<128x64xf32, #tpu.memory_space<hbm>>)
    %dma_start3A_2205 = arith.constant 45 : i32
    %dma_start3A_2206 = arith.constant 9 : i32
    %dma_start3A_2207 = arith.constant 0 : i32
    %dma_start3A_2208 = arith.constant 0 : i32
    %dma_start3A_2209 = tpu.memref_slice %arg6[%dma_start3A_2206, %dma_start3A_2207, %dma_start3A_2208] : memref<12x128x64xf32, #tpu.memory_space<vmem>> -> memref<1x128x64xf32, #tpu.memory_space<vmem>>
    %dma_start3A_2210 = tpu.memref_squeeze %dma_start3A_2209 : memref<1x128x64xf32, #tpu.memory_space<vmem>> -> memref<128x64xf32, #tpu.memory_space<vmem>>
    %dma_start3A_2211 = arith.constant 0 : i32
    %dma_start3A_2212 = tpu.memref_slice %arg5[%dma_start3A_2205, %dma_start3A_2211] : memref<50x128xi32, #tpu.memory_space<vmem>> -> memref<1x128xi32, #tpu.memory_space<vmem>>
    %dma_start3A_2213 = tpu.memref_squeeze %dma_start3A_2212 : memref<1x128xi32, #tpu.memory_space<vmem>> -> memref<128xi32, #tpu.memory_space<vmem>>
    %dma_start3A_2214 = arith.constant 0 : i32
    %dma_start3A_2215 = arith.constant 0 : i32
    %dma_start3A_2216 = tpu.memref_slice %arg2[%dma_start3A_2214, %dma_start3A_2215] : memref<100000x64xf32, #tpu.memory_space<hbm>> -> memref<100000x64xf32, #tpu.memory_space<hbm>>
    tpu.enqueue_indirect_dma source(%dma_start3A_2216 : memref<100000x64xf32, #tpu.memory_space<hbm>>) target(%dma_start3A_2210 : memref<128x64xf32, #tpu.memory_space<vmem>>) offsets(%dma_start3A_2213 : memref<128xi32, #tpu.memory_space<vmem>>) semaphore(%arg16 : memref<!tpu.dma_semaphore, #tpu.memory_space<semaphore_mem>>)
    %dma_wait3A_2217 = arith.constant 40 : i32
    %dma_wait3A_2218 = arith.constant 4 : i32
    %dma_wait3A_2219 = arith.constant 0 : i32
    %dma_wait3A_2220 = arith.constant 0 : i32
    %dma_wait3A_2221 = tpu.memref_slice %arg6[%dma_wait3A_2218, %dma_wait3A_2219, %dma_wait3A_2220] : memref<12x128x64xf32, #tpu.memory_space<vmem>> -> memref<1x128x64xf32, #tpu.memory_space<vmem>>
    %dma_wait3A_2222 = tpu.memref_squeeze %dma_wait3A_2221 : memref<1x128x64xf32, #tpu.memory_space<vmem>> -> memref<128x64xf32, #tpu.memory_space<vmem>>
    %dma_wait3A_2223 = arith.constant 0 : i32
    %dma_wait3A_2224 = tpu.memref_slice %arg5[%dma_wait3A_2217, %dma_wait3A_2223] : memref<50x128xi32, #tpu.memory_space<vmem>> -> memref<1x128xi32, #tpu.memory_space<vmem>>
    %dma_wait3A_2225 = tpu.memref_squeeze %dma_wait3A_2224 : memref<1x128xi32, #tpu.memory_space<vmem>> -> memref<128xi32, #tpu.memory_space<vmem>>
    %dma_wait3A_2226 = arith.constant 0 : i32
    %dma_wait3A_2227 = arith.constant 0 : i32
    %dma_wait3A_2228 = tpu.memref_slice %arg2[%dma_wait3A_2226, %dma_wait3A_2227] : memref<100000x64xf32, #tpu.memory_space<hbm>> -> memref<100000x64xf32, #tpu.memory_space<hbm>>
    tpu.wait_indirect_dma semaphore(%arg11 : memref<!tpu.dma_semaphore, #tpu.memory_space<semaphore_mem>>) src(%dma_wait3A_2228 : memref<100000x64xf32, #tpu.memory_space<hbm>>) dst(%dma_wait3A_2222 : memref<128x64xf32, #tpu.memory_space<vmem>>)
    %dma_start3A_2229 = arith.constant 4 : i32
    %dma_start3A_2230 = arith.constant 40 : i32
    %dma_start3A_2231 = arith.constant 0 : i32
    %dma_start3A_2232 = arith.constant 0 : i32
    %dma_start3A_2233 = tpu.memref_slice %arg6[%dma_start3A_2229, %dma_start3A_2231, %dma_start3A_2232] : memref<12x128x64xf32, #tpu.memory_space<vmem>> -> memref<1x128x64xf32, #tpu.memory_space<vmem>>
    %dma_start3A_2234 = tpu.memref_squeeze %dma_start3A_2233 : memref<1x128x64xf32, #tpu.memory_space<vmem>> -> memref<128x64xf32, #tpu.memory_space<vmem>>
    %dma_start3A_2235 = arith.constant 0 : i32
    %dma_start3A_2236 = tpu.memref_slice %arg4[%dma_start3A_2230, %mul3A_2, %dma_start3A_2235] : memref<50x4096x64xf32, #tpu.memory_space<hbm>> -> memref<1x128x64xf32, #tpu.memory_space<hbm>>
    %dma_start3A_2237 = tpu.memref_squeeze %dma_start3A_2236 : memref<1x128x64xf32, #tpu.memory_space<hbm>> -> memref<128x64xf32, #tpu.memory_space<hbm>>
    %dma_start3A_2238 = arith.constant 0 : i32
    %dma_start3A_2239 = tpu.memref_slice %arg4[%dma_start3A_2230, %mul3A_2, %dma_start3A_2238] : memref<50x4096x64xf32, #tpu.memory_space<hbm>> -> memref<1x128x64xf32, #tpu.memory_space<hbm>>
    %dma_start3A_2240 = tpu.memref_squeeze %dma_start3A_2239 : memref<1x128x64xf32, #tpu.memory_space<hbm>> -> memref<128x64xf32, #tpu.memory_space<hbm>>
    %dma_start3A_2241 = arith.constant 0 : i32
    %dma_start3A_2242 = arith.constant 0 : i32
    %dma_start3A_2243 = tpu.memref_slice %arg6[%dma_start3A_2229, %dma_start3A_2241, %dma_start3A_2242] : memref<12x128x64xf32, #tpu.memory_space<vmem>> -> memref<1x128x64xf32, #tpu.memory_space<vmem>>
    %dma_start3A_2244 = tpu.memref_squeeze %dma_start3A_2243 : memref<1x128x64xf32, #tpu.memory_space<vmem>> -> memref<128x64xf32, #tpu.memory_space<vmem>>
    tpu.enqueue_dma source(%dma_start3A_2244 : memref<128x64xf32, #tpu.memory_space<vmem>>) target(%dma_start3A_2240 : memref<128x64xf32, #tpu.memory_space<hbm>>) target_semaphore(%arg23 : memref<!tpu.dma_semaphore, #tpu.memory_space<semaphore_mem>>)
    %dma_wait3A_2245 = arith.constant 10 : i32
    %dma_wait3A_2246 = arith.constant 34 : i32
    %dma_wait3A_2247 = arith.constant 0 : i32
    %dma_wait3A_2248 = arith.constant 0 : i32
    %dma_wait3A_2249 = tpu.memref_slice %arg6[%dma_wait3A_2245, %dma_wait3A_2247, %dma_wait3A_2248] : memref<12x128x64xf32, #tpu.memory_space<vmem>> -> memref<1x128x64xf32, #tpu.memory_space<vmem>>
    %dma_wait3A_2250 = tpu.memref_squeeze %dma_wait3A_2249 : memref<1x128x64xf32, #tpu.memory_space<vmem>> -> memref<128x64xf32, #tpu.memory_space<vmem>>
    %dma_wait3A_2251 = arith.constant 0 : i32
    %dma_wait3A_2252 = tpu.memref_slice %arg4[%dma_wait3A_2246, %mul3A_2, %dma_wait3A_2251] : memref<50x4096x64xf32, #tpu.memory_space<hbm>> -> memref<1x128x64xf32, #tpu.memory_space<hbm>>
    %dma_wait3A_2253 = tpu.memref_squeeze %dma_wait3A_2252 : memref<1x128x64xf32, #tpu.memory_space<hbm>> -> memref<128x64xf32, #tpu.memory_space<hbm>>
    %dma_wait3A_2254 = arith.constant 0 : i32
    %dma_wait3A_2255 = tpu.memref_slice %arg4[%dma_wait3A_2246, %mul3A_2, %dma_wait3A_2254] : memref<50x4096x64xf32, #tpu.memory_space<hbm>> -> memref<1x128x64xf32, #tpu.memory_space<hbm>>
    %dma_wait3A_2256 = tpu.memref_squeeze %dma_wait3A_2255 : memref<1x128x64xf32, #tpu.memory_space<hbm>> -> memref<128x64xf32, #tpu.memory_space<hbm>>
    %dma_wait3A_2257 = arith.constant 0 : i32
    %dma_wait3A_2258 = arith.constant 0 : i32
    %dma_wait3A_2259 = tpu.memref_slice %arg6[%dma_wait3A_2245, %dma_wait3A_2257, %dma_wait3A_2258] : memref<12x128x64xf32, #tpu.memory_space<vmem>> -> memref<1x128x64xf32, #tpu.memory_space<vmem>>
    %dma_wait3A_2260 = tpu.memref_squeeze %dma_wait3A_2259 : memref<1x128x64xf32, #tpu.memory_space<vmem>> -> memref<128x64xf32, #tpu.memory_space<vmem>>
    tpu.wait_dma2 semaphore(%arg29 : memref<!tpu.dma_semaphore, #tpu.memory_space<semaphore_mem>>) src(%dma_wait3A_2260 : memref<128x64xf32, #tpu.memory_space<vmem>>) dst(%dma_wait3A_2256 : memref<128x64xf32, #tpu.memory_space<hbm>>)
    %dma_start3A_2261 = arith.constant 46 : i32
    %dma_start3A_2262 = arith.constant 10 : i32
    %dma_start3A_2263 = arith.constant 0 : i32
    %dma_start3A_2264 = arith.constant 0 : i32
    %dma_start3A_2265 = tpu.memref_slice %arg6[%dma_start3A_2262, %dma_start3A_2263, %dma_start3A_2264] : memref<12x128x64xf32, #tpu.memory_space<vmem>> -> memref<1x128x64xf32, #tpu.memory_space<vmem>>
    %dma_start3A_2266 = tpu.memref_squeeze %dma_start3A_2265 : memref<1x128x64xf32, #tpu.memory_space<vmem>> -> memref<128x64xf32, #tpu.memory_space<vmem>>
    %dma_start3A_2267 = arith.constant 0 : i32
    %dma_start3A_2268 = tpu.memref_slice %arg5[%dma_start3A_2261, %dma_start3A_2267] : memref<50x128xi32, #tpu.memory_space<vmem>> -> memref<1x128xi32, #tpu.memory_space<vmem>>
    %dma_start3A_2269 = tpu.memref_squeeze %dma_start3A_2268 : memref<1x128xi32, #tpu.memory_space<vmem>> -> memref<128xi32, #tpu.memory_space<vmem>>
    %dma_start3A_2270 = arith.constant 0 : i32
    %dma_start3A_2271 = arith.constant 0 : i32
    %dma_start3A_2272 = tpu.memref_slice %arg2[%dma_start3A_2270, %dma_start3A_2271] : memref<100000x64xf32, #tpu.memory_space<hbm>> -> memref<100000x64xf32, #tpu.memory_space<hbm>>
    tpu.enqueue_indirect_dma source(%dma_start3A_2272 : memref<100000x64xf32, #tpu.memory_space<hbm>>) target(%dma_start3A_2266 : memref<128x64xf32, #tpu.memory_space<vmem>>) offsets(%dma_start3A_2269 : memref<128xi32, #tpu.memory_space<vmem>>) semaphore(%arg17 : memref<!tpu.dma_semaphore, #tpu.memory_space<semaphore_mem>>)
    %dma_wait3A_2273 = arith.constant 41 : i32
    %dma_wait3A_2274 = arith.constant 5 : i32
    %dma_wait3A_2275 = arith.constant 0 : i32
    %dma_wait3A_2276 = arith.constant 0 : i32
    %dma_wait3A_2277 = tpu.memref_slice %arg6[%dma_wait3A_2274, %dma_wait3A_2275, %dma_wait3A_2276] : memref<12x128x64xf32, #tpu.memory_space<vmem>> -> memref<1x128x64xf32, #tpu.memory_space<vmem>>
    %dma_wait3A_2278 = tpu.memref_squeeze %dma_wait3A_2277 : memref<1x128x64xf32, #tpu.memory_space<vmem>> -> memref<128x64xf32, #tpu.memory_space<vmem>>
    %dma_wait3A_2279 = arith.constant 0 : i32
    %dma_wait3A_2280 = tpu.memref_slice %arg5[%dma_wait3A_2273, %dma_wait3A_2279] : memref<50x128xi32, #tpu.memory_space<vmem>> -> memref<1x128xi32, #tpu.memory_space<vmem>>
    %dma_wait3A_2281 = tpu.memref_squeeze %dma_wait3A_2280 : memref<1x128xi32, #tpu.memory_space<vmem>> -> memref<128xi32, #tpu.memory_space<vmem>>
    %dma_wait3A_2282 = arith.constant 0 : i32
    %dma_wait3A_2283 = arith.constant 0 : i32
    %dma_wait3A_2284 = tpu.memref_slice %arg2[%dma_wait3A_2282, %dma_wait3A_2283] : memref<100000x64xf32, #tpu.memory_space<hbm>> -> memref<100000x64xf32, #tpu.memory_space<hbm>>
    tpu.wait_indirect_dma semaphore(%arg12 : memref<!tpu.dma_semaphore, #tpu.memory_space<semaphore_mem>>) src(%dma_wait3A_2284 : memref<100000x64xf32, #tpu.memory_space<hbm>>) dst(%dma_wait3A_2278 : memref<128x64xf32, #tpu.memory_space<vmem>>)
    %dma_start3A_2285 = arith.constant 5 : i32
    %dma_start3A_2286 = arith.constant 41 : i32
    %dma_start3A_2287 = arith.constant 0 : i32
    %dma_start3A_2288 = arith.constant 0 : i32
    %dma_start3A_2289 = tpu.memref_slice %arg6[%dma_start3A_2285, %dma_start3A_2287, %dma_start3A_2288] : memref<12x128x64xf32, #tpu.memory_space<vmem>> -> memref<1x128x64xf32, #tpu.memory_space<vmem>>
    %dma_start3A_2290 = tpu.memref_squeeze %dma_start3A_2289 : memref<1x128x64xf32, #tpu.memory_space<vmem>> -> memref<128x64xf32, #tpu.memory_space<vmem>>
    %dma_start3A_2291 = arith.constant 0 : i32
    %dma_start3A_2292 = tpu.memref_slice %arg4[%dma_start3A_2286, %mul3A_2, %dma_start3A_2291] : memref<50x4096x64xf32, #tpu.memory_space<hbm>> -> memref<1x128x64xf32, #tpu.memory_space<hbm>>
    %dma_start3A_2293 = tpu.memref_squeeze %dma_start3A_2292 : memref<1x128x64xf32, #tpu.memory_space<hbm>> -> memref<128x64xf32, #tpu.memory_space<hbm>>
    %dma_start3A_2294 = arith.constant 0 : i32
    %dma_start3A_2295 = tpu.memref_slice %arg4[%dma_start3A_2286, %mul3A_2, %dma_start3A_2294] : memref<50x4096x64xf32, #tpu.memory_space<hbm>> -> memref<1x128x64xf32, #tpu.memory_space<hbm>>
    %dma_start3A_2296 = tpu.memref_squeeze %dma_start3A_2295 : memref<1x128x64xf32, #tpu.memory_space<hbm>> -> memref<128x64xf32, #tpu.memory_space<hbm>>
    %dma_start3A_2297 = arith.constant 0 : i32
    %dma_start3A_2298 = arith.constant 0 : i32
    %dma_start3A_2299 = tpu.memref_slice %arg6[%dma_start3A_2285, %dma_start3A_2297, %dma_start3A_2298] : memref<12x128x64xf32, #tpu.memory_space<vmem>> -> memref<1x128x64xf32, #tpu.memory_space<vmem>>
    %dma_start3A_2300 = tpu.memref_squeeze %dma_start3A_2299 : memref<1x128x64xf32, #tpu.memory_space<vmem>> -> memref<128x64xf32, #tpu.memory_space<vmem>>
    tpu.enqueue_dma source(%dma_start3A_2300 : memref<128x64xf32, #tpu.memory_space<vmem>>) target(%dma_start3A_2296 : memref<128x64xf32, #tpu.memory_space<hbm>>) target_semaphore(%arg24 : memref<!tpu.dma_semaphore, #tpu.memory_space<semaphore_mem>>)
    %dma_wait3A_2301 = arith.constant 11 : i32
    %dma_wait3A_2302 = arith.constant 35 : i32
    %dma_wait3A_2303 = arith.constant 0 : i32
    %dma_wait3A_2304 = arith.constant 0 : i32
    %dma_wait3A_2305 = tpu.memref_slice %arg6[%dma_wait3A_2301, %dma_wait3A_2303, %dma_wait3A_2304] : memref<12x128x64xf32, #tpu.memory_space<vmem>> -> memref<1x128x64xf32, #tpu.memory_space<vmem>>
    %dma_wait3A_2306 = tpu.memref_squeeze %dma_wait3A_2305 : memref<1x128x64xf32, #tpu.memory_space<vmem>> -> memref<128x64xf32, #tpu.memory_space<vmem>>
    %dma_wait3A_2307 = arith.constant 0 : i32
    %dma_wait3A_2308 = tpu.memref_slice %arg4[%dma_wait3A_2302, %mul3A_2, %dma_wait3A_2307] : memref<50x4096x64xf32, #tpu.memory_space<hbm>> -> memref<1x128x64xf32, #tpu.memory_space<hbm>>
    %dma_wait3A_2309 = tpu.memref_squeeze %dma_wait3A_2308 : memref<1x128x64xf32, #tpu.memory_space<hbm>> -> memref<128x64xf32, #tpu.memory_space<hbm>>
    %dma_wait3A_2310 = arith.constant 0 : i32
    %dma_wait3A_2311 = tpu.memref_slice %arg4[%dma_wait3A_2302, %mul3A_2, %dma_wait3A_2310] : memref<50x4096x64xf32, #tpu.memory_space<hbm>> -> memref<1x128x64xf32, #tpu.memory_space<hbm>>
    %dma_wait3A_2312 = tpu.memref_squeeze %dma_wait3A_2311 : memref<1x128x64xf32, #tpu.memory_space<hbm>> -> memref<128x64xf32, #tpu.memory_space<hbm>>
    %dma_wait3A_2313 = arith.constant 0 : i32
    %dma_wait3A_2314 = arith.constant 0 : i32
    %dma_wait3A_2315 = tpu.memref_slice %arg6[%dma_wait3A_2301, %dma_wait3A_2313, %dma_wait3A_2314] : memref<12x128x64xf32, #tpu.memory_space<vmem>> -> memref<1x128x64xf32, #tpu.memory_space<vmem>>
    %dma_wait3A_2316 = tpu.memref_squeeze %dma_wait3A_2315 : memref<1x128x64xf32, #tpu.memory_space<vmem>> -> memref<128x64xf32, #tpu.memory_space<vmem>>
    tpu.wait_dma2 semaphore(%arg30 : memref<!tpu.dma_semaphore, #tpu.memory_space<semaphore_mem>>) src(%dma_wait3A_2316 : memref<128x64xf32, #tpu.memory_space<vmem>>) dst(%dma_wait3A_2312 : memref<128x64xf32, #tpu.memory_space<hbm>>)
    %dma_start3A_2317 = arith.constant 47 : i32
    %dma_start3A_2318 = arith.constant 11 : i32
    %dma_start3A_2319 = arith.constant 0 : i32
    %dma_start3A_2320 = arith.constant 0 : i32
    %dma_start3A_2321 = tpu.memref_slice %arg6[%dma_start3A_2318, %dma_start3A_2319, %dma_start3A_2320] : memref<12x128x64xf32, #tpu.memory_space<vmem>> -> memref<1x128x64xf32, #tpu.memory_space<vmem>>
    %dma_start3A_2322 = tpu.memref_squeeze %dma_start3A_2321 : memref<1x128x64xf32, #tpu.memory_space<vmem>> -> memref<128x64xf32, #tpu.memory_space<vmem>>
    %dma_start3A_2323 = arith.constant 0 : i32
    %dma_start3A_2324 = tpu.memref_slice %arg5[%dma_start3A_2317, %dma_start3A_2323] : memref<50x128xi32, #tpu.memory_space<vmem>> -> memref<1x128xi32, #tpu.memory_space<vmem>>
    %dma_start3A_2325 = tpu.memref_squeeze %dma_start3A_2324 : memref<1x128xi32, #tpu.memory_space<vmem>> -> memref<128xi32, #tpu.memory_space<vmem>>
    %dma_start3A_2326 = arith.constant 0 : i32
    %dma_start3A_2327 = arith.constant 0 : i32
    %dma_start3A_2328 = tpu.memref_slice %arg2[%dma_start3A_2326, %dma_start3A_2327] : memref<100000x64xf32, #tpu.memory_space<hbm>> -> memref<100000x64xf32, #tpu.memory_space<hbm>>
    tpu.enqueue_indirect_dma source(%dma_start3A_2328 : memref<100000x64xf32, #tpu.memory_space<hbm>>) target(%dma_start3A_2322 : memref<128x64xf32, #tpu.memory_space<vmem>>) offsets(%dma_start3A_2325 : memref<128xi32, #tpu.memory_space<vmem>>) semaphore(%arg18 : memref<!tpu.dma_semaphore, #tpu.memory_space<semaphore_mem>>)
    %dma_wait3A_2329 = arith.constant 42 : i32
    %dma_wait3A_2330 = arith.constant 6 : i32
    %dma_wait3A_2331 = arith.constant 0 : i32
    %dma_wait3A_2332 = arith.constant 0 : i32
    %dma_wait3A_2333 = tpu.memref_slice %arg6[%dma_wait3A_2330, %dma_wait3A_2331, %dma_wait3A_2332] : memref<12x128x64xf32, #tpu.memory_space<vmem>> -> memref<1x128x64xf32, #tpu.memory_space<vmem>>
    %dma_wait3A_2334 = tpu.memref_squeeze %dma_wait3A_2333 : memref<1x128x64xf32, #tpu.memory_space<vmem>> -> memref<128x64xf32, #tpu.memory_space<vmem>>
    %dma_wait3A_2335 = arith.constant 0 : i32
    %dma_wait3A_2336 = tpu.memref_slice %arg5[%dma_wait3A_2329, %dma_wait3A_2335] : memref<50x128xi32, #tpu.memory_space<vmem>> -> memref<1x128xi32, #tpu.memory_space<vmem>>
    %dma_wait3A_2337 = tpu.memref_squeeze %dma_wait3A_2336 : memref<1x128xi32, #tpu.memory_space<vmem>> -> memref<128xi32, #tpu.memory_space<vmem>>
    %dma_wait3A_2338 = arith.constant 0 : i32
    %dma_wait3A_2339 = arith.constant 0 : i32
    %dma_wait3A_2340 = tpu.memref_slice %arg2[%dma_wait3A_2338, %dma_wait3A_2339] : memref<100000x64xf32, #tpu.memory_space<hbm>> -> memref<100000x64xf32, #tpu.memory_space<hbm>>
    tpu.wait_indirect_dma semaphore(%arg13 : memref<!tpu.dma_semaphore, #tpu.memory_space<semaphore_mem>>) src(%dma_wait3A_2340 : memref<100000x64xf32, #tpu.memory_space<hbm>>) dst(%dma_wait3A_2334 : memref<128x64xf32, #tpu.memory_space<vmem>>)
    %dma_start3A_2341 = arith.constant 6 : i32
    %dma_start3A_2342 = arith.constant 42 : i32
    %dma_start3A_2343 = arith.constant 0 : i32
    %dma_start3A_2344 = arith.constant 0 : i32
    %dma_start3A_2345 = tpu.memref_slice %arg6[%dma_start3A_2341, %dma_start3A_2343, %dma_start3A_2344] : memref<12x128x64xf32, #tpu.memory_space<vmem>> -> memref<1x128x64xf32, #tpu.memory_space<vmem>>
    %dma_start3A_2346 = tpu.memref_squeeze %dma_start3A_2345 : memref<1x128x64xf32, #tpu.memory_space<vmem>> -> memref<128x64xf32, #tpu.memory_space<vmem>>
    %dma_start3A_2347 = arith.constant 0 : i32
    %dma_start3A_2348 = tpu.memref_slice %arg4[%dma_start3A_2342, %mul3A_2, %dma_start3A_2347] : memref<50x4096x64xf32, #tpu.memory_space<hbm>> -> memref<1x128x64xf32, #tpu.memory_space<hbm>>
    %dma_start3A_2349 = tpu.memref_squeeze %dma_start3A_2348 : memref<1x128x64xf32, #tpu.memory_space<hbm>> -> memref<128x64xf32, #tpu.memory_space<hbm>>
    %dma_start3A_2350 = arith.constant 0 : i32
    %dma_start3A_2351 = tpu.memref_slice %arg4[%dma_start3A_2342, %mul3A_2, %dma_start3A_2350] : memref<50x4096x64xf32, #tpu.memory_space<hbm>> -> memref<1x128x64xf32, #tpu.memory_space<hbm>>
    %dma_start3A_2352 = tpu.memref_squeeze %dma_start3A_2351 : memref<1x128x64xf32, #tpu.memory_space<hbm>> -> memref<128x64xf32, #tpu.memory_space<hbm>>
    %dma_start3A_2353 = arith.constant 0 : i32
    %dma_start3A_2354 = arith.constant 0 : i32
    %dma_start3A_2355 = tpu.memref_slice %arg6[%dma_start3A_2341, %dma_start3A_2353, %dma_start3A_2354] : memref<12x128x64xf32, #tpu.memory_space<vmem>> -> memref<1x128x64xf32, #tpu.memory_space<vmem>>
    %dma_start3A_2356 = tpu.memref_squeeze %dma_start3A_2355 : memref<1x128x64xf32, #tpu.memory_space<vmem>> -> memref<128x64xf32, #tpu.memory_space<vmem>>
    tpu.enqueue_dma source(%dma_start3A_2356 : memref<128x64xf32, #tpu.memory_space<vmem>>) target(%dma_start3A_2352 : memref<128x64xf32, #tpu.memory_space<hbm>>) target_semaphore(%arg25 : memref<!tpu.dma_semaphore, #tpu.memory_space<semaphore_mem>>)
    %dma_wait3A_2357 = arith.constant 0 : i32
    %dma_wait3A_2358 = arith.constant 36 : i32
    %dma_wait3A_2359 = arith.constant 0 : i32
    %dma_wait3A_2360 = arith.constant 0 : i32
    %dma_wait3A_2361 = tpu.memref_slice %arg6[%dma_wait3A_2357, %dma_wait3A_2359, %dma_wait3A_2360] : memref<12x128x64xf32, #tpu.memory_space<vmem>> -> memref<1x128x64xf32, #tpu.memory_space<vmem>>
    %dma_wait3A_2362 = tpu.memref_squeeze %dma_wait3A_2361 : memref<1x128x64xf32, #tpu.memory_space<vmem>> -> memref<128x64xf32, #tpu.memory_space<vmem>>
    %dma_wait3A_2363 = arith.constant 0 : i32
    %dma_wait3A_2364 = tpu.memref_slice %arg4[%dma_wait3A_2358, %mul3A_2, %dma_wait3A_2363] : memref<50x4096x64xf32, #tpu.memory_space<hbm>> -> memref<1x128x64xf32, #tpu.memory_space<hbm>>
    %dma_wait3A_2365 = tpu.memref_squeeze %dma_wait3A_2364 : memref<1x128x64xf32, #tpu.memory_space<hbm>> -> memref<128x64xf32, #tpu.memory_space<hbm>>
    %dma_wait3A_2366 = arith.constant 0 : i32
    %dma_wait3A_2367 = tpu.memref_slice %arg4[%dma_wait3A_2358, %mul3A_2, %dma_wait3A_2366] : memref<50x4096x64xf32, #tpu.memory_space<hbm>> -> memref<1x128x64xf32, #tpu.memory_space<hbm>>
    %dma_wait3A_2368 = tpu.memref_squeeze %dma_wait3A_2367 : memref<1x128x64xf32, #tpu.memory_space<hbm>> -> memref<128x64xf32, #tpu.memory_space<hbm>>
    %dma_wait3A_2369 = arith.constant 0 : i32
    %dma_wait3A_2370 = arith.constant 0 : i32
    %dma_wait3A_2371 = tpu.memref_slice %arg6[%dma_wait3A_2357, %dma_wait3A_2369, %dma_wait3A_2370] : memref<12x128x64xf32, #tpu.memory_space<vmem>> -> memref<1x128x64xf32, #tpu.memory_space<vmem>>
    %dma_wait3A_2372 = tpu.memref_squeeze %dma_wait3A_2371 : memref<1x128x64xf32, #tpu.memory_space<vmem>> -> memref<128x64xf32, #tpu.memory_space<vmem>>
    tpu.wait_dma2 semaphore(%arg19 : memref<!tpu.dma_semaphore, #tpu.memory_space<semaphore_mem>>) src(%dma_wait3A_2372 : memref<128x64xf32, #tpu.memory_space<vmem>>) dst(%dma_wait3A_2368 : memref<128x64xf32, #tpu.memory_space<hbm>>)
    %dma_start3A_2373 = arith.constant 48 : i32
    %dma_start3A_2374 = arith.constant 0 : i32
    %dma_start3A_2375 = arith.constant 0 : i32
    %dma_start3A_2376 = arith.constant 0 : i32
    %dma_start3A_2377 = tpu.memref_slice %arg6[%dma_start3A_2374, %dma_start3A_2375, %dma_start3A_2376] : memref<12x128x64xf32, #tpu.memory_space<vmem>> -> memref<1x128x64xf32, #tpu.memory_space<vmem>>
    %dma_start3A_2378 = tpu.memref_squeeze %dma_start3A_2377 : memref<1x128x64xf32, #tpu.memory_space<vmem>> -> memref<128x64xf32, #tpu.memory_space<vmem>>
    %dma_start3A_2379 = arith.constant 0 : i32
    %dma_start3A_2380 = tpu.memref_slice %arg5[%dma_start3A_2373, %dma_start3A_2379] : memref<50x128xi32, #tpu.memory_space<vmem>> -> memref<1x128xi32, #tpu.memory_space<vmem>>
    %dma_start3A_2381 = tpu.memref_squeeze %dma_start3A_2380 : memref<1x128xi32, #tpu.memory_space<vmem>> -> memref<128xi32, #tpu.memory_space<vmem>>
    %dma_start3A_2382 = arith.constant 0 : i32
    %dma_start3A_2383 = arith.constant 0 : i32
    %dma_start3A_2384 = tpu.memref_slice %arg2[%dma_start3A_2382, %dma_start3A_2383] : memref<100000x64xf32, #tpu.memory_space<hbm>> -> memref<100000x64xf32, #tpu.memory_space<hbm>>
    tpu.enqueue_indirect_dma source(%dma_start3A_2384 : memref<100000x64xf32, #tpu.memory_space<hbm>>) target(%dma_start3A_2378 : memref<128x64xf32, #tpu.memory_space<vmem>>) offsets(%dma_start3A_2381 : memref<128xi32, #tpu.memory_space<vmem>>) semaphore(%arg7 : memref<!tpu.dma_semaphore, #tpu.memory_space<semaphore_mem>>)
    %dma_wait3A_2385 = arith.constant 43 : i32
    %dma_wait3A_2386 = arith.constant 7 : i32
    %dma_wait3A_2387 = arith.constant 0 : i32
    %dma_wait3A_2388 = arith.constant 0 : i32
    %dma_wait3A_2389 = tpu.memref_slice %arg6[%dma_wait3A_2386, %dma_wait3A_2387, %dma_wait3A_2388] : memref<12x128x64xf32, #tpu.memory_space<vmem>> -> memref<1x128x64xf32, #tpu.memory_space<vmem>>
    %dma_wait3A_2390 = tpu.memref_squeeze %dma_wait3A_2389 : memref<1x128x64xf32, #tpu.memory_space<vmem>> -> memref<128x64xf32, #tpu.memory_space<vmem>>
    %dma_wait3A_2391 = arith.constant 0 : i32
    %dma_wait3A_2392 = tpu.memref_slice %arg5[%dma_wait3A_2385, %dma_wait3A_2391] : memref<50x128xi32, #tpu.memory_space<vmem>> -> memref<1x128xi32, #tpu.memory_space<vmem>>
    %dma_wait3A_2393 = tpu.memref_squeeze %dma_wait3A_2392 : memref<1x128xi32, #tpu.memory_space<vmem>> -> memref<128xi32, #tpu.memory_space<vmem>>
    %dma_wait3A_2394 = arith.constant 0 : i32
    %dma_wait3A_2395 = arith.constant 0 : i32
    %dma_wait3A_2396 = tpu.memref_slice %arg2[%dma_wait3A_2394, %dma_wait3A_2395] : memref<100000x64xf32, #tpu.memory_space<hbm>> -> memref<100000x64xf32, #tpu.memory_space<hbm>>
    tpu.wait_indirect_dma semaphore(%arg14 : memref<!tpu.dma_semaphore, #tpu.memory_space<semaphore_mem>>) src(%dma_wait3A_2396 : memref<100000x64xf32, #tpu.memory_space<hbm>>) dst(%dma_wait3A_2390 : memref<128x64xf32, #tpu.memory_space<vmem>>)
    %dma_start3A_2397 = arith.constant 7 : i32
    %dma_start3A_2398 = arith.constant 43 : i32
    %dma_start3A_2399 = arith.constant 0 : i32
    %dma_start3A_2400 = arith.constant 0 : i32
    %dma_start3A_2401 = tpu.memref_slice %arg6[%dma_start3A_2397, %dma_start3A_2399, %dma_start3A_2400] : memref<12x128x64xf32, #tpu.memory_space<vmem>> -> memref<1x128x64xf32, #tpu.memory_space<vmem>>
    %dma_start3A_2402 = tpu.memref_squeeze %dma_start3A_2401 : memref<1x128x64xf32, #tpu.memory_space<vmem>> -> memref<128x64xf32, #tpu.memory_space<vmem>>
    %dma_start3A_2403 = arith.constant 0 : i32
    %dma_start3A_2404 = tpu.memref_slice %arg4[%dma_start3A_2398, %mul3A_2, %dma_start3A_2403] : memref<50x4096x64xf32, #tpu.memory_space<hbm>> -> memref<1x128x64xf32, #tpu.memory_space<hbm>>
    %dma_start3A_2405 = tpu.memref_squeeze %dma_start3A_2404 : memref<1x128x64xf32, #tpu.memory_space<hbm>> -> memref<128x64xf32, #tpu.memory_space<hbm>>
    %dma_start3A_2406 = arith.constant 0 : i32
    %dma_start3A_2407 = tpu.memref_slice %arg4[%dma_start3A_2398, %mul3A_2, %dma_start3A_2406] : memref<50x4096x64xf32, #tpu.memory_space<hbm>> -> memref<1x128x64xf32, #tpu.memory_space<hbm>>
    %dma_start3A_2408 = tpu.memref_squeeze %dma_start3A_2407 : memref<1x128x64xf32, #tpu.memory_space<hbm>> -> memref<128x64xf32, #tpu.memory_space<hbm>>
    %dma_start3A_2409 = arith.constant 0 : i32
    %dma_start3A_2410 = arith.constant 0 : i32
    %dma_start3A_2411 = tpu.memref_slice %arg6[%dma_start3A_2397, %dma_start3A_2409, %dma_start3A_2410] : memref<12x128x64xf32, #tpu.memory_space<vmem>> -> memref<1x128x64xf32, #tpu.memory_space<vmem>>
    %dma_start3A_2412 = tpu.memref_squeeze %dma_start3A_2411 : memref<1x128x64xf32, #tpu.memory_space<vmem>> -> memref<128x64xf32, #tpu.memory_space<vmem>>
    tpu.enqueue_dma source(%dma_start3A_2412 : memref<128x64xf32, #tpu.memory_space<vmem>>) target(%dma_start3A_2408 : memref<128x64xf32, #tpu.memory_space<hbm>>) target_semaphore(%arg26 : memref<!tpu.dma_semaphore, #tpu.memory_space<semaphore_mem>>)
    %dma_wait3A_2413 = arith.constant 1 : i32
    %dma_wait3A_2414 = arith.constant 37 : i32
    %dma_wait3A_2415 = arith.constant 0 : i32
    %dma_wait3A_2416 = arith.constant 0 : i32
    %dma_wait3A_2417 = tpu.memref_slice %arg6[%dma_wait3A_2413, %dma_wait3A_2415, %dma_wait3A_2416] : memref<12x128x64xf32, #tpu.memory_space<vmem>> -> memref<1x128x64xf32, #tpu.memory_space<vmem>>
    %dma_wait3A_2418 = tpu.memref_squeeze %dma_wait3A_2417 : memref<1x128x64xf32, #tpu.memory_space<vmem>> -> memref<128x64xf32, #tpu.memory_space<vmem>>
    %dma_wait3A_2419 = arith.constant 0 : i32
    %dma_wait3A_2420 = tpu.memref_slice %arg4[%dma_wait3A_2414, %mul3A_2, %dma_wait3A_2419] : memref<50x4096x64xf32, #tpu.memory_space<hbm>> -> memref<1x128x64xf32, #tpu.memory_space<hbm>>
    %dma_wait3A_2421 = tpu.memref_squeeze %dma_wait3A_2420 : memref<1x128x64xf32, #tpu.memory_space<hbm>> -> memref<128x64xf32, #tpu.memory_space<hbm>>
    %dma_wait3A_2422 = arith.constant 0 : i32
    %dma_wait3A_2423 = tpu.memref_slice %arg4[%dma_wait3A_2414, %mul3A_2, %dma_wait3A_2422] : memref<50x4096x64xf32, #tpu.memory_space<hbm>> -> memref<1x128x64xf32, #tpu.memory_space<hbm>>
    %dma_wait3A_2424 = tpu.memref_squeeze %dma_wait3A_2423 : memref<1x128x64xf32, #tpu.memory_space<hbm>> -> memref<128x64xf32, #tpu.memory_space<hbm>>
    %dma_wait3A_2425 = arith.constant 0 : i32
    %dma_wait3A_2426 = arith.constant 0 : i32
    %dma_wait3A_2427 = tpu.memref_slice %arg6[%dma_wait3A_2413, %dma_wait3A_2425, %dma_wait3A_2426] : memref<12x128x64xf32, #tpu.memory_space<vmem>> -> memref<1x128x64xf32, #tpu.memory_space<vmem>>
    %dma_wait3A_2428 = tpu.memref_squeeze %dma_wait3A_2427 : memref<1x128x64xf32, #tpu.memory_space<vmem>> -> memref<128x64xf32, #tpu.memory_space<vmem>>
    tpu.wait_dma2 semaphore(%arg20 : memref<!tpu.dma_semaphore, #tpu.memory_space<semaphore_mem>>) src(%dma_wait3A_2428 : memref<128x64xf32, #tpu.memory_space<vmem>>) dst(%dma_wait3A_2424 : memref<128x64xf32, #tpu.memory_space<hbm>>)
    %dma_start3A_2429 = arith.constant 49 : i32
    %dma_start3A_2430 = arith.constant 1 : i32
    %dma_start3A_2431 = arith.constant 0 : i32
    %dma_start3A_2432 = arith.constant 0 : i32
    %dma_start3A_2433 = tpu.memref_slice %arg6[%dma_start3A_2430, %dma_start3A_2431, %dma_start3A_2432] : memref<12x128x64xf32, #tpu.memory_space<vmem>> -> memref<1x128x64xf32, #tpu.memory_space<vmem>>
    %dma_start3A_2434 = tpu.memref_squeeze %dma_start3A_2433 : memref<1x128x64xf32, #tpu.memory_space<vmem>> -> memref<128x64xf32, #tpu.memory_space<vmem>>
    %dma_start3A_2435 = arith.constant 0 : i32
    %dma_start3A_2436 = tpu.memref_slice %arg5[%dma_start3A_2429, %dma_start3A_2435] : memref<50x128xi32, #tpu.memory_space<vmem>> -> memref<1x128xi32, #tpu.memory_space<vmem>>
    %dma_start3A_2437 = tpu.memref_squeeze %dma_start3A_2436 : memref<1x128xi32, #tpu.memory_space<vmem>> -> memref<128xi32, #tpu.memory_space<vmem>>
    %dma_start3A_2438 = arith.constant 0 : i32
    %dma_start3A_2439 = arith.constant 0 : i32
    %dma_start3A_2440 = tpu.memref_slice %arg2[%dma_start3A_2438, %dma_start3A_2439] : memref<100000x64xf32, #tpu.memory_space<hbm>> -> memref<100000x64xf32, #tpu.memory_space<hbm>>
    tpu.enqueue_indirect_dma source(%dma_start3A_2440 : memref<100000x64xf32, #tpu.memory_space<hbm>>) target(%dma_start3A_2434 : memref<128x64xf32, #tpu.memory_space<vmem>>) offsets(%dma_start3A_2437 : memref<128xi32, #tpu.memory_space<vmem>>) semaphore(%arg8 : memref<!tpu.dma_semaphore, #tpu.memory_space<semaphore_mem>>)
    %dma_wait3A_2441 = arith.constant 44 : i32
    %dma_wait3A_2442 = arith.constant 8 : i32
    %dma_wait3A_2443 = arith.constant 0 : i32
    %dma_wait3A_2444 = arith.constant 0 : i32
    %dma_wait3A_2445 = tpu.memref_slice %arg6[%dma_wait3A_2442, %dma_wait3A_2443, %dma_wait3A_2444] : memref<12x128x64xf32, #tpu.memory_space<vmem>> -> memref<1x128x64xf32, #tpu.memory_space<vmem>>
    %dma_wait3A_2446 = tpu.memref_squeeze %dma_wait3A_2445 : memref<1x128x64xf32, #tpu.memory_space<vmem>> -> memref<128x64xf32, #tpu.memory_space<vmem>>
    %dma_wait3A_2447 = arith.constant 0 : i32
    %dma_wait3A_2448 = tpu.memref_slice %arg5[%dma_wait3A_2441, %dma_wait3A_2447] : memref<50x128xi32, #tpu.memory_space<vmem>> -> memref<1x128xi32, #tpu.memory_space<vmem>>
    %dma_wait3A_2449 = tpu.memref_squeeze %dma_wait3A_2448 : memref<1x128xi32, #tpu.memory_space<vmem>> -> memref<128xi32, #tpu.memory_space<vmem>>
    %dma_wait3A_2450 = arith.constant 0 : i32
    %dma_wait3A_2451 = arith.constant 0 : i32
    %dma_wait3A_2452 = tpu.memref_slice %arg2[%dma_wait3A_2450, %dma_wait3A_2451] : memref<100000x64xf32, #tpu.memory_space<hbm>> -> memref<100000x64xf32, #tpu.memory_space<hbm>>
    tpu.wait_indirect_dma semaphore(%arg15 : memref<!tpu.dma_semaphore, #tpu.memory_space<semaphore_mem>>) src(%dma_wait3A_2452 : memref<100000x64xf32, #tpu.memory_space<hbm>>) dst(%dma_wait3A_2446 : memref<128x64xf32, #tpu.memory_space<vmem>>)
    %dma_start3A_2453 = arith.constant 8 : i32
    %dma_start3A_2454 = arith.constant 44 : i32
    %dma_start3A_2455 = arith.constant 0 : i32
    %dma_start3A_2456 = arith.constant 0 : i32
    %dma_start3A_2457 = tpu.memref_slice %arg6[%dma_start3A_2453, %dma_start3A_2455, %dma_start3A_2456] : memref<12x128x64xf32, #tpu.memory_space<vmem>> -> memref<1x128x64xf32, #tpu.memory_space<vmem>>
    %dma_start3A_2458 = tpu.memref_squeeze %dma_start3A_2457 : memref<1x128x64xf32, #tpu.memory_space<vmem>> -> memref<128x64xf32, #tpu.memory_space<vmem>>
    %dma_start3A_2459 = arith.constant 0 : i32
    %dma_start3A_2460 = tpu.memref_slice %arg4[%dma_start3A_2454, %mul3A_2, %dma_start3A_2459] : memref<50x4096x64xf32, #tpu.memory_space<hbm>> -> memref<1x128x64xf32, #tpu.memory_space<hbm>>
    %dma_start3A_2461 = tpu.memref_squeeze %dma_start3A_2460 : memref<1x128x64xf32, #tpu.memory_space<hbm>> -> memref<128x64xf32, #tpu.memory_space<hbm>>
    %dma_start3A_2462 = arith.constant 0 : i32
    %dma_start3A_2463 = tpu.memref_slice %arg4[%dma_start3A_2454, %mul3A_2, %dma_start3A_2462] : memref<50x4096x64xf32, #tpu.memory_space<hbm>> -> memref<1x128x64xf32, #tpu.memory_space<hbm>>
    %dma_start3A_2464 = tpu.memref_squeeze %dma_start3A_2463 : memref<1x128x64xf32, #tpu.memory_space<hbm>> -> memref<128x64xf32, #tpu.memory_space<hbm>>
    %dma_start3A_2465 = arith.constant 0 : i32
    %dma_start3A_2466 = arith.constant 0 : i32
    %dma_start3A_2467 = tpu.memref_slice %arg6[%dma_start3A_2453, %dma_start3A_2465, %dma_start3A_2466] : memref<12x128x64xf32, #tpu.memory_space<vmem>> -> memref<1x128x64xf32, #tpu.memory_space<vmem>>
    %dma_start3A_2468 = tpu.memref_squeeze %dma_start3A_2467 : memref<1x128x64xf32, #tpu.memory_space<vmem>> -> memref<128x64xf32, #tpu.memory_space<vmem>>
    tpu.enqueue_dma source(%dma_start3A_2468 : memref<128x64xf32, #tpu.memory_space<vmem>>) target(%dma_start3A_2464 : memref<128x64xf32, #tpu.memory_space<hbm>>) target_semaphore(%arg27 : memref<!tpu.dma_semaphore, #tpu.memory_space<semaphore_mem>>)
    %dma_wait3A_2469 = arith.constant 45 : i32
    %dma_wait3A_2470 = arith.constant 9 : i32
    %dma_wait3A_2471 = arith.constant 0 : i32
    %dma_wait3A_2472 = arith.constant 0 : i32
    %dma_wait3A_2473 = tpu.memref_slice %arg6[%dma_wait3A_2470, %dma_wait3A_2471, %dma_wait3A_2472] : memref<12x128x64xf32, #tpu.memory_space<vmem>> -> memref<1x128x64xf32, #tpu.memory_space<vmem>>
    %dma_wait3A_2474 = tpu.memref_squeeze %dma_wait3A_2473 : memref<1x128x64xf32, #tpu.memory_space<vmem>> -> memref<128x64xf32, #tpu.memory_space<vmem>>
    %dma_wait3A_2475 = arith.constant 0 : i32
    %dma_wait3A_2476 = tpu.memref_slice %arg5[%dma_wait3A_2469, %dma_wait3A_2475] : memref<50x128xi32, #tpu.memory_space<vmem>> -> memref<1x128xi32, #tpu.memory_space<vmem>>
    %dma_wait3A_2477 = tpu.memref_squeeze %dma_wait3A_2476 : memref<1x128xi32, #tpu.memory_space<vmem>> -> memref<128xi32, #tpu.memory_space<vmem>>
    %dma_wait3A_2478 = arith.constant 0 : i32
    %dma_wait3A_2479 = arith.constant 0 : i32
    %dma_wait3A_2480 = tpu.memref_slice %arg2[%dma_wait3A_2478, %dma_wait3A_2479] : memref<100000x64xf32, #tpu.memory_space<hbm>> -> memref<100000x64xf32, #tpu.memory_space<hbm>>
    tpu.wait_indirect_dma semaphore(%arg16 : memref<!tpu.dma_semaphore, #tpu.memory_space<semaphore_mem>>) src(%dma_wait3A_2480 : memref<100000x64xf32, #tpu.memory_space<hbm>>) dst(%dma_wait3A_2474 : memref<128x64xf32, #tpu.memory_space<vmem>>)
    %dma_start3A_2481 = arith.constant 9 : i32
    %dma_start3A_2482 = arith.constant 45 : i32
    %dma_start3A_2483 = arith.constant 0 : i32
    %dma_start3A_2484 = arith.constant 0 : i32
    %dma_start3A_2485 = tpu.memref_slice %arg6[%dma_start3A_2481, %dma_start3A_2483, %dma_start3A_2484] : memref<12x128x64xf32, #tpu.memory_space<vmem>> -> memref<1x128x64xf32, #tpu.memory_space<vmem>>
    %dma_start3A_2486 = tpu.memref_squeeze %dma_start3A_2485 : memref<1x128x64xf32, #tpu.memory_space<vmem>> -> memref<128x64xf32, #tpu.memory_space<vmem>>
    %dma_start3A_2487 = arith.constant 0 : i32
    %dma_start3A_2488 = tpu.memref_slice %arg4[%dma_start3A_2482, %mul3A_2, %dma_start3A_2487] : memref<50x4096x64xf32, #tpu.memory_space<hbm>> -> memref<1x128x64xf32, #tpu.memory_space<hbm>>
    %dma_start3A_2489 = tpu.memref_squeeze %dma_start3A_2488 : memref<1x128x64xf32, #tpu.memory_space<hbm>> -> memref<128x64xf32, #tpu.memory_space<hbm>>
    %dma_start3A_2490 = arith.constant 0 : i32
    %dma_start3A_2491 = tpu.memref_slice %arg4[%dma_start3A_2482, %mul3A_2, %dma_start3A_2490] : memref<50x4096x64xf32, #tpu.memory_space<hbm>> -> memref<1x128x64xf32, #tpu.memory_space<hbm>>
    %dma_start3A_2492 = tpu.memref_squeeze %dma_start3A_2491 : memref<1x128x64xf32, #tpu.memory_space<hbm>> -> memref<128x64xf32, #tpu.memory_space<hbm>>
    %dma_start3A_2493 = arith.constant 0 : i32
    %dma_start3A_2494 = arith.constant 0 : i32
    %dma_start3A_2495 = tpu.memref_slice %arg6[%dma_start3A_2481, %dma_start3A_2493, %dma_start3A_2494] : memref<12x128x64xf32, #tpu.memory_space<vmem>> -> memref<1x128x64xf32, #tpu.memory_space<vmem>>
    %dma_start3A_2496 = tpu.memref_squeeze %dma_start3A_2495 : memref<1x128x64xf32, #tpu.memory_space<vmem>> -> memref<128x64xf32, #tpu.memory_space<vmem>>
    tpu.enqueue_dma source(%dma_start3A_2496 : memref<128x64xf32, #tpu.memory_space<vmem>>) target(%dma_start3A_2492 : memref<128x64xf32, #tpu.memory_space<hbm>>) target_semaphore(%arg28 : memref<!tpu.dma_semaphore, #tpu.memory_space<semaphore_mem>>)
    %dma_wait3A_2497 = arith.constant 46 : i32
    %dma_wait3A_2498 = arith.constant 10 : i32
    %dma_wait3A_2499 = arith.constant 0 : i32
    %dma_wait3A_2500 = arith.constant 0 : i32
    %dma_wait3A_2501 = tpu.memref_slice %arg6[%dma_wait3A_2498, %dma_wait3A_2499, %dma_wait3A_2500] : memref<12x128x64xf32, #tpu.memory_space<vmem>> -> memref<1x128x64xf32, #tpu.memory_space<vmem>>
    %dma_wait3A_2502 = tpu.memref_squeeze %dma_wait3A_2501 : memref<1x128x64xf32, #tpu.memory_space<vmem>> -> memref<128x64xf32, #tpu.memory_space<vmem>>
    %dma_wait3A_2503 = arith.constant 0 : i32
    %dma_wait3A_2504 = tpu.memref_slice %arg5[%dma_wait3A_2497, %dma_wait3A_2503] : memref<50x128xi32, #tpu.memory_space<vmem>> -> memref<1x128xi32, #tpu.memory_space<vmem>>
    %dma_wait3A_2505 = tpu.memref_squeeze %dma_wait3A_2504 : memref<1x128xi32, #tpu.memory_space<vmem>> -> memref<128xi32, #tpu.memory_space<vmem>>
    %dma_wait3A_2506 = arith.constant 0 : i32
    %dma_wait3A_2507 = arith.constant 0 : i32
    %dma_wait3A_2508 = tpu.memref_slice %arg2[%dma_wait3A_2506, %dma_wait3A_2507] : memref<100000x64xf32, #tpu.memory_space<hbm>> -> memref<100000x64xf32, #tpu.memory_space<hbm>>
    tpu.wait_indirect_dma semaphore(%arg17 : memref<!tpu.dma_semaphore, #tpu.memory_space<semaphore_mem>>) src(%dma_wait3A_2508 : memref<100000x64xf32, #tpu.memory_space<hbm>>) dst(%dma_wait3A_2502 : memref<128x64xf32, #tpu.memory_space<vmem>>)
    %dma_start3A_2509 = arith.constant 10 : i32
    %dma_start3A_2510 = arith.constant 46 : i32
    %dma_start3A_2511 = arith.constant 0 : i32
    %dma_start3A_2512 = arith.constant 0 : i32
    %dma_start3A_2513 = tpu.memref_slice %arg6[%dma_start3A_2509, %dma_start3A_2511, %dma_start3A_2512] : memref<12x128x64xf32, #tpu.memory_space<vmem>> -> memref<1x128x64xf32, #tpu.memory_space<vmem>>
    %dma_start3A_2514 = tpu.memref_squeeze %dma_start3A_2513 : memref<1x128x64xf32, #tpu.memory_space<vmem>> -> memref<128x64xf32, #tpu.memory_space<vmem>>
    %dma_start3A_2515 = arith.constant 0 : i32
    %dma_start3A_2516 = tpu.memref_slice %arg4[%dma_start3A_2510, %mul3A_2, %dma_start3A_2515] : memref<50x4096x64xf32, #tpu.memory_space<hbm>> -> memref<1x128x64xf32, #tpu.memory_space<hbm>>
    %dma_start3A_2517 = tpu.memref_squeeze %dma_start3A_2516 : memref<1x128x64xf32, #tpu.memory_space<hbm>> -> memref<128x64xf32, #tpu.memory_space<hbm>>
    %dma_start3A_2518 = arith.constant 0 : i32
    %dma_start3A_2519 = tpu.memref_slice %arg4[%dma_start3A_2510, %mul3A_2, %dma_start3A_2518] : memref<50x4096x64xf32, #tpu.memory_space<hbm>> -> memref<1x128x64xf32, #tpu.memory_space<hbm>>
    %dma_start3A_2520 = tpu.memref_squeeze %dma_start3A_2519 : memref<1x128x64xf32, #tpu.memory_space<hbm>> -> memref<128x64xf32, #tpu.memory_space<hbm>>
    %dma_start3A_2521 = arith.constant 0 : i32
    %dma_start3A_2522 = arith.constant 0 : i32
    %dma_start3A_2523 = tpu.memref_slice %arg6[%dma_start3A_2509, %dma_start3A_2521, %dma_start3A_2522] : memref<12x128x64xf32, #tpu.memory_space<vmem>> -> memref<1x128x64xf32, #tpu.memory_space<vmem>>
    %dma_start3A_2524 = tpu.memref_squeeze %dma_start3A_2523 : memref<1x128x64xf32, #tpu.memory_space<vmem>> -> memref<128x64xf32, #tpu.memory_space<vmem>>
    tpu.enqueue_dma source(%dma_start3A_2524 : memref<128x64xf32, #tpu.memory_space<vmem>>) target(%dma_start3A_2520 : memref<128x64xf32, #tpu.memory_space<hbm>>) target_semaphore(%arg29 : memref<!tpu.dma_semaphore, #tpu.memory_space<semaphore_mem>>)
    %dma_wait3A_2525 = arith.constant 47 : i32
    %dma_wait3A_2526 = arith.constant 11 : i32
    %dma_wait3A_2527 = arith.constant 0 : i32
    %dma_wait3A_2528 = arith.constant 0 : i32
    %dma_wait3A_2529 = tpu.memref_slice %arg6[%dma_wait3A_2526, %dma_wait3A_2527, %dma_wait3A_2528] : memref<12x128x64xf32, #tpu.memory_space<vmem>> -> memref<1x128x64xf32, #tpu.memory_space<vmem>>
    %dma_wait3A_2530 = tpu.memref_squeeze %dma_wait3A_2529 : memref<1x128x64xf32, #tpu.memory_space<vmem>> -> memref<128x64xf32, #tpu.memory_space<vmem>>
    %dma_wait3A_2531 = arith.constant 0 : i32
    %dma_wait3A_2532 = tpu.memref_slice %arg5[%dma_wait3A_2525, %dma_wait3A_2531] : memref<50x128xi32, #tpu.memory_space<vmem>> -> memref<1x128xi32, #tpu.memory_space<vmem>>
    %dma_wait3A_2533 = tpu.memref_squeeze %dma_wait3A_2532 : memref<1x128xi32, #tpu.memory_space<vmem>> -> memref<128xi32, #tpu.memory_space<vmem>>
    %dma_wait3A_2534 = arith.constant 0 : i32
    %dma_wait3A_2535 = arith.constant 0 : i32
    %dma_wait3A_2536 = tpu.memref_slice %arg2[%dma_wait3A_2534, %dma_wait3A_2535] : memref<100000x64xf32, #tpu.memory_space<hbm>> -> memref<100000x64xf32, #tpu.memory_space<hbm>>
    tpu.wait_indirect_dma semaphore(%arg18 : memref<!tpu.dma_semaphore, #tpu.memory_space<semaphore_mem>>) src(%dma_wait3A_2536 : memref<100000x64xf32, #tpu.memory_space<hbm>>) dst(%dma_wait3A_2530 : memref<128x64xf32, #tpu.memory_space<vmem>>)
    %dma_start3A_2537 = arith.constant 11 : i32
    %dma_start3A_2538 = arith.constant 47 : i32
    %dma_start3A_2539 = arith.constant 0 : i32
    %dma_start3A_2540 = arith.constant 0 : i32
    %dma_start3A_2541 = tpu.memref_slice %arg6[%dma_start3A_2537, %dma_start3A_2539, %dma_start3A_2540] : memref<12x128x64xf32, #tpu.memory_space<vmem>> -> memref<1x128x64xf32, #tpu.memory_space<vmem>>
    %dma_start3A_2542 = tpu.memref_squeeze %dma_start3A_2541 : memref<1x128x64xf32, #tpu.memory_space<vmem>> -> memref<128x64xf32, #tpu.memory_space<vmem>>
    %dma_start3A_2543 = arith.constant 0 : i32
    %dma_start3A_2544 = tpu.memref_slice %arg4[%dma_start3A_2538, %mul3A_2, %dma_start3A_2543] : memref<50x4096x64xf32, #tpu.memory_space<hbm>> -> memref<1x128x64xf32, #tpu.memory_space<hbm>>
    %dma_start3A_2545 = tpu.memref_squeeze %dma_start3A_2544 : memref<1x128x64xf32, #tpu.memory_space<hbm>> -> memref<128x64xf32, #tpu.memory_space<hbm>>
    %dma_start3A_2546 = arith.constant 0 : i32
    %dma_start3A_2547 = tpu.memref_slice %arg4[%dma_start3A_2538, %mul3A_2, %dma_start3A_2546] : memref<50x4096x64xf32, #tpu.memory_space<hbm>> -> memref<1x128x64xf32, #tpu.memory_space<hbm>>
    %dma_start3A_2548 = tpu.memref_squeeze %dma_start3A_2547 : memref<1x128x64xf32, #tpu.memory_space<hbm>> -> memref<128x64xf32, #tpu.memory_space<hbm>>
    %dma_start3A_2549 = arith.constant 0 : i32
    %dma_start3A_2550 = arith.constant 0 : i32
    %dma_start3A_2551 = tpu.memref_slice %arg6[%dma_start3A_2537, %dma_start3A_2549, %dma_start3A_2550] : memref<12x128x64xf32, #tpu.memory_space<vmem>> -> memref<1x128x64xf32, #tpu.memory_space<vmem>>
    %dma_start3A_2552 = tpu.memref_squeeze %dma_start3A_2551 : memref<1x128x64xf32, #tpu.memory_space<vmem>> -> memref<128x64xf32, #tpu.memory_space<vmem>>
    tpu.enqueue_dma source(%dma_start3A_2552 : memref<128x64xf32, #tpu.memory_space<vmem>>) target(%dma_start3A_2548 : memref<128x64xf32, #tpu.memory_space<hbm>>) target_semaphore(%arg30 : memref<!tpu.dma_semaphore, #tpu.memory_space<semaphore_mem>>)
    %dma_wait3A_2553 = arith.constant 48 : i32
    %dma_wait3A_2554 = arith.constant 0 : i32
    %dma_wait3A_2555 = arith.constant 0 : i32
    %dma_wait3A_2556 = arith.constant 0 : i32
    %dma_wait3A_2557 = tpu.memref_slice %arg6[%dma_wait3A_2554, %dma_wait3A_2555, %dma_wait3A_2556] : memref<12x128x64xf32, #tpu.memory_space<vmem>> -> memref<1x128x64xf32, #tpu.memory_space<vmem>>
    %dma_wait3A_2558 = tpu.memref_squeeze %dma_wait3A_2557 : memref<1x128x64xf32, #tpu.memory_space<vmem>> -> memref<128x64xf32, #tpu.memory_space<vmem>>
    %dma_wait3A_2559 = arith.constant 0 : i32
    %dma_wait3A_2560 = tpu.memref_slice %arg5[%dma_wait3A_2553, %dma_wait3A_2559] : memref<50x128xi32, #tpu.memory_space<vmem>> -> memref<1x128xi32, #tpu.memory_space<vmem>>
    %dma_wait3A_2561 = tpu.memref_squeeze %dma_wait3A_2560 : memref<1x128xi32, #tpu.memory_space<vmem>> -> memref<128xi32, #tpu.memory_space<vmem>>
    %dma_wait3A_2562 = arith.constant 0 : i32
    %dma_wait3A_2563 = arith.constant 0 : i32
    %dma_wait3A_2564 = tpu.memref_slice %arg2[%dma_wait3A_2562, %dma_wait3A_2563] : memref<100000x64xf32, #tpu.memory_space<hbm>> -> memref<100000x64xf32, #tpu.memory_space<hbm>>
    tpu.wait_indirect_dma semaphore(%arg7 : memref<!tpu.dma_semaphore, #tpu.memory_space<semaphore_mem>>) src(%dma_wait3A_2564 : memref<100000x64xf32, #tpu.memory_space<hbm>>) dst(%dma_wait3A_2558 : memref<128x64xf32, #tpu.memory_space<vmem>>)
    %dma_start3A_2565 = arith.constant 0 : i32
    %dma_start3A_2566 = arith.constant 48 : i32
    %dma_start3A_2567 = arith.constant 0 : i32
    %dma_start3A_2568 = arith.constant 0 : i32
    %dma_start3A_2569 = tpu.memref_slice %arg6[%dma_start3A_2565, %dma_start3A_2567, %dma_start3A_2568] : memref<12x128x64xf32, #tpu.memory_space<vmem>> -> memref<1x128x64xf32, #tpu.memory_space<vmem>>
    %dma_start3A_2570 = tpu.memref_squeeze %dma_start3A_2569 : memref<1x128x64xf32, #tpu.memory_space<vmem>> -> memref<128x64xf32, #tpu.memory_space<vmem>>
    %dma_start3A_2571 = arith.constant 0 : i32
    %dma_start3A_2572 = tpu.memref_slice %arg4[%dma_start3A_2566, %mul3A_2, %dma_start3A_2571] : memref<50x4096x64xf32, #tpu.memory_space<hbm>> -> memref<1x128x64xf32, #tpu.memory_space<hbm>>
    %dma_start3A_2573 = tpu.memref_squeeze %dma_start3A_2572 : memref<1x128x64xf32, #tpu.memory_space<hbm>> -> memref<128x64xf32, #tpu.memory_space<hbm>>
    %dma_start3A_2574 = arith.constant 0 : i32
    %dma_start3A_2575 = tpu.memref_slice %arg4[%dma_start3A_2566, %mul3A_2, %dma_start3A_2574] : memref<50x4096x64xf32, #tpu.memory_space<hbm>> -> memref<1x128x64xf32, #tpu.memory_space<hbm>>
    %dma_start3A_2576 = tpu.memref_squeeze %dma_start3A_2575 : memref<1x128x64xf32, #tpu.memory_space<hbm>> -> memref<128x64xf32, #tpu.memory_space<hbm>>
    %dma_start3A_2577 = arith.constant 0 : i32
    %dma_start3A_2578 = arith.constant 0 : i32
    %dma_start3A_2579 = tpu.memref_slice %arg6[%dma_start3A_2565, %dma_start3A_2577, %dma_start3A_2578] : memref<12x128x64xf32, #tpu.memory_space<vmem>> -> memref<1x128x64xf32, #tpu.memory_space<vmem>>
    %dma_start3A_2580 = tpu.memref_squeeze %dma_start3A_2579 : memref<1x128x64xf32, #tpu.memory_space<vmem>> -> memref<128x64xf32, #tpu.memory_space<vmem>>
    tpu.enqueue_dma source(%dma_start3A_2580 : memref<128x64xf32, #tpu.memory_space<vmem>>) target(%dma_start3A_2576 : memref<128x64xf32, #tpu.memory_space<hbm>>) target_semaphore(%arg19 : memref<!tpu.dma_semaphore, #tpu.memory_space<semaphore_mem>>)
    %dma_wait3A_2581 = arith.constant 49 : i32
    %dma_wait3A_2582 = arith.constant 1 : i32
    %dma_wait3A_2583 = arith.constant 0 : i32
    %dma_wait3A_2584 = arith.constant 0 : i32
    %dma_wait3A_2585 = tpu.memref_slice %arg6[%dma_wait3A_2582, %dma_wait3A_2583, %dma_wait3A_2584] : memref<12x128x64xf32, #tpu.memory_space<vmem>> -> memref<1x128x64xf32, #tpu.memory_space<vmem>>
    %dma_wait3A_2586 = tpu.memref_squeeze %dma_wait3A_2585 : memref<1x128x64xf32, #tpu.memory_space<vmem>> -> memref<128x64xf32, #tpu.memory_space<vmem>>
    %dma_wait3A_2587 = arith.constant 0 : i32
    %dma_wait3A_2588 = tpu.memref_slice %arg5[%dma_wait3A_2581, %dma_wait3A_2587] : memref<50x128xi32, #tpu.memory_space<vmem>> -> memref<1x128xi32, #tpu.memory_space<vmem>>
    %dma_wait3A_2589 = tpu.memref_squeeze %dma_wait3A_2588 : memref<1x128xi32, #tpu.memory_space<vmem>> -> memref<128xi32, #tpu.memory_space<vmem>>
    %dma_wait3A_2590 = arith.constant 0 : i32
    %dma_wait3A_2591 = arith.constant 0 : i32
    %dma_wait3A_2592 = tpu.memref_slice %arg2[%dma_wait3A_2590, %dma_wait3A_2591] : memref<100000x64xf32, #tpu.memory_space<hbm>> -> memref<100000x64xf32, #tpu.memory_space<hbm>>
    tpu.wait_indirect_dma semaphore(%arg8 : memref<!tpu.dma_semaphore, #tpu.memory_space<semaphore_mem>>) src(%dma_wait3A_2592 : memref<100000x64xf32, #tpu.memory_space<hbm>>) dst(%dma_wait3A_2586 : memref<128x64xf32, #tpu.memory_space<vmem>>)
    %dma_start3A_2593 = arith.constant 1 : i32
    %dma_start3A_2594 = arith.constant 49 : i32
    %dma_start3A_2595 = arith.constant 0 : i32
    %dma_start3A_2596 = arith.constant 0 : i32
    %dma_start3A_2597 = tpu.memref_slice %arg6[%dma_start3A_2593, %dma_start3A_2595, %dma_start3A_2596] : memref<12x128x64xf32, #tpu.memory_space<vmem>> -> memref<1x128x64xf32, #tpu.memory_space<vmem>>
    %dma_start3A_2598 = tpu.memref_squeeze %dma_start3A_2597 : memref<1x128x64xf32, #tpu.memory_space<vmem>> -> memref<128x64xf32, #tpu.memory_space<vmem>>
    %dma_start3A_2599 = arith.constant 0 : i32
    %dma_start3A_2600 = tpu.memref_slice %arg4[%dma_start3A_2594, %mul3A_2, %dma_start3A_2599] : memref<50x4096x64xf32, #tpu.memory_space<hbm>> -> memref<1x128x64xf32, #tpu.memory_space<hbm>>
    %dma_start3A_2601 = tpu.memref_squeeze %dma_start3A_2600 : memref<1x128x64xf32, #tpu.memory_space<hbm>> -> memref<128x64xf32, #tpu.memory_space<hbm>>
    %dma_start3A_2602 = arith.constant 0 : i32
    %dma_start3A_2603 = tpu.memref_slice %arg4[%dma_start3A_2594, %mul3A_2, %dma_start3A_2602] : memref<50x4096x64xf32, #tpu.memory_space<hbm>> -> memref<1x128x64xf32, #tpu.memory_space<hbm>>
    %dma_start3A_2604 = tpu.memref_squeeze %dma_start3A_2603 : memref<1x128x64xf32, #tpu.memory_space<hbm>> -> memref<128x64xf32, #tpu.memory_space<hbm>>
    %dma_start3A_2605 = arith.constant 0 : i32
    %dma_start3A_2606 = arith.constant 0 : i32
    %dma_start3A_2607 = tpu.memref_slice %arg6[%dma_start3A_2593, %dma_start3A_2605, %dma_start3A_2606] : memref<12x128x64xf32, #tpu.memory_space<vmem>> -> memref<1x128x64xf32, #tpu.memory_space<vmem>>
    %dma_start3A_2608 = tpu.memref_squeeze %dma_start3A_2607 : memref<1x128x64xf32, #tpu.memory_space<vmem>> -> memref<128x64xf32, #tpu.memory_space<vmem>>
    tpu.enqueue_dma source(%dma_start3A_2608 : memref<128x64xf32, #tpu.memory_space<vmem>>) target(%dma_start3A_2604 : memref<128x64xf32, #tpu.memory_space<hbm>>) target_semaphore(%arg20 : memref<!tpu.dma_semaphore, #tpu.memory_space<semaphore_mem>>)
    %dma_wait3A_2609 = arith.constant 2 : i32
    %dma_wait3A_2610 = arith.constant 38 : i32
    %dma_wait3A_2611 = arith.constant 0 : i32
    %dma_wait3A_2612 = arith.constant 0 : i32
    %dma_wait3A_2613 = tpu.memref_slice %arg6[%dma_wait3A_2609, %dma_wait3A_2611, %dma_wait3A_2612] : memref<12x128x64xf32, #tpu.memory_space<vmem>> -> memref<1x128x64xf32, #tpu.memory_space<vmem>>
    %dma_wait3A_2614 = tpu.memref_squeeze %dma_wait3A_2613 : memref<1x128x64xf32, #tpu.memory_space<vmem>> -> memref<128x64xf32, #tpu.memory_space<vmem>>
    %dma_wait3A_2615 = arith.constant 0 : i32
    %dma_wait3A_2616 = tpu.memref_slice %arg4[%dma_wait3A_2610, %mul3A_2, %dma_wait3A_2615] : memref<50x4096x64xf32, #tpu.memory_space<hbm>> -> memref<1x128x64xf32, #tpu.memory_space<hbm>>
    %dma_wait3A_2617 = tpu.memref_squeeze %dma_wait3A_2616 : memref<1x128x64xf32, #tpu.memory_space<hbm>> -> memref<128x64xf32, #tpu.memory_space<hbm>>
    %dma_wait3A_2618 = arith.constant 0 : i32
    %dma_wait3A_2619 = tpu.memref_slice %arg4[%dma_wait3A_2610, %mul3A_2, %dma_wait3A_2618] : memref<50x4096x64xf32, #tpu.memory_space<hbm>> -> memref<1x128x64xf32, #tpu.memory_space<hbm>>
    %dma_wait3A_2620 = tpu.memref_squeeze %dma_wait3A_2619 : memref<1x128x64xf32, #tpu.memory_space<hbm>> -> memref<128x64xf32, #tpu.memory_space<hbm>>
    %dma_wait3A_2621 = arith.constant 0 : i32
    %dma_wait3A_2622 = arith.constant 0 : i32
    %dma_wait3A_2623 = tpu.memref_slice %arg6[%dma_wait3A_2609, %dma_wait3A_2621, %dma_wait3A_2622] : memref<12x128x64xf32, #tpu.memory_space<vmem>> -> memref<1x128x64xf32, #tpu.memory_space<vmem>>
    %dma_wait3A_2624 = tpu.memref_squeeze %dma_wait3A_2623 : memref<1x128x64xf32, #tpu.memory_space<vmem>> -> memref<128x64xf32, #tpu.memory_space<vmem>>
    tpu.wait_dma2 semaphore(%arg21 : memref<!tpu.dma_semaphore, #tpu.memory_space<semaphore_mem>>) src(%dma_wait3A_2624 : memref<128x64xf32, #tpu.memory_space<vmem>>) dst(%dma_wait3A_2620 : memref<128x64xf32, #tpu.memory_space<hbm>>)
    %dma_wait3A_2625 = arith.constant 3 : i32
    %dma_wait3A_2626 = arith.constant 39 : i32
    %dma_wait3A_2627 = arith.constant 0 : i32
    %dma_wait3A_2628 = arith.constant 0 : i32
    %dma_wait3A_2629 = tpu.memref_slice %arg6[%dma_wait3A_2625, %dma_wait3A_2627, %dma_wait3A_2628] : memref<12x128x64xf32, #tpu.memory_space<vmem>> -> memref<1x128x64xf32, #tpu.memory_space<vmem>>
    %dma_wait3A_2630 = tpu.memref_squeeze %dma_wait3A_2629 : memref<1x128x64xf32, #tpu.memory_space<vmem>> -> memref<128x64xf32, #tpu.memory_space<vmem>>
    %dma_wait3A_2631 = arith.constant 0 : i32
    %dma_wait3A_2632 = tpu.memref_slice %arg4[%dma_wait3A_2626, %mul3A_2, %dma_wait3A_2631] : memref<50x4096x64xf32, #tpu.memory_space<hbm>> -> memref<1x128x64xf32, #tpu.memory_space<hbm>>
    %dma_wait3A_2633 = tpu.memref_squeeze %dma_wait3A_2632 : memref<1x128x64xf32, #tpu.memory_space<hbm>> -> memref<128x64xf32, #tpu.memory_space<hbm>>
    %dma_wait3A_2634 = arith.constant 0 : i32
    %dma_wait3A_2635 = tpu.memref_slice %arg4[%dma_wait3A_2626, %mul3A_2, %dma_wait3A_2634] : memref<50x4096x64xf32, #tpu.memory_space<hbm>> -> memref<1x128x64xf32, #tpu.memory_space<hbm>>
    %dma_wait3A_2636 = tpu.memref_squeeze %dma_wait3A_2635 : memref<1x128x64xf32, #tpu.memory_space<hbm>> -> memref<128x64xf32, #tpu.memory_space<hbm>>
    %dma_wait3A_2637 = arith.constant 0 : i32
    %dma_wait3A_2638 = arith.constant 0 : i32
    %dma_wait3A_2639 = tpu.memref_slice %arg6[%dma_wait3A_2625, %dma_wait3A_2637, %dma_wait3A_2638] : memref<12x128x64xf32, #tpu.memory_space<vmem>> -> memref<1x128x64xf32, #tpu.memory_space<vmem>>
    %dma_wait3A_2640 = tpu.memref_squeeze %dma_wait3A_2639 : memref<1x128x64xf32, #tpu.memory_space<vmem>> -> memref<128x64xf32, #tpu.memory_space<vmem>>
    tpu.wait_dma2 semaphore(%arg22 : memref<!tpu.dma_semaphore, #tpu.memory_space<semaphore_mem>>) src(%dma_wait3A_2640 : memref<128x64xf32, #tpu.memory_space<vmem>>) dst(%dma_wait3A_2636 : memref<128x64xf32, #tpu.memory_space<hbm>>)
    %dma_wait3A_2641 = arith.constant 4 : i32
    %dma_wait3A_2642 = arith.constant 40 : i32
    %dma_wait3A_2643 = arith.constant 0 : i32
    %dma_wait3A_2644 = arith.constant 0 : i32
    %dma_wait3A_2645 = tpu.memref_slice %arg6[%dma_wait3A_2641, %dma_wait3A_2643, %dma_wait3A_2644] : memref<12x128x64xf32, #tpu.memory_space<vmem>> -> memref<1x128x64xf32, #tpu.memory_space<vmem>>
    %dma_wait3A_2646 = tpu.memref_squeeze %dma_wait3A_2645 : memref<1x128x64xf32, #tpu.memory_space<vmem>> -> memref<128x64xf32, #tpu.memory_space<vmem>>
    %dma_wait3A_2647 = arith.constant 0 : i32
    %dma_wait3A_2648 = tpu.memref_slice %arg4[%dma_wait3A_2642, %mul3A_2, %dma_wait3A_2647] : memref<50x4096x64xf32, #tpu.memory_space<hbm>> -> memref<1x128x64xf32, #tpu.memory_space<hbm>>
    %dma_wait3A_2649 = tpu.memref_squeeze %dma_wait3A_2648 : memref<1x128x64xf32, #tpu.memory_space<hbm>> -> memref<128x64xf32, #tpu.memory_space<hbm>>
    %dma_wait3A_2650 = arith.constant 0 : i32
    %dma_wait3A_2651 = tpu.memref_slice %arg4[%dma_wait3A_2642, %mul3A_2, %dma_wait3A_2650] : memref<50x4096x64xf32, #tpu.memory_space<hbm>> -> memref<1x128x64xf32, #tpu.memory_space<hbm>>
    %dma_wait3A_2652 = tpu.memref_squeeze %dma_wait3A_2651 : memref<1x128x64xf32, #tpu.memory_space<hbm>> -> memref<128x64xf32, #tpu.memory_space<hbm>>
    %dma_wait3A_2653 = arith.constant 0 : i32
    %dma_wait3A_2654 = arith.constant 0 : i32
    %dma_wait3A_2655 = tpu.memref_slice %arg6[%dma_wait3A_2641, %dma_wait3A_2653, %dma_wait3A_2654] : memref<12x128x64xf32, #tpu.memory_space<vmem>> -> memref<1x128x64xf32, #tpu.memory_space<vmem>>
    %dma_wait3A_2656 = tpu.memref_squeeze %dma_wait3A_2655 : memref<1x128x64xf32, #tpu.memory_space<vmem>> -> memref<128x64xf32, #tpu.memory_space<vmem>>
    tpu.wait_dma2 semaphore(%arg23 : memref<!tpu.dma_semaphore, #tpu.memory_space<semaphore_mem>>) src(%dma_wait3A_2656 : memref<128x64xf32, #tpu.memory_space<vmem>>) dst(%dma_wait3A_2652 : memref<128x64xf32, #tpu.memory_space<hbm>>)
    %dma_wait3A_2657 = arith.constant 5 : i32
    %dma_wait3A_2658 = arith.constant 41 : i32
    %dma_wait3A_2659 = arith.constant 0 : i32
    %dma_wait3A_2660 = arith.constant 0 : i32
    %dma_wait3A_2661 = tpu.memref_slice %arg6[%dma_wait3A_2657, %dma_wait3A_2659, %dma_wait3A_2660] : memref<12x128x64xf32, #tpu.memory_space<vmem>> -> memref<1x128x64xf32, #tpu.memory_space<vmem>>
    %dma_wait3A_2662 = tpu.memref_squeeze %dma_wait3A_2661 : memref<1x128x64xf32, #tpu.memory_space<vmem>> -> memref<128x64xf32, #tpu.memory_space<vmem>>
    %dma_wait3A_2663 = arith.constant 0 : i32
    %dma_wait3A_2664 = tpu.memref_slice %arg4[%dma_wait3A_2658, %mul3A_2, %dma_wait3A_2663] : memref<50x4096x64xf32, #tpu.memory_space<hbm>> -> memref<1x128x64xf32, #tpu.memory_space<hbm>>
    %dma_wait3A_2665 = tpu.memref_squeeze %dma_wait3A_2664 : memref<1x128x64xf32, #tpu.memory_space<hbm>> -> memref<128x64xf32, #tpu.memory_space<hbm>>
    %dma_wait3A_2666 = arith.constant 0 : i32
    %dma_wait3A_2667 = tpu.memref_slice %arg4[%dma_wait3A_2658, %mul3A_2, %dma_wait3A_2666] : memref<50x4096x64xf32, #tpu.memory_space<hbm>> -> memref<1x128x64xf32, #tpu.memory_space<hbm>>
    %dma_wait3A_2668 = tpu.memref_squeeze %dma_wait3A_2667 : memref<1x128x64xf32, #tpu.memory_space<hbm>> -> memref<128x64xf32, #tpu.memory_space<hbm>>
    %dma_wait3A_2669 = arith.constant 0 : i32
    %dma_wait3A_2670 = arith.constant 0 : i32
    %dma_wait3A_2671 = tpu.memref_slice %arg6[%dma_wait3A_2657, %dma_wait3A_2669, %dma_wait3A_2670] : memref<12x128x64xf32, #tpu.memory_space<vmem>> -> memref<1x128x64xf32, #tpu.memory_space<vmem>>
    %dma_wait3A_2672 = tpu.memref_squeeze %dma_wait3A_2671 : memref<1x128x64xf32, #tpu.memory_space<vmem>> -> memref<128x64xf32, #tpu.memory_space<vmem>>
    tpu.wait_dma2 semaphore(%arg24 : memref<!tpu.dma_semaphore, #tpu.memory_space<semaphore_mem>>) src(%dma_wait3A_2672 : memref<128x64xf32, #tpu.memory_space<vmem>>) dst(%dma_wait3A_2668 : memref<128x64xf32, #tpu.memory_space<hbm>>)
    %dma_wait3A_2673 = arith.constant 6 : i32
    %dma_wait3A_2674 = arith.constant 42 : i32
    %dma_wait3A_2675 = arith.constant 0 : i32
    %dma_wait3A_2676 = arith.constant 0 : i32
    %dma_wait3A_2677 = tpu.memref_slice %arg6[%dma_wait3A_2673, %dma_wait3A_2675, %dma_wait3A_2676] : memref<12x128x64xf32, #tpu.memory_space<vmem>> -> memref<1x128x64xf32, #tpu.memory_space<vmem>>
    %dma_wait3A_2678 = tpu.memref_squeeze %dma_wait3A_2677 : memref<1x128x64xf32, #tpu.memory_space<vmem>> -> memref<128x64xf32, #tpu.memory_space<vmem>>
    %dma_wait3A_2679 = arith.constant 0 : i32
    %dma_wait3A_2680 = tpu.memref_slice %arg4[%dma_wait3A_2674, %mul3A_2, %dma_wait3A_2679] : memref<50x4096x64xf32, #tpu.memory_space<hbm>> -> memref<1x128x64xf32, #tpu.memory_space<hbm>>
    %dma_wait3A_2681 = tpu.memref_squeeze %dma_wait3A_2680 : memref<1x128x64xf32, #tpu.memory_space<hbm>> -> memref<128x64xf32, #tpu.memory_space<hbm>>
    %dma_wait3A_2682 = arith.constant 0 : i32
    %dma_wait3A_2683 = tpu.memref_slice %arg4[%dma_wait3A_2674, %mul3A_2, %dma_wait3A_2682] : memref<50x4096x64xf32, #tpu.memory_space<hbm>> -> memref<1x128x64xf32, #tpu.memory_space<hbm>>
    %dma_wait3A_2684 = tpu.memref_squeeze %dma_wait3A_2683 : memref<1x128x64xf32, #tpu.memory_space<hbm>> -> memref<128x64xf32, #tpu.memory_space<hbm>>
    %dma_wait3A_2685 = arith.constant 0 : i32
    %dma_wait3A_2686 = arith.constant 0 : i32
    %dma_wait3A_2687 = tpu.memref_slice %arg6[%dma_wait3A_2673, %dma_wait3A_2685, %dma_wait3A_2686] : memref<12x128x64xf32, #tpu.memory_space<vmem>> -> memref<1x128x64xf32, #tpu.memory_space<vmem>>
    %dma_wait3A_2688 = tpu.memref_squeeze %dma_wait3A_2687 : memref<1x128x64xf32, #tpu.memory_space<vmem>> -> memref<128x64xf32, #tpu.memory_space<vmem>>
    tpu.wait_dma2 semaphore(%arg25 : memref<!tpu.dma_semaphore, #tpu.memory_space<semaphore_mem>>) src(%dma_wait3A_2688 : memref<128x64xf32, #tpu.memory_space<vmem>>) dst(%dma_wait3A_2684 : memref<128x64xf32, #tpu.memory_space<hbm>>)
    %dma_wait3A_2689 = arith.constant 7 : i32
    %dma_wait3A_2690 = arith.constant 43 : i32
    %dma_wait3A_2691 = arith.constant 0 : i32
    %dma_wait3A_2692 = arith.constant 0 : i32
    %dma_wait3A_2693 = tpu.memref_slice %arg6[%dma_wait3A_2689, %dma_wait3A_2691, %dma_wait3A_2692] : memref<12x128x64xf32, #tpu.memory_space<vmem>> -> memref<1x128x64xf32, #tpu.memory_space<vmem>>
    %dma_wait3A_2694 = tpu.memref_squeeze %dma_wait3A_2693 : memref<1x128x64xf32, #tpu.memory_space<vmem>> -> memref<128x64xf32, #tpu.memory_space<vmem>>
    %dma_wait3A_2695 = arith.constant 0 : i32
    %dma_wait3A_2696 = tpu.memref_slice %arg4[%dma_wait3A_2690, %mul3A_2, %dma_wait3A_2695] : memref<50x4096x64xf32, #tpu.memory_space<hbm>> -> memref<1x128x64xf32, #tpu.memory_space<hbm>>
    %dma_wait3A_2697 = tpu.memref_squeeze %dma_wait3A_2696 : memref<1x128x64xf32, #tpu.memory_space<hbm>> -> memref<128x64xf32, #tpu.memory_space<hbm>>
    %dma_wait3A_2698 = arith.constant 0 : i32
    %dma_wait3A_2699 = tpu.memref_slice %arg4[%dma_wait3A_2690, %mul3A_2, %dma_wait3A_2698] : memref<50x4096x64xf32, #tpu.memory_space<hbm>> -> memref<1x128x64xf32, #tpu.memory_space<hbm>>
    %dma_wait3A_2700 = tpu.memref_squeeze %dma_wait3A_2699 : memref<1x128x64xf32, #tpu.memory_space<hbm>> -> memref<128x64xf32, #tpu.memory_space<hbm>>
    %dma_wait3A_2701 = arith.constant 0 : i32
    %dma_wait3A_2702 = arith.constant 0 : i32
    %dma_wait3A_2703 = tpu.memref_slice %arg6[%dma_wait3A_2689, %dma_wait3A_2701, %dma_wait3A_2702] : memref<12x128x64xf32, #tpu.memory_space<vmem>> -> memref<1x128x64xf32, #tpu.memory_space<vmem>>
    %dma_wait3A_2704 = tpu.memref_squeeze %dma_wait3A_2703 : memref<1x128x64xf32, #tpu.memory_space<vmem>> -> memref<128x64xf32, #tpu.memory_space<vmem>>
    tpu.wait_dma2 semaphore(%arg26 : memref<!tpu.dma_semaphore, #tpu.memory_space<semaphore_mem>>) src(%dma_wait3A_2704 : memref<128x64xf32, #tpu.memory_space<vmem>>) dst(%dma_wait3A_2700 : memref<128x64xf32, #tpu.memory_space<hbm>>)
    %dma_wait3A_2705 = arith.constant 8 : i32
    %dma_wait3A_2706 = arith.constant 44 : i32
    %dma_wait3A_2707 = arith.constant 0 : i32
    %dma_wait3A_2708 = arith.constant 0 : i32
    %dma_wait3A_2709 = tpu.memref_slice %arg6[%dma_wait3A_2705, %dma_wait3A_2707, %dma_wait3A_2708] : memref<12x128x64xf32, #tpu.memory_space<vmem>> -> memref<1x128x64xf32, #tpu.memory_space<vmem>>
    %dma_wait3A_2710 = tpu.memref_squeeze %dma_wait3A_2709 : memref<1x128x64xf32, #tpu.memory_space<vmem>> -> memref<128x64xf32, #tpu.memory_space<vmem>>
    %dma_wait3A_2711 = arith.constant 0 : i32
    %dma_wait3A_2712 = tpu.memref_slice %arg4[%dma_wait3A_2706, %mul3A_2, %dma_wait3A_2711] : memref<50x4096x64xf32, #tpu.memory_space<hbm>> -> memref<1x128x64xf32, #tpu.memory_space<hbm>>
    %dma_wait3A_2713 = tpu.memref_squeeze %dma_wait3A_2712 : memref<1x128x64xf32, #tpu.memory_space<hbm>> -> memref<128x64xf32, #tpu.memory_space<hbm>>
    %dma_wait3A_2714 = arith.constant 0 : i32
    %dma_wait3A_2715 = tpu.memref_slice %arg4[%dma_wait3A_2706, %mul3A_2, %dma_wait3A_2714] : memref<50x4096x64xf32, #tpu.memory_space<hbm>> -> memref<1x128x64xf32, #tpu.memory_space<hbm>>
    %dma_wait3A_2716 = tpu.memref_squeeze %dma_wait3A_2715 : memref<1x128x64xf32, #tpu.memory_space<hbm>> -> memref<128x64xf32, #tpu.memory_space<hbm>>
    %dma_wait3A_2717 = arith.constant 0 : i32
    %dma_wait3A_2718 = arith.constant 0 : i32
    %dma_wait3A_2719 = tpu.memref_slice %arg6[%dma_wait3A_2705, %dma_wait3A_2717, %dma_wait3A_2718] : memref<12x128x64xf32, #tpu.memory_space<vmem>> -> memref<1x128x64xf32, #tpu.memory_space<vmem>>
    %dma_wait3A_2720 = tpu.memref_squeeze %dma_wait3A_2719 : memref<1x128x64xf32, #tpu.memory_space<vmem>> -> memref<128x64xf32, #tpu.memory_space<vmem>>
    tpu.wait_dma2 semaphore(%arg27 : memref<!tpu.dma_semaphore, #tpu.memory_space<semaphore_mem>>) src(%dma_wait3A_2720 : memref<128x64xf32, #tpu.memory_space<vmem>>) dst(%dma_wait3A_2716 : memref<128x64xf32, #tpu.memory_space<hbm>>)
    %dma_wait3A_2721 = arith.constant 9 : i32
    %dma_wait3A_2722 = arith.constant 45 : i32
    %dma_wait3A_2723 = arith.constant 0 : i32
    %dma_wait3A_2724 = arith.constant 0 : i32
    %dma_wait3A_2725 = tpu.memref_slice %arg6[%dma_wait3A_2721, %dma_wait3A_2723, %dma_wait3A_2724] : memref<12x128x64xf32, #tpu.memory_space<vmem>> -> memref<1x128x64xf32, #tpu.memory_space<vmem>>
    %dma_wait3A_2726 = tpu.memref_squeeze %dma_wait3A_2725 : memref<1x128x64xf32, #tpu.memory_space<vmem>> -> memref<128x64xf32, #tpu.memory_space<vmem>>
    %dma_wait3A_2727 = arith.constant 0 : i32
    %dma_wait3A_2728 = tpu.memref_slice %arg4[%dma_wait3A_2722, %mul3A_2, %dma_wait3A_2727] : memref<50x4096x64xf32, #tpu.memory_space<hbm>> -> memref<1x128x64xf32, #tpu.memory_space<hbm>>
    %dma_wait3A_2729 = tpu.memref_squeeze %dma_wait3A_2728 : memref<1x128x64xf32, #tpu.memory_space<hbm>> -> memref<128x64xf32, #tpu.memory_space<hbm>>
    %dma_wait3A_2730 = arith.constant 0 : i32
    %dma_wait3A_2731 = tpu.memref_slice %arg4[%dma_wait3A_2722, %mul3A_2, %dma_wait3A_2730] : memref<50x4096x64xf32, #tpu.memory_space<hbm>> -> memref<1x128x64xf32, #tpu.memory_space<hbm>>
    %dma_wait3A_2732 = tpu.memref_squeeze %dma_wait3A_2731 : memref<1x128x64xf32, #tpu.memory_space<hbm>> -> memref<128x64xf32, #tpu.memory_space<hbm>>
    %dma_wait3A_2733 = arith.constant 0 : i32
    %dma_wait3A_2734 = arith.constant 0 : i32
    %dma_wait3A_2735 = tpu.memref_slice %arg6[%dma_wait3A_2721, %dma_wait3A_2733, %dma_wait3A_2734] : memref<12x128x64xf32, #tpu.memory_space<vmem>> -> memref<1x128x64xf32, #tpu.memory_space<vmem>>
    %dma_wait3A_2736 = tpu.memref_squeeze %dma_wait3A_2735 : memref<1x128x64xf32, #tpu.memory_space<vmem>> -> memref<128x64xf32, #tpu.memory_space<vmem>>
    tpu.wait_dma2 semaphore(%arg28 : memref<!tpu.dma_semaphore, #tpu.memory_space<semaphore_mem>>) src(%dma_wait3A_2736 : memref<128x64xf32, #tpu.memory_space<vmem>>) dst(%dma_wait3A_2732 : memref<128x64xf32, #tpu.memory_space<hbm>>)
    %dma_wait3A_2737 = arith.constant 10 : i32
    %dma_wait3A_2738 = arith.constant 46 : i32
    %dma_wait3A_2739 = arith.constant 0 : i32
    %dma_wait3A_2740 = arith.constant 0 : i32
    %dma_wait3A_2741 = tpu.memref_slice %arg6[%dma_wait3A_2737, %dma_wait3A_2739, %dma_wait3A_2740] : memref<12x128x64xf32, #tpu.memory_space<vmem>> -> memref<1x128x64xf32, #tpu.memory_space<vmem>>
    %dma_wait3A_2742 = tpu.memref_squeeze %dma_wait3A_2741 : memref<1x128x64xf32, #tpu.memory_space<vmem>> -> memref<128x64xf32, #tpu.memory_space<vmem>>
    %dma_wait3A_2743 = arith.constant 0 : i32
    %dma_wait3A_2744 = tpu.memref_slice %arg4[%dma_wait3A_2738, %mul3A_2, %dma_wait3A_2743] : memref<50x4096x64xf32, #tpu.memory_space<hbm>> -> memref<1x128x64xf32, #tpu.memory_space<hbm>>
    %dma_wait3A_2745 = tpu.memref_squeeze %dma_wait3A_2744 : memref<1x128x64xf32, #tpu.memory_space<hbm>> -> memref<128x64xf32, #tpu.memory_space<hbm>>
    %dma_wait3A_2746 = arith.constant 0 : i32
    %dma_wait3A_2747 = tpu.memref_slice %arg4[%dma_wait3A_2738, %mul3A_2, %dma_wait3A_2746] : memref<50x4096x64xf32, #tpu.memory_space<hbm>> -> memref<1x128x64xf32, #tpu.memory_space<hbm>>
    %dma_wait3A_2748 = tpu.memref_squeeze %dma_wait3A_2747 : memref<1x128x64xf32, #tpu.memory_space<hbm>> -> memref<128x64xf32, #tpu.memory_space<hbm>>
    %dma_wait3A_2749 = arith.constant 0 : i32
    %dma_wait3A_2750 = arith.constant 0 : i32
    %dma_wait3A_2751 = tpu.memref_slice %arg6[%dma_wait3A_2737, %dma_wait3A_2749, %dma_wait3A_2750] : memref<12x128x64xf32, #tpu.memory_space<vmem>> -> memref<1x128x64xf32, #tpu.memory_space<vmem>>
    %dma_wait3A_2752 = tpu.memref_squeeze %dma_wait3A_2751 : memref<1x128x64xf32, #tpu.memory_space<vmem>> -> memref<128x64xf32, #tpu.memory_space<vmem>>
    tpu.wait_dma2 semaphore(%arg29 : memref<!tpu.dma_semaphore, #tpu.memory_space<semaphore_mem>>) src(%dma_wait3A_2752 : memref<128x64xf32, #tpu.memory_space<vmem>>) dst(%dma_wait3A_2748 : memref<128x64xf32, #tpu.memory_space<hbm>>)
    %dma_wait3A_2753 = arith.constant 11 : i32
    %dma_wait3A_2754 = arith.constant 47 : i32
    %dma_wait3A_2755 = arith.constant 0 : i32
    %dma_wait3A_2756 = arith.constant 0 : i32
    %dma_wait3A_2757 = tpu.memref_slice %arg6[%dma_wait3A_2753, %dma_wait3A_2755, %dma_wait3A_2756] : memref<12x128x64xf32, #tpu.memory_space<vmem>> -> memref<1x128x64xf32, #tpu.memory_space<vmem>>
    %dma_wait3A_2758 = tpu.memref_squeeze %dma_wait3A_2757 : memref<1x128x64xf32, #tpu.memory_space<vmem>> -> memref<128x64xf32, #tpu.memory_space<vmem>>
    %dma_wait3A_2759 = arith.constant 0 : i32
    %dma_wait3A_2760 = tpu.memref_slice %arg4[%dma_wait3A_2754, %mul3A_2, %dma_wait3A_2759] : memref<50x4096x64xf32, #tpu.memory_space<hbm>> -> memref<1x128x64xf32, #tpu.memory_space<hbm>>
    %dma_wait3A_2761 = tpu.memref_squeeze %dma_wait3A_2760 : memref<1x128x64xf32, #tpu.memory_space<hbm>> -> memref<128x64xf32, #tpu.memory_space<hbm>>
    %dma_wait3A_2762 = arith.constant 0 : i32
    %dma_wait3A_2763 = tpu.memref_slice %arg4[%dma_wait3A_2754, %mul3A_2, %dma_wait3A_2762] : memref<50x4096x64xf32, #tpu.memory_space<hbm>> -> memref<1x128x64xf32, #tpu.memory_space<hbm>>
    %dma_wait3A_2764 = tpu.memref_squeeze %dma_wait3A_2763 : memref<1x128x64xf32, #tpu.memory_space<hbm>> -> memref<128x64xf32, #tpu.memory_space<hbm>>
    %dma_wait3A_2765 = arith.constant 0 : i32
    %dma_wait3A_2766 = arith.constant 0 : i32
    %dma_wait3A_2767 = tpu.memref_slice %arg6[%dma_wait3A_2753, %dma_wait3A_2765, %dma_wait3A_2766] : memref<12x128x64xf32, #tpu.memory_space<vmem>> -> memref<1x128x64xf32, #tpu.memory_space<vmem>>
    %dma_wait3A_2768 = tpu.memref_squeeze %dma_wait3A_2767 : memref<1x128x64xf32, #tpu.memory_space<vmem>> -> memref<128x64xf32, #tpu.memory_space<vmem>>
    tpu.wait_dma2 semaphore(%arg30 : memref<!tpu.dma_semaphore, #tpu.memory_space<semaphore_mem>>) src(%dma_wait3A_2768 : memref<128x64xf32, #tpu.memory_space<vmem>>) dst(%dma_wait3A_2764 : memref<128x64xf32, #tpu.memory_space<hbm>>)
    %dma_wait3A_2769 = arith.constant 0 : i32
    %dma_wait3A_2770 = arith.constant 48 : i32
    %dma_wait3A_2771 = arith.constant 0 : i32
    %dma_wait3A_2772 = arith.constant 0 : i32
    %dma_wait3A_2773 = tpu.memref_slice %arg6[%dma_wait3A_2769, %dma_wait3A_2771, %dma_wait3A_2772] : memref<12x128x64xf32, #tpu.memory_space<vmem>> -> memref<1x128x64xf32, #tpu.memory_space<vmem>>
    %dma_wait3A_2774 = tpu.memref_squeeze %dma_wait3A_2773 : memref<1x128x64xf32, #tpu.memory_space<vmem>> -> memref<128x64xf32, #tpu.memory_space<vmem>>
    %dma_wait3A_2775 = arith.constant 0 : i32
    %dma_wait3A_2776 = tpu.memref_slice %arg4[%dma_wait3A_2770, %mul3A_2, %dma_wait3A_2775] : memref<50x4096x64xf32, #tpu.memory_space<hbm>> -> memref<1x128x64xf32, #tpu.memory_space<hbm>>
    %dma_wait3A_2777 = tpu.memref_squeeze %dma_wait3A_2776 : memref<1x128x64xf32, #tpu.memory_space<hbm>> -> memref<128x64xf32, #tpu.memory_space<hbm>>
    %dma_wait3A_2778 = arith.constant 0 : i32
    %dma_wait3A_2779 = tpu.memref_slice %arg4[%dma_wait3A_2770, %mul3A_2, %dma_wait3A_2778] : memref<50x4096x64xf32, #tpu.memory_space<hbm>> -> memref<1x128x64xf32, #tpu.memory_space<hbm>>
    %dma_wait3A_2780 = tpu.memref_squeeze %dma_wait3A_2779 : memref<1x128x64xf32, #tpu.memory_space<hbm>> -> memref<128x64xf32, #tpu.memory_space<hbm>>
    %dma_wait3A_2781 = arith.constant 0 : i32
    %dma_wait3A_2782 = arith.constant 0 : i32
    %dma_wait3A_2783 = tpu.memref_slice %arg6[%dma_wait3A_2769, %dma_wait3A_2781, %dma_wait3A_2782] : memref<12x128x64xf32, #tpu.memory_space<vmem>> -> memref<1x128x64xf32, #tpu.memory_space<vmem>>
    %dma_wait3A_2784 = tpu.memref_squeeze %dma_wait3A_2783 : memref<1x128x64xf32, #tpu.memory_space<vmem>> -> memref<128x64xf32, #tpu.memory_space<vmem>>
    tpu.wait_dma2 semaphore(%arg19 : memref<!tpu.dma_semaphore, #tpu.memory_space<semaphore_mem>>) src(%dma_wait3A_2784 : memref<128x64xf32, #tpu.memory_space<vmem>>) dst(%dma_wait3A_2780 : memref<128x64xf32, #tpu.memory_space<hbm>>)
    %dma_wait3A_2785 = arith.constant 1 : i32
    %dma_wait3A_2786 = arith.constant 49 : i32
    %dma_wait3A_2787 = arith.constant 0 : i32
    %dma_wait3A_2788 = arith.constant 0 : i32
    %dma_wait3A_2789 = tpu.memref_slice %arg6[%dma_wait3A_2785, %dma_wait3A_2787, %dma_wait3A_2788] : memref<12x128x64xf32, #tpu.memory_space<vmem>> -> memref<1x128x64xf32, #tpu.memory_space<vmem>>
    %dma_wait3A_2790 = tpu.memref_squeeze %dma_wait3A_2789 : memref<1x128x64xf32, #tpu.memory_space<vmem>> -> memref<128x64xf32, #tpu.memory_space<vmem>>
    %dma_wait3A_2791 = arith.constant 0 : i32
    %dma_wait3A_2792 = tpu.memref_slice %arg4[%dma_wait3A_2786, %mul3A_2, %dma_wait3A_2791] : memref<50x4096x64xf32, #tpu.memory_space<hbm>> -> memref<1x128x64xf32, #tpu.memory_space<hbm>>
    %dma_wait3A_2793 = tpu.memref_squeeze %dma_wait3A_2792 : memref<1x128x64xf32, #tpu.memory_space<hbm>> -> memref<128x64xf32, #tpu.memory_space<hbm>>
    %dma_wait3A_2794 = arith.constant 0 : i32
    %dma_wait3A_2795 = tpu.memref_slice %arg4[%dma_wait3A_2786, %mul3A_2, %dma_wait3A_2794] : memref<50x4096x64xf32, #tpu.memory_space<hbm>> -> memref<1x128x64xf32, #tpu.memory_space<hbm>>
    %dma_wait3A_2796 = tpu.memref_squeeze %dma_wait3A_2795 : memref<1x128x64xf32, #tpu.memory_space<hbm>> -> memref<128x64xf32, #tpu.memory_space<hbm>>
    %dma_wait3A_2797 = arith.constant 0 : i32
    %dma_wait3A_2798 = arith.constant 0 : i32
    %dma_wait3A_2799 = tpu.memref_slice %arg6[%dma_wait3A_2785, %dma_wait3A_2797, %dma_wait3A_2798] : memref<12x128x64xf32, #tpu.memory_space<vmem>> -> memref<1x128x64xf32, #tpu.memory_space<vmem>>
    %dma_wait3A_2800 = tpu.memref_squeeze %dma_wait3A_2799 : memref<1x128x64xf32, #tpu.memory_space<vmem>> -> memref<128x64xf32, #tpu.memory_space<vmem>>
    tpu.wait_dma2 semaphore(%arg20 : memref<!tpu.dma_semaphore, #tpu.memory_space<semaphore_mem>>) src(%dma_wait3A_2800 : memref<128x64xf32, #tpu.memory_space<vmem>>) dst(%dma_wait3A_2796 : memref<128x64xf32, #tpu.memory_space<hbm>>)
    return
  }
}

</mosaic_0001>

<sc_bundles>
// kernel: _emb_lookup_t.3.cloned.1.call-start
scs
__scs_entry_jumppad:
0x0: {  	(pc) =	sbr.rel $0x88, $3  }
0x1: {  	(tag) =	ssettag $0x0;
	lr =	simm.s32 $0x1  }
0x2: {  	[smem:$0x3F9F] =	sst lr;
	_ =	strace $0xD0000000  }
0x3: {  	_ = 	snop  }
0x4: {  	_ = 	snop  }
0x5: {  	_ = 	snop  }
0x6: {  	_ = 	snop  }
0x7: {  	_ = 	snop  }
__scs_overlays_trampoline_lowered:
0x8: {  	[smem:$0x3FAE] =	sst s0  }
0x9: {  	[smem:$0x3FAF] =	sst s1  }
0xa: {  	[smem:$0x3FB0] =	sst s2  }
0xb: {  	[smem:$0x3FB1] =	sst s3  }
0xc: {  	[smem:$0x3FB2] =	sst s4  }
0xd: {  	[smem:$0x3FB3] =	sst s5  }
0xe: {  	[smem:$0x3FB4] =	sst s6  }
0xf: {  	[smem:$0x3FB5] =	sst s7  }
0x10: {  	[smem:$0x3FB6] =	sst s8  }
0x11: {  	[smem:$0x3FB7] =	sst s9;
	s0 =	simm.s32 @!p0 $0x0  }
0x12: {  	s1 =	sld [smem:$0x3F9D];
	s0 =	simm.s32 @p0 $0x1  }
0x13: {  	[smem:$0x3FB8] =	sst s0;
	s0 =	simm.s32 @!p1 $0x0  }
0x14: {  	s2 =	sld [smem:$0x3F9C];
	s0 =	simm.s32 @p1 $0x1  }
0x15: {  	[smem:$0x3FB9] =	sst s0;
	s0 =	simm.s32 @!p2 $0x0  }
0x16: {  	s3 =	sld [smem:$0x3FDB];
	s0 =	simm.s32 @p2 $0x1  }
0x17: {  	s4 =	simm.s32 $0x1BF5;
	[smem:$0x3FBB] =	sst s0  }
0x18: {  	s0 =	sld [smem:$0x3F9E];
	_ =	swait.ge [sflag:s4], $0x0  }
0x19: {  	s7 =	sld [smem:$0x3F9F]  }
0x1a: {  	s8 =	sadd.s32 $0xFFFFE003, lr  }
0x1b: {  	s9 =	sadd.s32 $0xFFFFFEF7, lr;
	s5 =	simm.s32 $0xFFFFFFFF;
	p2 =	slt.u32 s8, $0xFFFFF086  }
0x1c: {  	p1 =	slt.u32 s9, $0xF7A;
	s5 =	simm.s32 @!p2 $0x0  }
0x1d: {  	s5 =	simm.s32 @p1 $0x1;
	p0 =	seq.s32 s7, s2  }
0x1e: {  	s7 =	smul.u32 @!p0 $0xF7A, s2;
	p2 =	seq.s32 @!p0 s5, $0x0  }
0x1f: {  	s9 =	smul.u32 $0xF7A, s1;
	s8 =	simm.s32 @!p0 $0x1BF5;
	p2 =	por !p2, p0  }
0x20: {  	[sflag:s8] =	ssyncset.s32 @!p0 $0xFFFFF086;
	s6 =	sadd.s32 @!p0 s3, s7;
	s7 =	simm.s32 @!p0 $0x108  }
0x21: {  	s3 =	sadd.s32 s3, s9;
	s6 =	sadd.s32 @!p0 $0x88, s6;
	s7 =	simm.s32 @p2 $0x1082  }
0x22: {  	[simem:s7], [sflag:s8] =	dma.local @!p0 [hbm:s6], $0xF7A  }
0x23: {  	s9 =	sor.u32 $0xD0000000, s2;
	s6 =	simm.s32 $0x108;
	_ =	swait.ge @!p0 [sflag:s8], $0x0  }
0x24: {  	s3 =	sadd.s32 $0x88, s3;
	s6 =	simm.s32 @!p1 $0x1082;
	[sflag:s4] =	ssyncset.s32 $0xFFFFF086  }
0x25: {  	[simem:s6], [sflag:s4] =	dma.local [hbm:s3], $0xF7A  }
0x26: {  	[smem:$0x3F9F] =	sst s1;
	(tag) =	ssettag s2;
	_ =	strace s9  }
0x27: {  	s1 =	sld [smem:$0x3FAF]  }
0x28: {  	s2 =	sld [smem:$0x3FB0]  }
0x29: {  	s4 =	sld [smem:$0x3FB2]  }
0x2a: {  	p0 =	seq.s32 s5, $0x0;
	s5 =	sld [smem:$0x3FB3]  }
0x2b: {  	s6 =	sld [smem:$0x3FB4]  }
0x2c: {  	s7 =	sld [smem:$0x3FB5]  }
0x2d: {  	s3 =	simm.s32 $0x108;
	s8 =	sld [smem:$0x3FB6]  }
0x2e: {  	s3 =	simm.s32 @!p0 $0x1082;
	s9 =	sld [smem:$0x3FB7]  }
0x2f: {  	lr =	sadd.s32 s0, s3;
	s0 =	sld [smem:$0x3FAE]  }
0x30: {  	s3 =	sld [smem:$0x3FB1]  }
0x31: {  	[smem:$0x3FBA] =	sst s10  }
0x32: {  	s10 =	sld [smem:$0x3FB8];
	_ =	sdelay $0x3  }
0x33: {  	p0 =	seq.s32 s10, $0x1;
	s10 =	sld [smem:$0x3FBA];
	_ =	sdelay $0x3  }
0x34: {  	[smem:$0x3FBA] =	sst s10  }
0x35: {  	s10 =	sld [smem:$0x3FB9];
	_ =	sdelay $0x3  }
0x36: {  	p1 =	seq.s32 s10, $0x1;
	s10 =	sld [smem:$0x3FBA];
	_ =	sdelay $0x3  }
0x37: {  	[smem:$0x3FBA] =	sst s10  }
0x38: {  	s10 =	sld [smem:$0x3FBB]  }
0x39: {  	_ = 	snop;
	(pc) =	sbr.ind lr, $3  }
0x3a: {  	_ = 	snop  }
0x3b: {  	_ = 	snop  }
0x3c: {  	p2 =	seq.s32 s10, $0x1;
	s10 =	sld [smem:$0x3FBA]  }
0x3d: {  	_ =	shalt  }
0x3e: {  	_ =	shalt  }
0x3f: {  	_ =	shalt  }
0x40: {  	_ =	shalt  }
0x41: {  	_ =	shalt  }
0x42: {  	_ =	shalt  }
0x43: {  	_ =	shalt  }
0x44: {  	_ =	shalt  }
0x45: {  	_ =	shalt  }
0x46: {  	_ =	shalt  }
0x47: {  	_ =	shalt  }
0x48: {  	_ =	shalt  }
0x49: {  	_ =	shalt  }
0x4a: {  	_ =	shalt  }
0x4b: {  	_ =	shalt  }
0x4c: {  	_ =	shalt  }
0x4d: {  	_ =	shalt  }
0x4e: {  	_ =	shalt  }
0x4f: {  	_ =	shalt  }
0x50: {  	_ =	shalt  }
0x51: {  	_ =	shalt  }
0x52: {  	_ =	shalt  }
0x53: {  	_ =	shalt  }
0x54: {  	_ =	shalt  }
0x55: {  	_ =	shalt  }
0x56: {  	_ =	shalt  }
0x57: {  	_ =	shalt  }
0x58: {  	_ =	shalt  }
0x59: {  	_ =	shalt  }
0x5a: {  	_ =	shalt  }
0x5b: {  	_ =	shalt  }
0x5c: {  	_ =	shalt  }
0x5d: {  	_ =	shalt  }
0x5e: {  	_ =	shalt  }
0x5f: {  	_ =	shalt  }
0x60: {  	_ =	shalt  }
0x61: {  	_ =	shalt  }
0x62: {  	_ =	shalt  }
0x63: {  	_ =	shalt  }
0x64: {  	_ =	shalt  }
0x65: {  	_ =	shalt  }
0x66: {  	_ =	shalt  }
0x67: {  	_ =	shalt  }
0x68: {  	_ =	shalt  }
0x69: {  	_ =	shalt  }
0x6a: {  	_ =	shalt  }
0x6b: {  	_ =	shalt  }
0x6c: {  	_ =	shalt  }
0x6d: {  	_ =	shalt  }
0x6e: {  	_ =	shalt  }
0x6f: {  	_ =	shalt  }
0x70: {  	_ =	shalt  }
0x71: {  	_ =	shalt  }
0x72: {  	_ =	shalt  }
0x73: {  	_ =	shalt  }
0x74: {  	_ =	shalt  }
0x75: {  	_ =	shalt  }
0x76: {  	_ =	shalt  }
0x77: {  	_ =	shalt  }
0x78: {  	_ =	shalt  }
0x79: {  	_ =	shalt  }
0x7a: {  	_ =	shalt  }
0x7b: {  	_ =	shalt  }
0x7c: {  	_ =	shalt  }
0x7d: {  	_ =	shalt  }
0x7e: {  	_ =	shalt  }
0x7f: {  	_ =	shalt  }
0x80: {  	_ =	shalt  }
0x81: {  	_ =	shalt  }
0x82: {  	_ =	shalt  }
0x83: {  	_ =	shalt  }
0x84: {  	_ =	shalt  }
0x85: {  	_ =	shalt  }
0x86: {  	_ =	shalt  }
0x87: {  	_ =	shalt  }
.Lfunc_end0:
.L_simem_size_0:
called_computation.1_lowered:
.L_overlay_start_0:
0x88: {  	s2 =	sld [smem:$0x3FD9]  }
0x89: {  	s3 =	sld [smem:$0x3FFE];
	_ =	sdelay $0x1  }
0x8a: {  	s1 =	srdreg.scid  }
0x8b: {  	s0 =	sand.u32 $0x1, s1  }
0x8c: {  	s17 =	sshll.u32 s0, $0xA;
	s2 =	sadd.s32 s3, s2  }
0x8d: {  	s2 =	sadd.s32 s2, s17  }
0x8e: {  	[smem:$0x3FC6] =	sst s2  }
0x8f: {  	_ = 	snop  }
0x90: {  	s2 =	sld [smem:$0x3FD0];
	(tm) =	ssettm $0x1  }
0x91: {  	s18 =	sld [smem:$0x3FFB];
	_ =	sdelay $0x3  }
0x92: {  	_ =	strace s18  }
0x93: {  	s3 =	sld [smem:$0x3FFC];
	_ =	sdelay $0x3  }
0x94: {  	_ =	strace s3  }
0x95: {  	s3 =	sld [smem:$0x3FFD];
	_ =	sdelay $0x3  }
0x96: {  	_ =	strace s3  }
0x97: {  	_ =	strace $0x8FFFFFFF  }
0x98: {  	s19 =	sld [smem:$0x3FDB];
	_ =	sdelay $0x1  }
0x99: {  	s4 =	simm.s32 $_scs_section_size  }
0x9a: {  	s5 =	simm.s32 $_size__tile_overlayer_lowered;
	s6 =	simm.s32 $_tile_overlayer_lowered  }
0x9b: {  	s22 =	simm.s32 $0x1BFF;
	s21 =	sshll.u32 s6, $0x1;
	s3 =	sadd.s32 s4, s19  }
0x9c: {  	s7 =	simm.s32 $0x0;
	s20 =	sshll.u32 s5, $0x1;
	s5 =	sadd.s32 s21, s3  }
0x9d: {  	[timem:s7], [sflag:s22] =	dma.local [hbm:s5], s20  }
0x9e: {  	_ =	swait.ge [sflag:s22], s20  }
0x9f: {  	s4 =	ssub.s32 $0x0, s20;
	[sflag:s22] =	ssyncset.done $0x0  }
0xa0: {  	[sflag:s22] =	ssyncadd.s32 s4;
	_ =	sdelay $0x1  }
0xa1: {  	s23 =	simm.s32 $0x1B8B  }
0xa2: {  	_ =	swait.ge [sflag:s23], $0x1  }
0xa3: {  	[sflag:s23] =	ssyncset.done $0x0  }
0xa4: {  	s25 =	simm.s32 $0x1B8E;
	s24 =	sld [smem:$0x3FFE];
	[sflag:s23] =	ssyncadd.s32 $0xFFFFFFFF  }
0xa5: {  	s26 =	simm.s32 $execute0_lowered;
	[smem:$0x3FD2] =	sst s25  }
0xa6: {  	s5 =	sshll.u32 s26, $0x1;
	_ =	strace $0x80000046;
	[dreg:$0x1] =	wrdreg $0xFFFFFFFF  }
0xa7: {  	s28 =	simm.s32 $_size_execute0_lowered;
	s3 =	sadd.s32 s3, s5;
	[dreg:$0x0] =	wrdreg $0x0  }
0xa8: {  	s5 =	sshll.u32 s28, $0x1;
	[dreg:$0x2] =	wrdreg s3  }
0xa9: {  	[dreg:$0x3] =	wrdreg s5  }
0xaa: {  	[dreg:$0x4] =	wrdreg $0xC0  }
0xab: {  	_ =	task [dreg:s7], $0x5FFFF  }
0xac: {  	[dreg:$0x1] =	wrdreg $0xFFFFFFFF  }
0xad: {  	[dreg:$0x0] =	wrdreg $0x60  }
0xae: {  	[dreg:$0x2] =	wrdreg s24  }
0xaf: {  	[dreg:$0x3] =	wrdreg s2  }
0xb0: {  	[dreg:$0x4] =	wrdreg $0x9  }
0xb1: {  	_ =	task.clear_ibuf [dreg:s7], $0x5FFFF;
	_ =	strace $0x90000046  }
0xb2: {  	s29 =	simm.s32 $0x9;
	_ =	strace $0x80000048  }
0xb3: {  	_ =	swait.ge [sflag:s29], $0x1  }
0xb4: {  	[sflag:s29] =	ssyncadd.s32 $0xFFFFFFFF  }
0xb5: {  	_ =	strace $0x90000048  }
0xb6: {  	_ =	sfence  }
0xb7: {  	s30 =	sld [smem:$0x0];
	_ =	sdelay $0x2  }
0xb8: {  	s31 =	sshll.u32 s1, $0xD;
	s1 =	sshrl.u32 s1, $0x2  }
0xb9: {  	s3 =	sand.u32 $0x4000, s31;
	s1 =	sadd.s32 s1, s30  }
0xba: {  	s0 =	sor.u32 s3, s0;
	s1 =	sshll.u32 s1, $0x11  }
0xbb: {  	s0 =	sor.u32 s1, s0  }
0xbc: {  	s0 =	sadd.s32 $0x8F2B, s0  }
0xbd: {  	[sflag:s0] =	ssyncadd.remote.s32 $0x1  }
0xbe: {  	_ =	sfence.sel $0xFFFF  }
0xbf: {  	[dreg:$0x0] =	wrdreg $0xFFFFFFFF;
	(pc) =	sbr.abs _section_cstart, $3  }
0xc0: {  	[dreg:$0x1] =	wrdreg $0xFFFFFFFF  }
0xc1: {  	_ =	task.clear_ibuf [dreg:s7], $0x2FFFF;
	_ =	strace $0x9FFFFFFF  }
0xc2: {  	(tm) =	ssettm $0x7FFFFFFF  }
0xc3: {  	_ =	shalt  }
tec
execute0_lowered:
.L_overlay_start_1:
0x0: {  	(tag) =	ssettag $0x1  }
0x1: {  	s0 =	srdreg.scid  }
0x2: {  	s2 =	stileid.u32;
	s0 =	sand.u32 $0x1, s0  }
0x3: {  	s1 =	rddreg [dreg:$0x0];
	s2 =	sshll.u32 s2, $0x8;
	s3 =	sshll.u32 s0, $0x7  }
0x4: {  	s4 =	rddreg [dreg:$0x1];
	s3 =	sor.u32 s3, s2  }
0x5: {  	s2 =	simm.s32 $0x0;
	s5 =	sshrl.u32 s3, $0x3;
	s3 =	sshll.u32 s3, $0x3  }
0x6: {  	[smem:$0x7FF] =	sst s2;
	s5 =	sadd.s32 s5, s1;
	s4 =	sadd.s32 s4, s3  }
0x7: {  	_ =	strace $0x80000047;
	s5 =	sadd.s32 $0x800, s5;
	[smem:$0x7CC] =	sst s4  }
0x8: {  	s3 =	sadd.s32 $0x8000, s4;
	[dreg:$0x3] =	wrdreg s5  }
0x9: {  	s8 =	sadd.s32 $0x10000, s4;
	[dreg:$0x4] =	wrdreg s3  }
0xa: {  	s9 =	sadd.s32 $0x18000, s4;
	[dreg:$0x5] =	wrdreg s8  }
0xb: {  	s10 =	sadd.s32 $0x20000, s4;
	[dreg:$0x6] =	wrdreg s9  }
0xc: {  	s11 =	sadd.s32 $0x28000, s4;
	[dreg:$0x7] =	wrdreg s10  }
0xd: {  	s12 =	sadd.s32 $0x30000, s4;
	[dreg:$0x8] =	wrdreg s11  }
0xe: {  	s13 =	sadd.s32 $0x38000, s4;
	[dreg:$0x9] =	wrdreg s12  }
0xf: {  	s14 =	sadd.s32 $0x40000, s4;
	[dreg:$0xa] =	wrdreg s13  }
0x10: {  	s15 =	sadd.s32 $0x48000, s4;
	[dreg:$0xb] =	wrdreg s14  }
0x11: {  	s16 =	sadd.s32 $0x50000, s4;
	[dreg:$0xc] =	wrdreg s15  }
0x12: {  	s17 =	sadd.s32 $0x58000, s4;
	[dreg:$0xd] =	wrdreg s16  }
0x13: {  	s18 =	sadd.s32 $0x60000, s4;
	[dreg:$0xe] =	wrdreg s17  }
0x14: {  	s19 =	sadd.s32 $0x68000, s4;
	[dreg:$0xf] =	wrdreg s18  }
0x15: {  	s20 =	sadd.s32 $0x70000, s4;
	[dreg:$0x10] =	wrdreg s19  }
0x16: {  	s21 =	sadd.s32 $0x78000, s4;
	[dreg:$0x11] =	wrdreg s20  }
0x17: {  	s22 =	sadd.s32 $0x80000, s4;
	[dreg:$0x12] =	wrdreg s21  }
0x18: {  	s23 =	sadd.s32 $0x88000, s4;
	[dreg:$0x13] =	wrdreg s22  }
0x19: {  	s24 =	sadd.s32 $0x90000, s4;
	[dreg:$0x14] =	wrdreg s23  }
0x1a: {  	s25 =	sadd.s32 $0x98000, s4;
	[dreg:$0x15] =	wrdreg s24  }
0x1b: {  	s26 =	sadd.s32 $0xA0000, s4;
	[dreg:$0x16] =	wrdreg s25  }
0x1c: {  	s28 =	sadd.s32 $0xA8000, s4;
	[dreg:$0x17] =	wrdreg s26  }
0x1d: {  	s30 =	sadd.s32 $0xB0000, s4;
	[dreg:$0x18] =	wrdreg s28  }
0x1e: {  	s31 =	sadd.s32 $0xB8000, s4;
	[dreg:$0x19] =	wrdreg s30  }
0x1f: {  	s6 =	sadd.s32 $0xC8000, s4;
	[dreg:$0x1a] =	wrdreg s31  }
0x20: {  	s7 =	sadd.s32 $0xD0000, s4;
	[dreg:$0x1c] =	wrdreg s6  }
0x21: {  	s5 =	sadd.s32 $0xC0000, s4;
	[dreg:$0x1d] =	wrdreg s7  }
0x22: {  	s8 =	sadd.s32 $0xD8000, s4;
	[dreg:$0x1b] =	wrdreg s5  }
0x23: {  	s9 =	sadd.s32 $0xE0000, s4;
	[dreg:$0x1e] =	wrdreg s8  }
0x24: {  	s10 =	sadd.s32 $0xE8000, s4;
	[dreg:$0x1f] =	wrdreg s9  }
0x25: {  	s11 =	sadd.s32 $0xF0000, s4;
	[smem:$0x7B8] =	sst s10  }
0x26: {  	s12 =	sadd.s32 $0xF8000, s4;
	[smem:$0x7B9] =	sst s11  }
0x27: {  	s13 =	sadd.s32 $0x100000, s4;
	[smem:$0x7BA] =	sst s12  }
0x28: {  	s14 =	sadd.s32 $0x108000, s4;
	[smem:$0x7BB] =	sst s13  }
0x29: {  	s15 =	sadd.s32 $0x110000, s4;
	[smem:$0x7BC] =	sst s14  }
0x2a: {  	s16 =	sadd.s32 $0x118000, s4;
	[smem:$0x7BD] =	sst s15  }
0x2b: {  	s17 =	sadd.s32 $0x120000, s4;
	[smem:$0x7BE] =	sst s16  }
0x2c: {  	s18 =	sadd.s32 $0x128000, s4;
	[smem:$0x7BF] =	sst s17  }
0x2d: {  	s19 =	sadd.s32 $0x130000, s4;
	[smem:$0x7C0] =	sst s18  }
0x2e: {  	s20 =	sadd.s32 $0x138000, s4;
	[smem:$0x7C1] =	sst s19  }
0x2f: {  	s21 =	sadd.s32 $0x140000, s4;
	[smem:$0x7C2] =	sst s20  }
0x30: {  	s22 =	sadd.s32 $0x148000, s4;
	[smem:$0x7C3] =	sst s21  }
0x31: {  	s23 =	sadd.s32 $0x150000, s4;
	[smem:$0x7C4] =	sst s22  }
0x32: {  	s24 =	sadd.s32 $0x158000, s4;
	[smem:$0x7C5] =	sst s23  }
0x33: {  	s25 =	sadd.s32 $0x160000, s4;
	[smem:$0x7C6] =	sst s24  }
0x34: {  	s26 =	sadd.s32 $0x168000, s4;
	[smem:$0x7C7] =	sst s25  }
0x35: {  	s28 =	sadd.s32 $0x170000, s4;
	[smem:$0x7C8] =	sst s26  }
0x36: {  	s30 =	sadd.s32 $0x178000, s4;
	[smem:$0x7C9] =	sst s28  }
0x37: {  	s31 =	sadd.s32 $0x180000, s4;
	[smem:$0x7CA] =	sst s30  }
0x38: {  	s6 =	simm.s32 $0x100;
	[smem:$0x7CB] =	sst s31  }
0x39: {  	s7 =	simm.s32 $0x180;
	[smem:$0x7CE] =	sst s6  }
0x3a: {  	s5 =	sadd.s32 $0x188000, s4;
	[smem:$0x7CF] =	sst s7  }
0x3b: {  	s8 =	simm.s32 $0x200;
	[smem:$0x7CD] =	sst s5  }
0x3c: {  	s9 =	simm.s32 $0x280;
	[smem:$0x7D0] =	sst s8  }
0x3d: {  	s10 =	simm.s32 $0x300;
	[smem:$0x7D1] =	sst s9  }
0x3e: {  	s11 =	simm.s32 $0x380;
	[smem:$0x7D2] =	sst s10  }
0x3f: {  	s12 =	simm.s32 $0x400;
	[smem:$0x7D3] =	sst s11  }
0x40: {  	s13 =	simm.s32 $0x480;
	[smem:$0x7D4] =	sst s12  }
0x41: {  	s14 =	simm.s32 $0x500;
	[smem:$0x7D5] =	sst s13  }
0x42: {  	s15 =	simm.s32 $0x580;
	[smem:$0x7D6] =	sst s14  }
0x43: {  	s16 =	simm.s32 $0x600;
	[smem:$0x7D7] =	sst s15  }
0x44: {  	s17 =	simm.s32 $0x680;
	[smem:$0x7D8] =	sst s16  }
0x45: {  	s18 =	simm.s32 $0x700;
	[smem:$0x7D9] =	sst s17  }
0x46: {  	s19 =	simm.s32 $0x780;
	[smem:$0x7DA] =	sst s18  }
0x47: {  	s20 =	simm.s32 $0x800;
	[smem:$0x7DB] =	sst s19  }
0x48: {  	s21 =	simm.s32 $0x880;
	[smem:$0x7DC] =	sst s20  }
0x49: {  	s22 =	simm.s32 $0x900;
	[smem:$0x7DD] =	sst s21  }
0x4a: {  	s23 =	simm.s32 $0x980;
	[smem:$0x7DE] =	sst s22  }
0x4b: {  	s24 =	simm.s32 $0xA00;
	[smem:$0x7DF] =	sst s23  }
0x4c: {  	s25 =	simm.s32 $0xA80;
	[smem:$0x7E0] =	sst s24  }
0x4d: {  	s26 =	simm.s32 $0xB00;
	[smem:$0x7E1] =	sst s25  }
0x4e: {  	s28 =	simm.s32 $0xB80;
	[smem:$0x7E2] =	sst s26  }
0x4f: {  	s30 =	simm.s32 $0xC00;
	[smem:$0x7E3] =	sst s28  }
0x50: {  	s31 =	simm.s32 $0xC80;
	[smem:$0x7E4] =	sst s30  }
0x51: {  	s4 =	simm.s32 $0xD00;
	[smem:$0x7E5] =	sst s31  }
0x52: {  	s6 =	simm.s32 $0xD80;
	[smem:$0x7E6] =	sst s4  }
0x53: {  	s7 =	simm.s32 $0xE00;
	[smem:$0x7E7] =	sst s6  }
0x54: {  	[smem:$0x7E8] =	sst s7;
	s9 =	simm.s32 $0xE80  }
0x55: {  	s10 =	simm.s32 $0xF00;
	[smem:$0x7E9] =	sst s9  }
0x56: {  	s11 =	simm.s32 $0xF80;
	[smem:$0x7EA] =	sst s10  }
0x57: {  	s12 =	simm.s32 $0x1080;
	[smem:$0x7EB] =	sst s11  }
0x58: {  	s13 =	simm.s32 $0x1100;
	[smem:$0x7EC] =	sst s12  }
0x59: {  	s14 =	simm.s32 $0x1180;
	[smem:$0x7ED] =	sst s13  }
0x5a: {  	s15 =	simm.s32 $0x1200;
	[smem:$0x7EE] =	sst s14  }
0x5b: {  	s16 =	simm.s32 $0x1280;
	[smem:$0x7EF] =	sst s15  }
0x5c: {  	s29 =	simm.s32 $0x1;
	s17 =	simm.s32 $0x1300;
	[smem:$0x7F0] =	sst s16  }
0x5d: {  	p0 =	por $0x0, $0x0;
	s18 =	simm.s32 $0x1380;
	[smem:$0x7F1] =	sst s17  }
0x5e: {  	s0 =	ssub.s32 $0x2, s0;
	s19 =	simm.s32 $0x1400;
	[smem:$0x7F2] =	sst s18  }
0x5f: {  	s3 =	simm.s32 $0x3900;
	s20 =	simm.s32 $0x1480;
	[smem:$0x7F3] =	sst s19  }
0x60: {  	s5 =	sadd.s32 $0x6C00, s1;
	s22 =	simm.s32 $0x1500;
	[smem:$0x7F4] =	sst s20  }
0x61: {  	s8 =	sshrl.u32 s0, $0x1;
	s23 =	simm.s32 $0x1580;
	[smem:$0x7F5] =	sst s22  }
0x62: {  	s21 =	simm.s32 $0x1000;
	s24 =	simm.s32 $0x1600;
	[smem:$0x7F6] =	sst s23  }
0x63: {  	s25 =	simm.s32 $0x1680;
	s0 =	ssub.s32 s0, s8;
	[smem:$0x7F7] =	sst s24  }
0x64: {  	s26 =	simm.s32 $0x1700;
	[smem:$0x7F8] =	sst s25;
	s0 =	smax.u32 s0, $0x1  }
0x65: {  	s28 =	simm.s32 $0x1780;
	[smem:$0x7F9] =	sst s26;
	p1 =	sne.s32 s0, $0x1  }
.Ltmp0:
0x66: {  	s30 =	simm.s32 $0x1800;
	[smem:$0x7FA] =	sst s28;
	(pc) =	sbr.rel @!p1 .LBB2_1-.Ltmp0, $4  }
0x67: {  	s4 =	simm.s32 $0x1900;
	s31 =	simm.s32 $0x1880;
	[smem:$0x7FB] =	sst s30  }
0x68: {  	s7 =	simm.s32 $0xD;
	s6 =	simm.s32 $0xE;
	[smem:$0x7FC] =	sst s31  }
0x69: {  	s8 =	simm.s32 $0x80;
	s23 =	rddreg [dreg:$0x3];
	s0 =	sadd.s32 $0xFFFFFFFF, s0  }
0x6a: {  	s10 =	simm.s32 $0x2;
	s9 =	simm.s32 $0xF900;
	[smem:$0x7FD] =	sst s0  }
0x6b: {  	[tilespmem:s2], [sflag:$0x19] =	stream.strided.gather [hbm4b:s23+s8], $0x1900, s21, s8, $0x38;
	[tilespmem:$0x19900] =	vst v63  }
0x6c: {  	s28 =	simm.s32 $0x19  }
0x6d: {  	_ =	swait.ge [sflag:s28], $0x1900  }
0x6e: {  	[sflag:s28] =	ssyncset.done $0x0  }
0x6f: {  	[sflag:s28] =	ssyncadd.s32 $0xFFFFE700  }
0x70: {  	[tilespmem:s4], [sflag:$0x1] =	stream.indirect.gather [hbm4b:s5+s8], $0x40, s2, s8, $0xb8;
	[tilespmem:$0x19900] =	vst v63  }
0x71: {  	s30 =	sld [smem:$0x7CE]  }
0x72: {  	[tilespmem:s3], [sflag:$0x2] =	stream.indirect.gather [hbm4b:s5+s8], $0x40, s8, s8, $0xb8;
	[tilespmem:$0x19900] =	vst v63  }
0x73: {  	s0 =	simm.s32 $0x5900;
	s31 =	sld [smem:$0x7CF]  }
0x74: {  	[tilespmem:s0], [sflag:$0x3] =	stream.indirect.gather [hbm4b:s5+s8], $0x40, s30, s8, $0xb8;
	[tilespmem:$0x19900] =	vst v63  }
0x75: {  	s6 =	simm.s32 $0x7900;
	s4 =	sld [smem:$0x7D0]  }
0x76: {  	[tilespmem:s6], [sflag:$0x4] =	stream.indirect.gather [hbm4b:s5+s8], $0x40, s31, s8, $0xb8;
	[tilespmem:$0x19900] =	vst v63  }
0x77: {  	s9 =	simm.s32 $0x9900;
	s7 =	sld [smem:$0x7D1]  }
0x78: {  	[tilespmem:s9], [sflag:$0x5] =	stream.indirect.gather [hbm4b:s5+s8], $0x40, s4, s8, $0xb8;
	[tilespmem:$0x19900] =	vst v63  }
0x79: {  	s10 =	simm.s32 $0x1;
	s14 =	simm.s32 $0xB900  }
0x7a: {  	[tilespmem:s14], [sflag:$0x6] =	stream.indirect.gather [hbm4b:s5+s8], $0x40, s7, s8, $0xb8;
	[tilespmem:$0x19900] =	vst v63  }
0x7b: {  	_ =	swait.ge [sflag:s10], $0x2000  }
0x7c: {  	s17 =	sld [smem:$0x7CC]  }
0x7d: {  	[sflag:s10] =	ssyncset.done $0x0  }
0x7e: {  	s1 =	simm.s32 $0x1900;
	s15 =	sld [smem:$0x7D2];
	[sflag:s10] =	ssyncadd.s32 $0xFFFFE000  }
0x7f: {  	[hbm4b:s17+s2] =	stream.linear.scatter [tilespmem:s1], [sflag:$0xD], $0x2000, $0x38;
	[tilespmem:$0x19900] =	vst v63  }
0x80: {  	s11 =	simm.s32 $0x2;
	s18 =	simm.s32 $0xD900  }
0x81: {  	[tilespmem:s18], [sflag:$0x7] =	stream.indirect.gather [hbm4b:s5+s8], $0x40, s15, s8, $0xb8;
	[tilespmem:$0x19900] =	vst v63  }
0x82: {  	_ =	swait.ge [sflag:s11], $0x2000  }
0x83: {  	s19 =	rddreg [dreg:$0x4];
	[sflag:s11] =	ssyncset.done $0x0  }
0x84: {  	s22 =	sld [smem:$0x7D3];
	[sflag:s11] =	ssyncadd.s32 $0xFFFFE000  }
0x85: {  	[hbm4b:s19+s2] =	stream.linear.scatter [tilespmem:s3], [sflag:$0xE], $0x2000, $0x38;
	[tilespmem:$0x19900] =	vst v63  }
0x86: {  	s12 =	simm.s32 $0xF900;
	s15 =	simm.s32 $0x3  }
0x87: {  	[tilespmem:s12], [sflag:$0x8] =	stream.indirect.gather [hbm4b:s5+s8], $0x40, s22, s8, $0xb8;
	[tilespmem:$0x19900] =	vst v63  }
0x88: {  	_ =	swait.ge [sflag:s15], $0x2000  }
0x89: {  	s24 =	rddreg [dreg:$0x5];
	[sflag:s15] =	ssyncset.done $0x0  }
0x8a: {  	s13 =	simm.s32 $0x5900;
	s25 =	sld [smem:$0x7D4];
	[sflag:s15] =	ssyncadd.s32 $0xFFFFE000  }
0x8b: {  	[hbm4b:s24+s2] =	stream.linear.scatter [tilespmem:s13], [sflag:$0xF], $0x2000, $0x38;
	[tilespmem:$0x19900] =	vst v63  }
0x8c: {  	s26 =	simm.s32 $0x11900;
	s18 =	simm.s32 $0x4  }
0x8d: {  	[tilespmem:s26], [sflag:$0x9] =	stream.indirect.gather [hbm4b:s5+s8], $0x40, s25, s8, $0xb8;
	[tilespmem:$0x19900] =	vst v63  }
0x8e: {  	_ =	swait.ge [sflag:s18], $0x2000  }
0x8f: {  	s30 =	rddreg [dreg:$0x6];
	[sflag:s18] =	ssyncset.done $0x0  }
0x90: {  	s6 =	simm.s32 $0x7900;
	s4 =	sld [smem:$0x7D5];
	[sflag:s18] =	ssyncadd.s32 $0xFFFFE000  }
0x91: {  	[hbm4b:s30+s2] =	stream.linear.scatter [tilespmem:s6], [sflag:$0x10], $0x2000, $0x38;
	[tilespmem:$0x19900] =	vst v63  }
0x92: {  	s26 =	simm.s32 $0x5;
	s6 =	simm.s32 $0x13900  }
0x93: {  	[tilespmem:s6], [sflag:$0xA] =	stream.indirect.gather [hbm4b:s5+s8], $0x40, s4, s8, $0xb8;
	[tilespmem:$0x19900] =	vst v63  }
0x94: {  	_ =	swait.ge [sflag:s26], $0x2000  }
0x95: {  	s9 =	rddreg [dreg:$0x7];
	[sflag:s26] =	ssyncset.done $0x0  }
0x96: {  	s0 =	simm.s32 $0x9900;
	s13 =	sld [smem:$0x7D6];
	[sflag:s26] =	ssyncadd.s32 $0xFFFFE000  }
0x97: {  	[hbm4b:s9+s2] =	stream.linear.scatter [tilespmem:s0], [sflag:$0x11], $0x2000, $0x38;
	[tilespmem:$0x19900] =	vst v63  }
0x98: {  	s14 =	simm.s32 $0x15900;
	s22 =	simm.s32 $0x6  }
0x99: {  	[tilespmem:s14], [sflag:$0xB] =	stream.indirect.gather [hbm4b:s5+s8], $0x40, s13, s8, $0xb8;
	[tilespmem:$0x19900] =	vst v63  }
0x9a: {  	_ =	swait.ge [sflag:s22], $0x2000  }
0x9b: {  	s17 =	rddreg [dreg:$0x8];
	[sflag:s22] =	ssyncset.done $0x0  }
0x9c: {  	s16 =	simm.s32 $0xB900;
	s19 =	sld [smem:$0x7D7];
	[sflag:s22] =	ssyncadd.s32 $0xFFFFE000  }
0x9d: {  	[hbm4b:s17+s2] =	stream.linear.scatter [tilespmem:s16], [sflag:$0x12], $0x2000, $0x38;
	[tilespmem:$0x19900] =	vst v63  }
0x9e: {  	s23 =	simm.s32 $0x7;
	s24 =	simm.s32 $0x17900  }
0x9f: {  	[tilespmem:s24], [sflag:$0xC] =	stream.indirect.gather [hbm4b:s5+s8], $0x40, s19, s8, $0xb8;
	[tilespmem:$0x19900] =	vst v63  }
0xa0: {  	_ =	swait.ge [sflag:s23], $0x2000  }
0xa1: {  	s20 =	simm.s32 $0xD900;
	[sflag:s23] =	ssyncset.done $0x0  }
0xa2: {  	s31 =	simm.s32 $0xD;
	s25 =	rddreg [dreg:$0x9];
	[sflag:s23] =	ssyncadd.s32 $0xFFFFE000  }
0xa3: {  	[hbm4b:s25+s2] =	stream.linear.scatter [tilespmem:s20], [sflag:$0x13], $0x2000, $0x38;
	[tilespmem:$0x19900] =	vst v63  }
0xa4: {  	_ =	swait.ge [sflag:s31], $0x2000  }
0xa5: {  	s30 =	sld [smem:$0x7D8]  }
0xa6: {  	[sflag:s31] =	ssyncset.done $0x0  }
0xa7: {  	s1 =	simm.s32 $0x1900;
	s25 =	simm.s32 $0x8;
	[sflag:s31] =	ssyncadd.s32 $0xFFFFE000  }
0xa8: {  	[tilespmem:s1], [sflag:$0x1] =	stream.indirect.gather [hbm4b:s5+s8], $0x40, s30, s8, $0xb8;
	[tilespmem:$0x19900] =	vst v63  }
0xa9: {  	_ =	swait.ge [sflag:s25], $0x2000  }
0xaa: {  	[sflag:s25] =	ssyncset.done $0x0  }
0xab: {  	s7 =	simm.s32 $0xF900;
	s6 =	rddreg [dreg:$0xa];
	[sflag:s25] =	ssyncadd.s32 $0xFFFFE000  }
0xac: {  	[hbm4b:s6+s2] =	stream.linear.scatter [tilespmem:s7], [sflag:$0x14], $0x2000, $0x38;
	[tilespmem:$0x19900] =	vst v63  }
0xad: {  	s7 =	simm.s32 $0xE  }
0xae: {  	_ =	swait.ge [sflag:s7], $0x2000  }
0xaf: {  	s16 =	simm.s32 $0xE;
	s9 =	sld [smem:$0x7D9]  }
0xb0: {  	s19 =	simm.s32 $0xE;
	[sflag:s16] =	ssyncset.done $0x0  }
0xb1: {  	s24 =	simm.s32 $0x9;
	[sflag:s19] =	ssyncadd.s32 $0xFFFFE000  }
0xb2: {  	[tilespmem:s3], [sflag:$0x2] =	stream.indirect.gather [hbm4b:s5+s8], $0x40, s9, s8, $0xb8;
	[tilespmem:$0x19900] =	vst v63  }
0xb3: {  	_ =	swait.ge [sflag:s24], $0x2000  }
0xb4: {  	s12 =	simm.s32 $0x11900;
	[sflag:s24] =	ssyncset.done $0x0  }
0xb5: {  	s30 =	simm.s32 $0xF;
	s20 =	rddreg [dreg:$0xb];
	[sflag:s24] =	ssyncadd.s32 $0xFFFFE000  }
0xb6: {  	[hbm4b:s20+s2] =	stream.linear.scatter [tilespmem:s12], [sflag:$0x15], $0x2000, $0x38;
	[tilespmem:$0x19900] =	vst v63  }
0xb7: {  	_ =	swait.ge [sflag:s30], $0x2000  }
0xb8: {  	s1 =	sld [smem:$0x7DA]  }
0xb9: {  	[sflag:s30] =	ssyncset.done $0x0  }
0xba: {  	s28 =	simm.s32 $0x5900;
	s19 =	simm.s32 $0xA;
	[sflag:s30] =	ssyncadd.s32 $0xFFFFE000  }
0xbb: {  	[tilespmem:s28], [sflag:$0x3] =	stream.indirect.gather [hbm4b:s5+s8], $0x40, s1, s8, $0xb8;
	[tilespmem:$0x19900] =	vst v63  }
0xbc: {  	_ =	swait.ge [sflag:s19], $0x2000  }
0xbd: {  	s4 =	simm.s32 $0x13900;
	[sflag:s19] =	ssyncset.done $0x0  }
0xbe: {  	s7 =	simm.s32 $0x10;
	s6 =	rddreg [dreg:$0xc];
	[sflag:s19] =	ssyncadd.s32 $0xFFFFE000  }
0xbf: {  	[hbm4b:s6+s2] =	stream.linear.scatter [tilespmem:s4], [sflag:$0x16], $0x2000, $0x38;
	[tilespmem:$0x19900] =	vst v63  }
0xc0: {  	_ =	swait.ge [sflag:s7], $0x2000  }
0xc1: {  	s16 =	sld [smem:$0x7DB]  }
0xc2: {  	[sflag:s7] =	ssyncset.done $0x0  }
0xc3: {  	s28 =	simm.s32 $0xB;
	s4 =	simm.s32 $0x7900;
	[sflag:s7] =	ssyncadd.s32 $0xFFFFE000  }
0xc4: {  	[tilespmem:s4], [sflag:$0x4] =	stream.indirect.gather [hbm4b:s5+s8], $0x40, s16, s8, $0xb8;
	[tilespmem:$0x19900] =	vst v63  }
0xc5: {  	_ =	swait.ge [sflag:s28], $0x2000  }
0xc6: {  	s21 =	simm.s32 $0x11;
	[sflag:s28] =	ssyncset.done $0x0  }
0xc7: {  	s13 =	simm.s32 $0x15900;
	s20 =	rddreg [dreg:$0xd];
	[sflag:s28] =	ssyncadd.s32 $0xFFFFE000  }
0xc8: {  	[hbm4b:s20+s2] =	stream.linear.scatter [tilespmem:s13], [sflag:$0x17], $0x2000, $0x38;
	[tilespmem:$0x19900] =	vst v63  }
0xc9: {  	_ =	swait.ge [sflag:s21], $0x2000  }
0xca: {  	s30 =	sld [smem:$0x7DC]  }
0xcb: {  	[sflag:s21] =	ssyncset.done $0x0  }
0xcc: {  	s0 =	simm.s32 $0x9900;
	s16 =	simm.s32 $0xC;
	[sflag:s21] =	ssyncadd.s32 $0xFFFFE000  }
0xcd: {  	[tilespmem:s0], [sflag:$0x5] =	stream.indirect.gather [hbm4b:s5+s8], $0x40, s30, s8, $0xb8;
	[tilespmem:$0x19900] =	vst v63  }
0xce: {  	_ =	swait.ge [sflag:s16], $0x2000  }
0xcf: {  	s14 =	simm.s32 $0x17900;
	[sflag:s16] =	ssyncset.done $0x0  }
0xd0: {  	s30 =	simm.s32 $0x12;
	s13 =	rddreg [dreg:$0xe];
	[sflag:s16] =	ssyncadd.s32 $0xFFFFE000  }
0xd1: {  	[hbm4b:s13+s2] =	stream.linear.scatter [tilespmem:s14], [sflag:$0x18], $0x2000, $0x38;
	[tilespmem:$0x19900] =	vst v63  }
0xd2: {  	_ =	swait.ge [sflag:s30], $0x2000  }
0xd3: {  	s20 =	sld [smem:$0x7DD]  }
0xd4: {  	[sflag:s30] =	ssyncset.done $0x0  }
0xd5: {  	s0 =	simm.s32 $0xB900;
	[sflag:s30] =	ssyncadd.s32 $0xFFFFE000  }
0xd6: {  	[tilespmem:s0], [sflag:$0x6] =	stream.indirect.gather [hbm4b:s5+s8], $0x40, s20, s8, $0xb8;
	[tilespmem:$0x19900] =	vst v63  }
0xd7: {  	_ =	swait.ge [sflag:s10], $0x2000  }
0xd8: {  	s17 =	simm.s32 $0x1900;
	[sflag:s10] =	ssyncset.done $0x0  }
0xd9: {  	s20 =	simm.s32 $0x13;
	s7 =	rddreg [dreg:$0xf];
	[sflag:s10] =	ssyncadd.s32 $0xFFFFE000  }
0xda: {  	[hbm4b:s7+s2] =	stream.linear.scatter [tilespmem:s17], [sflag:$0xD], $0x2000, $0x38;
	[tilespmem:$0x19900] =	vst v63  }
0xdb: {  	_ =	swait.ge [sflag:s20], $0x2000  }
0xdc: {  	s13 =	sld [smem:$0x7DE]  }
0xdd: {  	[sflag:s20] =	ssyncset.done $0x0  }
0xde: {  	s14 =	simm.s32 $0xD900;
	[sflag:s20] =	ssyncadd.s32 $0xFFFFE000  }
0xdf: {  	[tilespmem:s14], [sflag:$0x7] =	stream.indirect.gather [hbm4b:s5+s8], $0x40, s13, s8, $0xb8;
	[tilespmem:$0x19900] =	vst v63  }
0xe0: {  	_ =	swait.ge [sflag:s11], $0x2000  }
0xe1: {  	[sflag:s11] =	ssyncset.done $0x0  }
0xe2: {  	s17 =	rddreg [dreg:$0x10];
	[sflag:s11] =	ssyncadd.s32 $0xFFFFE000  }
0xe3: {  	[hbm4b:s17+s2] =	stream.linear.scatter [tilespmem:s3], [sflag:$0xE], $0x2000, $0x38;
	[tilespmem:$0x19900] =	vst v63  }
0xe4: {  	s17 =	simm.s32 $0x14  }
0xe5: {  	_ =	swait.ge [sflag:s17], $0x2000  }
0xe6: {  	s13 =	sld [smem:$0x7DF]  }
0xe7: {  	[sflag:s17] =	ssyncset.done $0x0  }
0xe8: {  	s29 =	simm.s32 $0xF900;
	[sflag:s17] =	ssyncadd.s32 $0xFFFFE000  }
0xe9: {  	[tilespmem:s29], [sflag:$0x8] =	stream.indirect.gather [hbm4b:s5+s8], $0x40, s13, s8, $0xb8;
	[tilespmem:$0x19900] =	vst v63  }
0xea: {  	_ =	swait.ge [sflag:s15], $0x2000  }
0xeb: {  	[sflag:s15] =	ssyncset.done $0x0  }
0xec: {  	s9 =	simm.s32 $0x5900;
	s14 =	rddreg [dreg:$0x11];
	[sflag:s15] =	ssyncadd.s32 $0xFFFFE000  }
0xed: {  	[hbm4b:s14+s2] =	stream.linear.scatter [tilespmem:s9], [sflag:$0xF], $0x2000, $0x38;
	[tilespmem:$0x19900] =	vst v63  }
0xee: {  	s14 =	simm.s32 $0x15  }
0xef: {  	_ =	swait.ge [sflag:s14], $0x2000  }
0xf0: {  	s11 =	sld [smem:$0x7E0]  }
0xf1: {  	[sflag:s14] =	ssyncset.done $0x0  }
0xf2: {  	s12 =	simm.s32 $0x11900;
	[sflag:s14] =	ssyncadd.s32 $0xFFFFE000  }
0xf3: {  	[tilespmem:s12], [sflag:$0x9] =	stream.indirect.gather [hbm4b:s5+s8], $0x40, s11, s8, $0xb8;
	[tilespmem:$0x19900] =	vst v63  }
0xf4: {  	_ =	swait.ge [sflag:s18], $0x2000  }
0xf5: {  	[sflag:s18] =	ssyncset.done $0x0  }
0xf6: {  	s13 =	rddreg [dreg:$0x12];
	[sflag:s18] =	ssyncadd.s32 $0xFFFFE000  }
0xf7: {  	[hbm4b:s13+s2] =	stream.linear.scatter [tilespmem:s4], [sflag:$0x10], $0x2000, $0x38;
	[tilespmem:$0x19900] =	vst v63  }
0xf8: {  	s13 =	simm.s32 $0x16  }
0xf9: {  	_ =	swait.ge [sflag:s13], $0x2000  }
0xfa: {  	s11 =	sld [smem:$0x7E1]  }
0xfb: {  	[sflag:s13] =	ssyncset.done $0x0  }
0xfc: {  	s12 =	simm.s32 $0x13900;
	[sflag:s13] =	ssyncadd.s32 $0xFFFFE000  }
0xfd: {  	[tilespmem:s12], [sflag:$0xA] =	stream.indirect.gather [hbm4b:s5+s8], $0x40, s11, s8, $0xb8;
	[tilespmem:$0x19900] =	vst v63  }
0xfe: {  	_ =	swait.ge [sflag:s26], $0x2000  }
0xff: {  	[sflag:s26] =	ssyncset.done $0x0  }
0x100: {  	s12 =	simm.s32 $0x9900;
	s11 =	rddreg [dreg:$0x13];
	[sflag:s26] =	ssyncadd.s32 $0xFFFFE000  }
0x101: {  	[hbm4b:s11+s2] =	stream.linear.scatter [tilespmem:s12], [sflag:$0x11], $0x2000, $0x38;
	[tilespmem:$0x19900] =	vst v63  }
0x102: {  	s12 =	simm.s32 $0x17  }
0x103: {  	_ =	swait.ge [sflag:s12], $0x2000  }
0x104: {  	s4 =	sld [smem:$0x7E2]  }
0x105: {  	[sflag:s12] =	ssyncset.done $0x0  }
0x106: {  	s11 =	simm.s32 $0x15900;
	[sflag:s12] =	ssyncadd.s32 $0xFFFFE000  }
0x107: {  	[tilespmem:s11], [sflag:$0xB] =	stream.indirect.gather [hbm4b:s5+s8], $0x40, s4, s8, $0xb8;
	[tilespmem:$0x19900] =	vst v63  }
0x108: {  	_ =	swait.ge [sflag:s22], $0x2000  }
0x109: {  	[sflag:s22] =	ssyncset.done $0x0  }
0x10a: {  	s11 =	rddreg [dreg:$0x14];
	[sflag:s22] =	ssyncadd.s32 $0xFFFFE000  }
0x10b: {  	[hbm4b:s11+s2] =	stream.linear.scatter [tilespmem:s0], [sflag:$0x12], $0x2000, $0x38;
	[tilespmem:$0x19900] =	vst v63  }
0x10c: {  	s11 =	simm.s32 $0x18  }
0x10d: {  	_ =	swait.ge [sflag:s11], $0x2000  }
0x10e: {  	s21 =	sld [smem:$0x7E3]  }
0x10f: {  	[sflag:s11] =	ssyncset.done $0x0  }
0x110: {  	s0 =	simm.s32 $0x17900;
	[sflag:s11] =	ssyncadd.s32 $0xFFFFE000  }
0x111: {  	[tilespmem:s0], [sflag:$0xC] =	stream.indirect.gather [hbm4b:s5+s8], $0x40, s21, s8, $0xb8;
	[tilespmem:$0x19900] =	vst v63  }
0x112: {  	_ =	swait.ge [sflag:s23], $0x2000  }
0x113: {  	[sflag:s23] =	ssyncset.done $0x0  }
0x114: {  	s7 =	simm.s32 $0xD900;
	s0 =	rddreg [dreg:$0x15];
	[sflag:s23] =	ssyncadd.s32 $0xFFFFE000  }
0x115: {  	[hbm4b:s0+s2] =	stream.linear.scatter [tilespmem:s7], [sflag:$0x13], $0x2000, $0x38;
	[tilespmem:$0x19900] =	vst v63  }
0x116: {  	_ =	swait.ge [sflag:s31], $0x2000  }
0x117: {  	s0 =	sld [smem:$0x7E4]  }
0x118: {  	[sflag:s31] =	ssyncset.done $0x0  }
0x119: {  	s7 =	simm.s32 $0x1900;
	[sflag:s31] =	ssyncadd.s32 $0xFFFFE000  }
0x11a: {  	[tilespmem:s7], [sflag:$0x1] =	stream.indirect.gather [hbm4b:s5+s8], $0x40, s0, s8, $0xb8;
	[tilespmem:$0x19900] =	vst v63  }
0x11b: {  	_ =	swait.ge [sflag:s25], $0x2000  }
0x11c: {  	s29 =	simm.s32 $0xF900;
	[sflag:s25] =	ssyncset.done $0x0  }
0x11d: {  	s21 =	simm.s32 $0xE;
	s7 =	rddreg [dreg:$0x16];
	[sflag:s25] =	ssyncadd.s32 $0xFFFFE000  }
0x11e: {  	[hbm4b:s7+s2] =	stream.linear.scatter [tilespmem:s29], [sflag:$0x14], $0x2000, $0x38;
	[tilespmem:$0x19900] =	vst v63  }
0x11f: {  	_ =	swait.ge [sflag:s21], $0x2000  }
0x120: {  	s7 =	simm.s32 $0xE;
	s21 =	sld [smem:$0x7E5]  }
0x121: {  	[sflag:s7] =	ssyncset.done $0x0;
	s7 =	simm.s32 $0xE  }
0x122: {  	[sflag:s7] =	ssyncadd.s32 $0xFFFFE000  }
0x123: {  	[tilespmem:s3], [sflag:$0x2] =	stream.indirect.gather [hbm4b:s5+s8], $0x40, s21, s8, $0xb8;
	[tilespmem:$0x19900] =	vst v63  }
0x124: {  	_ =	swait.ge [sflag:s24], $0x2000  }
0x125: {  	s9 =	simm.s32 $0x11900;
	[sflag:s24] =	ssyncset.done $0x0  }
0x126: {  	s7 =	simm.s32 $0xF;
	s0 =	rddreg [dreg:$0x17];
	[sflag:s24] =	ssyncadd.s32 $0xFFFFE000  }
0x127: {  	[hbm4b:s0+s2] =	stream.linear.scatter [tilespmem:s9], [sflag:$0x15], $0x2000, $0x38;
	[tilespmem:$0x19900] =	vst v63  }
0x128: {  	_ =	swait.ge [sflag:s7], $0x2000  }
0x129: {  	s9 =	sld [smem:$0x7E6]  }
0x12a: {  	[sflag:s7] =	ssyncset.done $0x0  }
0x12b: {  	[sflag:s7] =	ssyncadd.s32 $0xFFFFE000;
	s7 =	simm.s32 $0x5900  }
0x12c: {  	[tilespmem:s7], [sflag:$0x3] =	stream.indirect.gather [hbm4b:s5+s8], $0x40, s9, s8, $0xb8;
	[tilespmem:$0x19900] =	vst v63  }
0x12d: {  	_ =	swait.ge [sflag:s19], $0x2000  }
0x12e: {  	s1 =	simm.s32 $0x10;
	[sflag:s19] =	ssyncset.done $0x0  }
0x12f: {  	s29 =	simm.s32 $0x13900;
	s0 =	rddreg [dreg:$0x18];
	[sflag:s19] =	ssyncadd.s32 $0xFFFFE000  }
0x130: {  	[hbm4b:s0+s2] =	stream.linear.scatter [tilespmem:s29], [sflag:$0x16], $0x2000, $0x38;
	[tilespmem:$0x19900] =	vst v63  }
0x131: {  	_ =	swait.ge [sflag:s1], $0x2000  }
0x132: {  	s9 =	sld [smem:$0x7E7]  }
0x133: {  	[sflag:s1] =	ssyncset.done $0x0  }
0x134: {  	s0 =	simm.s32 $0x7900;
	[sflag:s1] =	ssyncadd.s32 $0xFFFFE000  }
0x135: {  	[tilespmem:s0], [sflag:$0x4] =	stream.indirect.gather [hbm4b:s5+s8], $0x40, s9, s8, $0xb8;
	[tilespmem:$0x19900] =	vst v63  }
0x136: {  	_ =	swait.ge [sflag:s28], $0x2000  }
0x137: {  	s6 =	simm.s32 $0x11;
	[sflag:s28] =	ssyncset.done $0x0  }
0x138: {  	s9 =	simm.s32 $0x15900;
	s1 =	rddreg [dreg:$0x19];
	[sflag:s28] =	ssyncadd.s32 $0xFFFFE000  }
0x139: {  	[hbm4b:s1+s2] =	stream.linear.scatter [tilespmem:s9], [sflag:$0x17], $0x2000, $0x38;
	[tilespmem:$0x19900] =	vst v63  }
0x13a: {  	_ =	swait.ge [sflag:s6], $0x2000  }
0x13b: {  	s1 =	sld [smem:$0x7E8]  }
0x13c: {  	[sflag:s6] =	ssyncset.done $0x0  }
0x13d: {  	[sflag:s6] =	ssyncadd.s32 $0xFFFFE000;
	s6 =	simm.s32 $0x9900  }
0x13e: {  	[tilespmem:s6], [sflag:$0x5] =	stream.indirect.gather [hbm4b:s5+s8], $0x40, s1, s8, $0xb8;
	[tilespmem:$0x19900] =	vst v63  }
0x13f: {  	_ =	swait.ge [sflag:s16], $0x2000  }
0x140: {  	[sflag:s16] =	ssyncset.done $0x0  }
0x141: {  	s1 =	simm.s32 $0x17900;
	s21 =	rddreg [dreg:$0x1a];
	[sflag:s16] =	ssyncadd.s32 $0xFFFFE000  }
0x142: {  	[hbm4b:s21+s2] =	stream.linear.scatter [tilespmem:s1], [sflag:$0x18], $0x2000, $0x38;
	[tilespmem:$0x19900] =	vst v63  }
0x143: {  	_ =	swait.ge [sflag:s30], $0x2000  }
0x144: {  	s1 =	sld [smem:$0x7E9]  }
0x145: {  	[sflag:s30] =	ssyncset.done $0x0  }
0x146: {  	s4 =	simm.s32 $0xB900;
	[sflag:s30] =	ssyncadd.s32 $0xFFFFE000  }
0x147: {  	[tilespmem:s4], [sflag:$0x6] =	stream.indirect.gather [hbm4b:s5+s8], $0x40, s1, s8, $0xb8;
	[tilespmem:$0x19900] =	vst v63  }
0x148: {  	_ =	swait.ge [sflag:s10], $0x2000  }
0x149: {  	[sflag:s10] =	ssyncset.done $0x0  }
0x14a: {  	s4 =	simm.s32 $0x1900;
	s1 =	rddreg [dreg:$0x1b];
	[sflag:s10] =	ssyncadd.s32 $0xFFFFE000  }
0x14b: {  	[hbm4b:s1+s2] =	stream.linear.scatter [tilespmem:s4], [sflag:$0xD], $0x2000, $0x38;
	[tilespmem:$0x19900] =	vst v63  }
0x14c: {  	_ =	swait.ge [sflag:s20], $0x2000  }
0x14d: {  	s1 =	sld [smem:$0x7EA]  }
0x14e: {  	[sflag:s20] =	ssyncset.done $0x0  }
0x14f: {  	s10 =	simm.s32 $0x2;
	s4 =	simm.s32 $0xD900;
	[sflag:s20] =	ssyncadd.s32 $0xFFFFE000  }
0x150: {  	[tilespmem:s4], [sflag:$0x7] =	stream.indirect.gather [hbm4b:s5+s8], $0x40, s1, s8, $0xb8;
	[tilespmem:$0x19900] =	vst v63  }
0x151: {  	_ =	swait.ge [sflag:s10], $0x2000  }
0x152: {  	[sflag:s10] =	ssyncset.done $0x0  }
0x153: {  	s1 =	rddreg [dreg:$0x1c];
	[sflag:s10] =	ssyncadd.s32 $0xFFFFE000  }
0x154: {  	[hbm4b:s1+s2] =	stream.linear.scatter [tilespmem:s3], [sflag:$0xE], $0x2000, $0x38;
	[tilespmem:$0x19900] =	vst v63  }
0x155: {  	_ =	swait.ge [sflag:s17], $0x2000  }
0x156: {  	s21 =	sld [smem:$0x7EB]  }
0x157: {  	[sflag:s17] =	ssyncset.done $0x0  }
0x158: {  	s1 =	simm.s32 $0xF900;
	[sflag:s17] =	ssyncadd.s32 $0xFFFFE000  }
0x159: {  	[tilespmem:s1], [sflag:$0x8] =	stream.indirect.gather [hbm4b:s5+s8], $0x40, s21, s8, $0xb8;
	[tilespmem:$0x19900] =	vst v63  }
0x15a: {  	_ =	swait.ge [sflag:s15], $0x2000  }
0x15b: {  	[sflag:s15] =	ssyncset.done $0x0  }
0x15c: {  	s21 =	rddreg [dreg:$0x1d];
	[sflag:s15] =	ssyncadd.s32 $0xFFFFE000  }
0x15d: {  	[hbm4b:s21+s2] =	stream.linear.scatter [tilespmem:s7], [sflag:$0xF], $0x2000, $0x38;
	[tilespmem:$0x19900] =	vst v63  }
0x15e: {  	_ =	swait.ge [sflag:s14], $0x2000  }
0x15f: {  	[sflag:s14] =	ssyncset.done $0x0  }
0x160: {  	s21 =	simm.s32 $0x1000;
	s7 =	simm.s32 $0x11900;
	[sflag:s14] =	ssyncadd.s32 $0xFFFFE000  }
0x161: {  	[tilespmem:s7], [sflag:$0x9] =	stream.indirect.gather [hbm4b:s5+s8], $0x40, s21, s8, $0xb8;
	[tilespmem:$0x19900] =	vst v63  }
0x162: {  	_ =	swait.ge [sflag:s18], $0x2000  }
0x163: {  	[sflag:s18] =	ssyncset.done $0x0  }
0x164: {  	s7 =	rddreg [dreg:$0x1e];
	[sflag:s18] =	ssyncadd.s32 $0xFFFFE000  }
0x165: {  	[hbm4b:s7+s2] =	stream.linear.scatter [tilespmem:s0], [sflag:$0x10], $0x2000, $0x38;
	[tilespmem:$0x19900] =	vst v63  }
0x166: {  	_ =	swait.ge [sflag:s13], $0x2000  }
0x167: {  	s7 =	sld [smem:$0x7EC]  }
0x168: {  	[sflag:s13] =	ssyncset.done $0x0  }
0x169: {  	[sflag:s13] =	ssyncadd.s32 $0xFFFFE000  }
0x16a: {  	[tilespmem:s29], [sflag:$0xA] =	stream.indirect.gather [hbm4b:s5+s8], $0x40, s7, s8, $0xb8;
	[tilespmem:$0x19900] =	vst v63  }
0x16b: {  	_ =	swait.ge [sflag:s26], $0x2000  }
0x16c: {  	[sflag:s26] =	ssyncset.done $0x0  }
0x16d: {  	s0 =	rddreg [dreg:$0x1f];
	[sflag:s26] =	ssyncadd.s32 $0xFFFFE000  }
0x16e: {  	[hbm4b:s0+s2] =	stream.linear.scatter [tilespmem:s6], [sflag:$0x11], $0x2000, $0x38;
	[tilespmem:$0x19900] =	vst v63  }
0x16f: {  	_ =	swait.ge [sflag:s12], $0x2000  }
0x170: {  	s7 =	sld [smem:$0x7ED]  }
0x171: {  	[sflag:s12] =	ssyncset.done $0x0  }
0x172: {  	[sflag:s12] =	ssyncadd.s32 $0xFFFFE000  }
0x173: {  	[tilespmem:s9], [sflag:$0xB] =	stream.indirect.gather [hbm4b:s5+s8], $0x40, s7, s8, $0xb8;
	[tilespmem:$0x19900] =	vst v63  }
0x174: {  	_ =	swait.ge [sflag:s22], $0x2000  }
0x175: {  	s0 =	sld [smem:$0x7B8]  }
0x176: {  	[sflag:s22] =	ssyncset.done $0x0  }
0x177: {  	s7 =	simm.s32 $0xB900;
	[sflag:s22] =	ssyncadd.s32 $0xFFFFE000  }
0x178: {  	[hbm4b:s0+s2] =	stream.linear.scatter [tilespmem:s7], [sflag:$0x12], $0x2000, $0x38;
	[tilespmem:$0x19900] =	vst v63  }
0x179: {  	_ =	swait.ge [sflag:s11], $0x2000  }
0x17a: {  	s0 =	sld [smem:$0x7EE]  }
0x17b: {  	[sflag:s11] =	ssyncset.done $0x0  }
0x17c: {  	s7 =	simm.s32 $0x17900;
	[sflag:s11] =	ssyncadd.s32 $0xFFFFE000  }
0x17d: {  	[tilespmem:s7], [sflag:$0xC] =	stream.indirect.gather [hbm4b:s5+s8], $0x40, s0, s8, $0xb8;
	[tilespmem:$0x19900] =	vst v63  }
0x17e: {  	_ =	swait.ge [sflag:s23], $0x2000  }
0x17f: {  	s0 =	sld [smem:$0x7B9]  }
0x180: {  	[sflag:s23] =	ssyncset.done $0x0  }
0x181: {  	[sflag:s23] =	ssyncadd.s32 $0xFFFFE000  }
0x182: {  	[hbm4b:s0+s2] =	stream.linear.scatter [tilespmem:s4], [sflag:$0x13], $0x2000, $0x38;
	[tilespmem:$0x19900] =	vst v63  }
0x183: {  	_ =	swait.ge [sflag:s31], $0x2000  }
0x184: {  	s7 =	sld [smem:$0x7EF]  }
0x185: {  	[sflag:s31] =	ssyncset.done $0x0  }
0x186: {  	[sflag:s31] =	ssyncadd.s32 $0xFFFFE000;
	s31 =	simm.s32 $0x1900  }
0x187: {  	[tilespmem:s31], [sflag:$0x1] =	stream.indirect.gather [hbm4b:s5+s8], $0x40, s7, s8, $0xb8;
	[tilespmem:$0x19900] =	vst v63  }
0x188: {  	_ =	swait.ge [sflag:s25], $0x2000  }
0x189: {  	s0 =	sld [smem:$0x7BA]  }
0x18a: {  	[sflag:s25] =	ssyncset.done $0x0  }
0x18b: {  	[sflag:s25] =	ssyncadd.s32 $0xFFFFE000  }
0x18c: {  	[hbm4b:s0+s2] =	stream.linear.scatter [tilespmem:s1], [sflag:$0x14], $0x2000, $0x38;
	[tilespmem:$0x19900] =	vst v63  }
0x18d: {  	s1 =	simm.s32 $0xE  }
0x18e: {  	_ =	swait.ge [sflag:s1], $0x2000  }
0x18f: {  	s31 =	simm.s32 $0xE;
	s4 =	sld [smem:$0x7F0]  }
0x190: {  	s1 =	simm.s32 $0xE;
	[sflag:s31] =	ssyncset.done $0x0  }
0x191: {  	[sflag:s1] =	ssyncadd.s32 $0xFFFFE000  }
0x192: {  	[tilespmem:s3], [sflag:$0x2] =	stream.indirect.gather [hbm4b:s5+s8], $0x40, s4, s8, $0xb8;
	[tilespmem:$0x19900] =	vst v63  }
0x193: {  	_ =	swait.ge [sflag:s24], $0x2000  }
0x194: {  	s4 =	sld [smem:$0x7BB]  }
0x195: {  	[sflag:s24] =	ssyncset.done $0x0  }
0x196: {  	s31 =	simm.s32 $0xF;
	s1 =	simm.s32 $0x11900;
	[sflag:s24] =	ssyncadd.s32 $0xFFFFE000  }
0x197: {  	[hbm4b:s4+s2] =	stream.linear.scatter [tilespmem:s1], [sflag:$0x15], $0x2000, $0x38;
	[tilespmem:$0x19900] =	vst v63  }
0x198: {  	_ =	swait.ge [sflag:s31], $0x2000  }
0x199: {  	s4 =	sld [smem:$0x7F1]  }
0x19a: {  	[sflag:s31] =	ssyncset.done $0x0  }
0x19b: {  	[sflag:s31] =	ssyncadd.s32 $0xFFFFE000;
	s31 =	simm.s32 $0x5900  }
0x19c: {  	[tilespmem:s31], [sflag:$0x3] =	stream.indirect.gather [hbm4b:s5+s8], $0x40, s4, s8, $0xb8;
	[tilespmem:$0x19900] =	vst v63  }
0x19d: {  	_ =	swait.ge [sflag:s19], $0x2000  }
0x19e: {  	s0 =	sld [smem:$0x7BC]  }
0x19f: {  	[sflag:s19] =	ssyncset.done $0x0  }
0x1a0: {  	s4 =	simm.s32 $0x13900;
	s31 =	simm.s32 $0x10;
	[sflag:s19] =	ssyncadd.s32 $0xFFFFE000  }
0x1a1: {  	[hbm4b:s0+s2] =	stream.linear.scatter [tilespmem:s4], [sflag:$0x16], $0x2000, $0x38;
	[tilespmem:$0x19900] =	vst v63  }
0x1a2: {  	_ =	swait.ge [sflag:s31], $0x2000  }
0x1a3: {  	s4 =	sld [smem:$0x7F2]  }
0x1a4: {  	[sflag:s31] =	ssyncset.done $0x0  }
0x1a5: {  	[sflag:s31] =	ssyncadd.s32 $0xFFFFE000;
	s31 =	simm.s32 $0x7900  }
0x1a6: {  	[tilespmem:s31], [sflag:$0x4] =	stream.indirect.gather [hbm4b:s5+s8], $0x40, s4, s8, $0xb8;
	[tilespmem:$0x19900] =	vst v63  }
0x1a7: {  	_ =	swait.ge [sflag:s28], $0x2000  }
0x1a8: {  	s4 =	sld [smem:$0x7BD]  }
0x1a9: {  	[sflag:s28] =	ssyncset.done $0x0  }
0x1aa: {  	s9 =	simm.s32 $0x15900;
	s31 =	simm.s32 $0x11;
	[sflag:s28] =	ssyncadd.s32 $0xFFFFE000  }
0x1ab: {  	[hbm4b:s4+s2] =	stream.linear.scatter [tilespmem:s9], [sflag:$0x17], $0x2000, $0x38;
	[tilespmem:$0x19900] =	vst v63  }
0x1ac: {  	_ =	swait.ge [sflag:s31], $0x2000  }
0x1ad: {  	s4 =	sld [smem:$0x7F3]  }
0x1ae: {  	[sflag:s31] =	ssyncset.done $0x0  }
0x1af: {  	s6 =	simm.s32 $0x9900;
	[sflag:s31] =	ssyncadd.s32 $0xFFFFE000  }
0x1b0: {  	[tilespmem:s6], [sflag:$0x5] =	stream.indirect.gather [hbm4b:s5+s8], $0x40, s4, s8, $0xb8;
	[tilespmem:$0x19900] =	vst v63  }
0x1b1: {  	_ =	swait.ge [sflag:s16], $0x2000  }
0x1b2: {  	s6 =	sld [smem:$0x7BE]  }
0x1b3: {  	[sflag:s16] =	ssyncset.done $0x0  }
0x1b4: {  	s4 =	simm.s32 $0x17900;
	[sflag:s16] =	ssyncadd.s32 $0xFFFFE000  }
0x1b5: {  	[hbm4b:s6+s2] =	stream.linear.scatter [tilespmem:s4], [sflag:$0x18], $0x2000, $0x38;
	[tilespmem:$0x19900] =	vst v63  }
0x1b6: {  	_ =	swait.ge [sflag:s30], $0x2000  }
0x1b7: {  	s9 =	sld [smem:$0x7F4]  }
0x1b8: {  	[sflag:s30] =	ssyncset.done $0x0  }
0x1b9: {  	s29 =	simm.s32 $0x1;
	s0 =	simm.s32 $0xB900;
	[sflag:s30] =	ssyncadd.s32 $0xFFFFE000  }
0x1ba: {  	[tilespmem:s0], [sflag:$0x6] =	stream.indirect.gather [hbm4b:s5+s8], $0x40, s9, s8, $0xb8;
	[tilespmem:$0x19900] =	vst v63  }
0x1bb: {  	_ =	swait.ge [sflag:s29], $0x2000  }
0x1bc: {  	s6 =	sld [smem:$0x7BF]  }
0x1bd: {  	[sflag:s29] =	ssyncset.done $0x0  }
0x1be: {  	s9 =	simm.s32 $0x1900;
	[sflag:s29] =	ssyncadd.s32 $0xFFFFE000  }
0x1bf: {  	[hbm4b:s6+s2] =	stream.linear.scatter [tilespmem:s9], [sflag:$0xD], $0x2000, $0x38;
	[tilespmem:$0x19900] =	vst v63  }
0x1c0: {  	_ =	swait.ge [sflag:s20], $0x2000  }
0x1c1: {  	s21 =	sld [smem:$0x7F5]  }
0x1c2: {  	[sflag:s20] =	ssyncset.done $0x0  }
0x1c3: {  	s6 =	simm.s32 $0xD900;
	[sflag:s20] =	ssyncadd.s32 $0xFFFFE000  }
0x1c4: {  	[tilespmem:s6], [sflag:$0x7] =	stream.indirect.gather [hbm4b:s5+s8], $0x40, s21, s8, $0xb8;
	[tilespmem:$0x19900] =	vst v63  }
0x1c5: {  	_ =	swait.ge [sflag:s10], $0x2000  }
0x1c6: {  	s6 =	sld [smem:$0x7C0]  }
0x1c7: {  	[sflag:s10] =	ssyncset.done $0x0  }
0x1c8: {  	[sflag:s10] =	ssyncadd.s32 $0xFFFFE000  }
0x1c9: {  	[hbm4b:s6+s2] =	stream.linear.scatter [tilespmem:s3], [sflag:$0xE], $0x2000, $0x38;
	[tilespmem:$0x19900] =	vst v63  }
0x1ca: {  	_ =	swait.ge [sflag:s17], $0x2000  }
0x1cb: {  	s21 =	sld [smem:$0x7F6]  }
0x1cc: {  	[sflag:s17] =	ssyncset.done $0x0  }
0x1cd: {  	s6 =	simm.s32 $0xF900;
	[sflag:s17] =	ssyncadd.s32 $0xFFFFE000  }
0x1ce: {  	[tilespmem:s6], [sflag:$0x8] =	stream.indirect.gather [hbm4b:s5+s8], $0x40, s21, s8, $0xb8;
	[tilespmem:$0x19900] =	vst v63  }
0x1cf: {  	_ =	swait.ge [sflag:s15], $0x2000  }
0x1d0: {  	s6 =	sld [smem:$0x7C1]  }
0x1d1: {  	[sflag:s15] =	ssyncset.done $0x0  }
0x1d2: {  	[sflag:s15] =	ssyncadd.s32 $0xFFFFE000;
	s15 =	simm.s32 $0x5900  }
0x1d3: {  	[hbm4b:s6+s2] =	stream.linear.scatter [tilespmem:s15], [sflag:$0xF], $0x2000, $0x38;
	[tilespmem:$0x19900] =	vst v63  }
0x1d4: {  	_ =	swait.ge [sflag:s14], $0x2000  }
0x1d5: {  	s15 =	sld [smem:$0x7F7]  }
0x1d6: {  	[sflag:s14] =	ssyncset.done $0x0  }
0x1d7: {  	[sflag:s14] =	ssyncadd.s32 $0xFFFFE000  }
0x1d8: {  	[tilespmem:s1], [sflag:$0x9] =	stream.indirect.gather [hbm4b:s5+s8], $0x40, s15, s8, $0xb8;
	[tilespmem:$0x19900] =	vst v63  }
0x1d9: {  	_ =	swait.ge [sflag:s18], $0x2000  }
0x1da: {  	s6 =	sld [smem:$0x7C2]  }
0x1db: {  	[sflag:s18] =	ssyncset.done $0x0  }
0x1dc: {  	s15 =	simm.s32 $0x7900;
	[sflag:s18] =	ssyncadd.s32 $0xFFFFE000  }
0x1dd: {  	[hbm4b:s6+s2] =	stream.linear.scatter [tilespmem:s15], [sflag:$0x10], $0x2000, $0x38;
	[tilespmem:$0x19900] =	vst v63  }
0x1de: {  	_ =	swait.ge [sflag:s13], $0x2000  }
0x1df: {  	s18 =	sld [smem:$0x7F8]  }
0x1e0: {  	[sflag:s13] =	ssyncset.done $0x0  }
0x1e1: {  	s15 =	simm.s32 $0x13900;
	[sflag:s13] =	ssyncadd.s32 $0xFFFFE000  }
0x1e2: {  	[tilespmem:s15], [sflag:$0xA] =	stream.indirect.gather [hbm4b:s5+s8], $0x40, s18, s8, $0xb8;
	[tilespmem:$0x19900] =	vst v63  }
0x1e3: {  	_ =	swait.ge [sflag:s26], $0x2000  }
0x1e4: {  	s6 =	sld [smem:$0x7C3]  }
0x1e5: {  	[sflag:s26] =	ssyncset.done $0x0  }
0x1e6: {  	s18 =	simm.s32 $0x9900;
	[sflag:s26] =	ssyncadd.s32 $0xFFFFE000  }
0x1e7: {  	[hbm4b:s6+s2] =	stream.linear.scatter [tilespmem:s18], [sflag:$0x11], $0x2000, $0x38;
	[tilespmem:$0x19900] =	vst v63  }
0x1e8: {  	_ =	swait.ge [sflag:s12], $0x2000  }
0x1e9: {  	s26 =	sld [smem:$0x7F9]  }
0x1ea: {  	[sflag:s12] =	ssyncset.done $0x0  }
0x1eb: {  	s18 =	simm.s32 $0x15900;
	[sflag:s12] =	ssyncadd.s32 $0xFFFFE000  }
0x1ec: {  	[tilespmem:s18], [sflag:$0xB] =	stream.indirect.gather [hbm4b:s5+s8], $0x40, s26, s8, $0xb8;
	[tilespmem:$0x19900] =	vst v63  }
0x1ed: {  	_ =	swait.ge [sflag:s22], $0x2000  }
0x1ee: {  	s26 =	sld [smem:$0x7C4]  }
0x1ef: {  	[sflag:s22] =	ssyncset.done $0x0  }
0x1f0: {  	[sflag:s22] =	ssyncadd.s32 $0xFFFFE000  }
0x1f1: {  	[hbm4b:s26+s2] =	stream.linear.scatter [tilespmem:s0], [sflag:$0x12], $0x2000, $0x38;
	[tilespmem:$0x19900] =	vst v63  }
0x1f2: {  	_ =	swait.ge [sflag:s11], $0x2000  }
0x1f3: {  	s0 =	sld [smem:$0x7FA]  }
0x1f4: {  	[sflag:s11] =	ssyncset.done $0x0  }
0x1f5: {  	[sflag:s11] =	ssyncadd.s32 $0xFFFFE000  }
0x1f6: {  	[tilespmem:s4], [sflag:$0xC] =	stream.indirect.gather [hbm4b:s5+s8], $0x40, s0, s8, $0xb8;
	[tilespmem:$0x19900] =	vst v63  }
0x1f7: {  	_ =	swait.ge [sflag:s23], $0x2000  }
0x1f8: {  	s22 =	sld [smem:$0x7C5]  }
0x1f9: {  	[sflag:s23] =	ssyncset.done $0x0  }
0x1fa: {  	s7 =	simm.s32 $0xD;
	s26 =	simm.s32 $0xD900;
	[sflag:s23] =	ssyncadd.s32 $0xFFFFE000  }
0x1fb: {  	[hbm4b:s22+s2] =	stream.linear.scatter [tilespmem:s26], [sflag:$0x13], $0x2000, $0x38;
	[tilespmem:$0x19900] =	vst v63  }
0x1fc: {  	_ =	swait.ge [sflag:s7], $0x2000  }
0x1fd: {  	s4 =	sld [smem:$0x7FB]  }
0x1fe: {  	[sflag:s7] =	ssyncset.done $0x0  }
0x1ff: {  	[sflag:s7] =	ssyncadd.s32 $0xFFFFE000  }
0x200: {  	[tilespmem:s9], [sflag:$0x1] =	stream.indirect.gather [hbm4b:s5+s8], $0x40, s4, s8, $0xb8;
	[tilespmem:$0x19900] =	vst v63  }
0x201: {  	_ =	swait.ge [sflag:s25], $0x2000  }
0x202: {  	s22 =	sld [smem:$0x7C6]  }
0x203: {  	[sflag:s25] =	ssyncset.done $0x0  }
0x204: {  	s6 =	simm.s32 $0xE;
	s23 =	simm.s32 $0xF900;
	[sflag:s25] =	ssyncadd.s32 $0xFFFFE000  }
0x205: {  	[hbm4b:s22+s2] =	stream.linear.scatter [tilespmem:s23], [sflag:$0x14], $0x2000, $0x38;
	[tilespmem:$0x19900] =	vst v63  }
0x206: {  	_ =	swait.ge [sflag:s6], $0x2000  }
0x207: {  	s25 =	sld [smem:$0x7FC]  }
0x208: {  	[sflag:s6] =	ssyncset.done $0x0  }
0x209: {  	[sflag:s6] =	ssyncadd.s32 $0xFFFFE000  }
0x20a: {  	[tilespmem:s3], [sflag:$0x2] =	stream.indirect.gather [hbm4b:s5+s8], $0x40, s25, s8, $0xb8;
	[tilespmem:$0x19900] =	vst v63  }
0x20b: {  	_ =	swait.ge [sflag:s24], $0x2000  }
0x20c: {  	s26 =	sld [smem:$0x7C7]  }
0x20d: {  	[sflag:s24] =	ssyncset.done $0x0  }
0x20e: {  	s1 =	simm.s32 $0x11900;
	[sflag:s24] =	ssyncadd.s32 $0xFFFFE000  }
0x20f: {  	[hbm4b:s26+s2] =	stream.linear.scatter [tilespmem:s1], [sflag:$0x15], $0x2000, $0x38;
	[tilespmem:$0x19900] =	vst v63  }
0x210: {  	_ =	swait.ge [sflag:s19], $0x2000  }
0x211: {  	s9 =	sld [smem:$0x7C8]  }
0x212: {  	[sflag:s19] =	ssyncset.done $0x0  }
0x213: {  	[sflag:s19] =	ssyncadd.s32 $0xFFFFE000  }
0x214: {  	[hbm4b:s9+s2] =	stream.linear.scatter [tilespmem:s15], [sflag:$0x16], $0x2000, $0x38;
	[tilespmem:$0x19900] =	vst v63  }
0x215: {  	_ =	swait.ge [sflag:s28], $0x2000  }
0x216: {  	s22 =	sld [smem:$0x7C9]  }
0x217: {  	[sflag:s28] =	ssyncset.done $0x0  }
0x218: {  	[sflag:s28] =	ssyncadd.s32 $0xFFFFE000  }
0x219: {  	[hbm4b:s22+s2] =	stream.linear.scatter [tilespmem:s18], [sflag:$0x17], $0x2000, $0x38;
	[tilespmem:$0x19900] =	vst v63  }
0x21a: {  	_ =	swait.ge [sflag:s16], $0x2000  }
0x21b: {  	s23 =	sld [smem:$0x7CA]  }
0x21c: {  	[sflag:s16] =	ssyncset.done $0x0  }
0x21d: {  	s0 =	simm.s32 $0x17900;
	[sflag:s16] =	ssyncadd.s32 $0xFFFFE000  }
0x21e: {  	[hbm4b:s23+s2] =	stream.linear.scatter [tilespmem:s0], [sflag:$0x18], $0x2000, $0x38;
	[tilespmem:$0x19900] =	vst v63  }
0x21f: {  	_ =	swait.ge [sflag:s29], $0x2000  }
0x220: {  	s24 =	sld [smem:$0x7CB]  }
0x221: {  	[sflag:s29] =	ssyncset.done $0x0  }
0x222: {  	s4 =	simm.s32 $0x1900;
	[sflag:s29] =	ssyncadd.s32 $0xFFFFE000  }
0x223: {  	[hbm4b:s24+s2] =	stream.linear.scatter [tilespmem:s4], [sflag:$0xD], $0x2000, $0x38;
	[tilespmem:$0x19900] =	vst v63  }
0x224: {  	_ =	swait.ge [sflag:s10], $0x2000  }
0x225: {  	s25 =	sld [smem:$0x7CD]  }
0x226: {  	[sflag:s10] =	ssyncset.done $0x0  }
0x227: {  	s26 =	simm.s32 $0xF;
	[sflag:s10] =	ssyncadd.s32 $0xFFFFE000  }
0x228: {  	[hbm4b:s25+s2] =	stream.linear.scatter [tilespmem:s3], [sflag:$0xE], $0x2000, $0x38;
	[tilespmem:$0x19900] =	vst v63  }
0x229: {  	_ =	swait.ge [sflag:s26], $0x2000  }
0x22a: {  	[sflag:s26] =	ssyncset.done $0x0  }
0x22b: {  	s28 =	simm.s32 $0x10;
	[sflag:s26] =	ssyncadd.s32 $0xFFFFE000  }
0x22c: {  	_ =	swait.ge [sflag:s28], $0x2000  }
0x22d: {  	[sflag:s28] =	ssyncset.done $0x0  }
0x22e: {  	s31 =	simm.s32 $0x11;
	[sflag:s28] =	ssyncadd.s32 $0xFFFFE000  }
0x22f: {  	_ =	swait.ge [sflag:s31], $0x2000  }
0x230: {  	[sflag:s31] =	ssyncset.done $0x0  }
0x231: {  	[sflag:s31] =	ssyncadd.s32 $0xFFFFE000  }
0x232: {  	_ =	swait.ge [sflag:s30], $0x2000  }
0x233: {  	[sflag:s30] =	ssyncset.done $0x0  }
0x234: {  	[sflag:s30] =	ssyncadd.s32 $0xFFFFE000  }
0x235: {  	_ =	swait.ge [sflag:s20], $0x2000  }
0x236: {  	[sflag:s20] =	ssyncset.done $0x0  }
0x237: {  	[sflag:s20] =	ssyncadd.s32 $0xFFFFE000  }
0x238: {  	_ =	swait.ge [sflag:s17], $0x2000  }
0x239: {  	[sflag:s17] =	ssyncset.done $0x0  }
0x23a: {  	[sflag:s17] =	ssyncadd.s32 $0xFFFFE000  }
0x23b: {  	_ =	swait.ge [sflag:s14], $0x2000  }
0x23c: {  	[sflag:s14] =	ssyncset.done $0x0  }
0x23d: {  	[sflag:s14] =	ssyncadd.s32 $0xFFFFE000  }
0x23e: {  	_ =	swait.ge [sflag:s13], $0x2000  }
0x23f: {  	[sflag:s13] =	ssyncset.done $0x0  }
0x240: {  	[sflag:s13] =	ssyncadd.s32 $0xFFFFE000  }
0x241: {  	_ =	swait.ge [sflag:s12], $0x2000  }
0x242: {  	[sflag:s12] =	ssyncset.done $0x0  }
0x243: {  	[sflag:s12] =	ssyncadd.s32 $0xFFFFE000  }
0x244: {  	_ =	swait.ge [sflag:s11], $0x2000  }
0x245: {  	[sflag:s11] =	ssyncset.done $0x0  }
0x246: {  	[sflag:s11] =	ssyncadd.s32 $0xFFFFE000  }
0x247: {  	_ =	swait.ge [sflag:s7], $0x2000  }
0x248: {  	s31 =	sld [smem:$0x7FD];
	_ =	sdelay $0x2  }
0x249: {  	p1 =	sne.s32 s31, $0x1  }
.Ltmp1:
0x24a: {  	_ = 	snop;
	(pc) =	sbr.rel @!p1 .LBB2_7-.Ltmp1, $4  }
0x24b: {  	[sflag:s7] =	ssyncset.done $0x0  }
0x24c: {  	[sflag:s7] =	ssyncadd.s32 $0xFFFFE000  }
0x24d: {  	p0 =	por $0x1, $0x1;
	_ =	swait.ge [sflag:s6], $0x2000  }
0x24e: {  	s0 =	sadd.s32 $0xFFFFFFFF, s31;
	s23 =	rddreg [dreg:$0x3];
	[sflag:s6] =	ssyncset.done $0x0  }
0x24f: {  	s26 =	simm.s32 $0x5  }
0x250: {  	s22 =	simm.s32 $0x6;
	s25 =	simm.s32 $0x8;
	s24 =	simm.s32 $0x9  }
0x251: {  	s28 =	simm.s32 $0x10;
	s30 =	simm.s32 $0xB;
	s21 =	simm.s32 $0xC  }
.LBB2_4:
0x252: {  	s4 =	sadd.s32 $0xFFFFFFFF, s0;
	[sflag:s6] =	ssyncadd.s32 $0xFFFFE000;
	s6 =	simm.s32 $0x1000  }
0x253: {  	[tilespmem:s2], [sflag:$0x19] =	stream.strided.gather [hbm4b:s23+s8], $0x1900, s6, s8, $0x38;
	[tilespmem:$0x19900] =	vst v63  }
0x254: {  	[smem:$0x7B7] =	sst s4;
	s4 =	simm.s32 $0x19  }
0x255: {  	_ =	swait.ge [sflag:s4], $0x1900  }
0x256: {  	[sflag:s4] =	ssyncset.done $0x0  }
0x257: {  	s7 =	simm.s32 $0x1900;
	[sflag:s4] =	ssyncadd.s32 $0xFFFFE700  }
0x258: {  	[tilespmem:s7], [sflag:$0x1] =	stream.indirect.gather [hbm4b:s5+s8], $0x40, s2, s8, $0xb8;
	[tilespmem:$0x19900] =	vst v63  }
0x259: {  	s9 =	sld [smem:$0x7CE]  }
0x25a: {  	[tilespmem:s3], [sflag:$0x2] =	stream.indirect.gather [hbm4b:s5+s8], $0x40, s8, s8, $0xb8;
	[tilespmem:$0x19900] =	vst v63  }
0x25b: {  	s11 =	simm.s32 $0x5900;
	s10 =	sld [smem:$0x7CF]  }
0x25c: {  	[tilespmem:s11], [sflag:$0x3] =	stream.indirect.gather [hbm4b:s5+s8], $0x40, s9, s8, $0xb8;
	[tilespmem:$0x19900] =	vst v63  }
0x25d: {  	s14 =	simm.s32 $0x7900;
	s12 =	sld [smem:$0x7D0]  }
0x25e: {  	[tilespmem:s14], [sflag:$0x4] =	stream.indirect.gather [hbm4b:s5+s8], $0x40, s10, s8, $0xb8;
	[tilespmem:$0x19900] =	vst v63  }
0x25f: {  	s16 =	simm.s32 $0x9900;
	s15 =	sld [smem:$0x7D1]  }
0x260: {  	[tilespmem:s16], [sflag:$0x5] =	stream.indirect.gather [hbm4b:s5+s8], $0x40, s12, s8, $0xb8;
	[tilespmem:$0x19900] =	vst v63  }
0x261: {  	s17 =	simm.s32 $0xB900;
	s10 =	simm.s32 $0x1  }
0x262: {  	[tilespmem:s17], [sflag:$0x6] =	stream.indirect.gather [hbm4b:s5+s8], $0x40, s15, s8, $0xb8;
	[tilespmem:$0x19900] =	vst v63  }
0x263: {  	_ =	swait.ge [sflag:s10], $0x2000  }
0x264: {  	s19 =	sld [smem:$0x7CC]  }
0x265: {  	[sflag:s10] =	ssyncset.done $0x0  }
0x266: {  	s1 =	simm.s32 $0x1900;
	s18 =	sld [smem:$0x7D2];
	[sflag:s10] =	ssyncadd.s32 $0xFFFFE000  }
0x267: {  	[hbm4b:s19+s2] =	stream.linear.scatter [tilespmem:s1], [sflag:$0xD], $0x2000, $0x38;
	[tilespmem:$0x19900] =	vst v63  }
0x268: {  	s20 =	simm.s32 $0xD900;
	s11 =	simm.s32 $0x2  }
0x269: {  	[tilespmem:s20], [sflag:$0x7] =	stream.indirect.gather [hbm4b:s5+s8], $0x40, s18, s8, $0xb8;
	[tilespmem:$0x19900] =	vst v63  }
0x26a: {  	_ =	swait.ge [sflag:s11], $0x2000  }
0x26b: {  	s23 =	rddreg [dreg:$0x4];
	[sflag:s11] =	ssyncset.done $0x0  }
0x26c: {  	s6 =	simm.s32 $0x3900;
	s31 =	sld [smem:$0x7D3];
	[sflag:s11] =	ssyncadd.s32 $0xFFFFE000  }
0x26d: {  	[hbm4b:s23+s2] =	stream.linear.scatter [tilespmem:s6], [sflag:$0xE], $0x2000, $0x38;
	[tilespmem:$0x19900] =	vst v63  }
0x26e: {  	s12 =	simm.s32 $0xF900  }
0x26f: {  	[tilespmem:s12], [sflag:$0x8] =	stream.indirect.gather [hbm4b:s5+s8], $0x40, s31, s8, $0xb8;
	[tilespmem:$0x19900] =	vst v63  }
0x270: {  	s12 =	simm.s32 $0x3  }
0x271: {  	_ =	swait.ge [sflag:s12], $0x2000  }
0x272: {  	s15 =	rddreg [dreg:$0x5];
	[sflag:s12] =	ssyncset.done $0x0  }
0x273: {  	s4 =	simm.s32 $0x5900;
	s18 =	sld [smem:$0x7D4];
	[sflag:s12] =	ssyncadd.s32 $0xFFFFE000  }
0x274: {  	[hbm4b:s15+s2] =	stream.linear.scatter [tilespmem:s4], [sflag:$0xF], $0x2000, $0x38;
	[tilespmem:$0x19900] =	vst v63  }
0x275: {  	s19 =	simm.s32 $0x11900;
	s15 =	simm.s32 $0x4  }
0x276: {  	[tilespmem:s19], [sflag:$0x9] =	stream.indirect.gather [hbm4b:s5+s8], $0x40, s18, s8, $0xb8;
	[tilespmem:$0x19900] =	vst v63  }
0x277: {  	_ =	swait.ge [sflag:s15], $0x2000  }
0x278: {  	p1 =	sne.s32 s0, $0x1;
	s31 =	rddreg [dreg:$0x6];
	[sflag:s15] =	ssyncset.done $0x0  }
0x279: {  	s13 =	simm.s32 $0x7900;
	s0 =	sld [smem:$0x7D5];
	[sflag:s15] =	ssyncadd.s32 $0xFFFFE000  }
0x27a: {  	[hbm4b:s31+s2] =	stream.linear.scatter [tilespmem:s13], [sflag:$0x10], $0x2000, $0x38;
	[tilespmem:$0x19900] =	vst v63  }
0x27b: {  	s19 =	simm.s32 $0x13900  }
0x27c: {  	[tilespmem:s19], [sflag:$0xA] =	stream.indirect.gather [hbm4b:s5+s8], $0x40, s0, s8, $0xb8;
	[tilespmem:$0x19900] =	vst v63  }
0x27d: {  	_ =	swait.ge [sflag:s26], $0x2000  }
0x27e: {  	s31 =	rddreg [dreg:$0x7];
	[sflag:s26] =	ssyncset.done $0x0  }
0x27f: {  	s16 =	simm.s32 $0x9900;
	s0 =	sld [smem:$0x7D6];
	[sflag:s26] =	ssyncadd.s32 $0xFFFFE000  }
0x280: {  	[hbm4b:s31+s2] =	stream.linear.scatter [tilespmem:s16], [sflag:$0x11], $0x2000, $0x38;
	[tilespmem:$0x19900] =	vst v63  }
0x281: {  	s19 =	simm.s32 $0x15900  }
0x282: {  	[tilespmem:s19], [sflag:$0xB] =	stream.indirect.gather [hbm4b:s5+s8], $0x40, s0, s8, $0xb8;
	[tilespmem:$0x19900] =	vst v63  }
0x283: {  	_ =	swait.ge [sflag:s22], $0x2000  }
0x284: {  	s31 =	rddreg [dreg:$0x8];
	[sflag:s22] =	ssyncset.done $0x0  }
0x285: {  	s14 =	simm.s32 $0xB900;
	s0 =	sld [smem:$0x7D7];
	[sflag:s22] =	ssyncadd.s32 $0xFFFFE000  }
0x286: {  	[hbm4b:s31+s2] =	stream.linear.scatter [tilespmem:s14], [sflag:$0x12], $0x2000, $0x38;
	[tilespmem:$0x19900] =	vst v63  }
0x287: {  	s14 =	simm.s32 $0x17900  }
0x288: {  	[tilespmem:s14], [sflag:$0xC] =	stream.indirect.gather [hbm4b:s5+s8], $0x40, s0, s8, $0xb8;
	[tilespmem:$0x19900] =	vst v63  }
0x289: {  	s0 =	simm.s32 $0x7  }
0x28a: {  	_ =	swait.ge [sflag:s0], $0x2000  }
0x28b: {  	s9 =	simm.s32 $0xD;
	[sflag:s0] =	ssyncset.done $0x0  }
0x28c: {  	s1 =	simm.s32 $0xD900;
	s23 =	rddreg [dreg:$0x9];
	[sflag:s0] =	ssyncadd.s32 $0xFFFFE000  }
0x28d: {  	[hbm4b:s23+s2] =	stream.linear.scatter [tilespmem:s1], [sflag:$0x13], $0x2000, $0x38;
	[tilespmem:$0x19900] =	vst v63  }
0x28e: {  	_ =	swait.ge [sflag:s9], $0x2000  }
0x28f: {  	s31 =	sld [smem:$0x7D8]  }
0x290: {  	[sflag:s9] =	ssyncset.done $0x0  }
0x291: {  	s17 =	simm.s32 $0x1900;
	[sflag:s9] =	ssyncadd.s32 $0xFFFFE000  }
0x292: {  	[tilespmem:s17], [sflag:$0x1] =	stream.indirect.gather [hbm4b:s5+s8], $0x40, s31, s8, $0xb8;
	[tilespmem:$0x19900] =	vst v63  }
0x293: {  	_ =	swait.ge [sflag:s25], $0x2000  }
0x294: {  	s7 =	simm.s32 $0xE;
	[sflag:s25] =	ssyncset.done $0x0  }
0x295: {  	s20 =	simm.s32 $0xF900;
	s1 =	rddreg [dreg:$0xa];
	[sflag:s25] =	ssyncadd.s32 $0xFFFFE000  }
0x296: {  	[hbm4b:s1+s2] =	stream.linear.scatter [tilespmem:s20], [sflag:$0x14], $0x2000, $0x38;
	[tilespmem:$0x19900] =	vst v63  }
0x297: {  	_ =	swait.ge [sflag:s7], $0x2000  }
0x298: {  	s20 =	sld [smem:$0x7D9]  }
0x299: {  	[sflag:s7] =	ssyncset.done $0x0  }
0x29a: {  	s23 =	simm.s32 $0x3900;
	[sflag:s7] =	ssyncadd.s32 $0xFFFFE000  }
0x29b: {  	[tilespmem:s23], [sflag:$0x2] =	stream.indirect.gather [hbm4b:s5+s8], $0x40, s20, s8, $0xb8;
	[tilespmem:$0x19900] =	vst v63  }
0x29c: {  	_ =	swait.ge [sflag:s24], $0x2000  }
0x29d: {  	s4 =	simm.s32 $0x11900;
	[sflag:s24] =	ssyncset.done $0x0  }
0x29e: {  	s23 =	simm.s32 $0xF;
	s31 =	rddreg [dreg:$0xb];
	[sflag:s24] =	ssyncadd.s32 $0xFFFFE000  }
0x29f: {  	[hbm4b:s31+s2] =	stream.linear.scatter [tilespmem:s4], [sflag:$0x15], $0x2000, $0x38;
	[tilespmem:$0x19900] =	vst v63  }
0x2a0: {  	_ =	swait.ge [sflag:s23], $0x2000  }
0x2a1: {  	s1 =	sld [smem:$0x7DA]  }
0x2a2: {  	[sflag:s23] =	ssyncset.done $0x0  }
0x2a3: {  	s6 =	simm.s32 $0x5900;
	[sflag:s23] =	ssyncadd.s32 $0xFFFFE000  }
0x2a4: {  	[tilespmem:s6], [sflag:$0x3] =	stream.indirect.gather [hbm4b:s5+s8], $0x40, s1, s8, $0xb8;
	[tilespmem:$0x19900] =	vst v63  }
0x2a5: {  	s1 =	simm.s32 $0xA  }
0x2a6: {  	_ =	swait.ge [sflag:s1], $0x2000  }
0x2a7: {  	[sflag:s1] =	ssyncset.done $0x0  }
0x2a8: {  	s13 =	simm.s32 $0x13900;
	s4 =	rddreg [dreg:$0xc];
	[sflag:s1] =	ssyncadd.s32 $0xFFFFE000  }
0x2a9: {  	[hbm4b:s4+s2] =	stream.linear.scatter [tilespmem:s13], [sflag:$0x16], $0x2000, $0x38;
	[tilespmem:$0x19900] =	vst v63  }
0x2aa: {  	_ =	swait.ge [sflag:s28], $0x2000  }
0x2ab: {  	s13 =	sld [smem:$0x7DB]  }
0x2ac: {  	[sflag:s28] =	ssyncset.done $0x0  }
0x2ad: {  	s18 =	simm.s32 $0x7900;
	[sflag:s28] =	ssyncadd.s32 $0xFFFFE000  }
0x2ae: {  	[tilespmem:s18], [sflag:$0x4] =	stream.indirect.gather [hbm4b:s5+s8], $0x40, s13, s8, $0xb8;
	[tilespmem:$0x19900] =	vst v63  }
0x2af: {  	_ =	swait.ge [sflag:s30], $0x2000  }
0x2b0: {  	s19 =	simm.s32 $0x15900;
	[sflag:s30] =	ssyncset.done $0x0  }
0x2b1: {  	s4 =	simm.s32 $0x11;
	s20 =	rddreg [dreg:$0xd];
	[sflag:s30] =	ssyncadd.s32 $0xFFFFE000  }
0x2b2: {  	[hbm4b:s20+s2] =	stream.linear.scatter [tilespmem:s19], [sflag:$0x17], $0x2000, $0x38;
	[tilespmem:$0x19900] =	vst v63  }
0x2b3: {  	_ =	swait.ge [sflag:s4], $0x2000  }
0x2b4: {  	s31 =	sld [smem:$0x7DC]  }
0x2b5: {  	[sflag:s4] =	ssyncset.done $0x0  }
0x2b6: {  	s16 =	simm.s32 $0x9900;
	[sflag:s4] =	ssyncadd.s32 $0xFFFFE000  }
0x2b7: {  	[tilespmem:s16], [sflag:$0x5] =	stream.indirect.gather [hbm4b:s5+s8], $0x40, s31, s8, $0xb8;
	[tilespmem:$0x19900] =	vst v63  }
0x2b8: {  	_ =	swait.ge [sflag:s21], $0x2000  }
0x2b9: {  	[sflag:s21] =	ssyncset.done $0x0  }
0x2ba: {  	s14 =	simm.s32 $0x17900;
	s16 =	rddreg [dreg:$0xe];
	[sflag:s21] =	ssyncadd.s32 $0xFFFFE000  }
0x2bb: {  	[hbm4b:s16+s2] =	stream.linear.scatter [tilespmem:s14], [sflag:$0x18], $0x2000, $0x38;
	[tilespmem:$0x19900] =	vst v63  }
0x2bc: {  	s16 =	simm.s32 $0x12  }
0x2bd: {  	_ =	swait.ge [sflag:s16], $0x2000  }
0x2be: {  	s18 =	sld [smem:$0x7DD]  }
0x2bf: {  	[sflag:s16] =	ssyncset.done $0x0  }
0x2c0: {  	s31 =	simm.s32 $0xB900;
	[sflag:s16] =	ssyncadd.s32 $0xFFFFE000  }
0x2c1: {  	[tilespmem:s31], [sflag:$0x6] =	stream.indirect.gather [hbm4b:s5+s8], $0x40, s18, s8, $0xb8;
	[tilespmem:$0x19900] =	vst v63  }
0x2c2: {  	_ =	swait.ge [sflag:s10], $0x2000  }
0x2c3: {  	s17 =	simm.s32 $0x1900;
	[sflag:s10] =	ssyncset.done $0x0  }
0x2c4: {  	s18 =	simm.s32 $0x13;
	s19 =	rddreg [dreg:$0xf];
	[sflag:s10] =	ssyncadd.s32 $0xFFFFE000  }
0x2c5: {  	[hbm4b:s19+s2] =	stream.linear.scatter [tilespmem:s17], [sflag:$0xD], $0x2000, $0x38;
	[tilespmem:$0x19900] =	vst v63  }
0x2c6: {  	_ =	swait.ge [sflag:s18], $0x2000  }
0x2c7: {  	s14 =	sld [smem:$0x7DE]  }
0x2c8: {  	[sflag:s18] =	ssyncset.done $0x0  }
0x2c9: {  	s29 =	simm.s32 $0xD900;
	[sflag:s18] =	ssyncadd.s32 $0xFFFFE000  }
0x2ca: {  	[tilespmem:s29], [sflag:$0x7] =	stream.indirect.gather [hbm4b:s5+s8], $0x40, s14, s8, $0xb8;
	[tilespmem:$0x19900] =	vst v63  }
0x2cb: {  	_ =	swait.ge [sflag:s11], $0x2000  }
0x2cc: {  	[sflag:s11] =	ssyncset.done $0x0  }
0x2cd: {  	s19 =	simm.s32 $0x3900;
	s17 =	rddreg [dreg:$0x10];
	[sflag:s11] =	ssyncadd.s32 $0xFFFFE000  }
0x2ce: {  	[hbm4b:s17+s2] =	stream.linear.scatter [tilespmem:s19], [sflag:$0xE], $0x2000, $0x38;
	[tilespmem:$0x19900] =	vst v63  }
0x2cf: {  	s17 =	simm.s32 $0x14  }
0x2d0: {  	_ =	swait.ge [sflag:s17], $0x2000  }
0x2d1: {  	s14 =	sld [smem:$0x7DF]  }
0x2d2: {  	[sflag:s17] =	ssyncset.done $0x0  }
0x2d3: {  	s11 =	simm.s32 $0xF900;
	[sflag:s17] =	ssyncadd.s32 $0xFFFFE000  }
0x2d4: {  	[tilespmem:s11], [sflag:$0x8] =	stream.indirect.gather [hbm4b:s5+s8], $0x40, s14, s8, $0xb8;
	[tilespmem:$0x19900] =	vst v63  }
0x2d5: {  	_ =	swait.ge [sflag:s12], $0x2000  }
0x2d6: {  	[sflag:s12] =	ssyncset.done $0x0  }
0x2d7: {  	s6 =	simm.s32 $0x5900;
	s19 =	rddreg [dreg:$0x11];
	[sflag:s12] =	ssyncadd.s32 $0xFFFFE000  }
0x2d8: {  	[hbm4b:s19+s2] =	stream.linear.scatter [tilespmem:s6], [sflag:$0xF], $0x2000, $0x38;
	[tilespmem:$0x19900] =	vst v63  }
0x2d9: {  	s19 =	simm.s32 $0x15  }
0x2da: {  	_ =	swait.ge [sflag:s19], $0x2000  }
0x2db: {  	s6 =	sld [smem:$0x7E0]  }
0x2dc: {  	[sflag:s19] =	ssyncset.done $0x0  }
0x2dd: {  	s14 =	simm.s32 $0x11900;
	[sflag:s19] =	ssyncadd.s32 $0xFFFFE000  }
0x2de: {  	[tilespmem:s14], [sflag:$0x9] =	stream.indirect.gather [hbm4b:s5+s8], $0x40, s6, s8, $0xb8;
	[tilespmem:$0x19900] =	vst v63  }
0x2df: {  	_ =	swait.ge [sflag:s15], $0x2000  }
0x2e0: {  	[sflag:s15] =	ssyncset.done $0x0  }
0x2e1: {  	s13 =	simm.s32 $0x7900;
	s14 =	rddreg [dreg:$0x12];
	[sflag:s15] =	ssyncadd.s32 $0xFFFFE000  }
0x2e2: {  	[hbm4b:s14+s2] =	stream.linear.scatter [tilespmem:s13], [sflag:$0x10], $0x2000, $0x38;
	[tilespmem:$0x19900] =	vst v63  }
0x2e3: {  	s13 =	simm.s32 $0x16  }
0x2e4: {  	_ =	swait.ge [sflag:s13], $0x2000  }
0x2e5: {  	s3 =	sld [smem:$0x7E1]  }
0x2e6: {  	[sflag:s13] =	ssyncset.done $0x0  }
0x2e7: {  	s14 =	simm.s32 $0x13900;
	[sflag:s13] =	ssyncadd.s32 $0xFFFFE000  }
0x2e8: {  	[tilespmem:s14], [sflag:$0xA] =	stream.indirect.gather [hbm4b:s5+s8], $0x40, s3, s8, $0xb8;
	[tilespmem:$0x19900] =	vst v63  }
0x2e9: {  	_ =	swait.ge [sflag:s26], $0x2000  }
0x2ea: {  	[sflag:s26] =	ssyncset.done $0x0  }
0x2eb: {  	s20 =	simm.s32 $0x9900;
	s14 =	rddreg [dreg:$0x13];
	[sflag:s26] =	ssyncadd.s32 $0xFFFFE000  }
0x2ec: {  	[hbm4b:s14+s2] =	stream.linear.scatter [tilespmem:s20], [sflag:$0x11], $0x2000, $0x38;
	[tilespmem:$0x19900] =	vst v63  }
0x2ed: {  	s14 =	simm.s32 $0x17  }
0x2ee: {  	_ =	swait.ge [sflag:s14], $0x2000  }
0x2ef: {  	s3 =	sld [smem:$0x7E2]  }
0x2f0: {  	[sflag:s14] =	ssyncset.done $0x0  }
0x2f1: {  	s20 =	simm.s32 $0x15900;
	[sflag:s14] =	ssyncadd.s32 $0xFFFFE000  }
0x2f2: {  	[tilespmem:s20], [sflag:$0xB] =	stream.indirect.gather [hbm4b:s5+s8], $0x40, s3, s8, $0xb8;
	[tilespmem:$0x19900] =	vst v63  }
0x2f3: {  	_ =	swait.ge [sflag:s22], $0x2000  }
0x2f4: {  	[sflag:s22] =	ssyncset.done $0x0  }
0x2f5: {  	s20 =	rddreg [dreg:$0x14];
	[sflag:s22] =	ssyncadd.s32 $0xFFFFE000  }
0x2f6: {  	[hbm4b:s20+s2] =	stream.linear.scatter [tilespmem:s31], [sflag:$0x12], $0x2000, $0x38;
	[tilespmem:$0x19900] =	vst v63  }
0x2f7: {  	s20 =	simm.s32 $0x18  }
0x2f8: {  	_ =	swait.ge [sflag:s20], $0x2000  }
0x2f9: {  	s3 =	sld [smem:$0x7E3]  }
0x2fa: {  	[sflag:s20] =	ssyncset.done $0x0  }
0x2fb: {  	s31 =	simm.s32 $0x17900;
	[sflag:s20] =	ssyncadd.s32 $0xFFFFE000  }
0x2fc: {  	[tilespmem:s31], [sflag:$0xC] =	stream.indirect.gather [hbm4b:s5+s8], $0x40, s3, s8, $0xb8;
	[tilespmem:$0x19900] =	vst v63  }
0x2fd: {  	_ =	swait.ge [sflag:s0], $0x2000  }
0x2fe: {  	[sflag:s0] =	ssyncset.done $0x0  }
0x2ff: {  	s3 =	rddreg [dreg:$0x15];
	[sflag:s0] =	ssyncadd.s32 $0xFFFFE000  }
0x300: {  	[hbm4b:s3+s2] =	stream.linear.scatter [tilespmem:s29], [sflag:$0x13], $0x2000, $0x38;
	[tilespmem:$0x19900] =	vst v63  }
0x301: {  	_ =	swait.ge [sflag:s9], $0x2000  }
0x302: {  	s3 =	sld [smem:$0x7E4]  }
0x303: {  	[sflag:s9] =	ssyncset.done $0x0  }
0x304: {  	s29 =	simm.s32 $0x1900;
	[sflag:s9] =	ssyncadd.s32 $0xFFFFE000  }
0x305: {  	[tilespmem:s29], [sflag:$0x1] =	stream.indirect.gather [hbm4b:s5+s8], $0x40, s3, s8, $0xb8;
	[tilespmem:$0x19900] =	vst v63  }
0x306: {  	_ =	swait.ge [sflag:s25], $0x2000  }
0x307: {  	[sflag:s25] =	ssyncset.done $0x0  }
0x308: {  	s3 =	rddreg [dreg:$0x16];
	[sflag:s25] =	ssyncadd.s32 $0xFFFFE000  }
0x309: {  	[hbm4b:s3+s2] =	stream.linear.scatter [tilespmem:s11], [sflag:$0x14], $0x2000, $0x38;
	[tilespmem:$0x19900] =	vst v63  }
0x30a: {  	_ =	swait.ge [sflag:s7], $0x2000  }
0x30b: {  	s3 =	sld [smem:$0x7E5]  }
0x30c: {  	[sflag:s7] =	ssyncset.done $0x0  }
0x30d: {  	s11 =	simm.s32 $0x3900;
	[sflag:s7] =	ssyncadd.s32 $0xFFFFE000  }
0x30e: {  	[tilespmem:s11], [sflag:$0x2] =	stream.indirect.gather [hbm4b:s5+s8], $0x40, s3, s8, $0xb8;
	[tilespmem:$0x19900] =	vst v63  }
0x30f: {  	_ =	swait.ge [sflag:s24], $0x2000  }
0x310: {  	[sflag:s24] =	ssyncset.done $0x0  }
0x311: {  	s6 =	simm.s32 $0x11900;
	s11 =	rddreg [dreg:$0x17];
	[sflag:s24] =	ssyncadd.s32 $0xFFFFE000  }
0x312: {  	[hbm4b:s11+s2] =	stream.linear.scatter [tilespmem:s6], [sflag:$0x15], $0x2000, $0x38;
	[tilespmem:$0x19900] =	vst v63  }
0x313: {  	_ =	swait.ge [sflag:s23], $0x2000  }
0x314: {  	s6 =	sld [smem:$0x7E6]  }
0x315: {  	[sflag:s23] =	ssyncset.done $0x0  }
0x316: {  	s11 =	simm.s32 $0x5900;
	[sflag:s23] =	ssyncadd.s32 $0xFFFFE000  }
0x317: {  	[tilespmem:s11], [sflag:$0x3] =	stream.indirect.gather [hbm4b:s5+s8], $0x40, s6, s8, $0xb8;
	[tilespmem:$0x19900] =	vst v63  }
0x318: {  	_ =	swait.ge [sflag:s1], $0x2000  }
0x319: {  	[sflag:s1] =	ssyncset.done $0x0  }
0x31a: {  	s11 =	simm.s32 $0x13900;
	s6 =	rddreg [dreg:$0x18];
	[sflag:s1] =	ssyncadd.s32 $0xFFFFE000  }
0x31b: {  	[hbm4b:s6+s2] =	stream.linear.scatter [tilespmem:s11], [sflag:$0x16], $0x2000, $0x38;
	[tilespmem:$0x19900] =	vst v63  }
0x31c: {  	_ =	swait.ge [sflag:s28], $0x2000  }
0x31d: {  	s6 =	sld [smem:$0x7E7]  }
0x31e: {  	[sflag:s28] =	ssyncset.done $0x0  }
0x31f: {  	s11 =	simm.s32 $0x7900;
	[sflag:s28] =	ssyncadd.s32 $0xFFFFE000  }
0x320: {  	[tilespmem:s11], [sflag:$0x4] =	stream.indirect.gather [hbm4b:s5+s8], $0x40, s6, s8, $0xb8;
	[tilespmem:$0x19900] =	vst v63  }
0x321: {  	_ =	swait.ge [sflag:s30], $0x2000  }
0x322: {  	[sflag:s30] =	ssyncset.done $0x0  }
0x323: {  	s11 =	simm.s32 $0x15900;
	s6 =	rddreg [dreg:$0x19];
	[sflag:s30] =	ssyncadd.s32 $0xFFFFE000  }
0x324: {  	[hbm4b:s6+s2] =	stream.linear.scatter [tilespmem:s11], [sflag:$0x17], $0x2000, $0x38;
	[tilespmem:$0x19900] =	vst v63  }
0x325: {  	_ =	swait.ge [sflag:s4], $0x2000  }
0x326: {  	s6 =	sld [smem:$0x7E8]  }
0x327: {  	[sflag:s4] =	ssyncset.done $0x0  }
0x328: {  	s11 =	simm.s32 $0x9900;
	[sflag:s4] =	ssyncadd.s32 $0xFFFFE000  }
0x329: {  	[tilespmem:s11], [sflag:$0x5] =	stream.indirect.gather [hbm4b:s5+s8], $0x40, s6, s8, $0xb8;
	[tilespmem:$0x19900] =	vst v63  }
0x32a: {  	_ =	swait.ge [sflag:s21], $0x2000  }
0x32b: {  	[sflag:s21] =	ssyncset.done $0x0  }
0x32c: {  	s31 =	simm.s32 $0x17900;
	s6 =	rddreg [dreg:$0x1a];
	[sflag:s21] =	ssyncadd.s32 $0xFFFFE000  }
0x32d: {  	[hbm4b:s6+s2] =	stream.linear.scatter [tilespmem:s31], [sflag:$0x18], $0x2000, $0x38;
	[tilespmem:$0x19900] =	vst v63  }
0x32e: {  	_ =	swait.ge [sflag:s16], $0x2000  }
0x32f: {  	s11 =	sld [smem:$0x7E9]  }
0x330: {  	[sflag:s16] =	ssyncset.done $0x0  }
0x331: {  	s31 =	simm.s32 $0xB900;
	[sflag:s16] =	ssyncadd.s32 $0xFFFFE000  }
0x332: {  	[tilespmem:s31], [sflag:$0x6] =	stream.indirect.gather [hbm4b:s5+s8], $0x40, s11, s8, $0xb8;
	[tilespmem:$0x19900] =	vst v63  }
0x333: {  	_ =	swait.ge [sflag:s10], $0x2000  }
0x334: {  	[sflag:s10] =	ssyncset.done $0x0  }
0x335: {  	s11 =	simm.s32 $0x1900;
	s6 =	rddreg [dreg:$0x1b];
	[sflag:s10] =	ssyncadd.s32 $0xFFFFE000  }
0x336: {  	[hbm4b:s6+s2] =	stream.linear.scatter [tilespmem:s11], [sflag:$0xD], $0x2000, $0x38;
	[tilespmem:$0x19900] =	vst v63  }
0x337: {  	_ =	swait.ge [sflag:s18], $0x2000  }
0x338: {  	s31 =	sld [smem:$0x7EA]  }
0x339: {  	[sflag:s18] =	ssyncset.done $0x0  }
0x33a: {  	s10 =	simm.s32 $0x2;
	s6 =	simm.s32 $0xD900;
	[sflag:s18] =	ssyncadd.s32 $0xFFFFE000  }
0x33b: {  	[tilespmem:s6], [sflag:$0x7] =	stream.indirect.gather [hbm4b:s5+s8], $0x40, s31, s8, $0xb8;
	[tilespmem:$0x19900] =	vst v63  }
0x33c: {  	_ =	swait.ge [sflag:s10], $0x2000  }
0x33d: {  	[sflag:s10] =	ssyncset.done $0x0  }
0x33e: {  	s6 =	simm.s32 $0x3900;
	s11 =	rddreg [dreg:$0x1c];
	[sflag:s10] =	ssyncadd.s32 $0xFFFFE000  }
0x33f: {  	[hbm4b:s11+s2] =	stream.linear.scatter [tilespmem:s6], [sflag:$0xE], $0x2000, $0x38;
	[tilespmem:$0x19900] =	vst v63  }
0x340: {  	_ =	swait.ge [sflag:s17], $0x2000  }
0x341: {  	s6 =	sld [smem:$0x7EB]  }
0x342: {  	[sflag:s17] =	ssyncset.done $0x0  }
0x343: {  	s11 =	simm.s32 $0xF900;
	[sflag:s17] =	ssyncadd.s32 $0xFFFFE000  }
0x344: {  	[tilespmem:s11], [sflag:$0x8] =	stream.indirect.gather [hbm4b:s5+s8], $0x40, s6, s8, $0xb8;
	[tilespmem:$0x19900] =	vst v63  }
0x345: {  	_ =	swait.ge [sflag:s12], $0x2000  }
0x346: {  	[sflag:s12] =	ssyncset.done $0x0  }
0x347: {  	s6 =	simm.s32 $0x5900;
	s3 =	rddreg [dreg:$0x1d];
	[sflag:s12] =	ssyncadd.s32 $0xFFFFE000  }
0x348: {  	[hbm4b:s3+s2] =	stream.linear.scatter [tilespmem:s6], [sflag:$0xF], $0x2000, $0x38;
	[tilespmem:$0x19900] =	vst v63  }
0x349: {  	_ =	swait.ge [sflag:s19], $0x2000  }
0x34a: {  	[sflag:s19] =	ssyncset.done $0x0  }
0x34b: {  	s3 =	simm.s32 $0x1000;
	s6 =	simm.s32 $0x11900;
	[sflag:s19] =	ssyncadd.s32 $0xFFFFE000  }
0x34c: {  	[tilespmem:s6], [sflag:$0x9] =	stream.indirect.gather [hbm4b:s5+s8], $0x40, s3, s8, $0xb8;
	[tilespmem:$0x19900] =	vst v63  }
0x34d: {  	_ =	swait.ge [sflag:s15], $0x2000  }
0x34e: {  	[sflag:s15] =	ssyncset.done $0x0  }
0x34f: {  	s6 =	simm.s32 $0x7900;
	s3 =	rddreg [dreg:$0x1e];
	[sflag:s15] =	ssyncadd.s32 $0xFFFFE000  }
0x350: {  	[hbm4b:s3+s2] =	stream.linear.scatter [tilespmem:s6], [sflag:$0x10], $0x2000, $0x38;
	[tilespmem:$0x19900] =	vst v63  }
0x351: {  	_ =	swait.ge [sflag:s13], $0x2000  }
0x352: {  	s3 =	sld [smem:$0x7EC]  }
0x353: {  	[sflag:s13] =	ssyncset.done $0x0  }
0x354: {  	s6 =	simm.s32 $0x13900;
	[sflag:s13] =	ssyncadd.s32 $0xFFFFE000  }
0x355: {  	[tilespmem:s6], [sflag:$0xA] =	stream.indirect.gather [hbm4b:s5+s8], $0x40, s3, s8, $0xb8;
	[tilespmem:$0x19900] =	vst v63  }
0x356: {  	_ =	swait.ge [sflag:s26], $0x2000  }
0x357: {  	[sflag:s26] =	ssyncset.done $0x0  }
0x358: {  	s29 =	simm.s32 $0x9900;
	s6 =	rddreg [dreg:$0x1f];
	[sflag:s26] =	ssyncadd.s32 $0xFFFFE000  }
0x359: {  	[hbm4b:s6+s2] =	stream.linear.scatter [tilespmem:s29], [sflag:$0x11], $0x2000, $0x38;
	[tilespmem:$0x19900] =	vst v63  }
0x35a: {  	_ =	swait.ge [sflag:s14], $0x2000  }
0x35b: {  	s6 =	sld [smem:$0x7ED]  }
0x35c: {  	[sflag:s14] =	ssyncset.done $0x0  }
0x35d: {  	s29 =	simm.s32 $0x15900;
	[sflag:s14] =	ssyncadd.s32 $0xFFFFE000  }
0x35e: {  	[tilespmem:s29], [sflag:$0xB] =	stream.indirect.gather [hbm4b:s5+s8], $0x40, s6, s8, $0xb8;
	[tilespmem:$0x19900] =	vst v63  }
0x35f: {  	_ =	swait.ge [sflag:s22], $0x2000  }
0x360: {  	s3 =	sld [smem:$0x7B8]  }
0x361: {  	[sflag:s22] =	ssyncset.done $0x0  }
0x362: {  	s6 =	simm.s32 $0xB900;
	[sflag:s22] =	ssyncadd.s32 $0xFFFFE000  }
0x363: {  	[hbm4b:s3+s2] =	stream.linear.scatter [tilespmem:s6], [sflag:$0x12], $0x2000, $0x38;
	[tilespmem:$0x19900] =	vst v63  }
0x364: {  	_ =	swait.ge [sflag:s20], $0x2000  }
0x365: {  	s3 =	sld [smem:$0x7EE]  }
0x366: {  	[sflag:s20] =	ssyncset.done $0x0  }
0x367: {  	s6 =	simm.s32 $0x17900;
	[sflag:s20] =	ssyncadd.s32 $0xFFFFE000  }
0x368: {  	[tilespmem:s6], [sflag:$0xC] =	stream.indirect.gather [hbm4b:s5+s8], $0x40, s3, s8, $0xb8;
	[tilespmem:$0x19900] =	vst v63  }
0x369: {  	_ =	swait.ge [sflag:s0], $0x2000  }
0x36a: {  	s6 =	sld [smem:$0x7B9]  }
0x36b: {  	[sflag:s0] =	ssyncset.done $0x0  }
0x36c: {  	s31 =	simm.s32 $0xD900;
	[sflag:s0] =	ssyncadd.s32 $0xFFFFE000  }
0x36d: {  	[hbm4b:s6+s2] =	stream.linear.scatter [tilespmem:s31], [sflag:$0x13], $0x2000, $0x38;
	[tilespmem:$0x19900] =	vst v63  }
0x36e: {  	_ =	swait.ge [sflag:s9], $0x2000  }
0x36f: {  	s6 =	sld [smem:$0x7EF]  }
0x370: {  	[sflag:s9] =	ssyncset.done $0x0  }
0x371: {  	s31 =	simm.s32 $0x1900;
	[sflag:s9] =	ssyncadd.s32 $0xFFFFE000  }
0x372: {  	[tilespmem:s31], [sflag:$0x1] =	stream.indirect.gather [hbm4b:s5+s8], $0x40, s6, s8, $0xb8;
	[tilespmem:$0x19900] =	vst v63  }
0x373: {  	_ =	swait.ge [sflag:s25], $0x2000  }
0x374: {  	s9 =	sld [smem:$0x7BA]  }
0x375: {  	[sflag:s25] =	ssyncset.done $0x0  }
0x376: {  	[sflag:s25] =	ssyncadd.s32 $0xFFFFE000  }
0x377: {  	[hbm4b:s9+s2] =	stream.linear.scatter [tilespmem:s11], [sflag:$0x14], $0x2000, $0x38;
	[tilespmem:$0x19900] =	vst v63  }
0x378: {  	_ =	swait.ge [sflag:s7], $0x2000  }
0x379: {  	s11 =	sld [smem:$0x7F0]  }
0x37a: {  	[sflag:s7] =	ssyncset.done $0x0  }
0x37b: {  	s6 =	simm.s32 $0x3900;
	[sflag:s7] =	ssyncadd.s32 $0xFFFFE000  }
0x37c: {  	[tilespmem:s6], [sflag:$0x2] =	stream.indirect.gather [hbm4b:s5+s8], $0x40, s11, s8, $0xb8;
	[tilespmem:$0x19900] =	vst v63  }
0x37d: {  	_ =	swait.ge [sflag:s24], $0x2000  }
0x37e: {  	s9 =	sld [smem:$0x7BB]  }
0x37f: {  	[sflag:s24] =	ssyncset.done $0x0  }
0x380: {  	s11 =	simm.s32 $0x11900;
	[sflag:s24] =	ssyncadd.s32 $0xFFFFE000  }
0x381: {  	[hbm4b:s9+s2] =	stream.linear.scatter [tilespmem:s11], [sflag:$0x15], $0x2000, $0x38;
	[tilespmem:$0x19900] =	vst v63  }
0x382: {  	_ =	swait.ge [sflag:s23], $0x2000  }
0x383: {  	s9 =	sld [smem:$0x7F1]  }
0x384: {  	[sflag:s23] =	ssyncset.done $0x0  }
0x385: {  	s11 =	simm.s32 $0x5900;
	[sflag:s23] =	ssyncadd.s32 $0xFFFFE000  }
0x386: {  	[tilespmem:s11], [sflag:$0x3] =	stream.indirect.gather [hbm4b:s5+s8], $0x40, s9, s8, $0xb8;
	[tilespmem:$0x19900] =	vst v63  }
0x387: {  	_ =	swait.ge [sflag:s1], $0x2000  }
0x388: {  	s9 =	sld [smem:$0x7BC]  }
0x389: {  	[sflag:s1] =	ssyncset.done $0x0  }
0x38a: {  	s11 =	simm.s32 $0x13900;
	[sflag:s1] =	ssyncadd.s32 $0xFFFFE000  }
0x38b: {  	[hbm4b:s9+s2] =	stream.linear.scatter [tilespmem:s11], [sflag:$0x16], $0x2000, $0x38;
	[tilespmem:$0x19900] =	vst v63  }
0x38c: {  	_ =	swait.ge [sflag:s28], $0x2000  }
0x38d: {  	s9 =	sld [smem:$0x7F2]  }
0x38e: {  	[sflag:s28] =	ssyncset.done $0x0  }
0x38f: {  	s11 =	simm.s32 $0x7900;
	[sflag:s28] =	ssyncadd.s32 $0xFFFFE000  }
0x390: {  	[tilespmem:s11], [sflag:$0x4] =	stream.indirect.gather [hbm4b:s5+s8], $0x40, s9, s8, $0xb8;
	[tilespmem:$0x19900] =	vst v63  }
0x391: {  	_ =	swait.ge [sflag:s30], $0x2000  }
0x392: {  	s6 =	sld [smem:$0x7BD]  }
0x393: {  	[sflag:s30] =	ssyncset.done $0x0  }
0x394: {  	s11 =	simm.s32 $0x15900;
	[sflag:s30] =	ssyncadd.s32 $0xFFFFE000  }
0x395: {  	[hbm4b:s6+s2] =	stream.linear.scatter [tilespmem:s11], [sflag:$0x17], $0x2000, $0x38;
	[tilespmem:$0x19900] =	vst v63  }
0x396: {  	_ =	swait.ge [sflag:s4], $0x2000  }
0x397: {  	s6 =	sld [smem:$0x7F3]  }
0x398: {  	[sflag:s4] =	ssyncset.done $0x0  }
0x399: {  	s11 =	simm.s32 $0x9900;
	[sflag:s4] =	ssyncadd.s32 $0xFFFFE000  }
0x39a: {  	[tilespmem:s11], [sflag:$0x5] =	stream.indirect.gather [hbm4b:s5+s8], $0x40, s6, s8, $0xb8;
	[tilespmem:$0x19900] =	vst v63  }
0x39b: {  	_ =	swait.ge [sflag:s21], $0x2000  }
0x39c: {  	s3 =	sld [smem:$0x7BE]  }
0x39d: {  	[sflag:s21] =	ssyncset.done $0x0  }
0x39e: {  	s11 =	simm.s32 $0x17900;
	[sflag:s21] =	ssyncadd.s32 $0xFFFFE000  }
0x39f: {  	[hbm4b:s3+s2] =	stream.linear.scatter [tilespmem:s11], [sflag:$0x18], $0x2000, $0x38;
	[tilespmem:$0x19900] =	vst v63  }
0x3a0: {  	_ =	swait.ge [sflag:s16], $0x2000  }
0x3a1: {  	s3 =	sld [smem:$0x7F4]  }
0x3a2: {  	[sflag:s16] =	ssyncset.done $0x0  }
0x3a3: {  	s29 =	simm.s32 $0x1;
	s11 =	simm.s32 $0xB900;
	[sflag:s16] =	ssyncadd.s32 $0xFFFFE000  }
0x3a4: {  	[tilespmem:s11], [sflag:$0x6] =	stream.indirect.gather [hbm4b:s5+s8], $0x40, s3, s8, $0xb8;
	[tilespmem:$0x19900] =	vst v63  }
0x3a5: {  	_ =	swait.ge [sflag:s29], $0x2000  }
0x3a6: {  	s11 =	sld [smem:$0x7BF]  }
0x3a7: {  	[sflag:s29] =	ssyncset.done $0x0  }
0x3a8: {  	s31 =	simm.s32 $0x1900;
	[sflag:s29] =	ssyncadd.s32 $0xFFFFE000  }
0x3a9: {  	[hbm4b:s11+s2] =	stream.linear.scatter [tilespmem:s31], [sflag:$0xD], $0x2000, $0x38;
	[tilespmem:$0x19900] =	vst v63  }
0x3aa: {  	_ =	swait.ge [sflag:s18], $0x2000  }
0x3ab: {  	s11 =	sld [smem:$0x7F5]  }
0x3ac: {  	[sflag:s18] =	ssyncset.done $0x0  }
0x3ad: {  	s31 =	simm.s32 $0xD900;
	[sflag:s18] =	ssyncadd.s32 $0xFFFFE000  }
0x3ae: {  	[tilespmem:s31], [sflag:$0x7] =	stream.indirect.gather [hbm4b:s5+s8], $0x40, s11, s8, $0xb8;
	[tilespmem:$0x19900] =	vst v63  }
0x3af: {  	_ =	swait.ge [sflag:s10], $0x2000  }
0x3b0: {  	s11 =	sld [smem:$0x7C0]  }
0x3b1: {  	[sflag:s10] =	ssyncset.done $0x0  }
0x3b2: {  	s31 =	simm.s32 $0x3900;
	[sflag:s10] =	ssyncadd.s32 $0xFFFFE000  }
0x3b3: {  	[hbm4b:s11+s2] =	stream.linear.scatter [tilespmem:s31], [sflag:$0xE], $0x2000, $0x38;
	[tilespmem:$0x19900] =	vst v63  }
0x3b4: {  	_ =	swait.ge [sflag:s17], $0x2000  }
0x3b5: {  	s11 =	sld [smem:$0x7F6]  }
0x3b6: {  	[sflag:s17] =	ssyncset.done $0x0  }
0x3b7: {  	s31 =	simm.s32 $0xF900;
	[sflag:s17] =	ssyncadd.s32 $0xFFFFE000  }
0x3b8: {  	[tilespmem:s31], [sflag:$0x8] =	stream.indirect.gather [hbm4b:s5+s8], $0x40, s11, s8, $0xb8;
	[tilespmem:$0x19900] =	vst v63  }
0x3b9: {  	_ =	swait.ge [sflag:s12], $0x2000  }
0x3ba: {  	s11 =	sld [smem:$0x7C1]  }
0x3bb: {  	[sflag:s12] =	ssyncset.done $0x0  }
0x3bc: {  	s31 =	simm.s32 $0x5900;
	[sflag:s12] =	ssyncadd.s32 $0xFFFFE000  }
0x3bd: {  	[hbm4b:s11+s2] =	stream.linear.scatter [tilespmem:s31], [sflag:$0xF], $0x2000, $0x38;
	[tilespmem:$0x19900] =	vst v63  }
0x3be: {  	_ =	swait.ge [sflag:s19], $0x2000  }
0x3bf: {  	s12 =	sld [smem:$0x7F7]  }
0x3c0: {  	[sflag:s19] =	ssyncset.done $0x0  }
0x3c1: {  	s31 =	simm.s32 $0x11900;
	[sflag:s19] =	ssyncadd.s32 $0xFFFFE000  }
0x3c2: {  	[tilespmem:s31], [sflag:$0x9] =	stream.indirect.gather [hbm4b:s5+s8], $0x40, s12, s8, $0xb8;
	[tilespmem:$0x19900] =	vst v63  }
0x3c3: {  	_ =	swait.ge [sflag:s15], $0x2000  }
0x3c4: {  	s12 =	sld [smem:$0x7C2]  }
0x3c5: {  	[sflag:s15] =	ssyncset.done $0x0  }
0x3c6: {  	s9 =	simm.s32 $0x7900;
	[sflag:s15] =	ssyncadd.s32 $0xFFFFE000  }
0x3c7: {  	[hbm4b:s12+s2] =	stream.linear.scatter [tilespmem:s9], [sflag:$0x10], $0x2000, $0x38;
	[tilespmem:$0x19900] =	vst v63  }
0x3c8: {  	_ =	swait.ge [sflag:s13], $0x2000  }
0x3c9: {  	s11 =	sld [smem:$0x7F8]  }
0x3ca: {  	[sflag:s13] =	ssyncset.done $0x0  }
0x3cb: {  	s9 =	simm.s32 $0x13900;
	[sflag:s13] =	ssyncadd.s32 $0xFFFFE000  }
0x3cc: {  	[tilespmem:s9], [sflag:$0xA] =	stream.indirect.gather [hbm4b:s5+s8], $0x40, s11, s8, $0xb8;
	[tilespmem:$0x19900] =	vst v63  }
0x3cd: {  	_ =	swait.ge [sflag:s26], $0x2000  }
0x3ce: {  	s12 =	sld [smem:$0x7C3]  }
0x3cf: {  	[sflag:s26] =	ssyncset.done $0x0  }
0x3d0: {  	s6 =	simm.s32 $0x9900;
	[sflag:s26] =	ssyncadd.s32 $0xFFFFE000  }
0x3d1: {  	[hbm4b:s12+s2] =	stream.linear.scatter [tilespmem:s6], [sflag:$0x11], $0x2000, $0x38;
	[tilespmem:$0x19900] =	vst v63  }
0x3d2: {  	_ =	swait.ge [sflag:s14], $0x2000  }
0x3d3: {  	s15 =	sld [smem:$0x7F9]  }
0x3d4: {  	[sflag:s14] =	ssyncset.done $0x0  }
0x3d5: {  	s11 =	simm.s32 $0x15900;
	[sflag:s14] =	ssyncadd.s32 $0xFFFFE000  }
0x3d6: {  	[tilespmem:s11], [sflag:$0xB] =	stream.indirect.gather [hbm4b:s5+s8], $0x40, s15, s8, $0xb8;
	[tilespmem:$0x19900] =	vst v63  }
0x3d7: {  	_ =	swait.ge [sflag:s22], $0x2000  }
0x3d8: {  	s12 =	sld [smem:$0x7C4]  }
0x3d9: {  	[sflag:s22] =	ssyncset.done $0x0  }
0x3da: {  	s15 =	simm.s32 $0xB900;
	[sflag:s22] =	ssyncadd.s32 $0xFFFFE000  }
0x3db: {  	[hbm4b:s12+s2] =	stream.linear.scatter [tilespmem:s15], [sflag:$0x12], $0x2000, $0x38;
	[tilespmem:$0x19900] =	vst v63  }
0x3dc: {  	_ =	swait.ge [sflag:s20], $0x2000  }
0x3dd: {  	s15 =	sld [smem:$0x7FA]  }
0x3de: {  	[sflag:s20] =	ssyncset.done $0x0  }
0x3df: {  	s12 =	simm.s32 $0x17900;
	[sflag:s20] =	ssyncadd.s32 $0xFFFFE000  }
0x3e0: {  	[tilespmem:s12], [sflag:$0xC] =	stream.indirect.gather [hbm4b:s5+s8], $0x40, s15, s8, $0xb8;
	[tilespmem:$0x19900] =	vst v63  }
0x3e1: {  	_ =	swait.ge [sflag:s0], $0x2000  }
0x3e2: {  	s3 =	sld [smem:$0x7C5]  }
0x3e3: {  	[sflag:s0] =	ssyncset.done $0x0  }
0x3e4: {  	s7 =	simm.s32 $0xD;
	s15 =	simm.s32 $0xD900;
	[sflag:s0] =	ssyncadd.s32 $0xFFFFE000  }
0x3e5: {  	[hbm4b:s3+s2] =	stream.linear.scatter [tilespmem:s15], [sflag:$0x13], $0x2000, $0x38;
	[tilespmem:$0x19900] =	vst v63  }
0x3e6: {  	_ =	swait.ge [sflag:s7], $0x2000  }
0x3e7: {  	s0 =	sld [smem:$0x7FB]  }
0x3e8: {  	[sflag:s7] =	ssyncset.done $0x0  }
0x3e9: {  	s15 =	simm.s32 $0x1900;
	[sflag:s7] =	ssyncadd.s32 $0xFFFFE000  }
0x3ea: {  	[tilespmem:s15], [sflag:$0x1] =	stream.indirect.gather [hbm4b:s5+s8], $0x40, s0, s8, $0xb8;
	[tilespmem:$0x19900] =	vst v63  }
0x3eb: {  	_ =	swait.ge [sflag:s25], $0x2000  }
0x3ec: {  	s3 =	sld [smem:$0x7C6]  }
0x3ed: {  	[sflag:s25] =	ssyncset.done $0x0  }
0x3ee: {  	s6 =	simm.s32 $0xE;
	s0 =	simm.s32 $0xF900;
	[sflag:s25] =	ssyncadd.s32 $0xFFFFE000  }
0x3ef: {  	[hbm4b:s3+s2] =	stream.linear.scatter [tilespmem:s0], [sflag:$0x14], $0x2000, $0x38;
	[tilespmem:$0x19900] =	vst v63  }
0x3f0: {  	_ =	swait.ge [sflag:s6], $0x2000  }
0x3f1: {  	s3 =	sld [smem:$0x7FC]  }
0x3f2: {  	[sflag:s6] =	ssyncset.done $0x0  }
0x3f3: {  	s0 =	simm.s32 $0x3900;
	[sflag:s6] =	ssyncadd.s32 $0xFFFFE000  }
0x3f4: {  	[tilespmem:s0], [sflag:$0x2] =	stream.indirect.gather [hbm4b:s5+s8], $0x40, s3, s8, $0xb8;
	[tilespmem:$0x19900] =	vst v63  }
0x3f5: {  	_ =	swait.ge [sflag:s24], $0x2000  }
0x3f6: {  	s0 =	sld [smem:$0x7C7]  }
0x3f7: {  	[sflag:s24] =	ssyncset.done $0x0  }
0x3f8: {  	s31 =	simm.s32 $0x11900;
	[sflag:s24] =	ssyncadd.s32 $0xFFFFE000  }
0x3f9: {  	[hbm4b:s0+s2] =	stream.linear.scatter [tilespmem:s31], [sflag:$0x15], $0x2000, $0x38;
	[tilespmem:$0x19900] =	vst v63  }
0x3fa: {  	_ =	swait.ge [sflag:s1], $0x2000  }
0x3fb: {  	s0 =	sld [smem:$0x7C8]  }
0x3fc: {  	[sflag:s1] =	ssyncset.done $0x0  }
0x3fd: {  	[sflag:s1] =	ssyncadd.s32 $0xFFFFE000  }
0x3fe: {  	[hbm4b:s0+s2] =	stream.linear.scatter [tilespmem:s9], [sflag:$0x16], $0x2000, $0x38;
	[tilespmem:$0x19900] =	vst v63  }
0x3ff: {  	_ =	swait.ge [sflag:s30], $0x2000  }
0x400: {  	s9 =	sld [smem:$0x7C9]  }
0x401: {  	[sflag:s30] =	ssyncset.done $0x0  }
0x402: {  	[sflag:s30] =	ssyncadd.s32 $0xFFFFE000  }
0x403: {  	[hbm4b:s9+s2] =	stream.linear.scatter [tilespmem:s11], [sflag:$0x17], $0x2000, $0x38;
	[tilespmem:$0x19900] =	vst v63  }
0x404: {  	_ =	swait.ge [sflag:s21], $0x2000  }
0x405: {  	s11 =	sld [smem:$0x7CA]  }
0x406: {  	[sflag:s21] =	ssyncset.done $0x0  }
0x407: {  	[sflag:s21] =	ssyncadd.s32 $0xFFFFE000  }
0x408: {  	[hbm4b:s11+s2] =	stream.linear.scatter [tilespmem:s12], [sflag:$0x18], $0x2000, $0x38;
	[tilespmem:$0x19900] =	vst v63  }
0x409: {  	_ =	swait.ge [sflag:s29], $0x2000  }
0x40a: {  	s12 =	sld [smem:$0x7CB]  }
0x40b: {  	[sflag:s29] =	ssyncset.done $0x0  }
0x40c: {  	[sflag:s29] =	ssyncadd.s32 $0xFFFFE000  }
0x40d: {  	[hbm4b:s12+s2] =	stream.linear.scatter [tilespmem:s15], [sflag:$0xD], $0x2000, $0x38;
	[tilespmem:$0x19900] =	vst v63  }
0x40e: {  	_ =	swait.ge [sflag:s10], $0x2000  }
0x40f: {  	s15 =	sld [smem:$0x7CD]  }
0x410: {  	[sflag:s10] =	ssyncset.done $0x0  }
0x411: {  	s31 =	simm.s32 $0x3900;
	[sflag:s10] =	ssyncadd.s32 $0xFFFFE000  }
0x412: {  	[hbm4b:s15+s2] =	stream.linear.scatter [tilespmem:s31], [sflag:$0xE], $0x2000, $0x38;
	[tilespmem:$0x19900] =	vst v63  }
0x413: {  	s0 =	sld [smem:$0x7B7];
	_ =	swait.ge [sflag:s23], $0x2000  }
0x414: {  	[sflag:s23] =	ssyncset.done $0x0  }
0x415: {  	[sflag:s23] =	ssyncadd.s32 $0xFFFFE000  }
0x416: {  	_ =	swait.ge [sflag:s28], $0x2000  }
0x417: {  	[sflag:s28] =	ssyncset.done $0x0  }
0x418: {  	[sflag:s28] =	ssyncadd.s32 $0xFFFFE000  }
0x419: {  	_ =	swait.ge [sflag:s4], $0x2000  }
0x41a: {  	[sflag:s4] =	ssyncset.done $0x0  }
0x41b: {  	[sflag:s4] =	ssyncadd.s32 $0xFFFFE000  }
0x41c: {  	_ =	swait.ge [sflag:s16], $0x2000  }
0x41d: {  	[sflag:s16] =	ssyncset.done $0x0  }
0x41e: {  	[sflag:s16] =	ssyncadd.s32 $0xFFFFE000  }
0x41f: {  	_ =	swait.ge [sflag:s18], $0x2000  }
0x420: {  	[sflag:s18] =	ssyncset.done $0x0  }
0x421: {  	[sflag:s18] =	ssyncadd.s32 $0xFFFFE000  }
0x422: {  	_ =	swait.ge [sflag:s17], $0x2000  }
0x423: {  	[sflag:s17] =	ssyncset.done $0x0  }
0x424: {  	[sflag:s17] =	ssyncadd.s32 $0xFFFFE000  }
0x425: {  	_ =	swait.ge [sflag:s19], $0x2000  }
0x426: {  	[sflag:s19] =	ssyncset.done $0x0  }
0x427: {  	[sflag:s19] =	ssyncadd.s32 $0xFFFFE000  }
0x428: {  	_ =	swait.ge [sflag:s13], $0x2000  }
0x429: {  	[sflag:s13] =	ssyncset.done $0x0  }
0x42a: {  	[sflag:s13] =	ssyncadd.s32 $0xFFFFE000  }
0x42b: {  	_ =	swait.ge [sflag:s14], $0x2000  }
0x42c: {  	[sflag:s14] =	ssyncset.done $0x0  }
0x42d: {  	[sflag:s14] =	ssyncadd.s32 $0xFFFFE000  }
0x42e: {  	_ =	swait.ge [sflag:s20], $0x2000  }
0x42f: {  	[sflag:s20] =	ssyncset.done $0x0  }
0x430: {  	[sflag:s20] =	ssyncadd.s32 $0xFFFFE000  }
.Ltmp2:
0x431: {  	_ =	swait.ge [sflag:s7], $0x2000;
	(pc) =	sbr.rel @p1 .LBB2_4-.Ltmp2, $4  }
0x432: {  	[sflag:s7] =	ssyncset.done $0x0  }
0x433: {  	[sflag:s7] =	ssyncadd.s32 $0xFFFFE000  }
0x434: {  	_ =	swait.ge [sflag:s6], $0x2000  }
0x435: {  	s3 =	simm.s32 $0x3900;
	s23 =	rddreg [dreg:$0x3];
	[sflag:s6] =	ssyncset.done $0x0  }
0x436: {  	s0 =	sld [smem:$0x7CC]  }
0x437: {  	s4 =	simm.s32 $0x1900;
	s9 =	simm.s32 $0xF900;
	s21 =	simm.s32 $0x1000  }
.LBB2_6:
0x438: {  	[sflag:s6] =	ssyncadd.s32 @p0 $0xFFFFE000;
	s1 =	simm.s32 $0x19  }
0x439: {  	[tilespmem:s2], [sflag:$0x19] =	stream.strided.gather [hbm4b:s23+s8], $0x1900, s21, s8, $0x38;
	[tilespmem:$0x19900] =	vst v63  }
0x43a: {  	_ =	swait.ge [sflag:s1], $0x1900  }
0x43b: {  	[sflag:s1] =	ssyncset.done $0x0  }
0x43c: {  	[sflag:s1] =	ssyncadd.s32 $0xFFFFE700  }
0x43d: {  	[tilespmem:s4], [sflag:$0x1] =	stream.indirect.gather [hbm4b:s5+s8], $0x40, s2, s8, $0xb8;
	[tilespmem:$0x19900] =	vst v63  }
0x43e: {  	s22 =	simm.s32 $0x3900;
	s3 =	sld [smem:$0x7CE]  }
0x43f: {  	[tilespmem:s22], [sflag:$0x2] =	stream.indirect.gather [hbm4b:s5+s8], $0x40, s8, s8, $0xb8;
	[tilespmem:$0x19900] =	vst v63  }
0x440: {  	s25 =	simm.s32 $0x5900;
	s24 =	sld [smem:$0x7CF]  }
0x441: {  	[tilespmem:s25], [sflag:$0x3] =	stream.indirect.gather [hbm4b:s5+s8], $0x40, s3, s8, $0xb8;
	[tilespmem:$0x19900] =	vst v63  }
0x442: {  	s28 =	simm.s32 $0x7900;
	s26 =	sld [smem:$0x7D0]  }
0x443: {  	[tilespmem:s28], [sflag:$0x4] =	stream.indirect.gather [hbm4b:s5+s8], $0x40, s24, s8, $0xb8;
	[tilespmem:$0x19900] =	vst v63  }
0x444: {  	s12 =	simm.s32 $0x9900;
	s17 =	sld [smem:$0x7D1]  }
0x445: {  	[tilespmem:s12], [sflag:$0x5] =	stream.indirect.gather [hbm4b:s5+s8], $0x40, s26, s8, $0xb8;
	[tilespmem:$0x19900] =	vst v63  }
0x446: {  	s18 =	simm.s32 $0xB900  }
0x447: {  	[tilespmem:s18], [sflag:$0x6] =	stream.indirect.gather [hbm4b:s5+s8], $0x40, s17, s8, $0xb8;
	[tilespmem:$0x19900] =	vst v63  }
0x448: {  	_ =	swait.ge [sflag:s29], $0x2000  }
0x449: {  	[sflag:s29] =	ssyncset.done $0x0  }
0x44a: {  	s23 =	simm.s32 $0x1900;
	s19 =	sld [smem:$0x7D2];
	[sflag:s29] =	ssyncadd.s32 $0xFFFFE000  }
0x44b: {  	[hbm4b:s0+s2] =	stream.linear.scatter [tilespmem:s23], [sflag:$0xD], $0x2000, $0x38;
	[tilespmem:$0x19900] =	vst v63  }
0x44c: {  	s20 =	simm.s32 $0xD900  }
0x44d: {  	[tilespmem:s20], [sflag:$0x7] =	stream.indirect.gather [hbm4b:s5+s8], $0x40, s19, s8, $0xb8;
	[tilespmem:$0x19900] =	vst v63  }
0x44e: {  	_ =	swait.ge [sflag:s10], $0x2000  }
0x44f: {  	s21 =	rddreg [dreg:$0x4];
	[sflag:s10] =	ssyncset.done $0x0  }
0x450: {  	s11 =	simm.s32 $0x3900;
	s22 =	sld [smem:$0x7D3];
	[sflag:s10] =	ssyncadd.s32 $0xFFFFE000  }
0x451: {  	[hbm4b:s21+s2] =	stream.linear.scatter [tilespmem:s11], [sflag:$0xE], $0x2000, $0x38;
	[tilespmem:$0x19900] =	vst v63  }
0x452: {  	s0 =	simm.s32 $0x3  }
0x453: {  	[tilespmem:s9], [sflag:$0x8] =	stream.indirect.gather [hbm4b:s5+s8], $0x40, s22, s8, $0xb8;
	[tilespmem:$0x19900] =	vst v63  }
0x454: {  	_ =	swait.ge [sflag:s0], $0x2000  }
0x455: {  	s23 =	rddreg [dreg:$0x5];
	[sflag:s0] =	ssyncset.done $0x0  }
0x456: {  	s13 =	simm.s32 $0x5900;
	s24 =	sld [smem:$0x7D4];
	[sflag:s0] =	ssyncadd.s32 $0xFFFFE000  }
0x457: {  	[hbm4b:s23+s2] =	stream.linear.scatter [tilespmem:s13], [sflag:$0xF], $0x2000, $0x38;
	[tilespmem:$0x19900] =	vst v63  }
0x458: {  	s31 =	simm.s32 $0x4;
	s25 =	simm.s32 $0x11900  }
0x459: {  	[tilespmem:s25], [sflag:$0x9] =	stream.indirect.gather [hbm4b:s5+s8], $0x40, s24, s8, $0xb8;
	[tilespmem:$0x19900] =	vst v63  }
0x45a: {  	_ =	swait.ge [sflag:s31], $0x2000  }
0x45b: {  	s26 =	rddreg [dreg:$0x6];
	[sflag:s31] =	ssyncset.done $0x0  }
0x45c: {  	s30 =	simm.s32 $0x7900;
	s28 =	sld [smem:$0x7D5];
	[sflag:s31] =	ssyncadd.s32 $0xFFFFE000  }
0x45d: {  	[hbm4b:s26+s2] =	stream.linear.scatter [tilespmem:s30], [sflag:$0x10], $0x2000, $0x38;
	[tilespmem:$0x19900] =	vst v63  }
0x45e: {  	s30 =	simm.s32 $0x13900  }
0x45f: {  	[tilespmem:s30], [sflag:$0xA] =	stream.indirect.gather [hbm4b:s5+s8], $0x40, s28, s8, $0xb8;
	[tilespmem:$0x19900] =	vst v63  }
0x460: {  	s28 =	simm.s32 $0x5  }
0x461: {  	_ =	swait.ge [sflag:s28], $0x2000  }
0x462: {  	s9 =	rddreg [dreg:$0x7];
	[sflag:s28] =	ssyncset.done $0x0  }
0x463: {  	s14 =	simm.s32 $0x9900;
	s17 =	sld [smem:$0x7D6];
	[sflag:s28] =	ssyncadd.s32 $0xFFFFE000  }
0x464: {  	[hbm4b:s9+s2] =	stream.linear.scatter [tilespmem:s14], [sflag:$0x11], $0x2000, $0x38;
	[tilespmem:$0x19900] =	vst v63  }
0x465: {  	s20 =	simm.s32 $0x15900;
	s26 =	simm.s32 $0x6  }
0x466: {  	[tilespmem:s20], [sflag:$0xB] =	stream.indirect.gather [hbm4b:s5+s8], $0x40, s17, s8, $0xb8;
	[tilespmem:$0x19900] =	vst v63  }
0x467: {  	_ =	swait.ge [sflag:s26], $0x2000  }
0x468: {  	s21 =	rddreg [dreg:$0x8];
	[sflag:s26] =	ssyncset.done $0x0  }
0x469: {  	s15 =	simm.s32 $0xB900;
	s22 =	sld [smem:$0x7D7];
	[sflag:s26] =	ssyncadd.s32 $0xFFFFE000  }
0x46a: {  	[hbm4b:s21+s2] =	stream.linear.scatter [tilespmem:s15], [sflag:$0x12], $0x2000, $0x38;
	[tilespmem:$0x19900] =	vst v63  }
0x46b: {  	s23 =	simm.s32 $0x17900;
	s25 =	simm.s32 $0x7  }
0x46c: {  	[tilespmem:s23], [sflag:$0xC] =	stream.indirect.gather [hbm4b:s5+s8], $0x40, s22, s8, $0xb8;
	[tilespmem:$0x19900] =	vst v63  }
0x46d: {  	_ =	swait.ge [sflag:s25], $0x2000  }
0x46e: {  	[sflag:s25] =	ssyncset.done $0x0  }
0x46f: {  	s16 =	simm.s32 $0xD900;
	s24 =	rddreg [dreg:$0x9];
	[sflag:s25] =	ssyncadd.s32 $0xFFFFE000  }
0x470: {  	[hbm4b:s24+s2] =	stream.linear.scatter [tilespmem:s16], [sflag:$0x13], $0x2000, $0x38;
	[tilespmem:$0x19900] =	vst v63  }
0x471: {  	_ =	swait.ge [sflag:s7], $0x2000  }
0x472: {  	s30 =	sld [smem:$0x7D8]  }
0x473: {  	[sflag:s7] =	ssyncset.done $0x0  }
0x474: {  	s1 =	simm.s32 $0x1900;
	s24 =	simm.s32 $0x8;
	[sflag:s7] =	ssyncadd.s32 $0xFFFFE000  }
0x475: {  	[tilespmem:s1], [sflag:$0x1] =	stream.indirect.gather [hbm4b:s5+s8], $0x40, s30, s8, $0xb8;
	[tilespmem:$0x19900] =	vst v63  }
0x476: {  	_ =	swait.ge [sflag:s24], $0x2000  }
0x477: {  	[sflag:s24] =	ssyncset.done $0x0  }
0x478: {  	s17 =	simm.s32 $0xF900;
	s1 =	rddreg [dreg:$0xa];
	[sflag:s24] =	ssyncadd.s32 $0xFFFFE000  }
0x479: {  	[hbm4b:s1+s2] =	stream.linear.scatter [tilespmem:s17], [sflag:$0x14], $0x2000, $0x38;
	[tilespmem:$0x19900] =	vst v63  }
0x47a: {  	_ =	swait.ge [sflag:s6], $0x2000  }
0x47b: {  	s9 =	sld [smem:$0x7D9]  }
0x47c: {  	[sflag:s6] =	ssyncset.done $0x0  }
0x47d: {  	s11 =	simm.s32 $0x3900;
	s22 =	simm.s32 $0x9;
	[sflag:s6] =	ssyncadd.s32 $0xFFFFE000  }
0x47e: {  	[tilespmem:s11], [sflag:$0x2] =	stream.indirect.gather [hbm4b:s5+s8], $0x40, s9, s8, $0xb8;
	[tilespmem:$0x19900] =	vst v63  }
0x47f: {  	_ =	swait.ge [sflag:s22], $0x2000  }
0x480: {  	s13 =	simm.s32 $0x11900;
	[sflag:s22] =	ssyncset.done $0x0  }
0x481: {  	s20 =	simm.s32 $0xF;
	s17 =	rddreg [dreg:$0xb];
	[sflag:s22] =	ssyncadd.s32 $0xFFFFE000  }
0x482: {  	[hbm4b:s17+s2] =	stream.linear.scatter [tilespmem:s13], [sflag:$0x15], $0x2000, $0x38;
	[tilespmem:$0x19900] =	vst v63  }
0x483: {  	_ =	swait.ge [sflag:s20], $0x2000  }
0x484: {  	s21 =	sld [smem:$0x7DA]  }
0x485: {  	[sflag:s20] =	ssyncset.done $0x0  }
0x486: {  	s19 =	simm.s32 $0x5900;
	s17 =	simm.s32 $0xA;
	[sflag:s20] =	ssyncadd.s32 $0xFFFFE000  }
0x487: {  	[tilespmem:s19], [sflag:$0x3] =	stream.indirect.gather [hbm4b:s5+s8], $0x40, s21, s8, $0xb8;
	[tilespmem:$0x19900] =	vst v63  }
0x488: {  	_ =	swait.ge [sflag:s17], $0x2000  }
0x489: {  	s12 =	simm.s32 $0x13900;
	[sflag:s17] =	ssyncset.done $0x0  }
0x48a: {  	s21 =	simm.s32 $0x10;
	s30 =	rddreg [dreg:$0xc];
	[sflag:s17] =	ssyncadd.s32 $0xFFFFE000  }
0x48b: {  	[hbm4b:s30+s2] =	stream.linear.scatter [tilespmem:s12], [sflag:$0x16], $0x2000, $0x38;
	[tilespmem:$0x19900] =	vst v63  }
0x48c: {  	_ =	swait.ge [sflag:s21], $0x2000  }
0x48d: {  	s9 =	sld [smem:$0x7DB]  }
0x48e: {  	[sflag:s21] =	ssyncset.done $0x0  }
0x48f: {  	s4 =	simm.s32 $0x7900;
	[sflag:s21] =	ssyncadd.s32 $0xFFFFE000  }
0x490: {  	[tilespmem:s4], [sflag:$0x4] =	stream.indirect.gather [hbm4b:s5+s8], $0x40, s9, s8, $0xb8;
	[tilespmem:$0x19900] =	vst v63  }
0x491: {  	s9 =	simm.s32 $0xB  }
0x492: {  	_ =	swait.ge [sflag:s9], $0x2000  }
0x493: {  	s14 =	simm.s32 $0x15900;
	[sflag:s9] =	ssyncset.done $0x0  }
0x494: {  	s20 =	simm.s32 $0x11;
	s11 =	rddreg [dreg:$0xd];
	[sflag:s9] =	ssyncadd.s32 $0xFFFFE000  }
0x495: {  	[hbm4b:s11+s2] =	stream.linear.scatter [tilespmem:s14], [sflag:$0x17], $0x2000, $0x38;
	[tilespmem:$0x19900] =	vst v63  }
0x496: {  	_ =	swait.ge [sflag:s20], $0x2000  }
0x497: {  	s12 =	sld [smem:$0x7DC]  }
0x498: {  	[sflag:s20] =	ssyncset.done $0x0  }
0x499: {  	s18 =	simm.s32 $0x9900;
	s30 =	simm.s32 $0xC;
	[sflag:s20] =	ssyncadd.s32 $0xFFFFE000  }
0x49a: {  	[tilespmem:s18], [sflag:$0x5] =	stream.indirect.gather [hbm4b:s5+s8], $0x40, s12, s8, $0xb8;
	[tilespmem:$0x19900] =	vst v63  }
0x49b: {  	_ =	swait.ge [sflag:s30], $0x2000  }
0x49c: {  	s15 =	simm.s32 $0x17900;
	[sflag:s30] =	ssyncset.done $0x0  }
0x49d: {  	s19 =	simm.s32 $0x12;
	s14 =	rddreg [dreg:$0xe];
	[sflag:s30] =	ssyncadd.s32 $0xFFFFE000  }
0x49e: {  	[hbm4b:s14+s2] =	stream.linear.scatter [tilespmem:s15], [sflag:$0x18], $0x2000, $0x38;
	[tilespmem:$0x19900] =	vst v63  }
0x49f: {  	_ =	swait.ge [sflag:s19], $0x2000  }
0x4a0: {  	s15 =	sld [smem:$0x7DD]  }
0x4a1: {  	[sflag:s19] =	ssyncset.done $0x0  }
0x4a2: {  	s12 =	simm.s32 $0xB900;
	[sflag:s19] =	ssyncadd.s32 $0xFFFFE000  }
0x4a3: {  	[tilespmem:s12], [sflag:$0x6] =	stream.indirect.gather [hbm4b:s5+s8], $0x40, s15, s8, $0xb8;
	[tilespmem:$0x19900] =	vst v63  }
0x4a4: {  	_ =	swait.ge [sflag:s29], $0x2000  }
0x4a5: {  	[sflag:s29] =	ssyncset.done $0x0  }
0x4a6: {  	s16 =	simm.s32 $0x1900;
	s18 =	rddreg [dreg:$0xf];
	[sflag:s29] =	ssyncadd.s32 $0xFFFFE000  }
0x4a7: {  	[hbm4b:s18+s2] =	stream.linear.scatter [tilespmem:s16], [sflag:$0xD], $0x2000, $0x38;
	[tilespmem:$0x19900] =	vst v63  }
0x4a8: {  	s18 =	simm.s32 $0x13  }
0x4a9: {  	_ =	swait.ge [sflag:s18], $0x2000  }
0x4aa: {  	s4 =	sld [smem:$0x7DE]  }
0x4ab: {  	[sflag:s18] =	ssyncset.done $0x0  }
0x4ac: {  	s11 =	simm.s32 $0xD900;
	[sflag:s18] =	ssyncadd.s32 $0xFFFFE000  }
0x4ad: {  	[tilespmem:s11], [sflag:$0x7] =	stream.indirect.gather [hbm4b:s5+s8], $0x40, s4, s8, $0xb8;
	[tilespmem:$0x19900] =	vst v63  }
0x4ae: {  	_ =	swait.ge [sflag:s10], $0x2000  }
0x4af: {  	s23 =	simm.s32 $0x3900;
	[sflag:s10] =	ssyncset.done $0x0  }
0x4b0: {  	s16 =	simm.s32 $0x14;
	s14 =	rddreg [dreg:$0x10];
	[sflag:s10] =	ssyncadd.s32 $0xFFFFE000  }
0x4b1: {  	[hbm4b:s14+s2] =	stream.linear.scatter [tilespmem:s23], [sflag:$0xE], $0x2000, $0x38;
	[tilespmem:$0x19900] =	vst v63  }
0x4b2: {  	_ =	swait.ge [sflag:s16], $0x2000  }
0x4b3: {  	s15 =	sld [smem:$0x7DF]  }
0x4b4: {  	[sflag:s16] =	ssyncset.done $0x0  }
0x4b5: {  	s23 =	simm.s32 $0xF900;
	[sflag:s16] =	ssyncadd.s32 $0xFFFFE000  }
0x4b6: {  	[tilespmem:s23], [sflag:$0x8] =	stream.indirect.gather [hbm4b:s5+s8], $0x40, s15, s8, $0xb8;
	[tilespmem:$0x19900] =	vst v63  }
0x4b7: {  	_ =	swait.ge [sflag:s0], $0x2000  }
0x4b8: {  	s13 =	simm.s32 $0x5900;
	[sflag:s0] =	ssyncset.done $0x0  }
0x4b9: {  	s15 =	simm.s32 $0x15;
	s4 =	rddreg [dreg:$0x11];
	[sflag:s0] =	ssyncadd.s32 $0xFFFFE000  }
0x4ba: {  	[hbm4b:s4+s2] =	stream.linear.scatter [tilespmem:s13], [sflag:$0xF], $0x2000, $0x38;
	[tilespmem:$0x19900] =	vst v63  }
0x4bb: {  	_ =	swait.ge [sflag:s15], $0x2000  }
0x4bc: {  	s13 =	sld [smem:$0x7E0]  }
0x4bd: {  	[sflag:s15] =	ssyncset.done $0x0  }
0x4be: {  	s14 =	simm.s32 $0x11900;
	[sflag:s15] =	ssyncadd.s32 $0xFFFFE000  }
0x4bf: {  	[tilespmem:s14], [sflag:$0x9] =	stream.indirect.gather [hbm4b:s5+s8], $0x40, s13, s8, $0xb8;
	[tilespmem:$0x19900] =	vst v63  }
0x4c0: {  	_ =	swait.ge [sflag:s31], $0x2000  }
0x4c1: {  	[sflag:s31] =	ssyncset.done $0x0  }
0x4c2: {  	s14 =	simm.s32 $0x7900;
	s13 =	rddreg [dreg:$0x12];
	[sflag:s31] =	ssyncadd.s32 $0xFFFFE000  }
0x4c3: {  	[hbm4b:s13+s2] =	stream.linear.scatter [tilespmem:s14], [sflag:$0x10], $0x2000, $0x38;
	[tilespmem:$0x19900] =	vst v63  }
0x4c4: {  	s14 =	simm.s32 $0x16  }
0x4c5: {  	_ =	swait.ge [sflag:s14], $0x2000  }
0x4c6: {  	s13 =	sld [smem:$0x7E1]  }
0x4c7: {  	[sflag:s14] =	ssyncset.done $0x0  }
0x4c8: {  	s4 =	simm.s32 $0x13900;
	[sflag:s14] =	ssyncadd.s32 $0xFFFFE000  }
0x4c9: {  	[tilespmem:s4], [sflag:$0xA] =	stream.indirect.gather [hbm4b:s5+s8], $0x40, s13, s8, $0xb8;
	[tilespmem:$0x19900] =	vst v63  }
0x4ca: {  	_ =	swait.ge [sflag:s28], $0x2000  }
0x4cb: {  	[sflag:s28] =	ssyncset.done $0x0  }
0x4cc: {  	s13 =	simm.s32 $0x9900;
	s4 =	rddreg [dreg:$0x13];
	[sflag:s28] =	ssyncadd.s32 $0xFFFFE000  }
0x4cd: {  	[hbm4b:s4+s2] =	stream.linear.scatter [tilespmem:s13], [sflag:$0x11], $0x2000, $0x38;
	[tilespmem:$0x19900] =	vst v63  }
0x4ce: {  	s13 =	simm.s32 $0x17  }
0x4cf: {  	_ =	swait.ge [sflag:s13], $0x2000  }
0x4d0: {  	s3 =	sld [smem:$0x7E2]  }
0x4d1: {  	[sflag:s13] =	ssyncset.done $0x0  }
0x4d2: {  	s4 =	simm.s32 $0x15900;
	[sflag:s13] =	ssyncadd.s32 $0xFFFFE000  }
0x4d3: {  	[tilespmem:s4], [sflag:$0xB] =	stream.indirect.gather [hbm4b:s5+s8], $0x40, s3, s8, $0xb8;
	[tilespmem:$0x19900] =	vst v63  }
0x4d4: {  	_ =	swait.ge [sflag:s26], $0x2000  }
0x4d5: {  	[sflag:s26] =	ssyncset.done $0x0  }
0x4d6: {  	s4 =	rddreg [dreg:$0x14];
	[sflag:s26] =	ssyncadd.s32 $0xFFFFE000  }
0x4d7: {  	[hbm4b:s4+s2] =	stream.linear.scatter [tilespmem:s12], [sflag:$0x12], $0x2000, $0x38;
	[tilespmem:$0x19900] =	vst v63  }
0x4d8: {  	s12 =	simm.s32 $0x18  }
0x4d9: {  	_ =	swait.ge [sflag:s12], $0x2000  }
0x4da: {  	s3 =	sld [smem:$0x7E3]  }
0x4db: {  	[sflag:s12] =	ssyncset.done $0x0  }
0x4dc: {  	s4 =	simm.s32 $0x17900;
	[sflag:s12] =	ssyncadd.s32 $0xFFFFE000  }
0x4dd: {  	[tilespmem:s4], [sflag:$0xC] =	stream.indirect.gather [hbm4b:s5+s8], $0x40, s3, s8, $0xb8;
	[tilespmem:$0x19900] =	vst v63  }
0x4de: {  	_ =	swait.ge [sflag:s25], $0x2000  }
0x4df: {  	[sflag:s25] =	ssyncset.done $0x0  }
0x4e0: {  	s11 =	simm.s32 $0xD900;
	s4 =	rddreg [dreg:$0x15];
	[sflag:s25] =	ssyncadd.s32 $0xFFFFE000  }
0x4e1: {  	[hbm4b:s4+s2] =	stream.linear.scatter [tilespmem:s11], [sflag:$0x13], $0x2000, $0x38;
	[tilespmem:$0x19900] =	vst v63  }
0x4e2: {  	_ =	swait.ge [sflag:s7], $0x2000  }
0x4e3: {  	s4 =	sld [smem:$0x7E4]  }
0x4e4: {  	[sflag:s7] =	ssyncset.done $0x0  }
0x4e5: {  	s11 =	simm.s32 $0x1900;
	[sflag:s7] =	ssyncadd.s32 $0xFFFFE000  }
0x4e6: {  	[tilespmem:s11], [sflag:$0x1] =	stream.indirect.gather [hbm4b:s5+s8], $0x40, s4, s8, $0xb8;
	[tilespmem:$0x19900] =	vst v63  }
0x4e7: {  	_ =	swait.ge [sflag:s24], $0x2000  }
0x4e8: {  	[sflag:s24] =	ssyncset.done $0x0  }
0x4e9: {  	s23 =	simm.s32 $0xF900;
	s4 =	rddreg [dreg:$0x16];
	[sflag:s24] =	ssyncadd.s32 $0xFFFFE000  }
0x4ea: {  	[hbm4b:s4+s2] =	stream.linear.scatter [tilespmem:s23], [sflag:$0x14], $0x2000, $0x38;
	[tilespmem:$0x19900] =	vst v63  }
0x4eb: {  	_ =	swait.ge [sflag:s6], $0x2000  }
0x4ec: {  	s11 =	sld [smem:$0x7E5]  }
0x4ed: {  	[sflag:s6] =	ssyncset.done $0x0  }
0x4ee: {  	s23 =	simm.s32 $0x3900;
	[sflag:s6] =	ssyncadd.s32 $0xFFFFE000  }
0x4ef: {  	[tilespmem:s23], [sflag:$0x2] =	stream.indirect.gather [hbm4b:s5+s8], $0x40, s11, s8, $0xb8;
	[tilespmem:$0x19900] =	vst v63  }
0x4f0: {  	_ =	swait.ge [sflag:s22], $0x2000  }
0x4f1: {  	s1 =	simm.s32 $0xF;
	[sflag:s22] =	ssyncset.done $0x0  }
0x4f2: {  	s23 =	simm.s32 $0x11900;
	s11 =	rddreg [dreg:$0x17];
	[sflag:s22] =	ssyncadd.s32 $0xFFFFE000  }
0x4f3: {  	[hbm4b:s11+s2] =	stream.linear.scatter [tilespmem:s23], [sflag:$0x15], $0x2000, $0x38;
	[tilespmem:$0x19900] =	vst v63  }
0x4f4: {  	_ =	swait.ge [sflag:s1], $0x2000  }
0x4f5: {  	s11 =	sld [smem:$0x7E6]  }
0x4f6: {  	[sflag:s1] =	ssyncset.done $0x0  }
0x4f7: {  	s23 =	simm.s32 $0x5900;
	[sflag:s1] =	ssyncadd.s32 $0xFFFFE000  }
0x4f8: {  	[tilespmem:s23], [sflag:$0x3] =	stream.indirect.gather [hbm4b:s5+s8], $0x40, s11, s8, $0xb8;
	[tilespmem:$0x19900] =	vst v63  }
0x4f9: {  	_ =	swait.ge [sflag:s17], $0x2000  }
0x4fa: {  	[sflag:s17] =	ssyncset.done $0x0  }
0x4fb: {  	s23 =	simm.s32 $0x13900;
	s11 =	rddreg [dreg:$0x18];
	[sflag:s17] =	ssyncadd.s32 $0xFFFFE000  }
0x4fc: {  	[hbm4b:s11+s2] =	stream.linear.scatter [tilespmem:s23], [sflag:$0x16], $0x2000, $0x38;
	[tilespmem:$0x19900] =	vst v63  }
0x4fd: {  	_ =	swait.ge [sflag:s21], $0x2000  }
0x4fe: {  	s11 =	sld [smem:$0x7E7]  }
0x4ff: {  	[sflag:s21] =	ssyncset.done $0x0  }
0x500: {  	s23 =	simm.s32 $0x7900;
	[sflag:s21] =	ssyncadd.s32 $0xFFFFE000  }
0x501: {  	[tilespmem:s23], [sflag:$0x4] =	stream.indirect.gather [hbm4b:s5+s8], $0x40, s11, s8, $0xb8;
	[tilespmem:$0x19900] =	vst v63  }
0x502: {  	_ =	swait.ge [sflag:s9], $0x2000  }
0x503: {  	[sflag:s9] =	ssyncset.done $0x0  }
0x504: {  	s11 =	simm.s32 $0x15900;
	s4 =	rddreg [dreg:$0x19];
	[sflag:s9] =	ssyncadd.s32 $0xFFFFE000  }
0x505: {  	[hbm4b:s4+s2] =	stream.linear.scatter [tilespmem:s11], [sflag:$0x17], $0x2000, $0x38;
	[tilespmem:$0x19900] =	vst v63  }
0x506: {  	_ =	swait.ge [sflag:s20], $0x2000  }
0x507: {  	s4 =	sld [smem:$0x7E8]  }
0x508: {  	[sflag:s20] =	ssyncset.done $0x0  }
0x509: {  	s11 =	simm.s32 $0x9900;
	[sflag:s20] =	ssyncadd.s32 $0xFFFFE000  }
0x50a: {  	[tilespmem:s11], [sflag:$0x5] =	stream.indirect.gather [hbm4b:s5+s8], $0x40, s4, s8, $0xb8;
	[tilespmem:$0x19900] =	vst v63  }
0x50b: {  	_ =	swait.ge [sflag:s30], $0x2000  }
0x50c: {  	[sflag:s30] =	ssyncset.done $0x0  }
0x50d: {  	s4 =	simm.s32 $0x17900;
	s3 =	rddreg [dreg:$0x1a];
	[sflag:s30] =	ssyncadd.s32 $0xFFFFE000  }
0x50e: {  	[hbm4b:s3+s2] =	stream.linear.scatter [tilespmem:s4], [sflag:$0x18], $0x2000, $0x38;
	[tilespmem:$0x19900] =	vst v63  }
0x50f: {  	_ =	swait.ge [sflag:s19], $0x2000  }
0x510: {  	s3 =	sld [smem:$0x7E9]  }
0x511: {  	[sflag:s19] =	ssyncset.done $0x0  }
0x512: {  	s4 =	simm.s32 $0xB900;
	[sflag:s19] =	ssyncadd.s32 $0xFFFFE000  }
0x513: {  	[tilespmem:s4], [sflag:$0x6] =	stream.indirect.gather [hbm4b:s5+s8], $0x40, s3, s8, $0xb8;
	[tilespmem:$0x19900] =	vst v63  }
0x514: {  	_ =	swait.ge [sflag:s29], $0x2000  }
0x515: {  	[sflag:s29] =	ssyncset.done $0x0  }
0x516: {  	s4 =	simm.s32 $0x1900;
	s3 =	rddreg [dreg:$0x1b];
	[sflag:s29] =	ssyncadd.s32 $0xFFFFE000  }
0x517: {  	[hbm4b:s3+s2] =	stream.linear.scatter [tilespmem:s4], [sflag:$0xD], $0x2000, $0x38;
	[tilespmem:$0x19900] =	vst v63  }
0x518: {  	_ =	swait.ge [sflag:s18], $0x2000  }
0x519: {  	s3 =	sld [smem:$0x7EA]  }
0x51a: {  	[sflag:s18] =	ssyncset.done $0x0  }
0x51b: {  	s4 =	simm.s32 $0xD900;
	[sflag:s18] =	ssyncadd.s32 $0xFFFFE000  }
0x51c: {  	[tilespmem:s4], [sflag:$0x7] =	stream.indirect.gather [hbm4b:s5+s8], $0x40, s3, s8, $0xb8;
	[tilespmem:$0x19900] =	vst v63  }
0x51d: {  	_ =	swait.ge [sflag:s10], $0x2000  }
0x51e: {  	[sflag:s10] =	ssyncset.done $0x0  }
0x51f: {  	s4 =	simm.s32 $0x3900;
	s3 =	rddreg [dreg:$0x1c];
	[sflag:s10] =	ssyncadd.s32 $0xFFFFE000  }
0x520: {  	[hbm4b:s3+s2] =	stream.linear.scatter [tilespmem:s4], [sflag:$0xE], $0x2000, $0x38;
	[tilespmem:$0x19900] =	vst v63  }
0x521: {  	_ =	swait.ge [sflag:s16], $0x2000  }
0x522: {  	s3 =	sld [smem:$0x7EB]  }
0x523: {  	[sflag:s16] =	ssyncset.done $0x0  }
0x524: {  	s4 =	simm.s32 $0xF900;
	[sflag:s16] =	ssyncadd.s32 $0xFFFFE000  }
0x525: {  	[tilespmem:s4], [sflag:$0x8] =	stream.indirect.gather [hbm4b:s5+s8], $0x40, s3, s8, $0xb8;
	[tilespmem:$0x19900] =	vst v63  }
0x526: {  	_ =	swait.ge [sflag:s0], $0x2000  }
0x527: {  	[sflag:s0] =	ssyncset.done $0x0  }
0x528: {  	s4 =	simm.s32 $0x5900;
	s3 =	rddreg [dreg:$0x1d];
	[sflag:s0] =	ssyncadd.s32 $0xFFFFE000  }
0x529: {  	[hbm4b:s3+s2] =	stream.linear.scatter [tilespmem:s4], [sflag:$0xF], $0x2000, $0x38;
	[tilespmem:$0x19900] =	vst v63  }
0x52a: {  	_ =	swait.ge [sflag:s15], $0x2000  }
0x52b: {  	[sflag:s15] =	ssyncset.done $0x0  }
0x52c: {  	s3 =	simm.s32 $0x1000;
	s4 =	simm.s32 $0x11900;
	[sflag:s15] =	ssyncadd.s32 $0xFFFFE000  }
0x52d: {  	[tilespmem:s4], [sflag:$0x9] =	stream.indirect.gather [hbm4b:s5+s8], $0x40, s3, s8, $0xb8;
	[tilespmem:$0x19900] =	vst v63  }
0x52e: {  	_ =	swait.ge [sflag:s31], $0x2000  }
0x52f: {  	[sflag:s31] =	ssyncset.done $0x0  }
0x530: {  	s23 =	simm.s32 $0x7900;
	s4 =	rddreg [dreg:$0x1e];
	[sflag:s31] =	ssyncadd.s32 $0xFFFFE000  }
0x531: {  	[hbm4b:s4+s2] =	stream.linear.scatter [tilespmem:s23], [sflag:$0x10], $0x2000, $0x38;
	[tilespmem:$0x19900] =	vst v63  }
0x532: {  	_ =	swait.ge [sflag:s14], $0x2000  }
0x533: {  	s4 =	sld [smem:$0x7EC]  }
0x534: {  	[sflag:s14] =	ssyncset.done $0x0  }
0x535: {  	s23 =	simm.s32 $0x13900;
	[sflag:s14] =	ssyncadd.s32 $0xFFFFE000  }
0x536: {  	[tilespmem:s23], [sflag:$0xA] =	stream.indirect.gather [hbm4b:s5+s8], $0x40, s4, s8, $0xb8;
	[tilespmem:$0x19900] =	vst v63  }
0x537: {  	_ =	swait.ge [sflag:s28], $0x2000  }
0x538: {  	[sflag:s28] =	ssyncset.done $0x0  }
0x539: {  	s11 =	simm.s32 $0x9900;
	s4 =	rddreg [dreg:$0x1f];
	[sflag:s28] =	ssyncadd.s32 $0xFFFFE000  }
0x53a: {  	[hbm4b:s4+s2] =	stream.linear.scatter [tilespmem:s11], [sflag:$0x11], $0x2000, $0x38;
	[tilespmem:$0x19900] =	vst v63  }
0x53b: {  	_ =	swait.ge [sflag:s13], $0x2000  }
0x53c: {  	s4 =	sld [smem:$0x7ED]  }
0x53d: {  	[sflag:s13] =	ssyncset.done $0x0  }
0x53e: {  	s11 =	simm.s32 $0x15900;
	[sflag:s13] =	ssyncadd.s32 $0xFFFFE000  }
0x53f: {  	[tilespmem:s11], [sflag:$0xB] =	stream.indirect.gather [hbm4b:s5+s8], $0x40, s4, s8, $0xb8;
	[tilespmem:$0x19900] =	vst v63  }
0x540: {  	_ =	swait.ge [sflag:s26], $0x2000  }
0x541: {  	s3 =	sld [smem:$0x7B8]  }
0x542: {  	[sflag:s26] =	ssyncset.done $0x0  }
0x543: {  	s4 =	simm.s32 $0xB900;
	[sflag:s26] =	ssyncadd.s32 $0xFFFFE000  }
0x544: {  	[hbm4b:s3+s2] =	stream.linear.scatter [tilespmem:s4], [sflag:$0x12], $0x2000, $0x38;
	[tilespmem:$0x19900] =	vst v63  }
0x545: {  	_ =	swait.ge [sflag:s12], $0x2000  }
0x546: {  	s3 =	sld [smem:$0x7EE]  }
0x547: {  	[sflag:s12] =	ssyncset.done $0x0  }
0x548: {  	s4 =	simm.s32 $0x17900;
	[sflag:s12] =	ssyncadd.s32 $0xFFFFE000  }
0x549: {  	[tilespmem:s4], [sflag:$0xC] =	stream.indirect.gather [hbm4b:s5+s8], $0x40, s3, s8, $0xb8;
	[tilespmem:$0x19900] =	vst v63  }
0x54a: {  	_ =	swait.ge [sflag:s25], $0x2000  }
0x54b: {  	s3 =	sld [smem:$0x7B9]  }
0x54c: {  	[sflag:s25] =	ssyncset.done $0x0  }
0x54d: {  	s4 =	simm.s32 $0xD900;
	[sflag:s25] =	ssyncadd.s32 $0xFFFFE000  }
0x54e: {  	[hbm4b:s3+s2] =	stream.linear.scatter [tilespmem:s4], [sflag:$0x13], $0x2000, $0x38;
	[tilespmem:$0x19900] =	vst v63  }
0x54f: {  	_ =	swait.ge [sflag:s7], $0x2000  }
0x550: {  	s3 =	sld [smem:$0x7EF]  }
0x551: {  	[sflag:s7] =	ssyncset.done $0x0  }
0x552: {  	s4 =	simm.s32 $0x1900;
	[sflag:s7] =	ssyncadd.s32 $0xFFFFE000  }
0x553: {  	[tilespmem:s4], [sflag:$0x1] =	stream.indirect.gather [hbm4b:s5+s8], $0x40, s3, s8, $0xb8;
	[tilespmem:$0x19900] =	vst v63  }
0x554: {  	_ =	swait.ge [sflag:s24], $0x2000  }
0x555: {  	s3 =	sld [smem:$0x7BA]  }
0x556: {  	[sflag:s24] =	ssyncset.done $0x0  }
0x557: {  	s4 =	simm.s32 $0xF900;
	[sflag:s24] =	ssyncadd.s32 $0xFFFFE000  }
0x558: {  	[hbm4b:s3+s2] =	stream.linear.scatter [tilespmem:s4], [sflag:$0x14], $0x2000, $0x38;
	[tilespmem:$0x19900] =	vst v63  }
0x559: {  	_ =	swait.ge [sflag:s6], $0x2000  }
0x55a: {  	s3 =	sld [smem:$0x7F0]  }
0x55b: {  	[sflag:s6] =	ssyncset.done $0x0  }
0x55c: {  	s4 =	simm.s32 $0x3900;
	[sflag:s6] =	ssyncadd.s32 $0xFFFFE000  }
0x55d: {  	[tilespmem:s4], [sflag:$0x2] =	stream.indirect.gather [hbm4b:s5+s8], $0x40, s3, s8, $0xb8;
	[tilespmem:$0x19900] =	vst v63  }
0x55e: {  	_ =	swait.ge [sflag:s22], $0x2000  }
0x55f: {  	s3 =	sld [smem:$0x7BB]  }
0x560: {  	[sflag:s22] =	ssyncset.done $0x0  }
0x561: {  	s4 =	simm.s32 $0x11900;
	[sflag:s22] =	ssyncadd.s32 $0xFFFFE000  }
0x562: {  	[hbm4b:s3+s2] =	stream.linear.scatter [tilespmem:s4], [sflag:$0x15], $0x2000, $0x38;
	[tilespmem:$0x19900] =	vst v63  }
0x563: {  	_ =	swait.ge [sflag:s1], $0x2000  }
0x564: {  	s3 =	sld [smem:$0x7F1]  }
0x565: {  	[sflag:s1] =	ssyncset.done $0x0  }
0x566: {  	s4 =	simm.s32 $0x5900;
	[sflag:s1] =	ssyncadd.s32 $0xFFFFE000  }
0x567: {  	[tilespmem:s4], [sflag:$0x3] =	stream.indirect.gather [hbm4b:s5+s8], $0x40, s3, s8, $0xb8;
	[tilespmem:$0x19900] =	vst v63  }
0x568: {  	_ =	swait.ge [sflag:s17], $0x2000  }
0x569: {  	s4 =	sld [smem:$0x7BC]  }
0x56a: {  	[sflag:s17] =	ssyncset.done $0x0  }
0x56b: {  	s23 =	simm.s32 $0x13900;
	[sflag:s17] =	ssyncadd.s32 $0xFFFFE000  }
0x56c: {  	[hbm4b:s4+s2] =	stream.linear.scatter [tilespmem:s23], [sflag:$0x16], $0x2000, $0x38;
	[tilespmem:$0x19900] =	vst v63  }
0x56d: {  	_ =	swait.ge [sflag:s21], $0x2000  }
0x56e: {  	s23 =	sld [smem:$0x7F2]  }
0x56f: {  	[sflag:s21] =	ssyncset.done $0x0  }
0x570: {  	s1 =	simm.s32 $0x7900;
	[sflag:s21] =	ssyncadd.s32 $0xFFFFE000  }
0x571: {  	[tilespmem:s1], [sflag:$0x4] =	stream.indirect.gather [hbm4b:s5+s8], $0x40, s23, s8, $0xb8;
	[tilespmem:$0x19900] =	vst v63  }
0x572: {  	_ =	swait.ge [sflag:s9], $0x2000  }
0x573: {  	s4 =	sld [smem:$0x7BD]  }
0x574: {  	[sflag:s9] =	ssyncset.done $0x0  }
0x575: {  	s11 =	simm.s32 $0x15900;
	[sflag:s9] =	ssyncadd.s32 $0xFFFFE000  }
0x576: {  	[hbm4b:s4+s2] =	stream.linear.scatter [tilespmem:s11], [sflag:$0x17], $0x2000, $0x38;
	[tilespmem:$0x19900] =	vst v63  }
0x577: {  	_ =	swait.ge [sflag:s20], $0x2000  }
0x578: {  	s1 =	sld [smem:$0x7F3]  }
0x579: {  	[sflag:s20] =	ssyncset.done $0x0  }
0x57a: {  	s4 =	simm.s32 $0x9900;
	[sflag:s20] =	ssyncadd.s32 $0xFFFFE000  }
0x57b: {  	[tilespmem:s4], [sflag:$0x5] =	stream.indirect.gather [hbm4b:s5+s8], $0x40, s1, s8, $0xb8;
	[tilespmem:$0x19900] =	vst v63  }
0x57c: {  	_ =	swait.ge [sflag:s30], $0x2000  }
0x57d: {  	s1 =	sld [smem:$0x7BE]  }
0x57e: {  	[sflag:s30] =	ssyncset.done $0x0  }
0x57f: {  	s4 =	simm.s32 $0x17900;
	[sflag:s30] =	ssyncadd.s32 $0xFFFFE000  }
0x580: {  	[hbm4b:s1+s2] =	stream.linear.scatter [tilespmem:s4], [sflag:$0x18], $0x2000, $0x38;
	[tilespmem:$0x19900] =	vst v63  }
0x581: {  	_ =	swait.ge [sflag:s19], $0x2000  }
0x582: {  	s4 =	sld [smem:$0x7F4]  }
0x583: {  	[sflag:s19] =	ssyncset.done $0x0  }
0x584: {  	s1 =	simm.s32 $0xB900;
	[sflag:s19] =	ssyncadd.s32 $0xFFFFE000  }
0x585: {  	[tilespmem:s1], [sflag:$0x6] =	stream.indirect.gather [hbm4b:s5+s8], $0x40, s4, s8, $0xb8;
	[tilespmem:$0x19900] =	vst v63  }
0x586: {  	_ =	swait.ge [sflag:s29], $0x2000  }
0x587: {  	s1 =	sld [smem:$0x7BF]  }
0x588: {  	[sflag:s29] =	ssyncset.done $0x0  }
0x589: {  	s4 =	simm.s32 $0x1900;
	[sflag:s29] =	ssyncadd.s32 $0xFFFFE000  }
0x58a: {  	[hbm4b:s1+s2] =	stream.linear.scatter [tilespmem:s4], [sflag:$0xD], $0x2000, $0x38;
	[tilespmem:$0x19900] =	vst v63  }
0x58b: {  	_ =	swait.ge [sflag:s18], $0x2000  }
0x58c: {  	s4 =	sld [smem:$0x7F5]  }
0x58d: {  	[sflag:s18] =	ssyncset.done $0x0  }
0x58e: {  	s1 =	simm.s32 $0xD900;
	[sflag:s18] =	ssyncadd.s32 $0xFFFFE000  }
0x58f: {  	[tilespmem:s1], [sflag:$0x7] =	stream.indirect.gather [hbm4b:s5+s8], $0x40, s4, s8, $0xb8;
	[tilespmem:$0x19900] =	vst v63  }
0x590: {  	_ =	swait.ge [sflag:s10], $0x2000  }
0x591: {  	s3 =	sld [smem:$0x7C0]  }
0x592: {  	[sflag:s10] =	ssyncset.done $0x0  }
0x593: {  	s4 =	simm.s32 $0x3900;
	[sflag:s10] =	ssyncadd.s32 $0xFFFFE000  }
0x594: {  	[hbm4b:s3+s2] =	stream.linear.scatter [tilespmem:s4], [sflag:$0xE], $0x2000, $0x38;
	[tilespmem:$0x19900] =	vst v63  }
0x595: {  	_ =	swait.ge [sflag:s16], $0x2000  }
0x596: {  	s3 =	sld [smem:$0x7F6]  }
0x597: {  	[sflag:s16] =	ssyncset.done $0x0  }
0x598: {  	s4 =	simm.s32 $0xF900;
	[sflag:s16] =	ssyncadd.s32 $0xFFFFE000  }
0x599: {  	[tilespmem:s4], [sflag:$0x8] =	stream.indirect.gather [hbm4b:s5+s8], $0x40, s3, s8, $0xb8;
	[tilespmem:$0x19900] =	vst v63  }
0x59a: {  	_ =	swait.ge [sflag:s0], $0x2000  }
0x59b: {  	s3 =	sld [smem:$0x7C1]  }
0x59c: {  	[sflag:s0] =	ssyncset.done $0x0  }
0x59d: {  	[sflag:s0] =	ssyncadd.s32 $0xFFFFE000;
	s0 =	simm.s32 $0x5900  }
0x59e: {  	[hbm4b:s3+s2] =	stream.linear.scatter [tilespmem:s0], [sflag:$0xF], $0x2000, $0x38;
	[tilespmem:$0x19900] =	vst v63  }
0x59f: {  	_ =	swait.ge [sflag:s15], $0x2000  }
0x5a0: {  	s3 =	sld [smem:$0x7F7]  }
0x5a1: {  	[sflag:s15] =	ssyncset.done $0x0  }
0x5a2: {  	s0 =	simm.s32 $0x11900;
	[sflag:s15] =	ssyncadd.s32 $0xFFFFE000  }
0x5a3: {  	[tilespmem:s0], [sflag:$0x9] =	stream.indirect.gather [hbm4b:s5+s8], $0x40, s3, s8, $0xb8;
	[tilespmem:$0x19900] =	vst v63  }
0x5a4: {  	_ =	swait.ge [sflag:s31], $0x2000  }
0x5a5: {  	s3 =	sld [smem:$0x7C2]  }
0x5a6: {  	[sflag:s31] =	ssyncset.done $0x0  }
0x5a7: {  	s23 =	simm.s32 $0x7900;
	[sflag:s31] =	ssyncadd.s32 $0xFFFFE000  }
0x5a8: {  	[hbm4b:s3+s2] =	stream.linear.scatter [tilespmem:s23], [sflag:$0x10], $0x2000, $0x38;
	[tilespmem:$0x19900] =	vst v63  }
0x5a9: {  	_ =	swait.ge [sflag:s14], $0x2000  }
0x5aa: {  	s31 =	sld [smem:$0x7F8]  }
0x5ab: {  	[sflag:s14] =	ssyncset.done $0x0  }
0x5ac: {  	s23 =	simm.s32 $0x13900;
	[sflag:s14] =	ssyncadd.s32 $0xFFFFE000  }
0x5ad: {  	[tilespmem:s23], [sflag:$0xA] =	stream.indirect.gather [hbm4b:s5+s8], $0x40, s31, s8, $0xb8;
	[tilespmem:$0x19900] =	vst v63  }
0x5ae: {  	_ =	swait.ge [sflag:s28], $0x2000  }
0x5af: {  	s31 =	sld [smem:$0x7C3]  }
0x5b0: {  	[sflag:s28] =	ssyncset.done $0x0  }
0x5b1: {  	s11 =	simm.s32 $0x9900;
	[sflag:s28] =	ssyncadd.s32 $0xFFFFE000  }
0x5b2: {  	[hbm4b:s31+s2] =	stream.linear.scatter [tilespmem:s11], [sflag:$0x11], $0x2000, $0x38;
	[tilespmem:$0x19900] =	vst v63  }
0x5b3: {  	_ =	swait.ge [sflag:s13], $0x2000  }
0x5b4: {  	s31 =	sld [smem:$0x7F9]  }
0x5b5: {  	[sflag:s13] =	ssyncset.done $0x0  }
0x5b6: {  	s11 =	simm.s32 $0x15900;
	[sflag:s13] =	ssyncadd.s32 $0xFFFFE000  }
0x5b7: {  	[tilespmem:s11], [sflag:$0xB] =	stream.indirect.gather [hbm4b:s5+s8], $0x40, s31, s8, $0xb8;
	[tilespmem:$0x19900] =	vst v63  }
0x5b8: {  	_ =	swait.ge [sflag:s26], $0x2000  }
0x5b9: {  	s28 =	sld [smem:$0x7C4]  }
0x5ba: {  	[sflag:s26] =	ssyncset.done $0x0  }
0x5bb: {  	s31 =	simm.s32 $0xB900;
	[sflag:s26] =	ssyncadd.s32 $0xFFFFE000  }
0x5bc: {  	[hbm4b:s28+s2] =	stream.linear.scatter [tilespmem:s31], [sflag:$0x12], $0x2000, $0x38;
	[tilespmem:$0x19900] =	vst v63  }
0x5bd: {  	_ =	swait.ge [sflag:s12], $0x2000  }
0x5be: {  	s28 =	sld [smem:$0x7FA]  }
0x5bf: {  	[sflag:s12] =	ssyncset.done $0x0  }
0x5c0: {  	s26 =	simm.s32 $0x17900;
	[sflag:s12] =	ssyncadd.s32 $0xFFFFE000  }
0x5c1: {  	[tilespmem:s26], [sflag:$0xC] =	stream.indirect.gather [hbm4b:s5+s8], $0x40, s28, s8, $0xb8;
	[tilespmem:$0x19900] =	vst v63  }
0x5c2: {  	_ =	swait.ge [sflag:s25], $0x2000  }
0x5c3: {  	s31 =	sld [smem:$0x7C5]  }
0x5c4: {  	[sflag:s25] =	ssyncset.done $0x0  }
0x5c5: {  	[sflag:s25] =	ssyncadd.s32 $0xFFFFE000  }
0x5c6: {  	[hbm4b:s31+s2] =	stream.linear.scatter [tilespmem:s1], [sflag:$0x13], $0x2000, $0x38;
	[tilespmem:$0x19900] =	vst v63  }
0x5c7: {  	_ =	swait.ge [sflag:s7], $0x2000  }
0x5c8: {  	s28 =	sld [smem:$0x7FB]  }
0x5c9: {  	[sflag:s7] =	ssyncset.done $0x0  }
0x5ca: {  	s31 =	simm.s32 $0x1900;
	[sflag:s7] =	ssyncadd.s32 $0xFFFFE000  }
0x5cb: {  	[tilespmem:s31], [sflag:$0x1] =	stream.indirect.gather [hbm4b:s5+s8], $0x40, s28, s8, $0xb8;
	[tilespmem:$0x19900] =	vst v63  }
0x5cc: {  	_ =	swait.ge [sflag:s24], $0x2000  }
0x5cd: {  	s25 =	sld [smem:$0x7C6]  }
0x5ce: {  	[sflag:s24] =	ssyncset.done $0x0  }
0x5cf: {  	[sflag:s24] =	ssyncadd.s32 $0xFFFFE000  }
0x5d0: {  	[hbm4b:s25+s2] =	stream.linear.scatter [tilespmem:s4], [sflag:$0x14], $0x2000, $0x38;
	[tilespmem:$0x19900] =	vst v63  }
0x5d1: {  	_ =	swait.ge [sflag:s6], $0x2000  }
0x5d2: {  	s28 =	sld [smem:$0x7FC]  }
0x5d3: {  	[sflag:s6] =	ssyncset.done $0x0  }
0x5d4: {  	s31 =	simm.s32 $0x3900;
	[sflag:s6] =	ssyncadd.s32 $0xFFFFE000  }
0x5d5: {  	[tilespmem:s31], [sflag:$0x2] =	stream.indirect.gather [hbm4b:s5+s8], $0x40, s28, s8, $0xb8;
	[tilespmem:$0x19900] =	vst v63  }
0x5d6: {  	_ =	swait.ge [sflag:s22], $0x2000  }
0x5d7: {  	s8 =	sld [smem:$0x7C7]  }
0x5d8: {  	[sflag:s22] =	ssyncset.done $0x0  }
0x5d9: {  	s0 =	simm.s32 $0x11900;
	[sflag:s22] =	ssyncadd.s32 $0xFFFFE000  }
0x5da: {  	[hbm4b:s8+s2] =	stream.linear.scatter [tilespmem:s0], [sflag:$0x15], $0x2000, $0x38;
	[tilespmem:$0x19900] =	vst v63  }
0x5db: {  	_ =	swait.ge [sflag:s17], $0x2000  }
0x5dc: {  	s22 =	sld [smem:$0x7C8]  }
0x5dd: {  	[sflag:s17] =	ssyncset.done $0x0  }
0x5de: {  	[sflag:s17] =	ssyncadd.s32 $0xFFFFE000  }
0x5df: {  	[hbm4b:s22+s2] =	stream.linear.scatter [tilespmem:s23], [sflag:$0x16], $0x2000, $0x38;
	[tilespmem:$0x19900] =	vst v63  }
0x5e0: {  	_ =	swait.ge [sflag:s9], $0x2000  }
0x5e1: {  	s24 =	sld [smem:$0x7C9]  }
0x5e2: {  	[sflag:s9] =	ssyncset.done $0x0  }
0x5e3: {  	[sflag:s9] =	ssyncadd.s32 $0xFFFFE000  }
0x5e4: {  	[hbm4b:s24+s2] =	stream.linear.scatter [tilespmem:s11], [sflag:$0x17], $0x2000, $0x38;
	[tilespmem:$0x19900] =	vst v63  }
0x5e5: {  	_ =	swait.ge [sflag:s30], $0x2000  }
0x5e6: {  	s25 =	sld [smem:$0x7CA]  }
0x5e7: {  	[sflag:s30] =	ssyncset.done $0x0  }
0x5e8: {  	[sflag:s30] =	ssyncadd.s32 $0xFFFFE000  }
0x5e9: {  	[hbm4b:s25+s2] =	stream.linear.scatter [tilespmem:s26], [sflag:$0x18], $0x2000, $0x38;
	[tilespmem:$0x19900] =	vst v63  }
0x5ea: {  	_ =	swait.ge [sflag:s29], $0x2000  }
0x5eb: {  	s28 =	sld [smem:$0x7CB]  }
0x5ec: {  	[sflag:s29] =	ssyncset.done $0x0  }
0x5ed: {  	s1 =	simm.s32 $0x1900;
	[sflag:s29] =	ssyncadd.s32 $0xFFFFE000  }
0x5ee: {  	[hbm4b:s28+s2] =	stream.linear.scatter [tilespmem:s1], [sflag:$0xD], $0x2000, $0x38;
	[tilespmem:$0x19900] =	vst v63  }
0x5ef: {  	_ =	swait.ge [sflag:s10], $0x2000  }
0x5f0: {  	s29 =	sld [smem:$0x7CD]  }
0x5f1: {  	[sflag:s10] =	ssyncset.done $0x0  }
0x5f2: {  	s30 =	simm.s32 $0xF;
	[sflag:s10] =	ssyncadd.s32 $0xFFFFE000  }
0x5f3: {  	[hbm4b:s29+s2] =	stream.linear.scatter [tilespmem:s31], [sflag:$0xE], $0x2000, $0x38;
	[tilespmem:$0x19900] =	vst v63  }
0x5f4: {  	_ =	swait.ge [sflag:s30], $0x2000  }
0x5f5: {  	[sflag:s30] =	ssyncset.done $0x0  }
0x5f6: {  	[sflag:s30] =	ssyncadd.s32 $0xFFFFE000  }
0x5f7: {  	_ =	swait.ge [sflag:s21], $0x2000  }
0x5f8: {  	[sflag:s21] =	ssyncset.done $0x0  }
0x5f9: {  	[sflag:s21] =	ssyncadd.s32 $0xFFFFE000  }
0x5fa: {  	_ =	swait.ge [sflag:s20], $0x2000  }
0x5fb: {  	[sflag:s20] =	ssyncset.done $0x0  }
0x5fc: {  	[sflag:s20] =	ssyncadd.s32 $0xFFFFE000  }
0x5fd: {  	_ =	swait.ge [sflag:s19], $0x2000  }
0x5fe: {  	[sflag:s19] =	ssyncset.done $0x0  }
0x5ff: {  	[sflag:s19] =	ssyncadd.s32 $0xFFFFE000  }
0x600: {  	_ =	swait.ge [sflag:s18], $0x2000  }
0x601: {  	[sflag:s18] =	ssyncset.done $0x0  }
0x602: {  	[sflag:s18] =	ssyncadd.s32 $0xFFFFE000  }
0x603: {  	_ =	swait.ge [sflag:s16], $0x2000  }
0x604: {  	[sflag:s16] =	ssyncset.done $0x0  }
0x605: {  	[sflag:s16] =	ssyncadd.s32 $0xFFFFE000  }
0x606: {  	_ =	swait.ge [sflag:s15], $0x2000  }
0x607: {  	[sflag:s15] =	ssyncset.done $0x0  }
0x608: {  	[sflag:s15] =	ssyncadd.s32 $0xFFFFE000  }
0x609: {  	_ =	swait.ge [sflag:s14], $0x2000  }
0x60a: {  	[sflag:s14] =	ssyncset.done $0x0  }
0x60b: {  	[sflag:s14] =	ssyncadd.s32 $0xFFFFE000  }
0x60c: {  	_ =	swait.ge [sflag:s13], $0x2000  }
0x60d: {  	[sflag:s13] =	ssyncset.done $0x0  }
0x60e: {  	[sflag:s13] =	ssyncadd.s32 $0xFFFFE000  }
0x60f: {  	_ =	swait.ge [sflag:s12], $0x2000  }
0x610: {  	[sflag:s12] =	ssyncset.done $0x0  }
0x611: {  	[sflag:s12] =	ssyncadd.s32 $0xFFFFE000  }
0x612: {  	_ =	swait.ge [sflag:s7], $0x2000  }
0x613: {  	[sflag:s7] =	ssyncset.done $0x0  }
0x614: {  	[sflag:s7] =	ssyncadd.s32 $0xFFFFE000  }
0x615: {  	_ =	swait.ge [sflag:s6], $0x2000  }
0x616: {  	[sflag:s6] =	ssyncset.done $0x0  }
0x617: {  	[sflag:s6] =	ssyncadd.s32 $0xFFFFE000  }
0x618: {  	_ =	sfence.sel $0x180000  }
0x619: {  	[bflag:$0x0] =	sbarrier.arrive $0xFFFF  }
0x61a: {  	_ =	strace $0x90000047  }
0x61b: {  	s31 =	stileid.u32;
	[bflag:$0x2] =	sbarrier.arrive $0xFFFF  }
0x61c: {  	p0 =	sne.s32 s31, $0x0;
	s0 =	rddreg [dreg:$0x2]  }
0x61d: {  	s0 =	sadd.s32 @!p0 $0x100000, s0  }
0x61e: {  	[sflag:s0] =	ssyncadd.tile.s32 @!p0 $0x1;
	_ =	shalt  }
.LBB2_1:
.Ltmp3:
0x61f: {  	(pc) =	sbr.rel .LBB2_6-.Ltmp3, $2  }
0x620: {  	_ =	sdelay $0x2  }
0x621: {  	s0 =	sld [smem:$0x7CC]  }
.LBB2_7:
.Ltmp4:
0x622: {  	(pc) =	sbr.rel .LBB2_6-.Ltmp4, $3  }
0x623: {  	_ =	sdelay $0x1  }
0x624: {  	s0 =	sld [smem:$0x7CC]  }
0x625: {  	s4 =	simm.s32 $0x1900;
	s9 =	simm.s32 $0xF900;
	s21 =	simm.s32 $0x1000  }
.Lfunc_end2:
_tile_overlayer_lowered:
.L_overlay_start_2:
0x626: {  	(tag) =	ssettag $0x2  }
0x627: {  	s0 =	rddreg [dreg:$0x0];
	s2 =	stileid.u32  }
0x628: {  	s1 =	rddreg [dreg:$0x1];
	p0 =	sne.s32 s2, $0x0  }
0x629: {  	s3 =	rddreg [dreg:$0x2];
	[bflag:$0x3] =	sbarrier.arrive $0xFFFF;
	s2 =	simm.s32 @!p0 $0x1C19  }
0x62a: {  	[timem:s3], [sflag:s2] =	dma.local @!p0 [hbm:s0], s1  }
0x62b: {  	s0 =	simm.s32 @!p0 $0x19  }
0x62c: {  	_ =	swait.ge @!p0 [sflag:s0], s1  }
0x62d: {  	s1 =	ssub.s32 @!p0 $0x0, s1;
	[sflag:s0] =	ssyncset.done @!p0 $0x0  }
0x62e: {  	[sflag:s0] =	ssyncadd.s32 @!p0 s1  }
0x62f: {  	[bflag:$0x3] =	sbarrier.arrive $0xFFFF  }
0x630: {  	_ =	shalt  }

// kernel: sparse-core-data-format-call.cloned.1.call-start
scs
called_computation_lowered:
.L_overlay_start_0:
0x0: {  	s2 =	sld [smem:$0x3FD9]  }
0x1: {  	s3 =	sld [smem:$0x3FFE];
	_ =	sdelay $0x1  }
0x2: {  	s1 =	srdreg.scid  }
0x3: {  	s0 =	sand.u32 $0x1, s1  }
0x4: {  	s18 =	sshll.u32 s0, $0xA;
	s2 =	sadd.s32 s3, s2  }
0x5: {  	s2 =	sadd.s32 s2, s18  }
0x6: {  	[smem:$0x3FC6] =	sst s2  }
0x7: {  	_ = 	snop  }
0x8: {  	s2 =	sld [smem:$0x3FD0];
	(tm) =	ssettm $0x1  }
0x9: {  	s19 =	sld [smem:$0x3FFB];
	_ =	sdelay $0x3  }
0xa: {  	_ =	strace s19  }
0xb: {  	s3 =	sld [smem:$0x3FFC];
	_ =	sdelay $0x3  }
0xc: {  	_ =	strace s3  }
0xd: {  	s3 =	sld [smem:$0x3FFD];
	_ =	sdelay $0x3  }
0xe: {  	_ =	strace s3  }
0xf: {  	_ =	strace $0x8FFFFFFF  }
0x10: {  	s20 =	sld [smem:$0x3FDB];
	_ =	sdelay $0x1  }
0x11: {  	s4 =	simm.s32 $_scs_section_size  }
0x12: {  	s5 =	simm.s32 $_size__tile_overlayer_lowered;
	s6 =	simm.s32 $_tile_overlayer_lowered  }
0x13: {  	s23 =	simm.s32 $0x1BFF;
	s22 =	sshll.u32 s6, $0x1;
	s3 =	sadd.s32 s4, s20  }
0x14: {  	s7 =	simm.s32 $0x0;
	s21 =	sshll.u32 s5, $0x1;
	s5 =	sadd.s32 s22, s3  }
0x15: {  	[timem:s7], [sflag:s23] =	dma.local [hbm:s5], s21  }
0x16: {  	_ =	swait.ge [sflag:s23], s21  }
0x17: {  	s4 =	ssub.s32 $0x0, s21;
	[sflag:s23] =	ssyncset.done $0x0  }
0x18: {  	[sflag:s23] =	ssyncadd.s32 s4;
	_ =	sdelay $0x1  }
0x19: {  	s24 =	simm.s32 $0x1B8B  }
0x1a: {  	_ =	swait.ge [sflag:s24], $0x1  }
0x1b: {  	[sflag:s24] =	ssyncset.done $0x0  }
0x1c: {  	s26 =	simm.s32 $0x1B8E;
	s25 =	sld [smem:$0x3FFE];
	[sflag:s24] =	ssyncadd.s32 $0xFFFFFFFF  }
0x1d: {  	s27 =	simm.s32 $execute0_lowered;
	[smem:$0x3FD2] =	sst s26  }
0x1e: {  	s5 =	sshll.u32 s27, $0x1;
	_ =	strace $0x80000049;
	[dreg:$0x1] =	wrdreg $0xFFFFFFFF  }
0x1f: {  	s28 =	simm.s32 $_size_execute0_lowered;
	s3 =	sadd.s32 s3, s5;
	[dreg:$0x0] =	wrdreg $0x0  }
0x20: {  	s5 =	sshll.u32 s28, $0x1;
	[dreg:$0x2] =	wrdreg s3  }
0x21: {  	[dreg:$0x3] =	wrdreg s5  }
0x22: {  	[dreg:$0x4] =	wrdreg $0xC0  }
0x23: {  	_ =	task [dreg:s7], $0x5FFFF  }
0x24: {  	[dreg:$0x1] =	wrdreg $0xFFFFFFFF  }
0x25: {  	[dreg:$0x0] =	wrdreg $0x60  }
0x26: {  	[dreg:$0x2] =	wrdreg s25  }
0x27: {  	[dreg:$0x3] =	wrdreg s2  }
0x28: {  	[dreg:$0x4] =	wrdreg $0x9  }
0x29: {  	_ =	task.clear_ibuf [dreg:s7], $0x5FFFF;
	_ =	strace $0x90000049  }
0x2a: {  	s29 =	simm.s32 $0x9;
	_ =	strace $0x8000004B  }
0x2b: {  	_ =	swait.ge [sflag:s29], $0x1  }
0x2c: {  	[sflag:s29] =	ssyncadd.s32 $0xFFFFFFFF  }
0x2d: {  	_ =	strace $0x9000004B  }
0x2e: {  	_ =	sfence  }
0x2f: {  	s30 =	sld [smem:$0x0];
	_ =	sdelay $0x2  }
0x30: {  	s31 =	sshll.u32 s1, $0xD;
	s1 =	sshrl.u32 s1, $0x2  }
0x31: {  	s3 =	sand.u32 $0x4000, s31;
	s1 =	sadd.s32 s1, s30  }
0x32: {  	s0 =	sor.u32 s3, s0;
	s1 =	sshll.u32 s1, $0x11  }
0x33: {  	s0 =	sor.u32 s1, s0  }
0x34: {  	s0 =	sadd.s32 $0x8F2B, s0  }
0x35: {  	[sflag:s0] =	ssyncadd.remote.s32 $0x1  }
0x36: {  	_ =	sfence.sel $0xFFFF  }
0x37: {  	[dreg:$0x0] =	wrdreg $0xFFFFFFFF;
	(pc) =	sbr.abs _section_cstart, $3  }
0x38: {  	[dreg:$0x1] =	wrdreg $0xFFFFFFFF  }
0x39: {  	_ =	task.clear_ibuf [dreg:s7], $0x2FFFF;
	_ =	strace $0x9FFFFFFF  }
0x3a: {  	(tm) =	ssettm $0x7FFFFFFF  }
0x3b: {  	_ =	shalt  }
tec
execute0_lowered:
.L_overlay_start_1:
0x0: {  	(tag) =	ssettag $0x1  }
0x1: {  	s0 =	srdreg.scid  }
0x2: {  	s1 =	sshll.u32 s0, $0x4  }
0x3: {  	s5 =	rddreg [dreg:$0x0];
	s0 =	stileid.u32;
	s1 =	sand.u32 $0x10, s1  }
0x4: {  	s3 =	rddreg [dreg:$0x1];
	s31 =	simm.s32 $0x2;
	s4 =	sor.u32 s0, s1  }
0x5: {  	s13 =	simm.s32 $0x0;
	s9 =	simm.s32 $0x400;
	s2 =	sshll.u32 s4, $0x7  }
0x6: {  	s10 =	simm.s32 $0x8000;
	s14 =	simm.s32 $0x0;
	s6 =	ssub.s32 $0x1000, s2  }
0x7: {  	s1 =	rddreg [dreg:$0x2];
	_ =	strace $0x8000004A;
	s7 =	sand.u32 $0xF80, s6  }
0x8: {  	s4 =	sshll.u32 s4, $0xB;
	p0 =	sne.s32 s7, $0x0;
	s7 =	simm.s32 $0x1  }
.Ltmp0:
0x9: {  	s6 =	sshrl.u32 s6, $0xC;
	s7 =	simm.s32 @!p0 $0x0;
	(pc) =	sbr.rel .LBB1_1-.Ltmp0, $4  }
0xa: {  	s8 =	sadd.s32 s4, s5;
	s4 =	simm.s32 $0x1;
	s30 =	sadd.s32 s7, s6  }
0xb: {  	s11 =	simm.s32 $0x0;
	[sflag:s4] =	ssyncpa.u1 $0x0;
	s5 =	smul.u32 $0x19, s30  }
0xc: {  	s12 =	simm.s32 $0x0;
	[sflag:s31] =	ssyncpa.u1 $0x0;
	p0 =	por $0x0, $0x0  }
0xd: {  	s6 =	sadd.s32 $0x800, s8;
	s7 =	sadd.s32 $0x10800, s8;
	s8 =	sadd.s32 $0x1, s5  }
.LBB1_7:
0xe: {  	s15 =	sadd.s32 $0x2, s11  }
0xf: {  	p2 =	sgt.s32 s15, $0x31  }
0x10: {  	s15 =	simm.s32 @p2 $0x0;
	p2 =	sne.s32 s12, s8  }
.Ltmp1:
0x11: {  	p1 =	slt.u32 s12, $0x2;
	(pc) =	sbr.rel @!p2 .LBB1_8-.Ltmp1, $4  }
0x12: {  	s13 =	simm.s32 @!p1 $0x2  }
0x13: {  	s16 =	sadd.s32 $0x1, s12;
	s14 =	smov.u32 s11;
	_ =	swait.ge @!p1 [sflag:s13], $0x4000  }
0x14: {  	p0 =	por !p0, !p0;
	s12 =	smov.u32 s16;
	[sflag:s13] =	ssyncset.done @!p1 $0x0  }
0x15: {  	s11 =	smov.u32 s15;
	[sflag:s13] =	ssyncadd.s32 @!p1 $0xFFFFC000;
	s13 =	smov.u32 s2  }
.LBB1_1:
0x16: {  	p1 =	sge.u32 s12, s5  }
0x17: {  	s15 =	sxor.u32 @!p1 $0xFFFFFFFF, s12  }
0x18: {  	s16 =	sshll.u32 @!p1 s11, $0x10;
	s18 =	simm.s32 @!p1 $0x40;
	s15 =	sshll.u32 @!p1 s15, $0xE  }
0x19: {  	s19 =	simm.s32 @!p1 $0x80;
	s17 =	sadd.s32 @!p1 s16, s6;
	s15 =	sand.u32 @!p1 $0x4000, s15  }
0x1a: {  	[tilespmem:s15], [sflag:$0x1] =	stream.strided.gather @!p1 [hbm4b:s17+s18], $0x2000, s19, s18, $0x38;
	[tilespmem:$0x10100] =	vst v63  }
0x1b: {  	s31 =	sadd.s32 $0xFFFFFFFF, s12;
	s16 =	sadd.s32 @!p1 s16, s7;
	s15 =	sor.u32 @!p1 $0x2000, s15  }
0x1c: {  	[tilespmem:s15], [sflag:$0x1] =	stream.strided.gather @!p1 [hbm4b:s16+s18], $0x2000, s19, s18, $0x38;
	[tilespmem:$0x10100] =	vst v63  }
0x1d: {  	p1 =	sge.u32 s31, s5  }
.Ltmp2:
0x1e: {  	_ = 	snop;
	(pc) =	sbr.rel @p1 .LBB1_7-.Ltmp2, $1  }
0x1f: {  	_ =	sdelay $0x3  }
0x20: {  	s15 =	simm.s32 $0x1;
	s17 =	sand.u32 $0x1, s12  }
0x21: {  	_ =	swait.ge [sflag:s4], $0x4000;
	s15 =	simm.s32 @!p0 $0x0;
	s17 =	smul.u32 $0x10200, s17  }
0x22: {  	p2 =	por $0x1, $0x1;
	[sflag:s4] =	ssyncset.done $0x0;
	s16 =	smul.u32 $0x10200, s15  }
0x23: {  	s18 =	sshll.u32 s15, $0x10;
	[sflag:s4] =	ssyncadd.s32 $0xFFFFC000;
	s30 =	sshrl.u32 s17, $0x2  }
0x24: {  	s31 =	sshrl.u32 s18, $0x2;
	s18 =	simm.s32 $0x0;
	s16 =	sshrl.u32 s16, $0x2  }
0x25: {  	s15 =	sor.u32 $0x8000, s30;
	s17 =	sadd.s32 $0x20, s31;
	s16 =	sor.u32 $0x8000, s16  }
.LBB1_3:
0x26: {  	s19 =	sshll.u32 s18, $0xD  }
0x27: {  	s19 =	sand.u32 $0x3FFFE000, s19  }
0x28: {  	s21 =	sadd.s32 s19, s17  }
0x29: {  	s31 =	smul.u32 $0x8100, s18;
	v3 =	vld [tilespmem:s21+$0x10]  }
0x2a: {  	v1 =	vld [tilespmem:s21+$0xFFFFFFF0]  }
0x2b: {  	s18 =	sshra.s32 s31, $0x2;
	v0 =	vld [tilespmem:s21+$0x0]  }
0x2c: {  	s18 =	sadd.s32 s18, s16;
	v2 =	vld [tilespmem:s21+$0xFFFFFFE0]  }
0x2d: {  	s19 =	sadd.s32 $0x0, s18  }
0x2e: {  	p1 =	por p2, p2;
	s20 =	simm.s32 $0x4;
	s21 =	sadd.s32 $0x40, s21;
	[tilespmem:s19+$0x1830 ss:$0x81] =	vst.msk $0xffff, v3  }
.LBB1_4:
0x2f: {  	v3 =	vld [tilespmem:s21+$0x10];
	p2 =	sne.s32 s20, $0x1FC;
	[tilespmem:s19+$0x810 ss:$0x81] =	vst.msk $0xffff, v1;
	s22 =	smov.u32 s20;
	s20 =	sadd.s32 $0x4, s20  }
.Ltmp3:
0x30: {  	v1 =	vld [tilespmem:s21+$0xFFFFFFF0];
	[tilespmem:s19+$0x1020 ss:$0x81] =	vst.msk $0xffff, v0;
	(pc) =	sbr.rel @p2 .LBB1_4-.Ltmp3, $4  }
0x31: {  	v0 =	vld [tilespmem:s21+$0x0];
	[tilespmem:s19+$0x0 ss:$0x81] =	vst.msk $0xffff, v2  }
0x32: {  	s19 =	sshra.s32 s22, $0x2;
	v2 =	vld [tilespmem:s21+$0xFFFFFFE0]  }
0x33: {  	s19 =	sadd.s32 s19, s18  }
0x34: {  	s21 =	sadd.s32 $0x40, s21;
	[tilespmem:s19+$0x1830 ss:$0x81] =	vst.msk $0xffff, v3  }
.Ltmp4:
0x35: {  	(pc) =	sbr.rel @p1 .LBB1_3-.Ltmp4, $4  }
0x36: {  	_ = 	snop  }
0x37: {  	[tilespmem:s19+$0x810 ss:$0x81] =	vst.msk $0xffff, v1  }
0x38: {  	[tilespmem:s19+$0x1020 ss:$0x81] =	vst.msk $0xffff, v0  }
0x39: {  	s18 =	simm.s32 $0x1;
	p2 =	por $0x0, $0x0;
	[tilespmem:s19+$0x0 ss:$0x81] =	vst.msk $0xffff, v2  }
.Ltmp5:
0x3a: {  	(pc) =	sbr.rel .LBB1_7-.Ltmp5, $4  }
0x3b: {  	s14 =	sshll.u32 s14, $0xF  }
0x3c: {  	s14 =	sadd.s32 s3, s14  }
0x3d: {  	s13 =	sadd.s32 s13, s14  }
0x3e: {  	[hbm4b:s13+s9] =	stream.strided.scatter [tilespmem:s15], [sflag:$0x2], $0x4000, s10, s9, $0x20;
	[tilespmem:$0x10100] =	vst v63  }
.LBB1_8:
0x3f: {  	_ =	sfence.sel $0x180000  }
0x40: {  	s2 =	simm.s32 $0x1;
	[bflag:$0x0] =	sbarrier.arrive $0xFFFF  }
0x41: {  	s31 =	simm.s32 $0x2;
	[sflag:s2] =	ssyncpa.u1 $0x1  }
0x42: {  	[sflag:s31] =	ssyncpa.u1 $0x1  }
0x43: {  	p0 =	sne.s32 s0, $0x0;
	_ =	strace $0x9000004A  }
0x44: {  	s0 =	sadd.s32 @!p0 $0x100000, s1;
	[bflag:$0x2] =	sbarrier.arrive $0xFFFF  }
0x45: {  	[sflag:s0] =	ssyncadd.tile.s32 @!p0 $0x1;
	_ =	shalt  }
.Lfunc_end1:
_tile_overlayer_lowered:
.L_overlay_start_2:
0x46: {  	(tag) =	ssettag $0x2  }
0x47: {  	s0 =	rddreg [dreg:$0x0];
	s2 =	stileid.u32  }
0x48: {  	s1 =	rddreg [dreg:$0x1];
	p0 =	sne.s32 s2, $0x0  }
0x49: {  	s3 =	rddreg [dreg:$0x2];
	[bflag:$0x3] =	sbarrier.arrive $0xFFFF;
	s2 =	simm.s32 @!p0 $0x1C01  }
0x4a: {  	[timem:s3], [sflag:s2] =	dma.local @!p0 [hbm:s0], s1  }
0x4b: {  	s0 =	simm.s32 @!p0 $0x1  }
0x4c: {  	_ =	swait.ge @!p0 [sflag:s0], s1  }
0x4d: {  	s1 =	ssub.s32 @!p0 $0x0, s1;
	[sflag:s0] =	ssyncset.done @!p0 $0x0  }
0x4e: {  	[sflag:s0] =	ssyncadd.s32 @!p0 s1  }
0x4f: {  	[bflag:$0x3] =	sbarrier.arrive $0xFFFF  }
0x50: {  	_ =	shalt  }

</sc_bundles>
